<compile_context>
chip_gen: v7x
topology: tpu7x:2x2x1
jax: 0.10.2.dev20260603
libtpu: 0.0.44.dev20260713+nightly
codegen_flags: <defaults>
</compile_context>

<pallas_src>
import functools

import jax
import jax.numpy as jnp
from jax import lax
from jax.experimental import pallas as pl
from jax.experimental.pallas import tpu as pltpu
from jax.experimental.pallas import tpu_sc as plsc

N, C, S = 50000, 128, 8
BN = 5000
K = 400
NCHUNK = N // K
NW = 32
TRIPS = -(-NCHUNK // NW)


def _idx_kernel(f_ref, w_ref, b_ref, idx_ref):
    logits = jnp.dot(f_ref[...], w_ref[...], preferred_element_type=jnp.float32)
    logits = logits + b_ref[...]
    idx_ref[...] = jnp.argmax(logits, axis=1).astype(jnp.int32)[:, None]


def _route_idx(features, W, b):
    return pl.pallas_call(
        _idx_kernel,
        grid=(N // BN,),
        in_specs=[
            pl.BlockSpec((BN, C), lambda i: (i, 0)),
            pl.BlockSpec((C, S), lambda i: (0, 0)),
            pl.BlockSpec((S,), lambda i: (0,)),
        ],
        out_specs=pl.BlockSpec((BN, 1), lambda i: (i, 0)),
        out_shape=jax.ShapeDtypeStruct((N, 1), jnp.int32),
    )(features, W, b)


_mesh = plsc.VectorSubcoreMesh(core_axis_name="c", subcore_axis_name="s")


@functools.partial(
    pl.kernel,
    out_type=jax.ShapeDtypeStruct((S * N, C), jnp.float32),
    mesh=_mesh,
    scratch_types=[
        pltpu.VMEM((K,), jnp.int32),
        pltpu.VMEM((K, C), jnp.float32),
        pltpu.VMEM((K, C), jnp.float32),
    ]
    + [pltpu.VMEM((K,), jnp.int32) for _ in range(S + 1)]
    + [pltpu.SemaphoreType.DMA],
)
def _sc_scatter(f_hbm, e_hbm, z_hbm, out_hbm, e_v, rows_v, zero_v,
                t0, t1, t2, t3, t4, t5, t6, t7, t8, sem):
    trefs = (t0, t1, t2, t3, t4, t5, t6, t7, t8)
    wid = lax.axis_index("s") * 2 + lax.axis_index("c")
    pltpu.sync_copy(z_hbm, zero_v)

    def chunk_body(it, carry):
        chunk = wid + NW * it

        @pl.when(chunk < NCHUNK)
        def _():
            base = chunk * K
            pltpu.sync_copy(f_hbm.at[pl.ds(base, K)], rows_v)
            pltpu.sync_copy(e_hbm.at[pl.ds(base, K)], e_v)
            nsplat = jnp.full((16,), N, jnp.int32)
            for g in range(K // 16):
                e16 = e_v[pl.ds(g * 16, 16)]
                r16 = jnp.full((16,), base + g * 16, jnp.int32) + lax.iota(
                    jnp.int32, 16
                )
                for s in range(S):
                    alt = (s + 1) % S
                    slab = jnp.where(
                        e16 == jnp.full((16,), s, jnp.int32),
                        jnp.full((16,), alt, jnp.int32),
                        jnp.full((16,), s, jnp.int32),
                    )
                    trefs[s][pl.ds(g * 16, 16)] = slab * nsplat + r16
                trefs[S][pl.ds(g * 16, 16)] = e16 * nsplat + r16
            copies = [
                pltpu.async_copy(zero_v, out_hbm.at[trefs[s]], sem)
                for s in range(S)
            ]
            copies.append(pltpu.async_copy(rows_v, out_hbm.at[trefs[S]], sem))
            for cp in copies:
                cp.wait()

        return carry

    lax.fori_loop(0, TRIPS, chunk_body, 0)


@functools.partial(jax.jit, static_argnames=())
def kernel(features, W, b):
    idx = _route_idx(features, W, b).reshape(N)
    zeros_rows = jnp.zeros((K, C), jnp.float32)
    flat = _sc_scatter(features, idx, zeros_rows)
    return flat.reshape(S, N, C)

# --- scband reference (transcript-rebuilt; emitter-appended) ---
"""Pipeline reference for scband-voxel-wise-mapping-87780541596086 (READ-ONLY COPY).

The authoritative reference and input builder live on the scoring server;
editing this copy changes nothing except your own understanding.
"""

import jax, jax.numpy as jnp
import numpy as np

N, C, S = 50000, 128, 8

def setup_inputs(seed: int = 0):
    key = jax.random.key(seed)
    k1, k2, k3 = jax.random.split(key, 3)
    features = jax.random.normal(k1, (N, C), dtype=jnp.float32)
    # kaiming_normal_-style init for the 1x1 submanifold conv weight (equivalent to a linear map)
    W = jax.random.normal(k2, (C, S), dtype=jnp.float32) * np.sqrt(2.0 / C)
    b = jnp.zeros((S,), dtype=jnp.float32)
    return {"features": features, "W": W, "b": b}

def reference(features, W, b):
    # SubMConv2d with kernel_size=1 acts per-voxel: logits = features @ W + b
    logits = features @ W + b  # [N, S]
    _ = jnp.max(logits, axis=1)
    map_indice = jnp.argmax(logits, axis=1)  # [N]
    # For each split n, select the voxels routed to n. Boolean gather produces
    # data-dependent shapes, so we express the split as a stacked masked copy:
    # row i of split n equals features[i] iff map_indice[i]==n, else 0.
    masks = (map_indice[None, :] == jnp.arange(S)[:, None]).astype(features.dtype)  # [S, N]
    mapping_features = masks[:, :, None] * features[None, :, :]  # [S, N, C]
    return mapping_features

if __name__ == "__main__":
    import jax
    _d = setup_inputs()
    print(jax.jit(kernel)(*tuple(_d.values())))

</pallas_src>

<mosaic_0001>
#map = affine_map<(d0, d1) -> (0, 0)>
#map1 = affine_map<(d0, d1) -> (0)>
module attributes {stable_mosaic.version = 14 : i64} {
  func.func @_sc_scatter(%arg0: i32, %arg1: i32, %arg2: memref<50000x128xf32, #tpu.memory_space<hbm>>, %arg3: memref<50000xi32, #tpu.memory_space<hbm>>, %arg4: memref<400x128xf32, #tpu.memory_space<hbm>>, %arg5: memref<400000x128xf32, #tpu.memory_space<hbm>>, %arg6: memref<400xi32, #tpu.memory_space<vmem>>, %arg7: memref<400x128xf32, #tpu.memory_space<vmem>>, %arg8: memref<400x128xf32, #tpu.memory_space<vmem>>, %arg9: memref<400xi32, #tpu.memory_space<vmem>>, %arg10: memref<400xi32, #tpu.memory_space<vmem>>, %arg11: memref<400xi32, #tpu.memory_space<vmem>>, %arg12: memref<400xi32, #tpu.memory_space<vmem>>, %arg13: memref<400xi32, #tpu.memory_space<vmem>>, %arg14: memref<400xi32, #tpu.memory_space<vmem>>, %arg15: memref<400xi32, #tpu.memory_space<vmem>>, %arg16: memref<400xi32, #tpu.memory_space<vmem>>, %arg17: memref<400xi32, #tpu.memory_space<vmem>>, %arg18: memref<!tpu.dma_semaphore, #tpu.memory_space<semaphore_mem>>) attributes {dimension_semantics = [#tpu.dimension_semantics<core_parallel>, #tpu.dimension_semantics<subcore_parallel>], iteration_bounds = array<i64: 2, 16>, scalar_prefetch = 0 : i64, scratch_operands = 13 : i64, tpu.core_type = #tpu.core_type<sc_vector_subcore>, window_params = [{transform_indices = #map}, {transform_indices = #map1}, {transform_indices = #map}, {transform_indices = #map}]} {
    %mul3A = arith.constant 2 : i32
    %mul3A_0 = arith.muli %arg1, %mul3A : i32
    %add3A = arith.addi %mul3A_0, %arg0 : i32
    "tpu.region"() ({
      %run_scoped3A = tpu.sem_alloc : memref<!tpu.dma_semaphore, #tpu.memory_space<semaphore_mem>>
      tpu.enqueue_dma source(%arg4 : memref<400x128xf32, #tpu.memory_space<hbm>>) target(%arg8 : memref<400x128xf32, #tpu.memory_space<vmem>>) target_semaphore(%run_scoped3A : memref<!tpu.dma_semaphore, #tpu.memory_space<semaphore_mem>>)
      tpu.wait_dma2 semaphore(%run_scoped3A : memref<!tpu.dma_semaphore, #tpu.memory_space<semaphore_mem>>) src(%arg4 : memref<400x128xf32, #tpu.memory_space<hbm>>) dst(%arg8 : memref<400x128xf32, #tpu.memory_space<vmem>>)
      tpu.yield
    }) : () -> ()
    %scan3A = arith.constant 0 : i32
    %scan3A_1 = arith.constant 0 : i32
    %scan3A_2 = arith.constant 4 : i32
    %scan3A_3 = arith.addi %scan3A_1, %scan3A_2 : i32
    %scan3A_4 = arith.constant 1 : i32
    scf.for %scan3A_6 = %scan3A_1 to %scan3A_3 step %scan3A_4  : i32 {
      %mul3A_7 = arith.constant 32 : i32
      %mul3A_8 = arith.muli %mul3A_7, %scan3A_6 : i32
      %add3A_9 = arith.addi %add3A, %mul3A_8 : i32
      %lt3A = arith.constant 125 : i32
      %lt3A_10 = arith.cmpi slt, %add3A_9, %lt3A : i32
      %convert_element_type3A = arith.extui %lt3A_10 : i1 to i32
      %cond3A = arith.constant 0 : i32
      %cond3A_11 = arith.cmpi ne, %convert_element_type3A, %cond3A : i32
      scf.if %cond3A_11 {
        %mul3A_12 = arith.constant 400 : i32
        %mul3A_13 = arith.muli %add3A_9, %mul3A_12 : i32
        "tpu.region"() ({
          %run_scoped3A = tpu.sem_alloc : memref<!tpu.dma_semaphore, #tpu.memory_space<semaphore_mem>>
          %dma_start3A_3212 = arith.constant 0 : i32
          %dma_start3A_3213 = tpu.memref_slice %arg2[%mul3A_13, %dma_start3A_3212] : memref<50000x128xf32, #tpu.memory_space<hbm>> -> memref<400x128xf32, #tpu.memory_space<hbm>>
          %dma_start3A_3214 = arith.constant 0 : i32
          %dma_start3A_3215 = tpu.memref_slice %arg2[%mul3A_13, %dma_start3A_3214] : memref<50000x128xf32, #tpu.memory_space<hbm>> -> memref<400x128xf32, #tpu.memory_space<hbm>>
          tpu.enqueue_dma source(%dma_start3A_3215 : memref<400x128xf32, #tpu.memory_space<hbm>>) target(%arg7 : memref<400x128xf32, #tpu.memory_space<vmem>>) target_semaphore(%run_scoped3A : memref<!tpu.dma_semaphore, #tpu.memory_space<semaphore_mem>>)
          %dma_wait3A_3216 = arith.constant 0 : i32
          %dma_wait3A_3217 = tpu.memref_slice %arg2[%mul3A_13, %dma_wait3A_3216] : memref<50000x128xf32, #tpu.memory_space<hbm>> -> memref<400x128xf32, #tpu.memory_space<hbm>>
          %dma_wait3A_3218 = arith.constant 0 : i32
          %dma_wait3A_3219 = tpu.memref_slice %arg2[%mul3A_13, %dma_wait3A_3218] : memref<50000x128xf32, #tpu.memory_space<hbm>> -> memref<400x128xf32, #tpu.memory_space<hbm>>
          tpu.wait_dma2 semaphore(%run_scoped3A : memref<!tpu.dma_semaphore, #tpu.memory_space<semaphore_mem>>) src(%dma_wait3A_3219 : memref<400x128xf32, #tpu.memory_space<hbm>>) dst(%arg7 : memref<400x128xf32, #tpu.memory_space<vmem>>)
          tpu.yield
        }) : () -> ()
        "tpu.region"() ({
          %run_scoped3A = tpu.sem_alloc : memref<!tpu.dma_semaphore, #tpu.memory_space<semaphore_mem>>
          %dma_start3A_3212 = tpu.memref_slice %arg3[%mul3A_13] : memref<50000xi32, #tpu.memory_space<hbm>> -> memref<400xi32, #tpu.memory_space<hbm>>
          %dma_start3A_3213 = tpu.memref_slice %arg3[%mul3A_13] : memref<50000xi32, #tpu.memory_space<hbm>> -> memref<400xi32, #tpu.memory_space<hbm>>
          tpu.enqueue_dma source(%dma_start3A_3213 : memref<400xi32, #tpu.memory_space<hbm>>) target(%arg6 : memref<400xi32, #tpu.memory_space<vmem>>) target_semaphore(%run_scoped3A : memref<!tpu.dma_semaphore, #tpu.memory_space<semaphore_mem>>)
          %dma_wait3A_3214 = tpu.memref_slice %arg3[%mul3A_13] : memref<50000xi32, #tpu.memory_space<hbm>> -> memref<400xi32, #tpu.memory_space<hbm>>
          %dma_wait3A_3215 = tpu.memref_slice %arg3[%mul3A_13] : memref<50000xi32, #tpu.memory_space<hbm>> -> memref<400xi32, #tpu.memory_space<hbm>>
          tpu.wait_dma2 semaphore(%run_scoped3A : memref<!tpu.dma_semaphore, #tpu.memory_space<semaphore_mem>>) src(%dma_wait3A_3215 : memref<400xi32, #tpu.memory_space<hbm>>) dst(%arg6 : memref<400xi32, #tpu.memory_space<vmem>>)
          tpu.yield
        }) : () -> ()
        %broadcast_in_dim3A = arith.constant 50000 : i32
        %broadcast_in_dim3A_14 = vector.broadcast %broadcast_in_dim3A : i32 to vector<16xi32>
        %get3A = arith.constant 0 : index
        %get3A_15 = tpu.vector_load %arg6[%get3A] {strides = array<i32>} : memref<400xi32, #tpu.memory_space<vmem>>, vector<16xi32>,
        %get3A_16 = vector.shape_cast %get3A_15 : vector<16xi32> to vector<16xi32>
        %add3A_17 = arith.constant 0 : i32
        %add3A_18 = arith.addi %mul3A_13, %add3A_17 : i32
        %broadcast_in_dim3A_19 = vector.broadcast %add3A_18 : i32 to vector<16xi32>
        %iota3A = tpu.iota {dimensions = array<i32: 0>} : vector<16xi32>
        %add3A_20 = arith.addi %broadcast_in_dim3A_19, %iota3A : vector<16xi32>
        %broadcast_in_dim3A_21 = arith.constant 0 : i32
        %broadcast_in_dim3A_22 = vector.broadcast %broadcast_in_dim3A_21 : i32 to vector<16xi32>
        %eq3A = arith.cmpi eq, %get3A_16, %broadcast_in_dim3A_22 : vector<16xi32>
        %broadcast_in_dim3A_23 = arith.constant 1 : i32
        %broadcast_in_dim3A_24 = vector.broadcast %broadcast_in_dim3A_23 : i32 to vector<16xi32>
        %broadcast_in_dim3A_25 = arith.constant 0 : i32
        %broadcast_in_dim3A_26 = vector.broadcast %broadcast_in_dim3A_25 : i32 to vector<16xi32>
        %select_n3A = arith.select %eq3A, %broadcast_in_dim3A_24, %broadcast_in_dim3A_26 : vector<16xi1>, vector<16xi32>
        %mul3A_27 = arith.muli %select_n3A, %broadcast_in_dim3A_14 : vector<16xi32>
        %add3A_28 = arith.addi %mul3A_27, %add3A_20 : vector<16xi32>
        %swap3A = arith.constant 0 : index
        %swap3A_29 = tpu.vector_load %arg9[%swap3A] {strides = array<i32>} : memref<400xi32, #tpu.memory_space<vmem>>, vector<16xi32>,
        %swap3A_30 = vector.shape_cast %swap3A_29 : vector<16xi32> to vector<16xi32>
        %swap3A_31 = vector.shape_cast %add3A_28 : vector<16xi32> to vector<16xi32>
        tpu.vector_store %arg9[%swap3A], %swap3A_31 {strides = array<i32>} : memref<400xi32, #tpu.memory_space<vmem>>, vector<16xi32>,
        %broadcast_in_dim3A_32 = arith.constant 1 : i32
        %broadcast_in_dim3A_33 = vector.broadcast %broadcast_in_dim3A_32 : i32 to vector<16xi32>
        %eq3A_34 = arith.cmpi eq, %get3A_16, %broadcast_in_dim3A_33 : vector<16xi32>
        %broadcast_in_dim3A_35 = arith.constant 2 : i32
        %broadcast_in_dim3A_36 = vector.broadcast %broadcast_in_dim3A_35 : i32 to vector<16xi32>
        %broadcast_in_dim3A_37 = arith.constant 1 : i32
        %broadcast_in_dim3A_38 = vector.broadcast %broadcast_in_dim3A_37 : i32 to vector<16xi32>
        %select_n3A_39 = arith.select %eq3A_34, %broadcast_in_dim3A_36, %broadcast_in_dim3A_38 : vector<16xi1>, vector<16xi32>
        %mul3A_40 = arith.muli %select_n3A_39, %broadcast_in_dim3A_14 : vector<16xi32>
        %add3A_41 = arith.addi %mul3A_40, %add3A_20 : vector<16xi32>
        %swap3A_42 = arith.constant 0 : index
        %swap3A_43 = tpu.vector_load %arg10[%swap3A_42] {strides = array<i32>} : memref<400xi32, #tpu.memory_space<vmem>>, vector<16xi32>,
        %swap3A_44 = vector.shape_cast %swap3A_43 : vector<16xi32> to vector<16xi32>
        %swap3A_45 = vector.shape_cast %add3A_41 : vector<16xi32> to vector<16xi32>
        tpu.vector_store %arg10[%swap3A_42], %swap3A_45 {strides = array<i32>} : memref<400xi32, #tpu.memory_space<vmem>>, vector<16xi32>,
        %broadcast_in_dim3A_46 = arith.constant 2 : i32
        %broadcast_in_dim3A_47 = vector.broadcast %broadcast_in_dim3A_46 : i32 to vector<16xi32>
        %eq3A_48 = arith.cmpi eq, %get3A_16, %broadcast_in_dim3A_47 : vector<16xi32>
        %broadcast_in_dim3A_49 = arith.constant 3 : i32
        %broadcast_in_dim3A_50 = vector.broadcast %broadcast_in_dim3A_49 : i32 to vector<16xi32>
        %broadcast_in_dim3A_51 = arith.constant 2 : i32
        %broadcast_in_dim3A_52 = vector.broadcast %broadcast_in_dim3A_51 : i32 to vector<16xi32>
        %select_n3A_53 = arith.select %eq3A_48, %broadcast_in_dim3A_50, %broadcast_in_dim3A_52 : vector<16xi1>, vector<16xi32>
        %mul3A_54 = arith.muli %select_n3A_53, %broadcast_in_dim3A_14 : vector<16xi32>
        %add3A_55 = arith.addi %mul3A_54, %add3A_20 : vector<16xi32>
        %swap3A_56 = arith.constant 0 : index
        %swap3A_57 = tpu.vector_load %arg11[%swap3A_56] {strides = array<i32>} : memref<400xi32, #tpu.memory_space<vmem>>, vector<16xi32>,
        %swap3A_58 = vector.shape_cast %swap3A_57 : vector<16xi32> to vector<16xi32>
        %swap3A_59 = vector.shape_cast %add3A_55 : vector<16xi32> to vector<16xi32>
        tpu.vector_store %arg11[%swap3A_56], %swap3A_59 {strides = array<i32>} : memref<400xi32, #tpu.memory_space<vmem>>, vector<16xi32>,
        %broadcast_in_dim3A_60 = arith.constant 3 : i32
        %broadcast_in_dim3A_61 = vector.broadcast %broadcast_in_dim3A_60 : i32 to vector<16xi32>
        %eq3A_62 = arith.cmpi eq, %get3A_16, %broadcast_in_dim3A_61 : vector<16xi32>
        %broadcast_in_dim3A_63 = arith.constant 4 : i32
        %broadcast_in_dim3A_64 = vector.broadcast %broadcast_in_dim3A_63 : i32 to vector<16xi32>
        %broadcast_in_dim3A_65 = arith.constant 3 : i32
        %broadcast_in_dim3A_66 = vector.broadcast %broadcast_in_dim3A_65 : i32 to vector<16xi32>
        %select_n3A_67 = arith.select %eq3A_62, %broadcast_in_dim3A_64, %broadcast_in_dim3A_66 : vector<16xi1>, vector<16xi32>
        %mul3A_68 = arith.muli %select_n3A_67, %broadcast_in_dim3A_14 : vector<16xi32>
        %add3A_69 = arith.addi %mul3A_68, %add3A_20 : vector<16xi32>
        %swap3A_70 = arith.constant 0 : index
        %swap3A_71 = tpu.vector_load %arg12[%swap3A_70] {strides = array<i32>} : memref<400xi32, #tpu.memory_space<vmem>>, vector<16xi32>,
        %swap3A_72 = vector.shape_cast %swap3A_71 : vector<16xi32> to vector<16xi32>
        %swap3A_73 = vector.shape_cast %add3A_69 : vector<16xi32> to vector<16xi32>
        tpu.vector_store %arg12[%swap3A_70], %swap3A_73 {strides = array<i32>} : memref<400xi32, #tpu.memory_space<vmem>>, vector<16xi32>,
        %broadcast_in_dim3A_74 = arith.constant 4 : i32
        %broadcast_in_dim3A_75 = vector.broadcast %broadcast_in_dim3A_74 : i32 to vector<16xi32>
        %eq3A_76 = arith.cmpi eq, %get3A_16, %broadcast_in_dim3A_75 : vector<16xi32>
        %broadcast_in_dim3A_77 = arith.constant 5 : i32
        %broadcast_in_dim3A_78 = vector.broadcast %broadcast_in_dim3A_77 : i32 to vector<16xi32>
        %broadcast_in_dim3A_79 = arith.constant 4 : i32
        %broadcast_in_dim3A_80 = vector.broadcast %broadcast_in_dim3A_79 : i32 to vector<16xi32>
        %select_n3A_81 = arith.select %eq3A_76, %broadcast_in_dim3A_78, %broadcast_in_dim3A_80 : vector<16xi1>, vector<16xi32>
        %mul3A_82 = arith.muli %select_n3A_81, %broadcast_in_dim3A_14 : vector<16xi32>
        %add3A_83 = arith.addi %mul3A_82, %add3A_20 : vector<16xi32>
        %swap3A_84 = arith.constant 0 : index
        %swap3A_85 = tpu.vector_load %arg13[%swap3A_84] {strides = array<i32>} : memref<400xi32, #tpu.memory_space<vmem>>, vector<16xi32>,
        %swap3A_86 = vector.shape_cast %swap3A_85 : vector<16xi32> to vector<16xi32>
        %swap3A_87 = vector.shape_cast %add3A_83 : vector<16xi32> to vector<16xi32>
        tpu.vector_store %arg13[%swap3A_84], %swap3A_87 {strides = array<i32>} : memref<400xi32, #tpu.memory_space<vmem>>, vector<16xi32>,
        %broadcast_in_dim3A_88 = arith.constant 5 : i32
        %broadcast_in_dim3A_89 = vector.broadcast %broadcast_in_dim3A_88 : i32 to vector<16xi32>
        %eq3A_90 = arith.cmpi eq, %get3A_16, %broadcast_in_dim3A_89 : vector<16xi32>
        %broadcast_in_dim3A_91 = arith.constant 6 : i32
        %broadcast_in_dim3A_92 = vector.broadcast %broadcast_in_dim3A_91 : i32 to vector<16xi32>
        %broadcast_in_dim3A_93 = arith.constant 5 : i32
        %broadcast_in_dim3A_94 = vector.broadcast %broadcast_in_dim3A_93 : i32 to vector<16xi32>
        %select_n3A_95 = arith.select %eq3A_90, %broadcast_in_dim3A_92, %broadcast_in_dim3A_94 : vector<16xi1>, vector<16xi32>
        %mul3A_96 = arith.muli %select_n3A_95, %broadcast_in_dim3A_14 : vector<16xi32>
        %add3A_97 = arith.addi %mul3A_96, %add3A_20 : vector<16xi32>
        %swap3A_98 = arith.constant 0 : index
        %swap3A_99 = tpu.vector_load %arg14[%swap3A_98] {strides = array<i32>} : memref<400xi32, #tpu.memory_space<vmem>>, vector<16xi32>,
        %swap3A_100 = vector.shape_cast %swap3A_99 : vector<16xi32> to vector<16xi32>
        %swap3A_101 = vector.shape_cast %add3A_97 : vector<16xi32> to vector<16xi32>
        tpu.vector_store %arg14[%swap3A_98], %swap3A_101 {strides = array<i32>} : memref<400xi32, #tpu.memory_space<vmem>>, vector<16xi32>,
        %broadcast_in_dim3A_102 = arith.constant 6 : i32
        %broadcast_in_dim3A_103 = vector.broadcast %broadcast_in_dim3A_102 : i32 to vector<16xi32>
        %eq3A_104 = arith.cmpi eq, %get3A_16, %broadcast_in_dim3A_103 : vector<16xi32>
        %broadcast_in_dim3A_105 = arith.constant 7 : i32
        %broadcast_in_dim3A_106 = vector.broadcast %broadcast_in_dim3A_105 : i32 to vector<16xi32>
        %broadcast_in_dim3A_107 = arith.constant 6 : i32
        %broadcast_in_dim3A_108 = vector.broadcast %broadcast_in_dim3A_107 : i32 to vector<16xi32>
        %select_n3A_109 = arith.select %eq3A_104, %broadcast_in_dim3A_106, %broadcast_in_dim3A_108 : vector<16xi1>, vector<16xi32>
        %mul3A_110 = arith.muli %select_n3A_109, %broadcast_in_dim3A_14 : vector<16xi32>
        %add3A_111 = arith.addi %mul3A_110, %add3A_20 : vector<16xi32>
        %swap3A_112 = arith.constant 0 : index
        %swap3A_113 = tpu.vector_load %arg15[%swap3A_112] {strides = array<i32>} : memref<400xi32, #tpu.memory_space<vmem>>, vector<16xi32>,
        %swap3A_114 = vector.shape_cast %swap3A_113 : vector<16xi32> to vector<16xi32>
        %swap3A_115 = vector.shape_cast %add3A_111 : vector<16xi32> to vector<16xi32>
        tpu.vector_store %arg15[%swap3A_112], %swap3A_115 {strides = array<i32>} : memref<400xi32, #tpu.memory_space<vmem>>, vector<16xi32>,
        %broadcast_in_dim3A_116 = arith.constant 7 : i32
        %broadcast_in_dim3A_117 = vector.broadcast %broadcast_in_dim3A_116 : i32 to vector<16xi32>
        %eq3A_118 = arith.cmpi eq, %get3A_16, %broadcast_in_dim3A_117 : vector<16xi32>
        %broadcast_in_dim3A_119 = arith.constant 0 : i32
        %broadcast_in_dim3A_120 = vector.broadcast %broadcast_in_dim3A_119 : i32 to vector<16xi32>
        %broadcast_in_dim3A_121 = arith.constant 7 : i32
        %broadcast_in_dim3A_122 = vector.broadcast %broadcast_in_dim3A_121 : i32 to vector<16xi32>
        %select_n3A_123 = arith.select %eq3A_118, %broadcast_in_dim3A_120, %broadcast_in_dim3A_122 : vector<16xi1>, vector<16xi32>
        %mul3A_124 = arith.muli %select_n3A_123, %broadcast_in_dim3A_14 : vector<16xi32>
        %add3A_125 = arith.addi %mul3A_124, %add3A_20 : vector<16xi32>
        %swap3A_126 = arith.constant 0 : index
        %swap3A_127 = tpu.vector_load %arg16[%swap3A_126] {strides = array<i32>} : memref<400xi32, #tpu.memory_space<vmem>>, vector<16xi32>,
        %swap3A_128 = vector.shape_cast %swap3A_127 : vector<16xi32> to vector<16xi32>
        %swap3A_129 = vector.shape_cast %add3A_125 : vector<16xi32> to vector<16xi32>
        tpu.vector_store %arg16[%swap3A_126], %swap3A_129 {strides = array<i32>} : memref<400xi32, #tpu.memory_space<vmem>>, vector<16xi32>,
        %mul3A_130 = arith.muli %get3A_16, %broadcast_in_dim3A_14 : vector<16xi32>
        %add3A_131 = arith.addi %mul3A_130, %add3A_20 : vector<16xi32>
        %swap3A_132 = arith.constant 0 : index
        %swap3A_133 = tpu.vector_load %arg17[%swap3A_132] {strides = array<i32>} : memref<400xi32, #tpu.memory_space<vmem>>, vector<16xi32>,
        %swap3A_134 = vector.shape_cast %swap3A_133 : vector<16xi32> to vector<16xi32>
        %swap3A_135 = vector.shape_cast %add3A_131 : vector<16xi32> to vector<16xi32>
        tpu.vector_store %arg17[%swap3A_132], %swap3A_135 {strides = array<i32>} : memref<400xi32, #tpu.memory_space<vmem>>, vector<16xi32>,
        %get3A_136 = arith.constant 16 : index
        %get3A_137 = tpu.vector_load %arg6[%get3A_136] {strides = array<i32>} : memref<400xi32, #tpu.memory_space<vmem>>, vector<16xi32>,
        %get3A_138 = vector.shape_cast %get3A_137 : vector<16xi32> to vector<16xi32>
        %add3A_139 = arith.constant 16 : i32
        %add3A_140 = arith.addi %mul3A_13, %add3A_139 : i32
        %broadcast_in_dim3A_141 = vector.broadcast %add3A_140 : i32 to vector<16xi32>
        %iota3A_142 = tpu.iota {dimensions = array<i32: 0>} : vector<16xi32>
        %add3A_143 = arith.addi %broadcast_in_dim3A_141, %iota3A_142 : vector<16xi32>
        %broadcast_in_dim3A_144 = arith.constant 0 : i32
        %broadcast_in_dim3A_145 = vector.broadcast %broadcast_in_dim3A_144 : i32 to vector<16xi32>
        %eq3A_146 = arith.cmpi eq, %get3A_138, %broadcast_in_dim3A_145 : vector<16xi32>
        %broadcast_in_dim3A_147 = arith.constant 1 : i32
        %broadcast_in_dim3A_148 = vector.broadcast %broadcast_in_dim3A_147 : i32 to vector<16xi32>
        %broadcast_in_dim3A_149 = arith.constant 0 : i32
        %broadcast_in_dim3A_150 = vector.broadcast %broadcast_in_dim3A_149 : i32 to vector<16xi32>
        %select_n3A_151 = arith.select %eq3A_146, %broadcast_in_dim3A_148, %broadcast_in_dim3A_150 : vector<16xi1>, vector<16xi32>
        %mul3A_152 = arith.muli %select_n3A_151, %broadcast_in_dim3A_14 : vector<16xi32>
        %add3A_153 = arith.addi %mul3A_152, %add3A_143 : vector<16xi32>
        %swap3A_154 = arith.constant 16 : index
        %swap3A_155 = tpu.vector_load %arg9[%swap3A_154] {strides = array<i32>} : memref<400xi32, #tpu.memory_space<vmem>>, vector<16xi32>,
        %swap3A_156 = vector.shape_cast %swap3A_155 : vector<16xi32> to vector<16xi32>
        %swap3A_157 = vector.shape_cast %add3A_153 : vector<16xi32> to vector<16xi32>
        tpu.vector_store %arg9[%swap3A_154], %swap3A_157 {strides = array<i32>} : memref<400xi32, #tpu.memory_space<vmem>>, vector<16xi32>,
        %broadcast_in_dim3A_158 = arith.constant 1 : i32
        %broadcast_in_dim3A_159 = vector.broadcast %broadcast_in_dim3A_158 : i32 to vector<16xi32>
        %eq3A_160 = arith.cmpi eq, %get3A_138, %broadcast_in_dim3A_159 : vector<16xi32>
        %broadcast_in_dim3A_161 = arith.constant 2 : i32
        %broadcast_in_dim3A_162 = vector.broadcast %broadcast_in_dim3A_161 : i32 to vector<16xi32>
        %broadcast_in_dim3A_163 = arith.constant 1 : i32
        %broadcast_in_dim3A_164 = vector.broadcast %broadcast_in_dim3A_163 : i32 to vector<16xi32>
        %select_n3A_165 = arith.select %eq3A_160, %broadcast_in_dim3A_162, %broadcast_in_dim3A_164 : vector<16xi1>, vector<16xi32>
        %mul3A_166 = arith.muli %select_n3A_165, %broadcast_in_dim3A_14 : vector<16xi32>
        %add3A_167 = arith.addi %mul3A_166, %add3A_143 : vector<16xi32>
        %swap3A_168 = arith.constant 16 : index
        %swap3A_169 = tpu.vector_load %arg10[%swap3A_168] {strides = array<i32>} : memref<400xi32, #tpu.memory_space<vmem>>, vector<16xi32>,
        %swap3A_170 = vector.shape_cast %swap3A_169 : vector<16xi32> to vector<16xi32>
        %swap3A_171 = vector.shape_cast %add3A_167 : vector<16xi32> to vector<16xi32>
        tpu.vector_store %arg10[%swap3A_168], %swap3A_171 {strides = array<i32>} : memref<400xi32, #tpu.memory_space<vmem>>, vector<16xi32>,
        %broadcast_in_dim3A_172 = arith.constant 2 : i32
        %broadcast_in_dim3A_173 = vector.broadcast %broadcast_in_dim3A_172 : i32 to vector<16xi32>
        %eq3A_174 = arith.cmpi eq, %get3A_138, %broadcast_in_dim3A_173 : vector<16xi32>
        %broadcast_in_dim3A_175 = arith.constant 3 : i32
        %broadcast_in_dim3A_176 = vector.broadcast %broadcast_in_dim3A_175 : i32 to vector<16xi32>
        %broadcast_in_dim3A_177 = arith.constant 2 : i32
        %broadcast_in_dim3A_178 = vector.broadcast %broadcast_in_dim3A_177 : i32 to vector<16xi32>
        %select_n3A_179 = arith.select %eq3A_174, %broadcast_in_dim3A_176, %broadcast_in_dim3A_178 : vector<16xi1>, vector<16xi32>
        %mul3A_180 = arith.muli %select_n3A_179, %broadcast_in_dim3A_14 : vector<16xi32>
        %add3A_181 = arith.addi %mul3A_180, %add3A_143 : vector<16xi32>
        %swap3A_182 = arith.constant 16 : index
        %swap3A_183 = tpu.vector_load %arg11[%swap3A_182] {strides = array<i32>} : memref<400xi32, #tpu.memory_space<vmem>>, vector<16xi32>,
        %swap3A_184 = vector.shape_cast %swap3A_183 : vector<16xi32> to vector<16xi32>
        %swap3A_185 = vector.shape_cast %add3A_181 : vector<16xi32> to vector<16xi32>
        tpu.vector_store %arg11[%swap3A_182], %swap3A_185 {strides = array<i32>} : memref<400xi32, #tpu.memory_space<vmem>>, vector<16xi32>,
        %broadcast_in_dim3A_186 = arith.constant 3 : i32
        %broadcast_in_dim3A_187 = vector.broadcast %broadcast_in_dim3A_186 : i32 to vector<16xi32>
        %eq3A_188 = arith.cmpi eq, %get3A_138, %broadcast_in_dim3A_187 : vector<16xi32>
        %broadcast_in_dim3A_189 = arith.constant 4 : i32
        %broadcast_in_dim3A_190 = vector.broadcast %broadcast_in_dim3A_189 : i32 to vector<16xi32>
        %broadcast_in_dim3A_191 = arith.constant 3 : i32
        %broadcast_in_dim3A_192 = vector.broadcast %broadcast_in_dim3A_191 : i32 to vector<16xi32>
        %select_n3A_193 = arith.select %eq3A_188, %broadcast_in_dim3A_190, %broadcast_in_dim3A_192 : vector<16xi1>, vector<16xi32>
        %mul3A_194 = arith.muli %select_n3A_193, %broadcast_in_dim3A_14 : vector<16xi32>
        %add3A_195 = arith.addi %mul3A_194, %add3A_143 : vector<16xi32>
        %swap3A_196 = arith.constant 16 : index
        %swap3A_197 = tpu.vector_load %arg12[%swap3A_196] {strides = array<i32>} : memref<400xi32, #tpu.memory_space<vmem>>, vector<16xi32>,
        %swap3A_198 = vector.shape_cast %swap3A_197 : vector<16xi32> to vector<16xi32>
        %swap3A_199 = vector.shape_cast %add3A_195 : vector<16xi32> to vector<16xi32>
        tpu.vector_store %arg12[%swap3A_196], %swap3A_199 {strides = array<i32>} : memref<400xi32, #tpu.memory_space<vmem>>, vector<16xi32>,
        %broadcast_in_dim3A_200 = arith.constant 4 : i32
        %broadcast_in_dim3A_201 = vector.broadcast %broadcast_in_dim3A_200 : i32 to vector<16xi32>
        %eq3A_202 = arith.cmpi eq, %get3A_138, %broadcast_in_dim3A_201 : vector<16xi32>
        %broadcast_in_dim3A_203 = arith.constant 5 : i32
        %broadcast_in_dim3A_204 = vector.broadcast %broadcast_in_dim3A_203 : i32 to vector<16xi32>
        %broadcast_in_dim3A_205 = arith.constant 4 : i32
        %broadcast_in_dim3A_206 = vector.broadcast %broadcast_in_dim3A_205 : i32 to vector<16xi32>
        %select_n3A_207 = arith.select %eq3A_202, %broadcast_in_dim3A_204, %broadcast_in_dim3A_206 : vector<16xi1>, vector<16xi32>
        %mul3A_208 = arith.muli %select_n3A_207, %broadcast_in_dim3A_14 : vector<16xi32>
        %add3A_209 = arith.addi %mul3A_208, %add3A_143 : vector<16xi32>
        %swap3A_210 = arith.constant 16 : index
        %swap3A_211 = tpu.vector_load %arg13[%swap3A_210] {strides = array<i32>} : memref<400xi32, #tpu.memory_space<vmem>>, vector<16xi32>,
        %swap3A_212 = vector.shape_cast %swap3A_211 : vector<16xi32> to vector<16xi32>
        %swap3A_213 = vector.shape_cast %add3A_209 : vector<16xi32> to vector<16xi32>
        tpu.vector_store %arg13[%swap3A_210], %swap3A_213 {strides = array<i32>} : memref<400xi32, #tpu.memory_space<vmem>>, vector<16xi32>,
        %broadcast_in_dim3A_214 = arith.constant 5 : i32
        %broadcast_in_dim3A_215 = vector.broadcast %broadcast_in_dim3A_214 : i32 to vector<16xi32>
        %eq3A_216 = arith.cmpi eq, %get3A_138, %broadcast_in_dim3A_215 : vector<16xi32>
        %broadcast_in_dim3A_217 = arith.constant 6 : i32
        %broadcast_in_dim3A_218 = vector.broadcast %broadcast_in_dim3A_217 : i32 to vector<16xi32>
        %broadcast_in_dim3A_219 = arith.constant 5 : i32
        %broadcast_in_dim3A_220 = vector.broadcast %broadcast_in_dim3A_219 : i32 to vector<16xi32>
        %select_n3A_221 = arith.select %eq3A_216, %broadcast_in_dim3A_218, %broadcast_in_dim3A_220 : vector<16xi1>, vector<16xi32>
        %mul3A_222 = arith.muli %select_n3A_221, %broadcast_in_dim3A_14 : vector<16xi32>
        %add3A_223 = arith.addi %mul3A_222, %add3A_143 : vector<16xi32>
        %swap3A_224 = arith.constant 16 : index
        %swap3A_225 = tpu.vector_load %arg14[%swap3A_224] {strides = array<i32>} : memref<400xi32, #tpu.memory_space<vmem>>, vector<16xi32>,
        %swap3A_226 = vector.shape_cast %swap3A_225 : vector<16xi32> to vector<16xi32>
        %swap3A_227 = vector.shape_cast %add3A_223 : vector<16xi32> to vector<16xi32>
        tpu.vector_store %arg14[%swap3A_224], %swap3A_227 {strides = array<i32>} : memref<400xi32, #tpu.memory_space<vmem>>, vector<16xi32>,
        %broadcast_in_dim3A_228 = arith.constant 6 : i32
        %broadcast_in_dim3A_229 = vector.broadcast %broadcast_in_dim3A_228 : i32 to vector<16xi32>
        %eq3A_230 = arith.cmpi eq, %get3A_138, %broadcast_in_dim3A_229 : vector<16xi32>
        %broadcast_in_dim3A_231 = arith.constant 7 : i32
        %broadcast_in_dim3A_232 = vector.broadcast %broadcast_in_dim3A_231 : i32 to vector<16xi32>
        %broadcast_in_dim3A_233 = arith.constant 6 : i32
        %broadcast_in_dim3A_234 = vector.broadcast %broadcast_in_dim3A_233 : i32 to vector<16xi32>
        %select_n3A_235 = arith.select %eq3A_230, %broadcast_in_dim3A_232, %broadcast_in_dim3A_234 : vector<16xi1>, vector<16xi32>
        %mul3A_236 = arith.muli %select_n3A_235, %broadcast_in_dim3A_14 : vector<16xi32>
        %add3A_237 = arith.addi %mul3A_236, %add3A_143 : vector<16xi32>
        %swap3A_238 = arith.constant 16 : index
        %swap3A_239 = tpu.vector_load %arg15[%swap3A_238] {strides = array<i32>} : memref<400xi32, #tpu.memory_space<vmem>>, vector<16xi32>,
        %swap3A_240 = vector.shape_cast %swap3A_239 : vector<16xi32> to vector<16xi32>
        %swap3A_241 = vector.shape_cast %add3A_237 : vector<16xi32> to vector<16xi32>
        tpu.vector_store %arg15[%swap3A_238], %swap3A_241 {strides = array<i32>} : memref<400xi32, #tpu.memory_space<vmem>>, vector<16xi32>,
        %broadcast_in_dim3A_242 = arith.constant 7 : i32
        %broadcast_in_dim3A_243 = vector.broadcast %broadcast_in_dim3A_242 : i32 to vector<16xi32>
        %eq3A_244 = arith.cmpi eq, %get3A_138, %broadcast_in_dim3A_243 : vector<16xi32>
        %broadcast_in_dim3A_245 = arith.constant 0 : i32
        %broadcast_in_dim3A_246 = vector.broadcast %broadcast_in_dim3A_245 : i32 to vector<16xi32>
        %broadcast_in_dim3A_247 = arith.constant 7 : i32
        %broadcast_in_dim3A_248 = vector.broadcast %broadcast_in_dim3A_247 : i32 to vector<16xi32>
        %select_n3A_249 = arith.select %eq3A_244, %broadcast_in_dim3A_246, %broadcast_in_dim3A_248 : vector<16xi1>, vector<16xi32>
        %mul3A_250 = arith.muli %select_n3A_249, %broadcast_in_dim3A_14 : vector<16xi32>
        %add3A_251 = arith.addi %mul3A_250, %add3A_143 : vector<16xi32>
        %swap3A_252 = arith.constant 16 : index
        %swap3A_253 = tpu.vector_load %arg16[%swap3A_252] {strides = array<i32>} : memref<400xi32, #tpu.memory_space<vmem>>, vector<16xi32>,
        %swap3A_254 = vector.shape_cast %swap3A_253 : vector<16xi32> to vector<16xi32>
        %swap3A_255 = vector.shape_cast %add3A_251 : vector<16xi32> to vector<16xi32>
        tpu.vector_store %arg16[%swap3A_252], %swap3A_255 {strides = array<i32>} : memref<400xi32, #tpu.memory_space<vmem>>, vector<16xi32>,
        %mul3A_256 = arith.muli %get3A_138, %broadcast_in_dim3A_14 : vector<16xi32>
        %add3A_257 = arith.addi %mul3A_256, %add3A_143 : vector<16xi32>
        %swap3A_258 = arith.constant 16 : index
        %swap3A_259 = tpu.vector_load %arg17[%swap3A_258] {strides = array<i32>} : memref<400xi32, #tpu.memory_space<vmem>>, vector<16xi32>,
        %swap3A_260 = vector.shape_cast %swap3A_259 : vector<16xi32> to vector<16xi32>
        %swap3A_261 = vector.shape_cast %add3A_257 : vector<16xi32> to vector<16xi32>
        tpu.vector_store %arg17[%swap3A_258], %swap3A_261 {strides = array<i32>} : memref<400xi32, #tpu.memory_space<vmem>>, vector<16xi32>,
        %get3A_262 = arith.constant 32 : index
        %get3A_263 = tpu.vector_load %arg6[%get3A_262] {strides = array<i32>} : memref<400xi32, #tpu.memory_space<vmem>>, vector<16xi32>,
        %get3A_264 = vector.shape_cast %get3A_263 : vector<16xi32> to vector<16xi32>
        %add3A_265 = arith.constant 32 : i32
        %add3A_266 = arith.addi %mul3A_13, %add3A_265 : i32
        %broadcast_in_dim3A_267 = vector.broadcast %add3A_266 : i32 to vector<16xi32>
        %iota3A_268 = tpu.iota {dimensions = array<i32: 0>} : vector<16xi32>
        %add3A_269 = arith.addi %broadcast_in_dim3A_267, %iota3A_268 : vector<16xi32>
        %broadcast_in_dim3A_270 = arith.constant 0 : i32
        %broadcast_in_dim3A_271 = vector.broadcast %broadcast_in_dim3A_270 : i32 to vector<16xi32>
        %eq3A_272 = arith.cmpi eq, %get3A_264, %broadcast_in_dim3A_271 : vector<16xi32>
        %broadcast_in_dim3A_273 = arith.constant 1 : i32
        %broadcast_in_dim3A_274 = vector.broadcast %broadcast_in_dim3A_273 : i32 to vector<16xi32>
        %broadcast_in_dim3A_275 = arith.constant 0 : i32
        %broadcast_in_dim3A_276 = vector.broadcast %broadcast_in_dim3A_275 : i32 to vector<16xi32>
        %select_n3A_277 = arith.select %eq3A_272, %broadcast_in_dim3A_274, %broadcast_in_dim3A_276 : vector<16xi1>, vector<16xi32>
        %mul3A_278 = arith.muli %select_n3A_277, %broadcast_in_dim3A_14 : vector<16xi32>
        %add3A_279 = arith.addi %mul3A_278, %add3A_269 : vector<16xi32>
        %swap3A_280 = arith.constant 32 : index
        %swap3A_281 = tpu.vector_load %arg9[%swap3A_280] {strides = array<i32>} : memref<400xi32, #tpu.memory_space<vmem>>, vector<16xi32>,
        %swap3A_282 = vector.shape_cast %swap3A_281 : vector<16xi32> to vector<16xi32>
        %swap3A_283 = vector.shape_cast %add3A_279 : vector<16xi32> to vector<16xi32>
        tpu.vector_store %arg9[%swap3A_280], %swap3A_283 {strides = array<i32>} : memref<400xi32, #tpu.memory_space<vmem>>, vector<16xi32>,
        %broadcast_in_dim3A_284 = arith.constant 1 : i32
        %broadcast_in_dim3A_285 = vector.broadcast %broadcast_in_dim3A_284 : i32 to vector<16xi32>
        %eq3A_286 = arith.cmpi eq, %get3A_264, %broadcast_in_dim3A_285 : vector<16xi32>
        %broadcast_in_dim3A_287 = arith.constant 2 : i32
        %broadcast_in_dim3A_288 = vector.broadcast %broadcast_in_dim3A_287 : i32 to vector<16xi32>
        %broadcast_in_dim3A_289 = arith.constant 1 : i32
        %broadcast_in_dim3A_290 = vector.broadcast %broadcast_in_dim3A_289 : i32 to vector<16xi32>
        %select_n3A_291 = arith.select %eq3A_286, %broadcast_in_dim3A_288, %broadcast_in_dim3A_290 : vector<16xi1>, vector<16xi32>
        %mul3A_292 = arith.muli %select_n3A_291, %broadcast_in_dim3A_14 : vector<16xi32>
        %add3A_293 = arith.addi %mul3A_292, %add3A_269 : vector<16xi32>
        %swap3A_294 = arith.constant 32 : index
        %swap3A_295 = tpu.vector_load %arg10[%swap3A_294] {strides = array<i32>} : memref<400xi32, #tpu.memory_space<vmem>>, vector<16xi32>,
        %swap3A_296 = vector.shape_cast %swap3A_295 : vector<16xi32> to vector<16xi32>
        %swap3A_297 = vector.shape_cast %add3A_293 : vector<16xi32> to vector<16xi32>
        tpu.vector_store %arg10[%swap3A_294], %swap3A_297 {strides = array<i32>} : memref<400xi32, #tpu.memory_space<vmem>>, vector<16xi32>,
        %broadcast_in_dim3A_298 = arith.constant 2 : i32
        %broadcast_in_dim3A_299 = vector.broadcast %broadcast_in_dim3A_298 : i32 to vector<16xi32>
        %eq3A_300 = arith.cmpi eq, %get3A_264, %broadcast_in_dim3A_299 : vector<16xi32>
        %broadcast_in_dim3A_301 = arith.constant 3 : i32
        %broadcast_in_dim3A_302 = vector.broadcast %broadcast_in_dim3A_301 : i32 to vector<16xi32>
        %broadcast_in_dim3A_303 = arith.constant 2 : i32
        %broadcast_in_dim3A_304 = vector.broadcast %broadcast_in_dim3A_303 : i32 to vector<16xi32>
        %select_n3A_305 = arith.select %eq3A_300, %broadcast_in_dim3A_302, %broadcast_in_dim3A_304 : vector<16xi1>, vector<16xi32>
        %mul3A_306 = arith.muli %select_n3A_305, %broadcast_in_dim3A_14 : vector<16xi32>
        %add3A_307 = arith.addi %mul3A_306, %add3A_269 : vector<16xi32>
        %swap3A_308 = arith.constant 32 : index
        %swap3A_309 = tpu.vector_load %arg11[%swap3A_308] {strides = array<i32>} : memref<400xi32, #tpu.memory_space<vmem>>, vector<16xi32>,
        %swap3A_310 = vector.shape_cast %swap3A_309 : vector<16xi32> to vector<16xi32>
        %swap3A_311 = vector.shape_cast %add3A_307 : vector<16xi32> to vector<16xi32>
        tpu.vector_store %arg11[%swap3A_308], %swap3A_311 {strides = array<i32>} : memref<400xi32, #tpu.memory_space<vmem>>, vector<16xi32>,
        %broadcast_in_dim3A_312 = arith.constant 3 : i32
        %broadcast_in_dim3A_313 = vector.broadcast %broadcast_in_dim3A_312 : i32 to vector<16xi32>
        %eq3A_314 = arith.cmpi eq, %get3A_264, %broadcast_in_dim3A_313 : vector<16xi32>
        %broadcast_in_dim3A_315 = arith.constant 4 : i32
        %broadcast_in_dim3A_316 = vector.broadcast %broadcast_in_dim3A_315 : i32 to vector<16xi32>
        %broadcast_in_dim3A_317 = arith.constant 3 : i32
        %broadcast_in_dim3A_318 = vector.broadcast %broadcast_in_dim3A_317 : i32 to vector<16xi32>
        %select_n3A_319 = arith.select %eq3A_314, %broadcast_in_dim3A_316, %broadcast_in_dim3A_318 : vector<16xi1>, vector<16xi32>
        %mul3A_320 = arith.muli %select_n3A_319, %broadcast_in_dim3A_14 : vector<16xi32>
        %add3A_321 = arith.addi %mul3A_320, %add3A_269 : vector<16xi32>
        %swap3A_322 = arith.constant 32 : index
        %swap3A_323 = tpu.vector_load %arg12[%swap3A_322] {strides = array<i32>} : memref<400xi32, #tpu.memory_space<vmem>>, vector<16xi32>,
        %swap3A_324 = vector.shape_cast %swap3A_323 : vector<16xi32> to vector<16xi32>
        %swap3A_325 = vector.shape_cast %add3A_321 : vector<16xi32> to vector<16xi32>
        tpu.vector_store %arg12[%swap3A_322], %swap3A_325 {strides = array<i32>} : memref<400xi32, #tpu.memory_space<vmem>>, vector<16xi32>,
        %broadcast_in_dim3A_326 = arith.constant 4 : i32
        %broadcast_in_dim3A_327 = vector.broadcast %broadcast_in_dim3A_326 : i32 to vector<16xi32>
        %eq3A_328 = arith.cmpi eq, %get3A_264, %broadcast_in_dim3A_327 : vector<16xi32>
        %broadcast_in_dim3A_329 = arith.constant 5 : i32
        %broadcast_in_dim3A_330 = vector.broadcast %broadcast_in_dim3A_329 : i32 to vector<16xi32>
        %broadcast_in_dim3A_331 = arith.constant 4 : i32
        %broadcast_in_dim3A_332 = vector.broadcast %broadcast_in_dim3A_331 : i32 to vector<16xi32>
        %select_n3A_333 = arith.select %eq3A_328, %broadcast_in_dim3A_330, %broadcast_in_dim3A_332 : vector<16xi1>, vector<16xi32>
        %mul3A_334 = arith.muli %select_n3A_333, %broadcast_in_dim3A_14 : vector<16xi32>
        %add3A_335 = arith.addi %mul3A_334, %add3A_269 : vector<16xi32>
        %swap3A_336 = arith.constant 32 : index
        %swap3A_337 = tpu.vector_load %arg13[%swap3A_336] {strides = array<i32>} : memref<400xi32, #tpu.memory_space<vmem>>, vector<16xi32>,
        %swap3A_338 = vector.shape_cast %swap3A_337 : vector<16xi32> to vector<16xi32>
        %swap3A_339 = vector.shape_cast %add3A_335 : vector<16xi32> to vector<16xi32>
        tpu.vector_store %arg13[%swap3A_336], %swap3A_339 {strides = array<i32>} : memref<400xi32, #tpu.memory_space<vmem>>, vector<16xi32>,
        %broadcast_in_dim3A_340 = arith.constant 5 : i32
        %broadcast_in_dim3A_341 = vector.broadcast %broadcast_in_dim3A_340 : i32 to vector<16xi32>
        %eq3A_342 = arith.cmpi eq, %get3A_264, %broadcast_in_dim3A_341 : vector<16xi32>
        %broadcast_in_dim3A_343 = arith.constant 6 : i32
        %broadcast_in_dim3A_344 = vector.broadcast %broadcast_in_dim3A_343 : i32 to vector<16xi32>
        %broadcast_in_dim3A_345 = arith.constant 5 : i32
        %broadcast_in_dim3A_346 = vector.broadcast %broadcast_in_dim3A_345 : i32 to vector<16xi32>
        %select_n3A_347 = arith.select %eq3A_342, %broadcast_in_dim3A_344, %broadcast_in_dim3A_346 : vector<16xi1>, vector<16xi32>
        %mul3A_348 = arith.muli %select_n3A_347, %broadcast_in_dim3A_14 : vector<16xi32>
        %add3A_349 = arith.addi %mul3A_348, %add3A_269 : vector<16xi32>
        %swap3A_350 = arith.constant 32 : index
        %swap3A_351 = tpu.vector_load %arg14[%swap3A_350] {strides = array<i32>} : memref<400xi32, #tpu.memory_space<vmem>>, vector<16xi32>,
        %swap3A_352 = vector.shape_cast %swap3A_351 : vector<16xi32> to vector<16xi32>
        %swap3A_353 = vector.shape_cast %add3A_349 : vector<16xi32> to vector<16xi32>
        tpu.vector_store %arg14[%swap3A_350], %swap3A_353 {strides = array<i32>} : memref<400xi32, #tpu.memory_space<vmem>>, vector<16xi32>,
        %broadcast_in_dim3A_354 = arith.constant 6 : i32
        %broadcast_in_dim3A_355 = vector.broadcast %broadcast_in_dim3A_354 : i32 to vector<16xi32>
        %eq3A_356 = arith.cmpi eq, %get3A_264, %broadcast_in_dim3A_355 : vector<16xi32>
        %broadcast_in_dim3A_357 = arith.constant 7 : i32
        %broadcast_in_dim3A_358 = vector.broadcast %broadcast_in_dim3A_357 : i32 to vector<16xi32>
        %broadcast_in_dim3A_359 = arith.constant 6 : i32
        %broadcast_in_dim3A_360 = vector.broadcast %broadcast_in_dim3A_359 : i32 to vector<16xi32>
        %select_n3A_361 = arith.select %eq3A_356, %broadcast_in_dim3A_358, %broadcast_in_dim3A_360 : vector<16xi1>, vector<16xi32>
        %mul3A_362 = arith.muli %select_n3A_361, %broadcast_in_dim3A_14 : vector<16xi32>
        %add3A_363 = arith.addi %mul3A_362, %add3A_269 : vector<16xi32>
        %swap3A_364 = arith.constant 32 : index
        %swap3A_365 = tpu.vector_load %arg15[%swap3A_364] {strides = array<i32>} : memref<400xi32, #tpu.memory_space<vmem>>, vector<16xi32>,
        %swap3A_366 = vector.shape_cast %swap3A_365 : vector<16xi32> to vector<16xi32>
        %swap3A_367 = vector.shape_cast %add3A_363 : vector<16xi32> to vector<16xi32>
        tpu.vector_store %arg15[%swap3A_364], %swap3A_367 {strides = array<i32>} : memref<400xi32, #tpu.memory_space<vmem>>, vector<16xi32>,
        %broadcast_in_dim3A_368 = arith.constant 7 : i32
        %broadcast_in_dim3A_369 = vector.broadcast %broadcast_in_dim3A_368 : i32 to vector<16xi32>
        %eq3A_370 = arith.cmpi eq, %get3A_264, %broadcast_in_dim3A_369 : vector<16xi32>
        %broadcast_in_dim3A_371 = arith.constant 0 : i32
        %broadcast_in_dim3A_372 = vector.broadcast %broadcast_in_dim3A_371 : i32 to vector<16xi32>
        %broadcast_in_dim3A_373 = arith.constant 7 : i32
        %broadcast_in_dim3A_374 = vector.broadcast %broadcast_in_dim3A_373 : i32 to vector<16xi32>
        %select_n3A_375 = arith.select %eq3A_370, %broadcast_in_dim3A_372, %broadcast_in_dim3A_374 : vector<16xi1>, vector<16xi32>
        %mul3A_376 = arith.muli %select_n3A_375, %broadcast_in_dim3A_14 : vector<16xi32>
        %add3A_377 = arith.addi %mul3A_376, %add3A_269 : vector<16xi32>
        %swap3A_378 = arith.constant 32 : index
        %swap3A_379 = tpu.vector_load %arg16[%swap3A_378] {strides = array<i32>} : memref<400xi32, #tpu.memory_space<vmem>>, vector<16xi32>,
        %swap3A_380 = vector.shape_cast %swap3A_379 : vector<16xi32> to vector<16xi32>
        %swap3A_381 = vector.shape_cast %add3A_377 : vector<16xi32> to vector<16xi32>
        tpu.vector_store %arg16[%swap3A_378], %swap3A_381 {strides = array<i32>} : memref<400xi32, #tpu.memory_space<vmem>>, vector<16xi32>,
        %mul3A_382 = arith.muli %get3A_264, %broadcast_in_dim3A_14 : vector<16xi32>
        %add3A_383 = arith.addi %mul3A_382, %add3A_269 : vector<16xi32>
        %swap3A_384 = arith.constant 32 : index
        %swap3A_385 = tpu.vector_load %arg17[%swap3A_384] {strides = array<i32>} : memref<400xi32, #tpu.memory_space<vmem>>, vector<16xi32>,
        %swap3A_386 = vector.shape_cast %swap3A_385 : vector<16xi32> to vector<16xi32>
        %swap3A_387 = vector.shape_cast %add3A_383 : vector<16xi32> to vector<16xi32>
        tpu.vector_store %arg17[%swap3A_384], %swap3A_387 {strides = array<i32>} : memref<400xi32, #tpu.memory_space<vmem>>, vector<16xi32>,
        %get3A_388 = arith.constant 48 : index
        %get3A_389 = tpu.vector_load %arg6[%get3A_388] {strides = array<i32>} : memref<400xi32, #tpu.memory_space<vmem>>, vector<16xi32>,
        %get3A_390 = vector.shape_cast %get3A_389 : vector<16xi32> to vector<16xi32>
        %add3A_391 = arith.constant 48 : i32
        %add3A_392 = arith.addi %mul3A_13, %add3A_391 : i32
        %broadcast_in_dim3A_393 = vector.broadcast %add3A_392 : i32 to vector<16xi32>
        %iota3A_394 = tpu.iota {dimensions = array<i32: 0>} : vector<16xi32>
        %add3A_395 = arith.addi %broadcast_in_dim3A_393, %iota3A_394 : vector<16xi32>
        %broadcast_in_dim3A_396 = arith.constant 0 : i32
        %broadcast_in_dim3A_397 = vector.broadcast %broadcast_in_dim3A_396 : i32 to vector<16xi32>
        %eq3A_398 = arith.cmpi eq, %get3A_390, %broadcast_in_dim3A_397 : vector<16xi32>
        %broadcast_in_dim3A_399 = arith.constant 1 : i32
        %broadcast_in_dim3A_400 = vector.broadcast %broadcast_in_dim3A_399 : i32 to vector<16xi32>
        %broadcast_in_dim3A_401 = arith.constant 0 : i32
        %broadcast_in_dim3A_402 = vector.broadcast %broadcast_in_dim3A_401 : i32 to vector<16xi32>
        %select_n3A_403 = arith.select %eq3A_398, %broadcast_in_dim3A_400, %broadcast_in_dim3A_402 : vector<16xi1>, vector<16xi32>
        %mul3A_404 = arith.muli %select_n3A_403, %broadcast_in_dim3A_14 : vector<16xi32>
        %add3A_405 = arith.addi %mul3A_404, %add3A_395 : vector<16xi32>
        %swap3A_406 = arith.constant 48 : index
        %swap3A_407 = tpu.vector_load %arg9[%swap3A_406] {strides = array<i32>} : memref<400xi32, #tpu.memory_space<vmem>>, vector<16xi32>,
        %swap3A_408 = vector.shape_cast %swap3A_407 : vector<16xi32> to vector<16xi32>
        %swap3A_409 = vector.shape_cast %add3A_405 : vector<16xi32> to vector<16xi32>
        tpu.vector_store %arg9[%swap3A_406], %swap3A_409 {strides = array<i32>} : memref<400xi32, #tpu.memory_space<vmem>>, vector<16xi32>,
        %broadcast_in_dim3A_410 = arith.constant 1 : i32
        %broadcast_in_dim3A_411 = vector.broadcast %broadcast_in_dim3A_410 : i32 to vector<16xi32>
        %eq3A_412 = arith.cmpi eq, %get3A_390, %broadcast_in_dim3A_411 : vector<16xi32>
        %broadcast_in_dim3A_413 = arith.constant 2 : i32
        %broadcast_in_dim3A_414 = vector.broadcast %broadcast_in_dim3A_413 : i32 to vector<16xi32>
        %broadcast_in_dim3A_415 = arith.constant 1 : i32
        %broadcast_in_dim3A_416 = vector.broadcast %broadcast_in_dim3A_415 : i32 to vector<16xi32>
        %select_n3A_417 = arith.select %eq3A_412, %broadcast_in_dim3A_414, %broadcast_in_dim3A_416 : vector<16xi1>, vector<16xi32>
        %mul3A_418 = arith.muli %select_n3A_417, %broadcast_in_dim3A_14 : vector<16xi32>
        %add3A_419 = arith.addi %mul3A_418, %add3A_395 : vector<16xi32>
        %swap3A_420 = arith.constant 48 : index
        %swap3A_421 = tpu.vector_load %arg10[%swap3A_420] {strides = array<i32>} : memref<400xi32, #tpu.memory_space<vmem>>, vector<16xi32>,
        %swap3A_422 = vector.shape_cast %swap3A_421 : vector<16xi32> to vector<16xi32>
        %swap3A_423 = vector.shape_cast %add3A_419 : vector<16xi32> to vector<16xi32>
        tpu.vector_store %arg10[%swap3A_420], %swap3A_423 {strides = array<i32>} : memref<400xi32, #tpu.memory_space<vmem>>, vector<16xi32>,
        %broadcast_in_dim3A_424 = arith.constant 2 : i32
        %broadcast_in_dim3A_425 = vector.broadcast %broadcast_in_dim3A_424 : i32 to vector<16xi32>
        %eq3A_426 = arith.cmpi eq, %get3A_390, %broadcast_in_dim3A_425 : vector<16xi32>
        %broadcast_in_dim3A_427 = arith.constant 3 : i32
        %broadcast_in_dim3A_428 = vector.broadcast %broadcast_in_dim3A_427 : i32 to vector<16xi32>
        %broadcast_in_dim3A_429 = arith.constant 2 : i32
        %broadcast_in_dim3A_430 = vector.broadcast %broadcast_in_dim3A_429 : i32 to vector<16xi32>
        %select_n3A_431 = arith.select %eq3A_426, %broadcast_in_dim3A_428, %broadcast_in_dim3A_430 : vector<16xi1>, vector<16xi32>
        %mul3A_432 = arith.muli %select_n3A_431, %broadcast_in_dim3A_14 : vector<16xi32>
        %add3A_433 = arith.addi %mul3A_432, %add3A_395 : vector<16xi32>
        %swap3A_434 = arith.constant 48 : index
        %swap3A_435 = tpu.vector_load %arg11[%swap3A_434] {strides = array<i32>} : memref<400xi32, #tpu.memory_space<vmem>>, vector<16xi32>,
        %swap3A_436 = vector.shape_cast %swap3A_435 : vector<16xi32> to vector<16xi32>
        %swap3A_437 = vector.shape_cast %add3A_433 : vector<16xi32> to vector<16xi32>
        tpu.vector_store %arg11[%swap3A_434], %swap3A_437 {strides = array<i32>} : memref<400xi32, #tpu.memory_space<vmem>>, vector<16xi32>,
        %broadcast_in_dim3A_438 = arith.constant 3 : i32
        %broadcast_in_dim3A_439 = vector.broadcast %broadcast_in_dim3A_438 : i32 to vector<16xi32>
        %eq3A_440 = arith.cmpi eq, %get3A_390, %broadcast_in_dim3A_439 : vector<16xi32>
        %broadcast_in_dim3A_441 = arith.constant 4 : i32
        %broadcast_in_dim3A_442 = vector.broadcast %broadcast_in_dim3A_441 : i32 to vector<16xi32>
        %broadcast_in_dim3A_443 = arith.constant 3 : i32
        %broadcast_in_dim3A_444 = vector.broadcast %broadcast_in_dim3A_443 : i32 to vector<16xi32>
        %select_n3A_445 = arith.select %eq3A_440, %broadcast_in_dim3A_442, %broadcast_in_dim3A_444 : vector<16xi1>, vector<16xi32>
        %mul3A_446 = arith.muli %select_n3A_445, %broadcast_in_dim3A_14 : vector<16xi32>
        %add3A_447 = arith.addi %mul3A_446, %add3A_395 : vector<16xi32>
        %swap3A_448 = arith.constant 48 : index
        %swap3A_449 = tpu.vector_load %arg12[%swap3A_448] {strides = array<i32>} : memref<400xi32, #tpu.memory_space<vmem>>, vector<16xi32>,
        %swap3A_450 = vector.shape_cast %swap3A_449 : vector<16xi32> to vector<16xi32>
        %swap3A_451 = vector.shape_cast %add3A_447 : vector<16xi32> to vector<16xi32>
        tpu.vector_store %arg12[%swap3A_448], %swap3A_451 {strides = array<i32>} : memref<400xi32, #tpu.memory_space<vmem>>, vector<16xi32>,
        %broadcast_in_dim3A_452 = arith.constant 4 : i32
        %broadcast_in_dim3A_453 = vector.broadcast %broadcast_in_dim3A_452 : i32 to vector<16xi32>
        %eq3A_454 = arith.cmpi eq, %get3A_390, %broadcast_in_dim3A_453 : vector<16xi32>
        %broadcast_in_dim3A_455 = arith.constant 5 : i32
        %broadcast_in_dim3A_456 = vector.broadcast %broadcast_in_dim3A_455 : i32 to vector<16xi32>
        %broadcast_in_dim3A_457 = arith.constant 4 : i32
        %broadcast_in_dim3A_458 = vector.broadcast %broadcast_in_dim3A_457 : i32 to vector<16xi32>
        %select_n3A_459 = arith.select %eq3A_454, %broadcast_in_dim3A_456, %broadcast_in_dim3A_458 : vector<16xi1>, vector<16xi32>
        %mul3A_460 = arith.muli %select_n3A_459, %broadcast_in_dim3A_14 : vector<16xi32>
        %add3A_461 = arith.addi %mul3A_460, %add3A_395 : vector<16xi32>
        %swap3A_462 = arith.constant 48 : index
        %swap3A_463 = tpu.vector_load %arg13[%swap3A_462] {strides = array<i32>} : memref<400xi32, #tpu.memory_space<vmem>>, vector<16xi32>,
        %swap3A_464 = vector.shape_cast %swap3A_463 : vector<16xi32> to vector<16xi32>
        %swap3A_465 = vector.shape_cast %add3A_461 : vector<16xi32> to vector<16xi32>
        tpu.vector_store %arg13[%swap3A_462], %swap3A_465 {strides = array<i32>} : memref<400xi32, #tpu.memory_space<vmem>>, vector<16xi32>,
        %broadcast_in_dim3A_466 = arith.constant 5 : i32
        %broadcast_in_dim3A_467 = vector.broadcast %broadcast_in_dim3A_466 : i32 to vector<16xi32>
        %eq3A_468 = arith.cmpi eq, %get3A_390, %broadcast_in_dim3A_467 : vector<16xi32>
        %broadcast_in_dim3A_469 = arith.constant 6 : i32
        %broadcast_in_dim3A_470 = vector.broadcast %broadcast_in_dim3A_469 : i32 to vector<16xi32>
        %broadcast_in_dim3A_471 = arith.constant 5 : i32
        %broadcast_in_dim3A_472 = vector.broadcast %broadcast_in_dim3A_471 : i32 to vector<16xi32>
        %select_n3A_473 = arith.select %eq3A_468, %broadcast_in_dim3A_470, %broadcast_in_dim3A_472 : vector<16xi1>, vector<16xi32>
        %mul3A_474 = arith.muli %select_n3A_473, %broadcast_in_dim3A_14 : vector<16xi32>
        %add3A_475 = arith.addi %mul3A_474, %add3A_395 : vector<16xi32>
        %swap3A_476 = arith.constant 48 : index
        %swap3A_477 = tpu.vector_load %arg14[%swap3A_476] {strides = array<i32>} : memref<400xi32, #tpu.memory_space<vmem>>, vector<16xi32>,
        %swap3A_478 = vector.shape_cast %swap3A_477 : vector<16xi32> to vector<16xi32>
        %swap3A_479 = vector.shape_cast %add3A_475 : vector<16xi32> to vector<16xi32>
        tpu.vector_store %arg14[%swap3A_476], %swap3A_479 {strides = array<i32>} : memref<400xi32, #tpu.memory_space<vmem>>, vector<16xi32>,
        %broadcast_in_dim3A_480 = arith.constant 6 : i32
        %broadcast_in_dim3A_481 = vector.broadcast %broadcast_in_dim3A_480 : i32 to vector<16xi32>
        %eq3A_482 = arith.cmpi eq, %get3A_390, %broadcast_in_dim3A_481 : vector<16xi32>
        %broadcast_in_dim3A_483 = arith.constant 7 : i32
        %broadcast_in_dim3A_484 = vector.broadcast %broadcast_in_dim3A_483 : i32 to vector<16xi32>
        %broadcast_in_dim3A_485 = arith.constant 6 : i32
        %broadcast_in_dim3A_486 = vector.broadcast %broadcast_in_dim3A_485 : i32 to vector<16xi32>
        %select_n3A_487 = arith.select %eq3A_482, %broadcast_in_dim3A_484, %broadcast_in_dim3A_486 : vector<16xi1>, vector<16xi32>
        %mul3A_488 = arith.muli %select_n3A_487, %broadcast_in_dim3A_14 : vector<16xi32>
        %add3A_489 = arith.addi %mul3A_488, %add3A_395 : vector<16xi32>
        %swap3A_490 = arith.constant 48 : index
        %swap3A_491 = tpu.vector_load %arg15[%swap3A_490] {strides = array<i32>} : memref<400xi32, #tpu.memory_space<vmem>>, vector<16xi32>,
        %swap3A_492 = vector.shape_cast %swap3A_491 : vector<16xi32> to vector<16xi32>
        %swap3A_493 = vector.shape_cast %add3A_489 : vector<16xi32> to vector<16xi32>
        tpu.vector_store %arg15[%swap3A_490], %swap3A_493 {strides = array<i32>} : memref<400xi32, #tpu.memory_space<vmem>>, vector<16xi32>,
        %broadcast_in_dim3A_494 = arith.constant 7 : i32
        %broadcast_in_dim3A_495 = vector.broadcast %broadcast_in_dim3A_494 : i32 to vector<16xi32>
        %eq3A_496 = arith.cmpi eq, %get3A_390, %broadcast_in_dim3A_495 : vector<16xi32>
        %broadcast_in_dim3A_497 = arith.constant 0 : i32
        %broadcast_in_dim3A_498 = vector.broadcast %broadcast_in_dim3A_497 : i32 to vector<16xi32>
        %broadcast_in_dim3A_499 = arith.constant 7 : i32
        %broadcast_in_dim3A_500 = vector.broadcast %broadcast_in_dim3A_499 : i32 to vector<16xi32>
        %select_n3A_501 = arith.select %eq3A_496, %broadcast_in_dim3A_498, %broadcast_in_dim3A_500 : vector<16xi1>, vector<16xi32>
        %mul3A_502 = arith.muli %select_n3A_501, %broadcast_in_dim3A_14 : vector<16xi32>
        %add3A_503 = arith.addi %mul3A_502, %add3A_395 : vector<16xi32>
        %swap3A_504 = arith.constant 48 : index
        %swap3A_505 = tpu.vector_load %arg16[%swap3A_504] {strides = array<i32>} : memref<400xi32, #tpu.memory_space<vmem>>, vector<16xi32>,
        %swap3A_506 = vector.shape_cast %swap3A_505 : vector<16xi32> to vector<16xi32>
        %swap3A_507 = vector.shape_cast %add3A_503 : vector<16xi32> to vector<16xi32>
        tpu.vector_store %arg16[%swap3A_504], %swap3A_507 {strides = array<i32>} : memref<400xi32, #tpu.memory_space<vmem>>, vector<16xi32>,
        %mul3A_508 = arith.muli %get3A_390, %broadcast_in_dim3A_14 : vector<16xi32>
        %add3A_509 = arith.addi %mul3A_508, %add3A_395 : vector<16xi32>
        %swap3A_510 = arith.constant 48 : index
        %swap3A_511 = tpu.vector_load %arg17[%swap3A_510] {strides = array<i32>} : memref<400xi32, #tpu.memory_space<vmem>>, vector<16xi32>,
        %swap3A_512 = vector.shape_cast %swap3A_511 : vector<16xi32> to vector<16xi32>
        %swap3A_513 = vector.shape_cast %add3A_509 : vector<16xi32> to vector<16xi32>
        tpu.vector_store %arg17[%swap3A_510], %swap3A_513 {strides = array<i32>} : memref<400xi32, #tpu.memory_space<vmem>>, vector<16xi32>,
        %get3A_514 = arith.constant 64 : index
        %get3A_515 = tpu.vector_load %arg6[%get3A_514] {strides = array<i32>} : memref<400xi32, #tpu.memory_space<vmem>>, vector<16xi32>,
        %get3A_516 = vector.shape_cast %get3A_515 : vector<16xi32> to vector<16xi32>
        %add3A_517 = arith.constant 64 : i32
        %add3A_518 = arith.addi %mul3A_13, %add3A_517 : i32
        %broadcast_in_dim3A_519 = vector.broadcast %add3A_518 : i32 to vector<16xi32>
        %iota3A_520 = tpu.iota {dimensions = array<i32: 0>} : vector<16xi32>
        %add3A_521 = arith.addi %broadcast_in_dim3A_519, %iota3A_520 : vector<16xi32>
        %broadcast_in_dim3A_522 = arith.constant 0 : i32
        %broadcast_in_dim3A_523 = vector.broadcast %broadcast_in_dim3A_522 : i32 to vector<16xi32>
        %eq3A_524 = arith.cmpi eq, %get3A_516, %broadcast_in_dim3A_523 : vector<16xi32>
        %broadcast_in_dim3A_525 = arith.constant 1 : i32
        %broadcast_in_dim3A_526 = vector.broadcast %broadcast_in_dim3A_525 : i32 to vector<16xi32>
        %broadcast_in_dim3A_527 = arith.constant 0 : i32
        %broadcast_in_dim3A_528 = vector.broadcast %broadcast_in_dim3A_527 : i32 to vector<16xi32>
        %select_n3A_529 = arith.select %eq3A_524, %broadcast_in_dim3A_526, %broadcast_in_dim3A_528 : vector<16xi1>, vector<16xi32>
        %mul3A_530 = arith.muli %select_n3A_529, %broadcast_in_dim3A_14 : vector<16xi32>
        %add3A_531 = arith.addi %mul3A_530, %add3A_521 : vector<16xi32>
        %swap3A_532 = arith.constant 64 : index
        %swap3A_533 = tpu.vector_load %arg9[%swap3A_532] {strides = array<i32>} : memref<400xi32, #tpu.memory_space<vmem>>, vector<16xi32>,
        %swap3A_534 = vector.shape_cast %swap3A_533 : vector<16xi32> to vector<16xi32>
        %swap3A_535 = vector.shape_cast %add3A_531 : vector<16xi32> to vector<16xi32>
        tpu.vector_store %arg9[%swap3A_532], %swap3A_535 {strides = array<i32>} : memref<400xi32, #tpu.memory_space<vmem>>, vector<16xi32>,
        %broadcast_in_dim3A_536 = arith.constant 1 : i32
        %broadcast_in_dim3A_537 = vector.broadcast %broadcast_in_dim3A_536 : i32 to vector<16xi32>
        %eq3A_538 = arith.cmpi eq, %get3A_516, %broadcast_in_dim3A_537 : vector<16xi32>
        %broadcast_in_dim3A_539 = arith.constant 2 : i32
        %broadcast_in_dim3A_540 = vector.broadcast %broadcast_in_dim3A_539 : i32 to vector<16xi32>
        %broadcast_in_dim3A_541 = arith.constant 1 : i32
        %broadcast_in_dim3A_542 = vector.broadcast %broadcast_in_dim3A_541 : i32 to vector<16xi32>
        %select_n3A_543 = arith.select %eq3A_538, %broadcast_in_dim3A_540, %broadcast_in_dim3A_542 : vector<16xi1>, vector<16xi32>
        %mul3A_544 = arith.muli %select_n3A_543, %broadcast_in_dim3A_14 : vector<16xi32>
        %add3A_545 = arith.addi %mul3A_544, %add3A_521 : vector<16xi32>
        %swap3A_546 = arith.constant 64 : index
        %swap3A_547 = tpu.vector_load %arg10[%swap3A_546] {strides = array<i32>} : memref<400xi32, #tpu.memory_space<vmem>>, vector<16xi32>,
        %swap3A_548 = vector.shape_cast %swap3A_547 : vector<16xi32> to vector<16xi32>
        %swap3A_549 = vector.shape_cast %add3A_545 : vector<16xi32> to vector<16xi32>
        tpu.vector_store %arg10[%swap3A_546], %swap3A_549 {strides = array<i32>} : memref<400xi32, #tpu.memory_space<vmem>>, vector<16xi32>,
        %broadcast_in_dim3A_550 = arith.constant 2 : i32
        %broadcast_in_dim3A_551 = vector.broadcast %broadcast_in_dim3A_550 : i32 to vector<16xi32>
        %eq3A_552 = arith.cmpi eq, %get3A_516, %broadcast_in_dim3A_551 : vector<16xi32>
        %broadcast_in_dim3A_553 = arith.constant 3 : i32
        %broadcast_in_dim3A_554 = vector.broadcast %broadcast_in_dim3A_553 : i32 to vector<16xi32>
        %broadcast_in_dim3A_555 = arith.constant 2 : i32
        %broadcast_in_dim3A_556 = vector.broadcast %broadcast_in_dim3A_555 : i32 to vector<16xi32>
        %select_n3A_557 = arith.select %eq3A_552, %broadcast_in_dim3A_554, %broadcast_in_dim3A_556 : vector<16xi1>, vector<16xi32>
        %mul3A_558 = arith.muli %select_n3A_557, %broadcast_in_dim3A_14 : vector<16xi32>
        %add3A_559 = arith.addi %mul3A_558, %add3A_521 : vector<16xi32>
        %swap3A_560 = arith.constant 64 : index
        %swap3A_561 = tpu.vector_load %arg11[%swap3A_560] {strides = array<i32>} : memref<400xi32, #tpu.memory_space<vmem>>, vector<16xi32>,
        %swap3A_562 = vector.shape_cast %swap3A_561 : vector<16xi32> to vector<16xi32>
        %swap3A_563 = vector.shape_cast %add3A_559 : vector<16xi32> to vector<16xi32>
        tpu.vector_store %arg11[%swap3A_560], %swap3A_563 {strides = array<i32>} : memref<400xi32, #tpu.memory_space<vmem>>, vector<16xi32>,
        %broadcast_in_dim3A_564 = arith.constant 3 : i32
        %broadcast_in_dim3A_565 = vector.broadcast %broadcast_in_dim3A_564 : i32 to vector<16xi32>
        %eq3A_566 = arith.cmpi eq, %get3A_516, %broadcast_in_dim3A_565 : vector<16xi32>
        %broadcast_in_dim3A_567 = arith.constant 4 : i32
        %broadcast_in_dim3A_568 = vector.broadcast %broadcast_in_dim3A_567 : i32 to vector<16xi32>
        %broadcast_in_dim3A_569 = arith.constant 3 : i32
        %broadcast_in_dim3A_570 = vector.broadcast %broadcast_in_dim3A_569 : i32 to vector<16xi32>
        %select_n3A_571 = arith.select %eq3A_566, %broadcast_in_dim3A_568, %broadcast_in_dim3A_570 : vector<16xi1>, vector<16xi32>
        %mul3A_572 = arith.muli %select_n3A_571, %broadcast_in_dim3A_14 : vector<16xi32>
        %add3A_573 = arith.addi %mul3A_572, %add3A_521 : vector<16xi32>
        %swap3A_574 = arith.constant 64 : index
        %swap3A_575 = tpu.vector_load %arg12[%swap3A_574] {strides = array<i32>} : memref<400xi32, #tpu.memory_space<vmem>>, vector<16xi32>,
        %swap3A_576 = vector.shape_cast %swap3A_575 : vector<16xi32> to vector<16xi32>
        %swap3A_577 = vector.shape_cast %add3A_573 : vector<16xi32> to vector<16xi32>
        tpu.vector_store %arg12[%swap3A_574], %swap3A_577 {strides = array<i32>} : memref<400xi32, #tpu.memory_space<vmem>>, vector<16xi32>,
        %broadcast_in_dim3A_578 = arith.constant 4 : i32
        %broadcast_in_dim3A_579 = vector.broadcast %broadcast_in_dim3A_578 : i32 to vector<16xi32>
        %eq3A_580 = arith.cmpi eq, %get3A_516, %broadcast_in_dim3A_579 : vector<16xi32>
        %broadcast_in_dim3A_581 = arith.constant 5 : i32
        %broadcast_in_dim3A_582 = vector.broadcast %broadcast_in_dim3A_581 : i32 to vector<16xi32>
        %broadcast_in_dim3A_583 = arith.constant 4 : i32
        %broadcast_in_dim3A_584 = vector.broadcast %broadcast_in_dim3A_583 : i32 to vector<16xi32>
        %select_n3A_585 = arith.select %eq3A_580, %broadcast_in_dim3A_582, %broadcast_in_dim3A_584 : vector<16xi1>, vector<16xi32>
        %mul3A_586 = arith.muli %select_n3A_585, %broadcast_in_dim3A_14 : vector<16xi32>
        %add3A_587 = arith.addi %mul3A_586, %add3A_521 : vector<16xi32>
        %swap3A_588 = arith.constant 64 : index
        %swap3A_589 = tpu.vector_load %arg13[%swap3A_588] {strides = array<i32>} : memref<400xi32, #tpu.memory_space<vmem>>, vector<16xi32>,
        %swap3A_590 = vector.shape_cast %swap3A_589 : vector<16xi32> to vector<16xi32>
        %swap3A_591 = vector.shape_cast %add3A_587 : vector<16xi32> to vector<16xi32>
        tpu.vector_store %arg13[%swap3A_588], %swap3A_591 {strides = array<i32>} : memref<400xi32, #tpu.memory_space<vmem>>, vector<16xi32>,
        %broadcast_in_dim3A_592 = arith.constant 5 : i32
        %broadcast_in_dim3A_593 = vector.broadcast %broadcast_in_dim3A_592 : i32 to vector<16xi32>
        %eq3A_594 = arith.cmpi eq, %get3A_516, %broadcast_in_dim3A_593 : vector<16xi32>
        %broadcast_in_dim3A_595 = arith.constant 6 : i32
        %broadcast_in_dim3A_596 = vector.broadcast %broadcast_in_dim3A_595 : i32 to vector<16xi32>
        %broadcast_in_dim3A_597 = arith.constant 5 : i32
        %broadcast_in_dim3A_598 = vector.broadcast %broadcast_in_dim3A_597 : i32 to vector<16xi32>
        %select_n3A_599 = arith.select %eq3A_594, %broadcast_in_dim3A_596, %broadcast_in_dim3A_598 : vector<16xi1>, vector<16xi32>
        %mul3A_600 = arith.muli %select_n3A_599, %broadcast_in_dim3A_14 : vector<16xi32>
        %add3A_601 = arith.addi %mul3A_600, %add3A_521 : vector<16xi32>
        %swap3A_602 = arith.constant 64 : index
        %swap3A_603 = tpu.vector_load %arg14[%swap3A_602] {strides = array<i32>} : memref<400xi32, #tpu.memory_space<vmem>>, vector<16xi32>,
        %swap3A_604 = vector.shape_cast %swap3A_603 : vector<16xi32> to vector<16xi32>
        %swap3A_605 = vector.shape_cast %add3A_601 : vector<16xi32> to vector<16xi32>
        tpu.vector_store %arg14[%swap3A_602], %swap3A_605 {strides = array<i32>} : memref<400xi32, #tpu.memory_space<vmem>>, vector<16xi32>,
        %broadcast_in_dim3A_606 = arith.constant 6 : i32
        %broadcast_in_dim3A_607 = vector.broadcast %broadcast_in_dim3A_606 : i32 to vector<16xi32>
        %eq3A_608 = arith.cmpi eq, %get3A_516, %broadcast_in_dim3A_607 : vector<16xi32>
        %broadcast_in_dim3A_609 = arith.constant 7 : i32
        %broadcast_in_dim3A_610 = vector.broadcast %broadcast_in_dim3A_609 : i32 to vector<16xi32>
        %broadcast_in_dim3A_611 = arith.constant 6 : i32
        %broadcast_in_dim3A_612 = vector.broadcast %broadcast_in_dim3A_611 : i32 to vector<16xi32>
        %select_n3A_613 = arith.select %eq3A_608, %broadcast_in_dim3A_610, %broadcast_in_dim3A_612 : vector<16xi1>, vector<16xi32>
        %mul3A_614 = arith.muli %select_n3A_613, %broadcast_in_dim3A_14 : vector<16xi32>
        %add3A_615 = arith.addi %mul3A_614, %add3A_521 : vector<16xi32>
        %swap3A_616 = arith.constant 64 : index
        %swap3A_617 = tpu.vector_load %arg15[%swap3A_616] {strides = array<i32>} : memref<400xi32, #tpu.memory_space<vmem>>, vector<16xi32>,
        %swap3A_618 = vector.shape_cast %swap3A_617 : vector<16xi32> to vector<16xi32>
        %swap3A_619 = vector.shape_cast %add3A_615 : vector<16xi32> to vector<16xi32>
        tpu.vector_store %arg15[%swap3A_616], %swap3A_619 {strides = array<i32>} : memref<400xi32, #tpu.memory_space<vmem>>, vector<16xi32>,
        %broadcast_in_dim3A_620 = arith.constant 7 : i32
        %broadcast_in_dim3A_621 = vector.broadcast %broadcast_in_dim3A_620 : i32 to vector<16xi32>
        %eq3A_622 = arith.cmpi eq, %get3A_516, %broadcast_in_dim3A_621 : vector<16xi32>
        %broadcast_in_dim3A_623 = arith.constant 0 : i32
        %broadcast_in_dim3A_624 = vector.broadcast %broadcast_in_dim3A_623 : i32 to vector<16xi32>
        %broadcast_in_dim3A_625 = arith.constant 7 : i32
        %broadcast_in_dim3A_626 = vector.broadcast %broadcast_in_dim3A_625 : i32 to vector<16xi32>
        %select_n3A_627 = arith.select %eq3A_622, %broadcast_in_dim3A_624, %broadcast_in_dim3A_626 : vector<16xi1>, vector<16xi32>
        %mul3A_628 = arith.muli %select_n3A_627, %broadcast_in_dim3A_14 : vector<16xi32>
        %add3A_629 = arith.addi %mul3A_628, %add3A_521 : vector<16xi32>
        %swap3A_630 = arith.constant 64 : index
        %swap3A_631 = tpu.vector_load %arg16[%swap3A_630] {strides = array<i32>} : memref<400xi32, #tpu.memory_space<vmem>>, vector<16xi32>,
        %swap3A_632 = vector.shape_cast %swap3A_631 : vector<16xi32> to vector<16xi32>
        %swap3A_633 = vector.shape_cast %add3A_629 : vector<16xi32> to vector<16xi32>
        tpu.vector_store %arg16[%swap3A_630], %swap3A_633 {strides = array<i32>} : memref<400xi32, #tpu.memory_space<vmem>>, vector<16xi32>,
        %mul3A_634 = arith.muli %get3A_516, %broadcast_in_dim3A_14 : vector<16xi32>
        %add3A_635 = arith.addi %mul3A_634, %add3A_521 : vector<16xi32>
        %swap3A_636 = arith.constant 64 : index
        %swap3A_637 = tpu.vector_load %arg17[%swap3A_636] {strides = array<i32>} : memref<400xi32, #tpu.memory_space<vmem>>, vector<16xi32>,
        %swap3A_638 = vector.shape_cast %swap3A_637 : vector<16xi32> to vector<16xi32>
        %swap3A_639 = vector.shape_cast %add3A_635 : vector<16xi32> to vector<16xi32>
        tpu.vector_store %arg17[%swap3A_636], %swap3A_639 {strides = array<i32>} : memref<400xi32, #tpu.memory_space<vmem>>, vector<16xi32>,
        %get3A_640 = arith.constant 80 : index
        %get3A_641 = tpu.vector_load %arg6[%get3A_640] {strides = array<i32>} : memref<400xi32, #tpu.memory_space<vmem>>, vector<16xi32>,
        %get3A_642 = vector.shape_cast %get3A_641 : vector<16xi32> to vector<16xi32>
        %add3A_643 = arith.constant 80 : i32
        %add3A_644 = arith.addi %mul3A_13, %add3A_643 : i32
        %broadcast_in_dim3A_645 = vector.broadcast %add3A_644 : i32 to vector<16xi32>
        %iota3A_646 = tpu.iota {dimensions = array<i32: 0>} : vector<16xi32>
        %add3A_647 = arith.addi %broadcast_in_dim3A_645, %iota3A_646 : vector<16xi32>
        %broadcast_in_dim3A_648 = arith.constant 0 : i32
        %broadcast_in_dim3A_649 = vector.broadcast %broadcast_in_dim3A_648 : i32 to vector<16xi32>
        %eq3A_650 = arith.cmpi eq, %get3A_642, %broadcast_in_dim3A_649 : vector<16xi32>
        %broadcast_in_dim3A_651 = arith.constant 1 : i32
        %broadcast_in_dim3A_652 = vector.broadcast %broadcast_in_dim3A_651 : i32 to vector<16xi32>
        %broadcast_in_dim3A_653 = arith.constant 0 : i32
        %broadcast_in_dim3A_654 = vector.broadcast %broadcast_in_dim3A_653 : i32 to vector<16xi32>
        %select_n3A_655 = arith.select %eq3A_650, %broadcast_in_dim3A_652, %broadcast_in_dim3A_654 : vector<16xi1>, vector<16xi32>
        %mul3A_656 = arith.muli %select_n3A_655, %broadcast_in_dim3A_14 : vector<16xi32>
        %add3A_657 = arith.addi %mul3A_656, %add3A_647 : vector<16xi32>
        %swap3A_658 = arith.constant 80 : index
        %swap3A_659 = tpu.vector_load %arg9[%swap3A_658] {strides = array<i32>} : memref<400xi32, #tpu.memory_space<vmem>>, vector<16xi32>,
        %swap3A_660 = vector.shape_cast %swap3A_659 : vector<16xi32> to vector<16xi32>
        %swap3A_661 = vector.shape_cast %add3A_657 : vector<16xi32> to vector<16xi32>
        tpu.vector_store %arg9[%swap3A_658], %swap3A_661 {strides = array<i32>} : memref<400xi32, #tpu.memory_space<vmem>>, vector<16xi32>,
        %broadcast_in_dim3A_662 = arith.constant 1 : i32
        %broadcast_in_dim3A_663 = vector.broadcast %broadcast_in_dim3A_662 : i32 to vector<16xi32>
        %eq3A_664 = arith.cmpi eq, %get3A_642, %broadcast_in_dim3A_663 : vector<16xi32>
        %broadcast_in_dim3A_665 = arith.constant 2 : i32
        %broadcast_in_dim3A_666 = vector.broadcast %broadcast_in_dim3A_665 : i32 to vector<16xi32>
        %broadcast_in_dim3A_667 = arith.constant 1 : i32
        %broadcast_in_dim3A_668 = vector.broadcast %broadcast_in_dim3A_667 : i32 to vector<16xi32>
        %select_n3A_669 = arith.select %eq3A_664, %broadcast_in_dim3A_666, %broadcast_in_dim3A_668 : vector<16xi1>, vector<16xi32>
        %mul3A_670 = arith.muli %select_n3A_669, %broadcast_in_dim3A_14 : vector<16xi32>
        %add3A_671 = arith.addi %mul3A_670, %add3A_647 : vector<16xi32>
        %swap3A_672 = arith.constant 80 : index
        %swap3A_673 = tpu.vector_load %arg10[%swap3A_672] {strides = array<i32>} : memref<400xi32, #tpu.memory_space<vmem>>, vector<16xi32>,
        %swap3A_674 = vector.shape_cast %swap3A_673 : vector<16xi32> to vector<16xi32>
        %swap3A_675 = vector.shape_cast %add3A_671 : vector<16xi32> to vector<16xi32>
        tpu.vector_store %arg10[%swap3A_672], %swap3A_675 {strides = array<i32>} : memref<400xi32, #tpu.memory_space<vmem>>, vector<16xi32>,
        %broadcast_in_dim3A_676 = arith.constant 2 : i32
        %broadcast_in_dim3A_677 = vector.broadcast %broadcast_in_dim3A_676 : i32 to vector<16xi32>
        %eq3A_678 = arith.cmpi eq, %get3A_642, %broadcast_in_dim3A_677 : vector<16xi32>
        %broadcast_in_dim3A_679 = arith.constant 3 : i32
        %broadcast_in_dim3A_680 = vector.broadcast %broadcast_in_dim3A_679 : i32 to vector<16xi32>
        %broadcast_in_dim3A_681 = arith.constant 2 : i32
        %broadcast_in_dim3A_682 = vector.broadcast %broadcast_in_dim3A_681 : i32 to vector<16xi32>
        %select_n3A_683 = arith.select %eq3A_678, %broadcast_in_dim3A_680, %broadcast_in_dim3A_682 : vector<16xi1>, vector<16xi32>
        %mul3A_684 = arith.muli %select_n3A_683, %broadcast_in_dim3A_14 : vector<16xi32>
        %add3A_685 = arith.addi %mul3A_684, %add3A_647 : vector<16xi32>
        %swap3A_686 = arith.constant 80 : index
        %swap3A_687 = tpu.vector_load %arg11[%swap3A_686] {strides = array<i32>} : memref<400xi32, #tpu.memory_space<vmem>>, vector<16xi32>,
        %swap3A_688 = vector.shape_cast %swap3A_687 : vector<16xi32> to vector<16xi32>
        %swap3A_689 = vector.shape_cast %add3A_685 : vector<16xi32> to vector<16xi32>
        tpu.vector_store %arg11[%swap3A_686], %swap3A_689 {strides = array<i32>} : memref<400xi32, #tpu.memory_space<vmem>>, vector<16xi32>,
        %broadcast_in_dim3A_690 = arith.constant 3 : i32
        %broadcast_in_dim3A_691 = vector.broadcast %broadcast_in_dim3A_690 : i32 to vector<16xi32>
        %eq3A_692 = arith.cmpi eq, %get3A_642, %broadcast_in_dim3A_691 : vector<16xi32>
        %broadcast_in_dim3A_693 = arith.constant 4 : i32
        %broadcast_in_dim3A_694 = vector.broadcast %broadcast_in_dim3A_693 : i32 to vector<16xi32>
        %broadcast_in_dim3A_695 = arith.constant 3 : i32
        %broadcast_in_dim3A_696 = vector.broadcast %broadcast_in_dim3A_695 : i32 to vector<16xi32>
        %select_n3A_697 = arith.select %eq3A_692, %broadcast_in_dim3A_694, %broadcast_in_dim3A_696 : vector<16xi1>, vector<16xi32>
        %mul3A_698 = arith.muli %select_n3A_697, %broadcast_in_dim3A_14 : vector<16xi32>
        %add3A_699 = arith.addi %mul3A_698, %add3A_647 : vector<16xi32>
        %swap3A_700 = arith.constant 80 : index
        %swap3A_701 = tpu.vector_load %arg12[%swap3A_700] {strides = array<i32>} : memref<400xi32, #tpu.memory_space<vmem>>, vector<16xi32>,
        %swap3A_702 = vector.shape_cast %swap3A_701 : vector<16xi32> to vector<16xi32>
        %swap3A_703 = vector.shape_cast %add3A_699 : vector<16xi32> to vector<16xi32>
        tpu.vector_store %arg12[%swap3A_700], %swap3A_703 {strides = array<i32>} : memref<400xi32, #tpu.memory_space<vmem>>, vector<16xi32>,
        %broadcast_in_dim3A_704 = arith.constant 4 : i32
        %broadcast_in_dim3A_705 = vector.broadcast %broadcast_in_dim3A_704 : i32 to vector<16xi32>
        %eq3A_706 = arith.cmpi eq, %get3A_642, %broadcast_in_dim3A_705 : vector<16xi32>
        %broadcast_in_dim3A_707 = arith.constant 5 : i32
        %broadcast_in_dim3A_708 = vector.broadcast %broadcast_in_dim3A_707 : i32 to vector<16xi32>
        %broadcast_in_dim3A_709 = arith.constant 4 : i32
        %broadcast_in_dim3A_710 = vector.broadcast %broadcast_in_dim3A_709 : i32 to vector<16xi32>
        %select_n3A_711 = arith.select %eq3A_706, %broadcast_in_dim3A_708, %broadcast_in_dim3A_710 : vector<16xi1>, vector<16xi32>
        %mul3A_712 = arith.muli %select_n3A_711, %broadcast_in_dim3A_14 : vector<16xi32>
        %add3A_713 = arith.addi %mul3A_712, %add3A_647 : vector<16xi32>
        %swap3A_714 = arith.constant 80 : index
        %swap3A_715 = tpu.vector_load %arg13[%swap3A_714] {strides = array<i32>} : memref<400xi32, #tpu.memory_space<vmem>>, vector<16xi32>,
        %swap3A_716 = vector.shape_cast %swap3A_715 : vector<16xi32> to vector<16xi32>
        %swap3A_717 = vector.shape_cast %add3A_713 : vector<16xi32> to vector<16xi32>
        tpu.vector_store %arg13[%swap3A_714], %swap3A_717 {strides = array<i32>} : memref<400xi32, #tpu.memory_space<vmem>>, vector<16xi32>,
        %broadcast_in_dim3A_718 = arith.constant 5 : i32
        %broadcast_in_dim3A_719 = vector.broadcast %broadcast_in_dim3A_718 : i32 to vector<16xi32>
        %eq3A_720 = arith.cmpi eq, %get3A_642, %broadcast_in_dim3A_719 : vector<16xi32>
        %broadcast_in_dim3A_721 = arith.constant 6 : i32
        %broadcast_in_dim3A_722 = vector.broadcast %broadcast_in_dim3A_721 : i32 to vector<16xi32>
        %broadcast_in_dim3A_723 = arith.constant 5 : i32
        %broadcast_in_dim3A_724 = vector.broadcast %broadcast_in_dim3A_723 : i32 to vector<16xi32>
        %select_n3A_725 = arith.select %eq3A_720, %broadcast_in_dim3A_722, %broadcast_in_dim3A_724 : vector<16xi1>, vector<16xi32>
        %mul3A_726 = arith.muli %select_n3A_725, %broadcast_in_dim3A_14 : vector<16xi32>
        %add3A_727 = arith.addi %mul3A_726, %add3A_647 : vector<16xi32>
        %swap3A_728 = arith.constant 80 : index
        %swap3A_729 = tpu.vector_load %arg14[%swap3A_728] {strides = array<i32>} : memref<400xi32, #tpu.memory_space<vmem>>, vector<16xi32>,
        %swap3A_730 = vector.shape_cast %swap3A_729 : vector<16xi32> to vector<16xi32>
        %swap3A_731 = vector.shape_cast %add3A_727 : vector<16xi32> to vector<16xi32>
        tpu.vector_store %arg14[%swap3A_728], %swap3A_731 {strides = array<i32>} : memref<400xi32, #tpu.memory_space<vmem>>, vector<16xi32>,
        %broadcast_in_dim3A_732 = arith.constant 6 : i32
        %broadcast_in_dim3A_733 = vector.broadcast %broadcast_in_dim3A_732 : i32 to vector<16xi32>
        %eq3A_734 = arith.cmpi eq, %get3A_642, %broadcast_in_dim3A_733 : vector<16xi32>
        %broadcast_in_dim3A_735 = arith.constant 7 : i32
        %broadcast_in_dim3A_736 = vector.broadcast %broadcast_in_dim3A_735 : i32 to vector<16xi32>
        %broadcast_in_dim3A_737 = arith.constant 6 : i32
        %broadcast_in_dim3A_738 = vector.broadcast %broadcast_in_dim3A_737 : i32 to vector<16xi32>
        %select_n3A_739 = arith.select %eq3A_734, %broadcast_in_dim3A_736, %broadcast_in_dim3A_738 : vector<16xi1>, vector<16xi32>
        %mul3A_740 = arith.muli %select_n3A_739, %broadcast_in_dim3A_14 : vector<16xi32>
        %add3A_741 = arith.addi %mul3A_740, %add3A_647 : vector<16xi32>
        %swap3A_742 = arith.constant 80 : index
        %swap3A_743 = tpu.vector_load %arg15[%swap3A_742] {strides = array<i32>} : memref<400xi32, #tpu.memory_space<vmem>>, vector<16xi32>,
        %swap3A_744 = vector.shape_cast %swap3A_743 : vector<16xi32> to vector<16xi32>
        %swap3A_745 = vector.shape_cast %add3A_741 : vector<16xi32> to vector<16xi32>
        tpu.vector_store %arg15[%swap3A_742], %swap3A_745 {strides = array<i32>} : memref<400xi32, #tpu.memory_space<vmem>>, vector<16xi32>,
        %broadcast_in_dim3A_746 = arith.constant 7 : i32
        %broadcast_in_dim3A_747 = vector.broadcast %broadcast_in_dim3A_746 : i32 to vector<16xi32>
        %eq3A_748 = arith.cmpi eq, %get3A_642, %broadcast_in_dim3A_747 : vector<16xi32>
        %broadcast_in_dim3A_749 = arith.constant 0 : i32
        %broadcast_in_dim3A_750 = vector.broadcast %broadcast_in_dim3A_749 : i32 to vector<16xi32>
        %broadcast_in_dim3A_751 = arith.constant 7 : i32
        %broadcast_in_dim3A_752 = vector.broadcast %broadcast_in_dim3A_751 : i32 to vector<16xi32>
        %select_n3A_753 = arith.select %eq3A_748, %broadcast_in_dim3A_750, %broadcast_in_dim3A_752 : vector<16xi1>, vector<16xi32>
        %mul3A_754 = arith.muli %select_n3A_753, %broadcast_in_dim3A_14 : vector<16xi32>
        %add3A_755 = arith.addi %mul3A_754, %add3A_647 : vector<16xi32>
        %swap3A_756 = arith.constant 80 : index
        %swap3A_757 = tpu.vector_load %arg16[%swap3A_756] {strides = array<i32>} : memref<400xi32, #tpu.memory_space<vmem>>, vector<16xi32>,
        %swap3A_758 = vector.shape_cast %swap3A_757 : vector<16xi32> to vector<16xi32>
        %swap3A_759 = vector.shape_cast %add3A_755 : vector<16xi32> to vector<16xi32>
        tpu.vector_store %arg16[%swap3A_756], %swap3A_759 {strides = array<i32>} : memref<400xi32, #tpu.memory_space<vmem>>, vector<16xi32>,
        %mul3A_760 = arith.muli %get3A_642, %broadcast_in_dim3A_14 : vector<16xi32>
        %add3A_761 = arith.addi %mul3A_760, %add3A_647 : vector<16xi32>
        %swap3A_762 = arith.constant 80 : index
        %swap3A_763 = tpu.vector_load %arg17[%swap3A_762] {strides = array<i32>} : memref<400xi32, #tpu.memory_space<vmem>>, vector<16xi32>,
        %swap3A_764 = vector.shape_cast %swap3A_763 : vector<16xi32> to vector<16xi32>
        %swap3A_765 = vector.shape_cast %add3A_761 : vector<16xi32> to vector<16xi32>
        tpu.vector_store %arg17[%swap3A_762], %swap3A_765 {strides = array<i32>} : memref<400xi32, #tpu.memory_space<vmem>>, vector<16xi32>,
        %get3A_766 = arith.constant 96 : index
        %get3A_767 = tpu.vector_load %arg6[%get3A_766] {strides = array<i32>} : memref<400xi32, #tpu.memory_space<vmem>>, vector<16xi32>,
        %get3A_768 = vector.shape_cast %get3A_767 : vector<16xi32> to vector<16xi32>
        %add3A_769 = arith.constant 96 : i32
        %add3A_770 = arith.addi %mul3A_13, %add3A_769 : i32
        %broadcast_in_dim3A_771 = vector.broadcast %add3A_770 : i32 to vector<16xi32>
        %iota3A_772 = tpu.iota {dimensions = array<i32: 0>} : vector<16xi32>
        %add3A_773 = arith.addi %broadcast_in_dim3A_771, %iota3A_772 : vector<16xi32>
        %broadcast_in_dim3A_774 = arith.constant 0 : i32
        %broadcast_in_dim3A_775 = vector.broadcast %broadcast_in_dim3A_774 : i32 to vector<16xi32>
        %eq3A_776 = arith.cmpi eq, %get3A_768, %broadcast_in_dim3A_775 : vector<16xi32>
        %broadcast_in_dim3A_777 = arith.constant 1 : i32
        %broadcast_in_dim3A_778 = vector.broadcast %broadcast_in_dim3A_777 : i32 to vector<16xi32>
        %broadcast_in_dim3A_779 = arith.constant 0 : i32
        %broadcast_in_dim3A_780 = vector.broadcast %broadcast_in_dim3A_779 : i32 to vector<16xi32>
        %select_n3A_781 = arith.select %eq3A_776, %broadcast_in_dim3A_778, %broadcast_in_dim3A_780 : vector<16xi1>, vector<16xi32>
        %mul3A_782 = arith.muli %select_n3A_781, %broadcast_in_dim3A_14 : vector<16xi32>
        %add3A_783 = arith.addi %mul3A_782, %add3A_773 : vector<16xi32>
        %swap3A_784 = arith.constant 96 : index
        %swap3A_785 = tpu.vector_load %arg9[%swap3A_784] {strides = array<i32>} : memref<400xi32, #tpu.memory_space<vmem>>, vector<16xi32>,
        %swap3A_786 = vector.shape_cast %swap3A_785 : vector<16xi32> to vector<16xi32>
        %swap3A_787 = vector.shape_cast %add3A_783 : vector<16xi32> to vector<16xi32>
        tpu.vector_store %arg9[%swap3A_784], %swap3A_787 {strides = array<i32>} : memref<400xi32, #tpu.memory_space<vmem>>, vector<16xi32>,
        %broadcast_in_dim3A_788 = arith.constant 1 : i32
        %broadcast_in_dim3A_789 = vector.broadcast %broadcast_in_dim3A_788 : i32 to vector<16xi32>
        %eq3A_790 = arith.cmpi eq, %get3A_768, %broadcast_in_dim3A_789 : vector<16xi32>
        %broadcast_in_dim3A_791 = arith.constant 2 : i32
        %broadcast_in_dim3A_792 = vector.broadcast %broadcast_in_dim3A_791 : i32 to vector<16xi32>
        %broadcast_in_dim3A_793 = arith.constant 1 : i32
        %broadcast_in_dim3A_794 = vector.broadcast %broadcast_in_dim3A_793 : i32 to vector<16xi32>
        %select_n3A_795 = arith.select %eq3A_790, %broadcast_in_dim3A_792, %broadcast_in_dim3A_794 : vector<16xi1>, vector<16xi32>
        %mul3A_796 = arith.muli %select_n3A_795, %broadcast_in_dim3A_14 : vector<16xi32>
        %add3A_797 = arith.addi %mul3A_796, %add3A_773 : vector<16xi32>
        %swap3A_798 = arith.constant 96 : index
        %swap3A_799 = tpu.vector_load %arg10[%swap3A_798] {strides = array<i32>} : memref<400xi32, #tpu.memory_space<vmem>>, vector<16xi32>,
        %swap3A_800 = vector.shape_cast %swap3A_799 : vector<16xi32> to vector<16xi32>
        %swap3A_801 = vector.shape_cast %add3A_797 : vector<16xi32> to vector<16xi32>
        tpu.vector_store %arg10[%swap3A_798], %swap3A_801 {strides = array<i32>} : memref<400xi32, #tpu.memory_space<vmem>>, vector<16xi32>,
        %broadcast_in_dim3A_802 = arith.constant 2 : i32
        %broadcast_in_dim3A_803 = vector.broadcast %broadcast_in_dim3A_802 : i32 to vector<16xi32>
        %eq3A_804 = arith.cmpi eq, %get3A_768, %broadcast_in_dim3A_803 : vector<16xi32>
        %broadcast_in_dim3A_805 = arith.constant 3 : i32
        %broadcast_in_dim3A_806 = vector.broadcast %broadcast_in_dim3A_805 : i32 to vector<16xi32>
        %broadcast_in_dim3A_807 = arith.constant 2 : i32
        %broadcast_in_dim3A_808 = vector.broadcast %broadcast_in_dim3A_807 : i32 to vector<16xi32>
        %select_n3A_809 = arith.select %eq3A_804, %broadcast_in_dim3A_806, %broadcast_in_dim3A_808 : vector<16xi1>, vector<16xi32>
        %mul3A_810 = arith.muli %select_n3A_809, %broadcast_in_dim3A_14 : vector<16xi32>
        %add3A_811 = arith.addi %mul3A_810, %add3A_773 : vector<16xi32>
        %swap3A_812 = arith.constant 96 : index
        %swap3A_813 = tpu.vector_load %arg11[%swap3A_812] {strides = array<i32>} : memref<400xi32, #tpu.memory_space<vmem>>, vector<16xi32>,
        %swap3A_814 = vector.shape_cast %swap3A_813 : vector<16xi32> to vector<16xi32>
        %swap3A_815 = vector.shape_cast %add3A_811 : vector<16xi32> to vector<16xi32>
        tpu.vector_store %arg11[%swap3A_812], %swap3A_815 {strides = array<i32>} : memref<400xi32, #tpu.memory_space<vmem>>, vector<16xi32>,
        %broadcast_in_dim3A_816 = arith.constant 3 : i32
        %broadcast_in_dim3A_817 = vector.broadcast %broadcast_in_dim3A_816 : i32 to vector<16xi32>
        %eq3A_818 = arith.cmpi eq, %get3A_768, %broadcast_in_dim3A_817 : vector<16xi32>
        %broadcast_in_dim3A_819 = arith.constant 4 : i32
        %broadcast_in_dim3A_820 = vector.broadcast %broadcast_in_dim3A_819 : i32 to vector<16xi32>
        %broadcast_in_dim3A_821 = arith.constant 3 : i32
        %broadcast_in_dim3A_822 = vector.broadcast %broadcast_in_dim3A_821 : i32 to vector<16xi32>
        %select_n3A_823 = arith.select %eq3A_818, %broadcast_in_dim3A_820, %broadcast_in_dim3A_822 : vector<16xi1>, vector<16xi32>
        %mul3A_824 = arith.muli %select_n3A_823, %broadcast_in_dim3A_14 : vector<16xi32>
        %add3A_825 = arith.addi %mul3A_824, %add3A_773 : vector<16xi32>
        %swap3A_826 = arith.constant 96 : index
        %swap3A_827 = tpu.vector_load %arg12[%swap3A_826] {strides = array<i32>} : memref<400xi32, #tpu.memory_space<vmem>>, vector<16xi32>,
        %swap3A_828 = vector.shape_cast %swap3A_827 : vector<16xi32> to vector<16xi32>
        %swap3A_829 = vector.shape_cast %add3A_825 : vector<16xi32> to vector<16xi32>
        tpu.vector_store %arg12[%swap3A_826], %swap3A_829 {strides = array<i32>} : memref<400xi32, #tpu.memory_space<vmem>>, vector<16xi32>,
        %broadcast_in_dim3A_830 = arith.constant 4 : i32
        %broadcast_in_dim3A_831 = vector.broadcast %broadcast_in_dim3A_830 : i32 to vector<16xi32>
        %eq3A_832 = arith.cmpi eq, %get3A_768, %broadcast_in_dim3A_831 : vector<16xi32>
        %broadcast_in_dim3A_833 = arith.constant 5 : i32
        %broadcast_in_dim3A_834 = vector.broadcast %broadcast_in_dim3A_833 : i32 to vector<16xi32>
        %broadcast_in_dim3A_835 = arith.constant 4 : i32
        %broadcast_in_dim3A_836 = vector.broadcast %broadcast_in_dim3A_835 : i32 to vector<16xi32>
        %select_n3A_837 = arith.select %eq3A_832, %broadcast_in_dim3A_834, %broadcast_in_dim3A_836 : vector<16xi1>, vector<16xi32>
        %mul3A_838 = arith.muli %select_n3A_837, %broadcast_in_dim3A_14 : vector<16xi32>
        %add3A_839 = arith.addi %mul3A_838, %add3A_773 : vector<16xi32>
        %swap3A_840 = arith.constant 96 : index
        %swap3A_841 = tpu.vector_load %arg13[%swap3A_840] {strides = array<i32>} : memref<400xi32, #tpu.memory_space<vmem>>, vector<16xi32>,
        %swap3A_842 = vector.shape_cast %swap3A_841 : vector<16xi32> to vector<16xi32>
        %swap3A_843 = vector.shape_cast %add3A_839 : vector<16xi32> to vector<16xi32>
        tpu.vector_store %arg13[%swap3A_840], %swap3A_843 {strides = array<i32>} : memref<400xi32, #tpu.memory_space<vmem>>, vector<16xi32>,
        %broadcast_in_dim3A_844 = arith.constant 5 : i32
        %broadcast_in_dim3A_845 = vector.broadcast %broadcast_in_dim3A_844 : i32 to vector<16xi32>
        %eq3A_846 = arith.cmpi eq, %get3A_768, %broadcast_in_dim3A_845 : vector<16xi32>
        %broadcast_in_dim3A_847 = arith.constant 6 : i32
        %broadcast_in_dim3A_848 = vector.broadcast %broadcast_in_dim3A_847 : i32 to vector<16xi32>
        %broadcast_in_dim3A_849 = arith.constant 5 : i32
        %broadcast_in_dim3A_850 = vector.broadcast %broadcast_in_dim3A_849 : i32 to vector<16xi32>
        %select_n3A_851 = arith.select %eq3A_846, %broadcast_in_dim3A_848, %broadcast_in_dim3A_850 : vector<16xi1>, vector<16xi32>
        %mul3A_852 = arith.muli %select_n3A_851, %broadcast_in_dim3A_14 : vector<16xi32>
        %add3A_853 = arith.addi %mul3A_852, %add3A_773 : vector<16xi32>
        %swap3A_854 = arith.constant 96 : index
        %swap3A_855 = tpu.vector_load %arg14[%swap3A_854] {strides = array<i32>} : memref<400xi32, #tpu.memory_space<vmem>>, vector<16xi32>,
        %swap3A_856 = vector.shape_cast %swap3A_855 : vector<16xi32> to vector<16xi32>
        %swap3A_857 = vector.shape_cast %add3A_853 : vector<16xi32> to vector<16xi32>
        tpu.vector_store %arg14[%swap3A_854], %swap3A_857 {strides = array<i32>} : memref<400xi32, #tpu.memory_space<vmem>>, vector<16xi32>,
        %broadcast_in_dim3A_858 = arith.constant 6 : i32
        %broadcast_in_dim3A_859 = vector.broadcast %broadcast_in_dim3A_858 : i32 to vector<16xi32>
        %eq3A_860 = arith.cmpi eq, %get3A_768, %broadcast_in_dim3A_859 : vector<16xi32>
        %broadcast_in_dim3A_861 = arith.constant 7 : i32
        %broadcast_in_dim3A_862 = vector.broadcast %broadcast_in_dim3A_861 : i32 to vector<16xi32>
        %broadcast_in_dim3A_863 = arith.constant 6 : i32
        %broadcast_in_dim3A_864 = vector.broadcast %broadcast_in_dim3A_863 : i32 to vector<16xi32>
        %select_n3A_865 = arith.select %eq3A_860, %broadcast_in_dim3A_862, %broadcast_in_dim3A_864 : vector<16xi1>, vector<16xi32>
        %mul3A_866 = arith.muli %select_n3A_865, %broadcast_in_dim3A_14 : vector<16xi32>
        %add3A_867 = arith.addi %mul3A_866, %add3A_773 : vector<16xi32>
        %swap3A_868 = arith.constant 96 : index
        %swap3A_869 = tpu.vector_load %arg15[%swap3A_868] {strides = array<i32>} : memref<400xi32, #tpu.memory_space<vmem>>, vector<16xi32>,
        %swap3A_870 = vector.shape_cast %swap3A_869 : vector<16xi32> to vector<16xi32>
        %swap3A_871 = vector.shape_cast %add3A_867 : vector<16xi32> to vector<16xi32>
        tpu.vector_store %arg15[%swap3A_868], %swap3A_871 {strides = array<i32>} : memref<400xi32, #tpu.memory_space<vmem>>, vector<16xi32>,
        %broadcast_in_dim3A_872 = arith.constant 7 : i32
        %broadcast_in_dim3A_873 = vector.broadcast %broadcast_in_dim3A_872 : i32 to vector<16xi32>
        %eq3A_874 = arith.cmpi eq, %get3A_768, %broadcast_in_dim3A_873 : vector<16xi32>
        %broadcast_in_dim3A_875 = arith.constant 0 : i32
        %broadcast_in_dim3A_876 = vector.broadcast %broadcast_in_dim3A_875 : i32 to vector<16xi32>
        %broadcast_in_dim3A_877 = arith.constant 7 : i32
        %broadcast_in_dim3A_878 = vector.broadcast %broadcast_in_dim3A_877 : i32 to vector<16xi32>
        %select_n3A_879 = arith.select %eq3A_874, %broadcast_in_dim3A_876, %broadcast_in_dim3A_878 : vector<16xi1>, vector<16xi32>
        %mul3A_880 = arith.muli %select_n3A_879, %broadcast_in_dim3A_14 : vector<16xi32>
        %add3A_881 = arith.addi %mul3A_880, %add3A_773 : vector<16xi32>
        %swap3A_882 = arith.constant 96 : index
        %swap3A_883 = tpu.vector_load %arg16[%swap3A_882] {strides = array<i32>} : memref<400xi32, #tpu.memory_space<vmem>>, vector<16xi32>,
        %swap3A_884 = vector.shape_cast %swap3A_883 : vector<16xi32> to vector<16xi32>
        %swap3A_885 = vector.shape_cast %add3A_881 : vector<16xi32> to vector<16xi32>
        tpu.vector_store %arg16[%swap3A_882], %swap3A_885 {strides = array<i32>} : memref<400xi32, #tpu.memory_space<vmem>>, vector<16xi32>,
        %mul3A_886 = arith.muli %get3A_768, %broadcast_in_dim3A_14 : vector<16xi32>
        %add3A_887 = arith.addi %mul3A_886, %add3A_773 : vector<16xi32>
        %swap3A_888 = arith.constant 96 : index
        %swap3A_889 = tpu.vector_load %arg17[%swap3A_888] {strides = array<i32>} : memref<400xi32, #tpu.memory_space<vmem>>, vector<16xi32>,
        %swap3A_890 = vector.shape_cast %swap3A_889 : vector<16xi32> to vector<16xi32>
        %swap3A_891 = vector.shape_cast %add3A_887 : vector<16xi32> to vector<16xi32>
        tpu.vector_store %arg17[%swap3A_888], %swap3A_891 {strides = array<i32>} : memref<400xi32, #tpu.memory_space<vmem>>, vector<16xi32>,
        %get3A_892 = arith.constant 112 : index
        %get3A_893 = tpu.vector_load %arg6[%get3A_892] {strides = array<i32>} : memref<400xi32, #tpu.memory_space<vmem>>, vector<16xi32>,
        %get3A_894 = vector.shape_cast %get3A_893 : vector<16xi32> to vector<16xi32>
        %add3A_895 = arith.constant 112 : i32
        %add3A_896 = arith.addi %mul3A_13, %add3A_895 : i32
        %broadcast_in_dim3A_897 = vector.broadcast %add3A_896 : i32 to vector<16xi32>
        %iota3A_898 = tpu.iota {dimensions = array<i32: 0>} : vector<16xi32>
        %add3A_899 = arith.addi %broadcast_in_dim3A_897, %iota3A_898 : vector<16xi32>
        %broadcast_in_dim3A_900 = arith.constant 0 : i32
        %broadcast_in_dim3A_901 = vector.broadcast %broadcast_in_dim3A_900 : i32 to vector<16xi32>
        %eq3A_902 = arith.cmpi eq, %get3A_894, %broadcast_in_dim3A_901 : vector<16xi32>
        %broadcast_in_dim3A_903 = arith.constant 1 : i32
        %broadcast_in_dim3A_904 = vector.broadcast %broadcast_in_dim3A_903 : i32 to vector<16xi32>
        %broadcast_in_dim3A_905 = arith.constant 0 : i32
        %broadcast_in_dim3A_906 = vector.broadcast %broadcast_in_dim3A_905 : i32 to vector<16xi32>
        %select_n3A_907 = arith.select %eq3A_902, %broadcast_in_dim3A_904, %broadcast_in_dim3A_906 : vector<16xi1>, vector<16xi32>
        %mul3A_908 = arith.muli %select_n3A_907, %broadcast_in_dim3A_14 : vector<16xi32>
        %add3A_909 = arith.addi %mul3A_908, %add3A_899 : vector<16xi32>
        %swap3A_910 = arith.constant 112 : index
        %swap3A_911 = tpu.vector_load %arg9[%swap3A_910] {strides = array<i32>} : memref<400xi32, #tpu.memory_space<vmem>>, vector<16xi32>,
        %swap3A_912 = vector.shape_cast %swap3A_911 : vector<16xi32> to vector<16xi32>
        %swap3A_913 = vector.shape_cast %add3A_909 : vector<16xi32> to vector<16xi32>
        tpu.vector_store %arg9[%swap3A_910], %swap3A_913 {strides = array<i32>} : memref<400xi32, #tpu.memory_space<vmem>>, vector<16xi32>,
        %broadcast_in_dim3A_914 = arith.constant 1 : i32
        %broadcast_in_dim3A_915 = vector.broadcast %broadcast_in_dim3A_914 : i32 to vector<16xi32>
        %eq3A_916 = arith.cmpi eq, %get3A_894, %broadcast_in_dim3A_915 : vector<16xi32>
        %broadcast_in_dim3A_917 = arith.constant 2 : i32
        %broadcast_in_dim3A_918 = vector.broadcast %broadcast_in_dim3A_917 : i32 to vector<16xi32>
        %broadcast_in_dim3A_919 = arith.constant 1 : i32
        %broadcast_in_dim3A_920 = vector.broadcast %broadcast_in_dim3A_919 : i32 to vector<16xi32>
        %select_n3A_921 = arith.select %eq3A_916, %broadcast_in_dim3A_918, %broadcast_in_dim3A_920 : vector<16xi1>, vector<16xi32>
        %mul3A_922 = arith.muli %select_n3A_921, %broadcast_in_dim3A_14 : vector<16xi32>
        %add3A_923 = arith.addi %mul3A_922, %add3A_899 : vector<16xi32>
        %swap3A_924 = arith.constant 112 : index
        %swap3A_925 = tpu.vector_load %arg10[%swap3A_924] {strides = array<i32>} : memref<400xi32, #tpu.memory_space<vmem>>, vector<16xi32>,
        %swap3A_926 = vector.shape_cast %swap3A_925 : vector<16xi32> to vector<16xi32>
        %swap3A_927 = vector.shape_cast %add3A_923 : vector<16xi32> to vector<16xi32>
        tpu.vector_store %arg10[%swap3A_924], %swap3A_927 {strides = array<i32>} : memref<400xi32, #tpu.memory_space<vmem>>, vector<16xi32>,
        %broadcast_in_dim3A_928 = arith.constant 2 : i32
        %broadcast_in_dim3A_929 = vector.broadcast %broadcast_in_dim3A_928 : i32 to vector<16xi32>
        %eq3A_930 = arith.cmpi eq, %get3A_894, %broadcast_in_dim3A_929 : vector<16xi32>
        %broadcast_in_dim3A_931 = arith.constant 3 : i32
        %broadcast_in_dim3A_932 = vector.broadcast %broadcast_in_dim3A_931 : i32 to vector<16xi32>
        %broadcast_in_dim3A_933 = arith.constant 2 : i32
        %broadcast_in_dim3A_934 = vector.broadcast %broadcast_in_dim3A_933 : i32 to vector<16xi32>
        %select_n3A_935 = arith.select %eq3A_930, %broadcast_in_dim3A_932, %broadcast_in_dim3A_934 : vector<16xi1>, vector<16xi32>
        %mul3A_936 = arith.muli %select_n3A_935, %broadcast_in_dim3A_14 : vector<16xi32>
        %add3A_937 = arith.addi %mul3A_936, %add3A_899 : vector<16xi32>
        %swap3A_938 = arith.constant 112 : index
        %swap3A_939 = tpu.vector_load %arg11[%swap3A_938] {strides = array<i32>} : memref<400xi32, #tpu.memory_space<vmem>>, vector<16xi32>,
        %swap3A_940 = vector.shape_cast %swap3A_939 : vector<16xi32> to vector<16xi32>
        %swap3A_941 = vector.shape_cast %add3A_937 : vector<16xi32> to vector<16xi32>
        tpu.vector_store %arg11[%swap3A_938], %swap3A_941 {strides = array<i32>} : memref<400xi32, #tpu.memory_space<vmem>>, vector<16xi32>,
        %broadcast_in_dim3A_942 = arith.constant 3 : i32
        %broadcast_in_dim3A_943 = vector.broadcast %broadcast_in_dim3A_942 : i32 to vector<16xi32>
        %eq3A_944 = arith.cmpi eq, %get3A_894, %broadcast_in_dim3A_943 : vector<16xi32>
        %broadcast_in_dim3A_945 = arith.constant 4 : i32
        %broadcast_in_dim3A_946 = vector.broadcast %broadcast_in_dim3A_945 : i32 to vector<16xi32>
        %broadcast_in_dim3A_947 = arith.constant 3 : i32
        %broadcast_in_dim3A_948 = vector.broadcast %broadcast_in_dim3A_947 : i32 to vector<16xi32>
        %select_n3A_949 = arith.select %eq3A_944, %broadcast_in_dim3A_946, %broadcast_in_dim3A_948 : vector<16xi1>, vector<16xi32>
        %mul3A_950 = arith.muli %select_n3A_949, %broadcast_in_dim3A_14 : vector<16xi32>
        %add3A_951 = arith.addi %mul3A_950, %add3A_899 : vector<16xi32>
        %swap3A_952 = arith.constant 112 : index
        %swap3A_953 = tpu.vector_load %arg12[%swap3A_952] {strides = array<i32>} : memref<400xi32, #tpu.memory_space<vmem>>, vector<16xi32>,
        %swap3A_954 = vector.shape_cast %swap3A_953 : vector<16xi32> to vector<16xi32>
        %swap3A_955 = vector.shape_cast %add3A_951 : vector<16xi32> to vector<16xi32>
        tpu.vector_store %arg12[%swap3A_952], %swap3A_955 {strides = array<i32>} : memref<400xi32, #tpu.memory_space<vmem>>, vector<16xi32>,
        %broadcast_in_dim3A_956 = arith.constant 4 : i32
        %broadcast_in_dim3A_957 = vector.broadcast %broadcast_in_dim3A_956 : i32 to vector<16xi32>
        %eq3A_958 = arith.cmpi eq, %get3A_894, %broadcast_in_dim3A_957 : vector<16xi32>
        %broadcast_in_dim3A_959 = arith.constant 5 : i32
        %broadcast_in_dim3A_960 = vector.broadcast %broadcast_in_dim3A_959 : i32 to vector<16xi32>
        %broadcast_in_dim3A_961 = arith.constant 4 : i32
        %broadcast_in_dim3A_962 = vector.broadcast %broadcast_in_dim3A_961 : i32 to vector<16xi32>
        %select_n3A_963 = arith.select %eq3A_958, %broadcast_in_dim3A_960, %broadcast_in_dim3A_962 : vector<16xi1>, vector<16xi32>
        %mul3A_964 = arith.muli %select_n3A_963, %broadcast_in_dim3A_14 : vector<16xi32>
        %add3A_965 = arith.addi %mul3A_964, %add3A_899 : vector<16xi32>
        %swap3A_966 = arith.constant 112 : index
        %swap3A_967 = tpu.vector_load %arg13[%swap3A_966] {strides = array<i32>} : memref<400xi32, #tpu.memory_space<vmem>>, vector<16xi32>,
        %swap3A_968 = vector.shape_cast %swap3A_967 : vector<16xi32> to vector<16xi32>
        %swap3A_969 = vector.shape_cast %add3A_965 : vector<16xi32> to vector<16xi32>
        tpu.vector_store %arg13[%swap3A_966], %swap3A_969 {strides = array<i32>} : memref<400xi32, #tpu.memory_space<vmem>>, vector<16xi32>,
        %broadcast_in_dim3A_970 = arith.constant 5 : i32
        %broadcast_in_dim3A_971 = vector.broadcast %broadcast_in_dim3A_970 : i32 to vector<16xi32>
        %eq3A_972 = arith.cmpi eq, %get3A_894, %broadcast_in_dim3A_971 : vector<16xi32>
        %broadcast_in_dim3A_973 = arith.constant 6 : i32
        %broadcast_in_dim3A_974 = vector.broadcast %broadcast_in_dim3A_973 : i32 to vector<16xi32>
        %broadcast_in_dim3A_975 = arith.constant 5 : i32
        %broadcast_in_dim3A_976 = vector.broadcast %broadcast_in_dim3A_975 : i32 to vector<16xi32>
        %select_n3A_977 = arith.select %eq3A_972, %broadcast_in_dim3A_974, %broadcast_in_dim3A_976 : vector<16xi1>, vector<16xi32>
        %mul3A_978 = arith.muli %select_n3A_977, %broadcast_in_dim3A_14 : vector<16xi32>
        %add3A_979 = arith.addi %mul3A_978, %add3A_899 : vector<16xi32>
        %swap3A_980 = arith.constant 112 : index
        %swap3A_981 = tpu.vector_load %arg14[%swap3A_980] {strides = array<i32>} : memref<400xi32, #tpu.memory_space<vmem>>, vector<16xi32>,
        %swap3A_982 = vector.shape_cast %swap3A_981 : vector<16xi32> to vector<16xi32>
        %swap3A_983 = vector.shape_cast %add3A_979 : vector<16xi32> to vector<16xi32>
        tpu.vector_store %arg14[%swap3A_980], %swap3A_983 {strides = array<i32>} : memref<400xi32, #tpu.memory_space<vmem>>, vector<16xi32>,
        %broadcast_in_dim3A_984 = arith.constant 6 : i32
        %broadcast_in_dim3A_985 = vector.broadcast %broadcast_in_dim3A_984 : i32 to vector<16xi32>
        %eq3A_986 = arith.cmpi eq, %get3A_894, %broadcast_in_dim3A_985 : vector<16xi32>
        %broadcast_in_dim3A_987 = arith.constant 7 : i32
        %broadcast_in_dim3A_988 = vector.broadcast %broadcast_in_dim3A_987 : i32 to vector<16xi32>
        %broadcast_in_dim3A_989 = arith.constant 6 : i32
        %broadcast_in_dim3A_990 = vector.broadcast %broadcast_in_dim3A_989 : i32 to vector<16xi32>
        %select_n3A_991 = arith.select %eq3A_986, %broadcast_in_dim3A_988, %broadcast_in_dim3A_990 : vector<16xi1>, vector<16xi32>
        %mul3A_992 = arith.muli %select_n3A_991, %broadcast_in_dim3A_14 : vector<16xi32>
        %add3A_993 = arith.addi %mul3A_992, %add3A_899 : vector<16xi32>
        %swap3A_994 = arith.constant 112 : index
        %swap3A_995 = tpu.vector_load %arg15[%swap3A_994] {strides = array<i32>} : memref<400xi32, #tpu.memory_space<vmem>>, vector<16xi32>,
        %swap3A_996 = vector.shape_cast %swap3A_995 : vector<16xi32> to vector<16xi32>
        %swap3A_997 = vector.shape_cast %add3A_993 : vector<16xi32> to vector<16xi32>
        tpu.vector_store %arg15[%swap3A_994], %swap3A_997 {strides = array<i32>} : memref<400xi32, #tpu.memory_space<vmem>>, vector<16xi32>,
        %broadcast_in_dim3A_998 = arith.constant 7 : i32
        %broadcast_in_dim3A_999 = vector.broadcast %broadcast_in_dim3A_998 : i32 to vector<16xi32>
        %eq3A_1000 = arith.cmpi eq, %get3A_894, %broadcast_in_dim3A_999 : vector<16xi32>
        %broadcast_in_dim3A_1001 = arith.constant 0 : i32
        %broadcast_in_dim3A_1002 = vector.broadcast %broadcast_in_dim3A_1001 : i32 to vector<16xi32>
        %broadcast_in_dim3A_1003 = arith.constant 7 : i32
        %broadcast_in_dim3A_1004 = vector.broadcast %broadcast_in_dim3A_1003 : i32 to vector<16xi32>
        %select_n3A_1005 = arith.select %eq3A_1000, %broadcast_in_dim3A_1002, %broadcast_in_dim3A_1004 : vector<16xi1>, vector<16xi32>
        %mul3A_1006 = arith.muli %select_n3A_1005, %broadcast_in_dim3A_14 : vector<16xi32>
        %add3A_1007 = arith.addi %mul3A_1006, %add3A_899 : vector<16xi32>
        %swap3A_1008 = arith.constant 112 : index
        %swap3A_1009 = tpu.vector_load %arg16[%swap3A_1008] {strides = array<i32>} : memref<400xi32, #tpu.memory_space<vmem>>, vector<16xi32>,
        %swap3A_1010 = vector.shape_cast %swap3A_1009 : vector<16xi32> to vector<16xi32>
        %swap3A_1011 = vector.shape_cast %add3A_1007 : vector<16xi32> to vector<16xi32>
        tpu.vector_store %arg16[%swap3A_1008], %swap3A_1011 {strides = array<i32>} : memref<400xi32, #tpu.memory_space<vmem>>, vector<16xi32>,
        %mul3A_1012 = arith.muli %get3A_894, %broadcast_in_dim3A_14 : vector<16xi32>
        %add3A_1013 = arith.addi %mul3A_1012, %add3A_899 : vector<16xi32>
        %swap3A_1014 = arith.constant 112 : index
        %swap3A_1015 = tpu.vector_load %arg17[%swap3A_1014] {strides = array<i32>} : memref<400xi32, #tpu.memory_space<vmem>>, vector<16xi32>,
        %swap3A_1016 = vector.shape_cast %swap3A_1015 : vector<16xi32> to vector<16xi32>
        %swap3A_1017 = vector.shape_cast %add3A_1013 : vector<16xi32> to vector<16xi32>
        tpu.vector_store %arg17[%swap3A_1014], %swap3A_1017 {strides = array<i32>} : memref<400xi32, #tpu.memory_space<vmem>>, vector<16xi32>,
        %get3A_1018 = arith.constant 128 : index
        %get3A_1019 = tpu.vector_load %arg6[%get3A_1018] {strides = array<i32>} : memref<400xi32, #tpu.memory_space<vmem>>, vector<16xi32>,
        %get3A_1020 = vector.shape_cast %get3A_1019 : vector<16xi32> to vector<16xi32>
        %add3A_1021 = arith.constant 128 : i32
        %add3A_1022 = arith.addi %mul3A_13, %add3A_1021 : i32
        %broadcast_in_dim3A_1023 = vector.broadcast %add3A_1022 : i32 to vector<16xi32>
        %iota3A_1024 = tpu.iota {dimensions = array<i32: 0>} : vector<16xi32>
        %add3A_1025 = arith.addi %broadcast_in_dim3A_1023, %iota3A_1024 : vector<16xi32>
        %broadcast_in_dim3A_1026 = arith.constant 0 : i32
        %broadcast_in_dim3A_1027 = vector.broadcast %broadcast_in_dim3A_1026 : i32 to vector<16xi32>
        %eq3A_1028 = arith.cmpi eq, %get3A_1020, %broadcast_in_dim3A_1027 : vector<16xi32>
        %broadcast_in_dim3A_1029 = arith.constant 1 : i32
        %broadcast_in_dim3A_1030 = vector.broadcast %broadcast_in_dim3A_1029 : i32 to vector<16xi32>
        %broadcast_in_dim3A_1031 = arith.constant 0 : i32
        %broadcast_in_dim3A_1032 = vector.broadcast %broadcast_in_dim3A_1031 : i32 to vector<16xi32>
        %select_n3A_1033 = arith.select %eq3A_1028, %broadcast_in_dim3A_1030, %broadcast_in_dim3A_1032 : vector<16xi1>, vector<16xi32>
        %mul3A_1034 = arith.muli %select_n3A_1033, %broadcast_in_dim3A_14 : vector<16xi32>
        %add3A_1035 = arith.addi %mul3A_1034, %add3A_1025 : vector<16xi32>
        %swap3A_1036 = arith.constant 128 : index
        %swap3A_1037 = tpu.vector_load %arg9[%swap3A_1036] {strides = array<i32>} : memref<400xi32, #tpu.memory_space<vmem>>, vector<16xi32>,
        %swap3A_1038 = vector.shape_cast %swap3A_1037 : vector<16xi32> to vector<16xi32>
        %swap3A_1039 = vector.shape_cast %add3A_1035 : vector<16xi32> to vector<16xi32>
        tpu.vector_store %arg9[%swap3A_1036], %swap3A_1039 {strides = array<i32>} : memref<400xi32, #tpu.memory_space<vmem>>, vector<16xi32>,
        %broadcast_in_dim3A_1040 = arith.constant 1 : i32
        %broadcast_in_dim3A_1041 = vector.broadcast %broadcast_in_dim3A_1040 : i32 to vector<16xi32>
        %eq3A_1042 = arith.cmpi eq, %get3A_1020, %broadcast_in_dim3A_1041 : vector<16xi32>
        %broadcast_in_dim3A_1043 = arith.constant 2 : i32
        %broadcast_in_dim3A_1044 = vector.broadcast %broadcast_in_dim3A_1043 : i32 to vector<16xi32>
        %broadcast_in_dim3A_1045 = arith.constant 1 : i32
        %broadcast_in_dim3A_1046 = vector.broadcast %broadcast_in_dim3A_1045 : i32 to vector<16xi32>
        %select_n3A_1047 = arith.select %eq3A_1042, %broadcast_in_dim3A_1044, %broadcast_in_dim3A_1046 : vector<16xi1>, vector<16xi32>
        %mul3A_1048 = arith.muli %select_n3A_1047, %broadcast_in_dim3A_14 : vector<16xi32>
        %add3A_1049 = arith.addi %mul3A_1048, %add3A_1025 : vector<16xi32>
        %swap3A_1050 = arith.constant 128 : index
        %swap3A_1051 = tpu.vector_load %arg10[%swap3A_1050] {strides = array<i32>} : memref<400xi32, #tpu.memory_space<vmem>>, vector<16xi32>,
        %swap3A_1052 = vector.shape_cast %swap3A_1051 : vector<16xi32> to vector<16xi32>
        %swap3A_1053 = vector.shape_cast %add3A_1049 : vector<16xi32> to vector<16xi32>
        tpu.vector_store %arg10[%swap3A_1050], %swap3A_1053 {strides = array<i32>} : memref<400xi32, #tpu.memory_space<vmem>>, vector<16xi32>,
        %broadcast_in_dim3A_1054 = arith.constant 2 : i32
        %broadcast_in_dim3A_1055 = vector.broadcast %broadcast_in_dim3A_1054 : i32 to vector<16xi32>
        %eq3A_1056 = arith.cmpi eq, %get3A_1020, %broadcast_in_dim3A_1055 : vector<16xi32>
        %broadcast_in_dim3A_1057 = arith.constant 3 : i32
        %broadcast_in_dim3A_1058 = vector.broadcast %broadcast_in_dim3A_1057 : i32 to vector<16xi32>
        %broadcast_in_dim3A_1059 = arith.constant 2 : i32
        %broadcast_in_dim3A_1060 = vector.broadcast %broadcast_in_dim3A_1059 : i32 to vector<16xi32>
        %select_n3A_1061 = arith.select %eq3A_1056, %broadcast_in_dim3A_1058, %broadcast_in_dim3A_1060 : vector<16xi1>, vector<16xi32>
        %mul3A_1062 = arith.muli %select_n3A_1061, %broadcast_in_dim3A_14 : vector<16xi32>
        %add3A_1063 = arith.addi %mul3A_1062, %add3A_1025 : vector<16xi32>
        %swap3A_1064 = arith.constant 128 : index
        %swap3A_1065 = tpu.vector_load %arg11[%swap3A_1064] {strides = array<i32>} : memref<400xi32, #tpu.memory_space<vmem>>, vector<16xi32>,
        %swap3A_1066 = vector.shape_cast %swap3A_1065 : vector<16xi32> to vector<16xi32>
        %swap3A_1067 = vector.shape_cast %add3A_1063 : vector<16xi32> to vector<16xi32>
        tpu.vector_store %arg11[%swap3A_1064], %swap3A_1067 {strides = array<i32>} : memref<400xi32, #tpu.memory_space<vmem>>, vector<16xi32>,
        %broadcast_in_dim3A_1068 = arith.constant 3 : i32
        %broadcast_in_dim3A_1069 = vector.broadcast %broadcast_in_dim3A_1068 : i32 to vector<16xi32>
        %eq3A_1070 = arith.cmpi eq, %get3A_1020, %broadcast_in_dim3A_1069 : vector<16xi32>
        %broadcast_in_dim3A_1071 = arith.constant 4 : i32
        %broadcast_in_dim3A_1072 = vector.broadcast %broadcast_in_dim3A_1071 : i32 to vector<16xi32>
        %broadcast_in_dim3A_1073 = arith.constant 3 : i32
        %broadcast_in_dim3A_1074 = vector.broadcast %broadcast_in_dim3A_1073 : i32 to vector<16xi32>
        %select_n3A_1075 = arith.select %eq3A_1070, %broadcast_in_dim3A_1072, %broadcast_in_dim3A_1074 : vector<16xi1>, vector<16xi32>
        %mul3A_1076 = arith.muli %select_n3A_1075, %broadcast_in_dim3A_14 : vector<16xi32>
        %add3A_1077 = arith.addi %mul3A_1076, %add3A_1025 : vector<16xi32>
        %swap3A_1078 = arith.constant 128 : index
        %swap3A_1079 = tpu.vector_load %arg12[%swap3A_1078] {strides = array<i32>} : memref<400xi32, #tpu.memory_space<vmem>>, vector<16xi32>,
        %swap3A_1080 = vector.shape_cast %swap3A_1079 : vector<16xi32> to vector<16xi32>
        %swap3A_1081 = vector.shape_cast %add3A_1077 : vector<16xi32> to vector<16xi32>
        tpu.vector_store %arg12[%swap3A_1078], %swap3A_1081 {strides = array<i32>} : memref<400xi32, #tpu.memory_space<vmem>>, vector<16xi32>,
        %broadcast_in_dim3A_1082 = arith.constant 4 : i32
        %broadcast_in_dim3A_1083 = vector.broadcast %broadcast_in_dim3A_1082 : i32 to vector<16xi32>
        %eq3A_1084 = arith.cmpi eq, %get3A_1020, %broadcast_in_dim3A_1083 : vector<16xi32>
        %broadcast_in_dim3A_1085 = arith.constant 5 : i32
        %broadcast_in_dim3A_1086 = vector.broadcast %broadcast_in_dim3A_1085 : i32 to vector<16xi32>
        %broadcast_in_dim3A_1087 = arith.constant 4 : i32
        %broadcast_in_dim3A_1088 = vector.broadcast %broadcast_in_dim3A_1087 : i32 to vector<16xi32>
        %select_n3A_1089 = arith.select %eq3A_1084, %broadcast_in_dim3A_1086, %broadcast_in_dim3A_1088 : vector<16xi1>, vector<16xi32>
        %mul3A_1090 = arith.muli %select_n3A_1089, %broadcast_in_dim3A_14 : vector<16xi32>
        %add3A_1091 = arith.addi %mul3A_1090, %add3A_1025 : vector<16xi32>
        %swap3A_1092 = arith.constant 128 : index
        %swap3A_1093 = tpu.vector_load %arg13[%swap3A_1092] {strides = array<i32>} : memref<400xi32, #tpu.memory_space<vmem>>, vector<16xi32>,
        %swap3A_1094 = vector.shape_cast %swap3A_1093 : vector<16xi32> to vector<16xi32>
        %swap3A_1095 = vector.shape_cast %add3A_1091 : vector<16xi32> to vector<16xi32>
        tpu.vector_store %arg13[%swap3A_1092], %swap3A_1095 {strides = array<i32>} : memref<400xi32, #tpu.memory_space<vmem>>, vector<16xi32>,
        %broadcast_in_dim3A_1096 = arith.constant 5 : i32
        %broadcast_in_dim3A_1097 = vector.broadcast %broadcast_in_dim3A_1096 : i32 to vector<16xi32>
        %eq3A_1098 = arith.cmpi eq, %get3A_1020, %broadcast_in_dim3A_1097 : vector<16xi32>
        %broadcast_in_dim3A_1099 = arith.constant 6 : i32
        %broadcast_in_dim3A_1100 = vector.broadcast %broadcast_in_dim3A_1099 : i32 to vector<16xi32>
        %broadcast_in_dim3A_1101 = arith.constant 5 : i32
        %broadcast_in_dim3A_1102 = vector.broadcast %broadcast_in_dim3A_1101 : i32 to vector<16xi32>
        %select_n3A_1103 = arith.select %eq3A_1098, %broadcast_in_dim3A_1100, %broadcast_in_dim3A_1102 : vector<16xi1>, vector<16xi32>
        %mul3A_1104 = arith.muli %select_n3A_1103, %broadcast_in_dim3A_14 : vector<16xi32>
        %add3A_1105 = arith.addi %mul3A_1104, %add3A_1025 : vector<16xi32>
        %swap3A_1106 = arith.constant 128 : index
        %swap3A_1107 = tpu.vector_load %arg14[%swap3A_1106] {strides = array<i32>} : memref<400xi32, #tpu.memory_space<vmem>>, vector<16xi32>,
        %swap3A_1108 = vector.shape_cast %swap3A_1107 : vector<16xi32> to vector<16xi32>
        %swap3A_1109 = vector.shape_cast %add3A_1105 : vector<16xi32> to vector<16xi32>
        tpu.vector_store %arg14[%swap3A_1106], %swap3A_1109 {strides = array<i32>} : memref<400xi32, #tpu.memory_space<vmem>>, vector<16xi32>,
        %broadcast_in_dim3A_1110 = arith.constant 6 : i32
        %broadcast_in_dim3A_1111 = vector.broadcast %broadcast_in_dim3A_1110 : i32 to vector<16xi32>
        %eq3A_1112 = arith.cmpi eq, %get3A_1020, %broadcast_in_dim3A_1111 : vector<16xi32>
        %broadcast_in_dim3A_1113 = arith.constant 7 : i32
        %broadcast_in_dim3A_1114 = vector.broadcast %broadcast_in_dim3A_1113 : i32 to vector<16xi32>
        %broadcast_in_dim3A_1115 = arith.constant 6 : i32
        %broadcast_in_dim3A_1116 = vector.broadcast %broadcast_in_dim3A_1115 : i32 to vector<16xi32>
        %select_n3A_1117 = arith.select %eq3A_1112, %broadcast_in_dim3A_1114, %broadcast_in_dim3A_1116 : vector<16xi1>, vector<16xi32>
        %mul3A_1118 = arith.muli %select_n3A_1117, %broadcast_in_dim3A_14 : vector<16xi32>
        %add3A_1119 = arith.addi %mul3A_1118, %add3A_1025 : vector<16xi32>
        %swap3A_1120 = arith.constant 128 : index
        %swap3A_1121 = tpu.vector_load %arg15[%swap3A_1120] {strides = array<i32>} : memref<400xi32, #tpu.memory_space<vmem>>, vector<16xi32>,
        %swap3A_1122 = vector.shape_cast %swap3A_1121 : vector<16xi32> to vector<16xi32>
        %swap3A_1123 = vector.shape_cast %add3A_1119 : vector<16xi32> to vector<16xi32>
        tpu.vector_store %arg15[%swap3A_1120], %swap3A_1123 {strides = array<i32>} : memref<400xi32, #tpu.memory_space<vmem>>, vector<16xi32>,
        %broadcast_in_dim3A_1124 = arith.constant 7 : i32
        %broadcast_in_dim3A_1125 = vector.broadcast %broadcast_in_dim3A_1124 : i32 to vector<16xi32>
        %eq3A_1126 = arith.cmpi eq, %get3A_1020, %broadcast_in_dim3A_1125 : vector<16xi32>
        %broadcast_in_dim3A_1127 = arith.constant 0 : i32
        %broadcast_in_dim3A_1128 = vector.broadcast %broadcast_in_dim3A_1127 : i32 to vector<16xi32>
        %broadcast_in_dim3A_1129 = arith.constant 7 : i32
        %broadcast_in_dim3A_1130 = vector.broadcast %broadcast_in_dim3A_1129 : i32 to vector<16xi32>
        %select_n3A_1131 = arith.select %eq3A_1126, %broadcast_in_dim3A_1128, %broadcast_in_dim3A_1130 : vector<16xi1>, vector<16xi32>
        %mul3A_1132 = arith.muli %select_n3A_1131, %broadcast_in_dim3A_14 : vector<16xi32>
        %add3A_1133 = arith.addi %mul3A_1132, %add3A_1025 : vector<16xi32>
        %swap3A_1134 = arith.constant 128 : index
        %swap3A_1135 = tpu.vector_load %arg16[%swap3A_1134] {strides = array<i32>} : memref<400xi32, #tpu.memory_space<vmem>>, vector<16xi32>,
        %swap3A_1136 = vector.shape_cast %swap3A_1135 : vector<16xi32> to vector<16xi32>
        %swap3A_1137 = vector.shape_cast %add3A_1133 : vector<16xi32> to vector<16xi32>
        tpu.vector_store %arg16[%swap3A_1134], %swap3A_1137 {strides = array<i32>} : memref<400xi32, #tpu.memory_space<vmem>>, vector<16xi32>,
        %mul3A_1138 = arith.muli %get3A_1020, %broadcast_in_dim3A_14 : vector<16xi32>
        %add3A_1139 = arith.addi %mul3A_1138, %add3A_1025 : vector<16xi32>
        %swap3A_1140 = arith.constant 128 : index
        %swap3A_1141 = tpu.vector_load %arg17[%swap3A_1140] {strides = array<i32>} : memref<400xi32, #tpu.memory_space<vmem>>, vector<16xi32>,
        %swap3A_1142 = vector.shape_cast %swap3A_1141 : vector<16xi32> to vector<16xi32>
        %swap3A_1143 = vector.shape_cast %add3A_1139 : vector<16xi32> to vector<16xi32>
        tpu.vector_store %arg17[%swap3A_1140], %swap3A_1143 {strides = array<i32>} : memref<400xi32, #tpu.memory_space<vmem>>, vector<16xi32>,
        %get3A_1144 = arith.constant 144 : index
        %get3A_1145 = tpu.vector_load %arg6[%get3A_1144] {strides = array<i32>} : memref<400xi32, #tpu.memory_space<vmem>>, vector<16xi32>,
        %get3A_1146 = vector.shape_cast %get3A_1145 : vector<16xi32> to vector<16xi32>
        %add3A_1147 = arith.constant 144 : i32
        %add3A_1148 = arith.addi %mul3A_13, %add3A_1147 : i32
        %broadcast_in_dim3A_1149 = vector.broadcast %add3A_1148 : i32 to vector<16xi32>
        %iota3A_1150 = tpu.iota {dimensions = array<i32: 0>} : vector<16xi32>
        %add3A_1151 = arith.addi %broadcast_in_dim3A_1149, %iota3A_1150 : vector<16xi32>
        %broadcast_in_dim3A_1152 = arith.constant 0 : i32
        %broadcast_in_dim3A_1153 = vector.broadcast %broadcast_in_dim3A_1152 : i32 to vector<16xi32>
        %eq3A_1154 = arith.cmpi eq, %get3A_1146, %broadcast_in_dim3A_1153 : vector<16xi32>
        %broadcast_in_dim3A_1155 = arith.constant 1 : i32
        %broadcast_in_dim3A_1156 = vector.broadcast %broadcast_in_dim3A_1155 : i32 to vector<16xi32>
        %broadcast_in_dim3A_1157 = arith.constant 0 : i32
        %broadcast_in_dim3A_1158 = vector.broadcast %broadcast_in_dim3A_1157 : i32 to vector<16xi32>
        %select_n3A_1159 = arith.select %eq3A_1154, %broadcast_in_dim3A_1156, %broadcast_in_dim3A_1158 : vector<16xi1>, vector<16xi32>
        %mul3A_1160 = arith.muli %select_n3A_1159, %broadcast_in_dim3A_14 : vector<16xi32>
        %add3A_1161 = arith.addi %mul3A_1160, %add3A_1151 : vector<16xi32>
        %swap3A_1162 = arith.constant 144 : index
        %swap3A_1163 = tpu.vector_load %arg9[%swap3A_1162] {strides = array<i32>} : memref<400xi32, #tpu.memory_space<vmem>>, vector<16xi32>,
        %swap3A_1164 = vector.shape_cast %swap3A_1163 : vector<16xi32> to vector<16xi32>
        %swap3A_1165 = vector.shape_cast %add3A_1161 : vector<16xi32> to vector<16xi32>
        tpu.vector_store %arg9[%swap3A_1162], %swap3A_1165 {strides = array<i32>} : memref<400xi32, #tpu.memory_space<vmem>>, vector<16xi32>,
        %broadcast_in_dim3A_1166 = arith.constant 1 : i32
        %broadcast_in_dim3A_1167 = vector.broadcast %broadcast_in_dim3A_1166 : i32 to vector<16xi32>
        %eq3A_1168 = arith.cmpi eq, %get3A_1146, %broadcast_in_dim3A_1167 : vector<16xi32>
        %broadcast_in_dim3A_1169 = arith.constant 2 : i32
        %broadcast_in_dim3A_1170 = vector.broadcast %broadcast_in_dim3A_1169 : i32 to vector<16xi32>
        %broadcast_in_dim3A_1171 = arith.constant 1 : i32
        %broadcast_in_dim3A_1172 = vector.broadcast %broadcast_in_dim3A_1171 : i32 to vector<16xi32>
        %select_n3A_1173 = arith.select %eq3A_1168, %broadcast_in_dim3A_1170, %broadcast_in_dim3A_1172 : vector<16xi1>, vector<16xi32>
        %mul3A_1174 = arith.muli %select_n3A_1173, %broadcast_in_dim3A_14 : vector<16xi32>
        %add3A_1175 = arith.addi %mul3A_1174, %add3A_1151 : vector<16xi32>
        %swap3A_1176 = arith.constant 144 : index
        %swap3A_1177 = tpu.vector_load %arg10[%swap3A_1176] {strides = array<i32>} : memref<400xi32, #tpu.memory_space<vmem>>, vector<16xi32>,
        %swap3A_1178 = vector.shape_cast %swap3A_1177 : vector<16xi32> to vector<16xi32>
        %swap3A_1179 = vector.shape_cast %add3A_1175 : vector<16xi32> to vector<16xi32>
        tpu.vector_store %arg10[%swap3A_1176], %swap3A_1179 {strides = array<i32>} : memref<400xi32, #tpu.memory_space<vmem>>, vector<16xi32>,
        %broadcast_in_dim3A_1180 = arith.constant 2 : i32
        %broadcast_in_dim3A_1181 = vector.broadcast %broadcast_in_dim3A_1180 : i32 to vector<16xi32>
        %eq3A_1182 = arith.cmpi eq, %get3A_1146, %broadcast_in_dim3A_1181 : vector<16xi32>
        %broadcast_in_dim3A_1183 = arith.constant 3 : i32
        %broadcast_in_dim3A_1184 = vector.broadcast %broadcast_in_dim3A_1183 : i32 to vector<16xi32>
        %broadcast_in_dim3A_1185 = arith.constant 2 : i32
        %broadcast_in_dim3A_1186 = vector.broadcast %broadcast_in_dim3A_1185 : i32 to vector<16xi32>
        %select_n3A_1187 = arith.select %eq3A_1182, %broadcast_in_dim3A_1184, %broadcast_in_dim3A_1186 : vector<16xi1>, vector<16xi32>
        %mul3A_1188 = arith.muli %select_n3A_1187, %broadcast_in_dim3A_14 : vector<16xi32>
        %add3A_1189 = arith.addi %mul3A_1188, %add3A_1151 : vector<16xi32>
        %swap3A_1190 = arith.constant 144 : index
        %swap3A_1191 = tpu.vector_load %arg11[%swap3A_1190] {strides = array<i32>} : memref<400xi32, #tpu.memory_space<vmem>>, vector<16xi32>,
        %swap3A_1192 = vector.shape_cast %swap3A_1191 : vector<16xi32> to vector<16xi32>
        %swap3A_1193 = vector.shape_cast %add3A_1189 : vector<16xi32> to vector<16xi32>
        tpu.vector_store %arg11[%swap3A_1190], %swap3A_1193 {strides = array<i32>} : memref<400xi32, #tpu.memory_space<vmem>>, vector<16xi32>,
        %broadcast_in_dim3A_1194 = arith.constant 3 : i32
        %broadcast_in_dim3A_1195 = vector.broadcast %broadcast_in_dim3A_1194 : i32 to vector<16xi32>
        %eq3A_1196 = arith.cmpi eq, %get3A_1146, %broadcast_in_dim3A_1195 : vector<16xi32>
        %broadcast_in_dim3A_1197 = arith.constant 4 : i32
        %broadcast_in_dim3A_1198 = vector.broadcast %broadcast_in_dim3A_1197 : i32 to vector<16xi32>
        %broadcast_in_dim3A_1199 = arith.constant 3 : i32
        %broadcast_in_dim3A_1200 = vector.broadcast %broadcast_in_dim3A_1199 : i32 to vector<16xi32>
        %select_n3A_1201 = arith.select %eq3A_1196, %broadcast_in_dim3A_1198, %broadcast_in_dim3A_1200 : vector<16xi1>, vector<16xi32>
        %mul3A_1202 = arith.muli %select_n3A_1201, %broadcast_in_dim3A_14 : vector<16xi32>
        %add3A_1203 = arith.addi %mul3A_1202, %add3A_1151 : vector<16xi32>
        %swap3A_1204 = arith.constant 144 : index
        %swap3A_1205 = tpu.vector_load %arg12[%swap3A_1204] {strides = array<i32>} : memref<400xi32, #tpu.memory_space<vmem>>, vector<16xi32>,
        %swap3A_1206 = vector.shape_cast %swap3A_1205 : vector<16xi32> to vector<16xi32>
        %swap3A_1207 = vector.shape_cast %add3A_1203 : vector<16xi32> to vector<16xi32>
        tpu.vector_store %arg12[%swap3A_1204], %swap3A_1207 {strides = array<i32>} : memref<400xi32, #tpu.memory_space<vmem>>, vector<16xi32>,
        %broadcast_in_dim3A_1208 = arith.constant 4 : i32
        %broadcast_in_dim3A_1209 = vector.broadcast %broadcast_in_dim3A_1208 : i32 to vector<16xi32>
        %eq3A_1210 = arith.cmpi eq, %get3A_1146, %broadcast_in_dim3A_1209 : vector<16xi32>
        %broadcast_in_dim3A_1211 = arith.constant 5 : i32
        %broadcast_in_dim3A_1212 = vector.broadcast %broadcast_in_dim3A_1211 : i32 to vector<16xi32>
        %broadcast_in_dim3A_1213 = arith.constant 4 : i32
        %broadcast_in_dim3A_1214 = vector.broadcast %broadcast_in_dim3A_1213 : i32 to vector<16xi32>
        %select_n3A_1215 = arith.select %eq3A_1210, %broadcast_in_dim3A_1212, %broadcast_in_dim3A_1214 : vector<16xi1>, vector<16xi32>
        %mul3A_1216 = arith.muli %select_n3A_1215, %broadcast_in_dim3A_14 : vector<16xi32>
        %add3A_1217 = arith.addi %mul3A_1216, %add3A_1151 : vector<16xi32>
        %swap3A_1218 = arith.constant 144 : index
        %swap3A_1219 = tpu.vector_load %arg13[%swap3A_1218] {strides = array<i32>} : memref<400xi32, #tpu.memory_space<vmem>>, vector<16xi32>,
        %swap3A_1220 = vector.shape_cast %swap3A_1219 : vector<16xi32> to vector<16xi32>
        %swap3A_1221 = vector.shape_cast %add3A_1217 : vector<16xi32> to vector<16xi32>
        tpu.vector_store %arg13[%swap3A_1218], %swap3A_1221 {strides = array<i32>} : memref<400xi32, #tpu.memory_space<vmem>>, vector<16xi32>,
        %broadcast_in_dim3A_1222 = arith.constant 5 : i32
        %broadcast_in_dim3A_1223 = vector.broadcast %broadcast_in_dim3A_1222 : i32 to vector<16xi32>
        %eq3A_1224 = arith.cmpi eq, %get3A_1146, %broadcast_in_dim3A_1223 : vector<16xi32>
        %broadcast_in_dim3A_1225 = arith.constant 6 : i32
        %broadcast_in_dim3A_1226 = vector.broadcast %broadcast_in_dim3A_1225 : i32 to vector<16xi32>
        %broadcast_in_dim3A_1227 = arith.constant 5 : i32
        %broadcast_in_dim3A_1228 = vector.broadcast %broadcast_in_dim3A_1227 : i32 to vector<16xi32>
        %select_n3A_1229 = arith.select %eq3A_1224, %broadcast_in_dim3A_1226, %broadcast_in_dim3A_1228 : vector<16xi1>, vector<16xi32>
        %mul3A_1230 = arith.muli %select_n3A_1229, %broadcast_in_dim3A_14 : vector<16xi32>
        %add3A_1231 = arith.addi %mul3A_1230, %add3A_1151 : vector<16xi32>
        %swap3A_1232 = arith.constant 144 : index
        %swap3A_1233 = tpu.vector_load %arg14[%swap3A_1232] {strides = array<i32>} : memref<400xi32, #tpu.memory_space<vmem>>, vector<16xi32>,
        %swap3A_1234 = vector.shape_cast %swap3A_1233 : vector<16xi32> to vector<16xi32>
        %swap3A_1235 = vector.shape_cast %add3A_1231 : vector<16xi32> to vector<16xi32>
        tpu.vector_store %arg14[%swap3A_1232], %swap3A_1235 {strides = array<i32>} : memref<400xi32, #tpu.memory_space<vmem>>, vector<16xi32>,
        %broadcast_in_dim3A_1236 = arith.constant 6 : i32
        %broadcast_in_dim3A_1237 = vector.broadcast %broadcast_in_dim3A_1236 : i32 to vector<16xi32>
        %eq3A_1238 = arith.cmpi eq, %get3A_1146, %broadcast_in_dim3A_1237 : vector<16xi32>
        %broadcast_in_dim3A_1239 = arith.constant 7 : i32
        %broadcast_in_dim3A_1240 = vector.broadcast %broadcast_in_dim3A_1239 : i32 to vector<16xi32>
        %broadcast_in_dim3A_1241 = arith.constant 6 : i32
        %broadcast_in_dim3A_1242 = vector.broadcast %broadcast_in_dim3A_1241 : i32 to vector<16xi32>
        %select_n3A_1243 = arith.select %eq3A_1238, %broadcast_in_dim3A_1240, %broadcast_in_dim3A_1242 : vector<16xi1>, vector<16xi32>
        %mul3A_1244 = arith.muli %select_n3A_1243, %broadcast_in_dim3A_14 : vector<16xi32>
        %add3A_1245 = arith.addi %mul3A_1244, %add3A_1151 : vector<16xi32>
        %swap3A_1246 = arith.constant 144 : index
        %swap3A_1247 = tpu.vector_load %arg15[%swap3A_1246] {strides = array<i32>} : memref<400xi32, #tpu.memory_space<vmem>>, vector<16xi32>,
        %swap3A_1248 = vector.shape_cast %swap3A_1247 : vector<16xi32> to vector<16xi32>
        %swap3A_1249 = vector.shape_cast %add3A_1245 : vector<16xi32> to vector<16xi32>
        tpu.vector_store %arg15[%swap3A_1246], %swap3A_1249 {strides = array<i32>} : memref<400xi32, #tpu.memory_space<vmem>>, vector<16xi32>,
        %broadcast_in_dim3A_1250 = arith.constant 7 : i32
        %broadcast_in_dim3A_1251 = vector.broadcast %broadcast_in_dim3A_1250 : i32 to vector<16xi32>
        %eq3A_1252 = arith.cmpi eq, %get3A_1146, %broadcast_in_dim3A_1251 : vector<16xi32>
        %broadcast_in_dim3A_1253 = arith.constant 0 : i32
        %broadcast_in_dim3A_1254 = vector.broadcast %broadcast_in_dim3A_1253 : i32 to vector<16xi32>
        %broadcast_in_dim3A_1255 = arith.constant 7 : i32
        %broadcast_in_dim3A_1256 = vector.broadcast %broadcast_in_dim3A_1255 : i32 to vector<16xi32>
        %select_n3A_1257 = arith.select %eq3A_1252, %broadcast_in_dim3A_1254, %broadcast_in_dim3A_1256 : vector<16xi1>, vector<16xi32>
        %mul3A_1258 = arith.muli %select_n3A_1257, %broadcast_in_dim3A_14 : vector<16xi32>
        %add3A_1259 = arith.addi %mul3A_1258, %add3A_1151 : vector<16xi32>
        %swap3A_1260 = arith.constant 144 : index
        %swap3A_1261 = tpu.vector_load %arg16[%swap3A_1260] {strides = array<i32>} : memref<400xi32, #tpu.memory_space<vmem>>, vector<16xi32>,
        %swap3A_1262 = vector.shape_cast %swap3A_1261 : vector<16xi32> to vector<16xi32>
        %swap3A_1263 = vector.shape_cast %add3A_1259 : vector<16xi32> to vector<16xi32>
        tpu.vector_store %arg16[%swap3A_1260], %swap3A_1263 {strides = array<i32>} : memref<400xi32, #tpu.memory_space<vmem>>, vector<16xi32>,
        %mul3A_1264 = arith.muli %get3A_1146, %broadcast_in_dim3A_14 : vector<16xi32>
        %add3A_1265 = arith.addi %mul3A_1264, %add3A_1151 : vector<16xi32>
        %swap3A_1266 = arith.constant 144 : index
        %swap3A_1267 = tpu.vector_load %arg17[%swap3A_1266] {strides = array<i32>} : memref<400xi32, #tpu.memory_space<vmem>>, vector<16xi32>,
        %swap3A_1268 = vector.shape_cast %swap3A_1267 : vector<16xi32> to vector<16xi32>
        %swap3A_1269 = vector.shape_cast %add3A_1265 : vector<16xi32> to vector<16xi32>
        tpu.vector_store %arg17[%swap3A_1266], %swap3A_1269 {strides = array<i32>} : memref<400xi32, #tpu.memory_space<vmem>>, vector<16xi32>,
        %get3A_1270 = arith.constant 160 : index
        %get3A_1271 = tpu.vector_load %arg6[%get3A_1270] {strides = array<i32>} : memref<400xi32, #tpu.memory_space<vmem>>, vector<16xi32>,
        %get3A_1272 = vector.shape_cast %get3A_1271 : vector<16xi32> to vector<16xi32>
        %add3A_1273 = arith.constant 160 : i32
        %add3A_1274 = arith.addi %mul3A_13, %add3A_1273 : i32
        %broadcast_in_dim3A_1275 = vector.broadcast %add3A_1274 : i32 to vector<16xi32>
        %iota3A_1276 = tpu.iota {dimensions = array<i32: 0>} : vector<16xi32>
        %add3A_1277 = arith.addi %broadcast_in_dim3A_1275, %iota3A_1276 : vector<16xi32>
        %broadcast_in_dim3A_1278 = arith.constant 0 : i32
        %broadcast_in_dim3A_1279 = vector.broadcast %broadcast_in_dim3A_1278 : i32 to vector<16xi32>
        %eq3A_1280 = arith.cmpi eq, %get3A_1272, %broadcast_in_dim3A_1279 : vector<16xi32>
        %broadcast_in_dim3A_1281 = arith.constant 1 : i32
        %broadcast_in_dim3A_1282 = vector.broadcast %broadcast_in_dim3A_1281 : i32 to vector<16xi32>
        %broadcast_in_dim3A_1283 = arith.constant 0 : i32
        %broadcast_in_dim3A_1284 = vector.broadcast %broadcast_in_dim3A_1283 : i32 to vector<16xi32>
        %select_n3A_1285 = arith.select %eq3A_1280, %broadcast_in_dim3A_1282, %broadcast_in_dim3A_1284 : vector<16xi1>, vector<16xi32>
        %mul3A_1286 = arith.muli %select_n3A_1285, %broadcast_in_dim3A_14 : vector<16xi32>
        %add3A_1287 = arith.addi %mul3A_1286, %add3A_1277 : vector<16xi32>
        %swap3A_1288 = arith.constant 160 : index
        %swap3A_1289 = tpu.vector_load %arg9[%swap3A_1288] {strides = array<i32>} : memref<400xi32, #tpu.memory_space<vmem>>, vector<16xi32>,
        %swap3A_1290 = vector.shape_cast %swap3A_1289 : vector<16xi32> to vector<16xi32>
        %swap3A_1291 = vector.shape_cast %add3A_1287 : vector<16xi32> to vector<16xi32>
        tpu.vector_store %arg9[%swap3A_1288], %swap3A_1291 {strides = array<i32>} : memref<400xi32, #tpu.memory_space<vmem>>, vector<16xi32>,
        %broadcast_in_dim3A_1292 = arith.constant 1 : i32
        %broadcast_in_dim3A_1293 = vector.broadcast %broadcast_in_dim3A_1292 : i32 to vector<16xi32>
        %eq3A_1294 = arith.cmpi eq, %get3A_1272, %broadcast_in_dim3A_1293 : vector<16xi32>
        %broadcast_in_dim3A_1295 = arith.constant 2 : i32
        %broadcast_in_dim3A_1296 = vector.broadcast %broadcast_in_dim3A_1295 : i32 to vector<16xi32>
        %broadcast_in_dim3A_1297 = arith.constant 1 : i32
        %broadcast_in_dim3A_1298 = vector.broadcast %broadcast_in_dim3A_1297 : i32 to vector<16xi32>
        %select_n3A_1299 = arith.select %eq3A_1294, %broadcast_in_dim3A_1296, %broadcast_in_dim3A_1298 : vector<16xi1>, vector<16xi32>
        %mul3A_1300 = arith.muli %select_n3A_1299, %broadcast_in_dim3A_14 : vector<16xi32>
        %add3A_1301 = arith.addi %mul3A_1300, %add3A_1277 : vector<16xi32>
        %swap3A_1302 = arith.constant 160 : index
        %swap3A_1303 = tpu.vector_load %arg10[%swap3A_1302] {strides = array<i32>} : memref<400xi32, #tpu.memory_space<vmem>>, vector<16xi32>,
        %swap3A_1304 = vector.shape_cast %swap3A_1303 : vector<16xi32> to vector<16xi32>
        %swap3A_1305 = vector.shape_cast %add3A_1301 : vector<16xi32> to vector<16xi32>
        tpu.vector_store %arg10[%swap3A_1302], %swap3A_1305 {strides = array<i32>} : memref<400xi32, #tpu.memory_space<vmem>>, vector<16xi32>,
        %broadcast_in_dim3A_1306 = arith.constant 2 : i32
        %broadcast_in_dim3A_1307 = vector.broadcast %broadcast_in_dim3A_1306 : i32 to vector<16xi32>
        %eq3A_1308 = arith.cmpi eq, %get3A_1272, %broadcast_in_dim3A_1307 : vector<16xi32>
        %broadcast_in_dim3A_1309 = arith.constant 3 : i32
        %broadcast_in_dim3A_1310 = vector.broadcast %broadcast_in_dim3A_1309 : i32 to vector<16xi32>
        %broadcast_in_dim3A_1311 = arith.constant 2 : i32
        %broadcast_in_dim3A_1312 = vector.broadcast %broadcast_in_dim3A_1311 : i32 to vector<16xi32>
        %select_n3A_1313 = arith.select %eq3A_1308, %broadcast_in_dim3A_1310, %broadcast_in_dim3A_1312 : vector<16xi1>, vector<16xi32>
        %mul3A_1314 = arith.muli %select_n3A_1313, %broadcast_in_dim3A_14 : vector<16xi32>
        %add3A_1315 = arith.addi %mul3A_1314, %add3A_1277 : vector<16xi32>
        %swap3A_1316 = arith.constant 160 : index
        %swap3A_1317 = tpu.vector_load %arg11[%swap3A_1316] {strides = array<i32>} : memref<400xi32, #tpu.memory_space<vmem>>, vector<16xi32>,
        %swap3A_1318 = vector.shape_cast %swap3A_1317 : vector<16xi32> to vector<16xi32>
        %swap3A_1319 = vector.shape_cast %add3A_1315 : vector<16xi32> to vector<16xi32>
        tpu.vector_store %arg11[%swap3A_1316], %swap3A_1319 {strides = array<i32>} : memref<400xi32, #tpu.memory_space<vmem>>, vector<16xi32>,
        %broadcast_in_dim3A_1320 = arith.constant 3 : i32
        %broadcast_in_dim3A_1321 = vector.broadcast %broadcast_in_dim3A_1320 : i32 to vector<16xi32>
        %eq3A_1322 = arith.cmpi eq, %get3A_1272, %broadcast_in_dim3A_1321 : vector<16xi32>
        %broadcast_in_dim3A_1323 = arith.constant 4 : i32
        %broadcast_in_dim3A_1324 = vector.broadcast %broadcast_in_dim3A_1323 : i32 to vector<16xi32>
        %broadcast_in_dim3A_1325 = arith.constant 3 : i32
        %broadcast_in_dim3A_1326 = vector.broadcast %broadcast_in_dim3A_1325 : i32 to vector<16xi32>
        %select_n3A_1327 = arith.select %eq3A_1322, %broadcast_in_dim3A_1324, %broadcast_in_dim3A_1326 : vector<16xi1>, vector<16xi32>
        %mul3A_1328 = arith.muli %select_n3A_1327, %broadcast_in_dim3A_14 : vector<16xi32>
        %add3A_1329 = arith.addi %mul3A_1328, %add3A_1277 : vector<16xi32>
        %swap3A_1330 = arith.constant 160 : index
        %swap3A_1331 = tpu.vector_load %arg12[%swap3A_1330] {strides = array<i32>} : memref<400xi32, #tpu.memory_space<vmem>>, vector<16xi32>,
        %swap3A_1332 = vector.shape_cast %swap3A_1331 : vector<16xi32> to vector<16xi32>
        %swap3A_1333 = vector.shape_cast %add3A_1329 : vector<16xi32> to vector<16xi32>
        tpu.vector_store %arg12[%swap3A_1330], %swap3A_1333 {strides = array<i32>} : memref<400xi32, #tpu.memory_space<vmem>>, vector<16xi32>,
        %broadcast_in_dim3A_1334 = arith.constant 4 : i32
        %broadcast_in_dim3A_1335 = vector.broadcast %broadcast_in_dim3A_1334 : i32 to vector<16xi32>
        %eq3A_1336 = arith.cmpi eq, %get3A_1272, %broadcast_in_dim3A_1335 : vector<16xi32>
        %broadcast_in_dim3A_1337 = arith.constant 5 : i32
        %broadcast_in_dim3A_1338 = vector.broadcast %broadcast_in_dim3A_1337 : i32 to vector<16xi32>
        %broadcast_in_dim3A_1339 = arith.constant 4 : i32
        %broadcast_in_dim3A_1340 = vector.broadcast %broadcast_in_dim3A_1339 : i32 to vector<16xi32>
        %select_n3A_1341 = arith.select %eq3A_1336, %broadcast_in_dim3A_1338, %broadcast_in_dim3A_1340 : vector<16xi1>, vector<16xi32>
        %mul3A_1342 = arith.muli %select_n3A_1341, %broadcast_in_dim3A_14 : vector<16xi32>
        %add3A_1343 = arith.addi %mul3A_1342, %add3A_1277 : vector<16xi32>
        %swap3A_1344 = arith.constant 160 : index
        %swap3A_1345 = tpu.vector_load %arg13[%swap3A_1344] {strides = array<i32>} : memref<400xi32, #tpu.memory_space<vmem>>, vector<16xi32>,
        %swap3A_1346 = vector.shape_cast %swap3A_1345 : vector<16xi32> to vector<16xi32>
        %swap3A_1347 = vector.shape_cast %add3A_1343 : vector<16xi32> to vector<16xi32>
        tpu.vector_store %arg13[%swap3A_1344], %swap3A_1347 {strides = array<i32>} : memref<400xi32, #tpu.memory_space<vmem>>, vector<16xi32>,
        %broadcast_in_dim3A_1348 = arith.constant 5 : i32
        %broadcast_in_dim3A_1349 = vector.broadcast %broadcast_in_dim3A_1348 : i32 to vector<16xi32>
        %eq3A_1350 = arith.cmpi eq, %get3A_1272, %broadcast_in_dim3A_1349 : vector<16xi32>
        %broadcast_in_dim3A_1351 = arith.constant 6 : i32
        %broadcast_in_dim3A_1352 = vector.broadcast %broadcast_in_dim3A_1351 : i32 to vector<16xi32>
        %broadcast_in_dim3A_1353 = arith.constant 5 : i32
        %broadcast_in_dim3A_1354 = vector.broadcast %broadcast_in_dim3A_1353 : i32 to vector<16xi32>
        %select_n3A_1355 = arith.select %eq3A_1350, %broadcast_in_dim3A_1352, %broadcast_in_dim3A_1354 : vector<16xi1>, vector<16xi32>
        %mul3A_1356 = arith.muli %select_n3A_1355, %broadcast_in_dim3A_14 : vector<16xi32>
        %add3A_1357 = arith.addi %mul3A_1356, %add3A_1277 : vector<16xi32>
        %swap3A_1358 = arith.constant 160 : index
        %swap3A_1359 = tpu.vector_load %arg14[%swap3A_1358] {strides = array<i32>} : memref<400xi32, #tpu.memory_space<vmem>>, vector<16xi32>,
        %swap3A_1360 = vector.shape_cast %swap3A_1359 : vector<16xi32> to vector<16xi32>
        %swap3A_1361 = vector.shape_cast %add3A_1357 : vector<16xi32> to vector<16xi32>
        tpu.vector_store %arg14[%swap3A_1358], %swap3A_1361 {strides = array<i32>} : memref<400xi32, #tpu.memory_space<vmem>>, vector<16xi32>,
        %broadcast_in_dim3A_1362 = arith.constant 6 : i32
        %broadcast_in_dim3A_1363 = vector.broadcast %broadcast_in_dim3A_1362 : i32 to vector<16xi32>
        %eq3A_1364 = arith.cmpi eq, %get3A_1272, %broadcast_in_dim3A_1363 : vector<16xi32>
        %broadcast_in_dim3A_1365 = arith.constant 7 : i32
        %broadcast_in_dim3A_1366 = vector.broadcast %broadcast_in_dim3A_1365 : i32 to vector<16xi32>
        %broadcast_in_dim3A_1367 = arith.constant 6 : i32
        %broadcast_in_dim3A_1368 = vector.broadcast %broadcast_in_dim3A_1367 : i32 to vector<16xi32>
        %select_n3A_1369 = arith.select %eq3A_1364, %broadcast_in_dim3A_1366, %broadcast_in_dim3A_1368 : vector<16xi1>, vector<16xi32>
        %mul3A_1370 = arith.muli %select_n3A_1369, %broadcast_in_dim3A_14 : vector<16xi32>
        %add3A_1371 = arith.addi %mul3A_1370, %add3A_1277 : vector<16xi32>
        %swap3A_1372 = arith.constant 160 : index
        %swap3A_1373 = tpu.vector_load %arg15[%swap3A_1372] {strides = array<i32>} : memref<400xi32, #tpu.memory_space<vmem>>, vector<16xi32>,
        %swap3A_1374 = vector.shape_cast %swap3A_1373 : vector<16xi32> to vector<16xi32>
        %swap3A_1375 = vector.shape_cast %add3A_1371 : vector<16xi32> to vector<16xi32>
        tpu.vector_store %arg15[%swap3A_1372], %swap3A_1375 {strides = array<i32>} : memref<400xi32, #tpu.memory_space<vmem>>, vector<16xi32>,
        %broadcast_in_dim3A_1376 = arith.constant 7 : i32
        %broadcast_in_dim3A_1377 = vector.broadcast %broadcast_in_dim3A_1376 : i32 to vector<16xi32>
        %eq3A_1378 = arith.cmpi eq, %get3A_1272, %broadcast_in_dim3A_1377 : vector<16xi32>
        %broadcast_in_dim3A_1379 = arith.constant 0 : i32
        %broadcast_in_dim3A_1380 = vector.broadcast %broadcast_in_dim3A_1379 : i32 to vector<16xi32>
        %broadcast_in_dim3A_1381 = arith.constant 7 : i32
        %broadcast_in_dim3A_1382 = vector.broadcast %broadcast_in_dim3A_1381 : i32 to vector<16xi32>
        %select_n3A_1383 = arith.select %eq3A_1378, %broadcast_in_dim3A_1380, %broadcast_in_dim3A_1382 : vector<16xi1>, vector<16xi32>
        %mul3A_1384 = arith.muli %select_n3A_1383, %broadcast_in_dim3A_14 : vector<16xi32>
        %add3A_1385 = arith.addi %mul3A_1384, %add3A_1277 : vector<16xi32>
        %swap3A_1386 = arith.constant 160 : index
        %swap3A_1387 = tpu.vector_load %arg16[%swap3A_1386] {strides = array<i32>} : memref<400xi32, #tpu.memory_space<vmem>>, vector<16xi32>,
        %swap3A_1388 = vector.shape_cast %swap3A_1387 : vector<16xi32> to vector<16xi32>
        %swap3A_1389 = vector.shape_cast %add3A_1385 : vector<16xi32> to vector<16xi32>
        tpu.vector_store %arg16[%swap3A_1386], %swap3A_1389 {strides = array<i32>} : memref<400xi32, #tpu.memory_space<vmem>>, vector<16xi32>,
        %mul3A_1390 = arith.muli %get3A_1272, %broadcast_in_dim3A_14 : vector<16xi32>
        %add3A_1391 = arith.addi %mul3A_1390, %add3A_1277 : vector<16xi32>
        %swap3A_1392 = arith.constant 160 : index
        %swap3A_1393 = tpu.vector_load %arg17[%swap3A_1392] {strides = array<i32>} : memref<400xi32, #tpu.memory_space<vmem>>, vector<16xi32>,
        %swap3A_1394 = vector.shape_cast %swap3A_1393 : vector<16xi32> to vector<16xi32>
        %swap3A_1395 = vector.shape_cast %add3A_1391 : vector<16xi32> to vector<16xi32>
        tpu.vector_store %arg17[%swap3A_1392], %swap3A_1395 {strides = array<i32>} : memref<400xi32, #tpu.memory_space<vmem>>, vector<16xi32>,
        %get3A_1396 = arith.constant 176 : index
        %get3A_1397 = tpu.vector_load %arg6[%get3A_1396] {strides = array<i32>} : memref<400xi32, #tpu.memory_space<vmem>>, vector<16xi32>,
        %get3A_1398 = vector.shape_cast %get3A_1397 : vector<16xi32> to vector<16xi32>
        %add3A_1399 = arith.constant 176 : i32
        %add3A_1400 = arith.addi %mul3A_13, %add3A_1399 : i32
        %broadcast_in_dim3A_1401 = vector.broadcast %add3A_1400 : i32 to vector<16xi32>
        %iota3A_1402 = tpu.iota {dimensions = array<i32: 0>} : vector<16xi32>
        %add3A_1403 = arith.addi %broadcast_in_dim3A_1401, %iota3A_1402 : vector<16xi32>
        %broadcast_in_dim3A_1404 = arith.constant 0 : i32
        %broadcast_in_dim3A_1405 = vector.broadcast %broadcast_in_dim3A_1404 : i32 to vector<16xi32>
        %eq3A_1406 = arith.cmpi eq, %get3A_1398, %broadcast_in_dim3A_1405 : vector<16xi32>
        %broadcast_in_dim3A_1407 = arith.constant 1 : i32
        %broadcast_in_dim3A_1408 = vector.broadcast %broadcast_in_dim3A_1407 : i32 to vector<16xi32>
        %broadcast_in_dim3A_1409 = arith.constant 0 : i32
        %broadcast_in_dim3A_1410 = vector.broadcast %broadcast_in_dim3A_1409 : i32 to vector<16xi32>
        %select_n3A_1411 = arith.select %eq3A_1406, %broadcast_in_dim3A_1408, %broadcast_in_dim3A_1410 : vector<16xi1>, vector<16xi32>
        %mul3A_1412 = arith.muli %select_n3A_1411, %broadcast_in_dim3A_14 : vector<16xi32>
        %add3A_1413 = arith.addi %mul3A_1412, %add3A_1403 : vector<16xi32>
        %swap3A_1414 = arith.constant 176 : index
        %swap3A_1415 = tpu.vector_load %arg9[%swap3A_1414] {strides = array<i32>} : memref<400xi32, #tpu.memory_space<vmem>>, vector<16xi32>,
        %swap3A_1416 = vector.shape_cast %swap3A_1415 : vector<16xi32> to vector<16xi32>
        %swap3A_1417 = vector.shape_cast %add3A_1413 : vector<16xi32> to vector<16xi32>
        tpu.vector_store %arg9[%swap3A_1414], %swap3A_1417 {strides = array<i32>} : memref<400xi32, #tpu.memory_space<vmem>>, vector<16xi32>,
        %broadcast_in_dim3A_1418 = arith.constant 1 : i32
        %broadcast_in_dim3A_1419 = vector.broadcast %broadcast_in_dim3A_1418 : i32 to vector<16xi32>
        %eq3A_1420 = arith.cmpi eq, %get3A_1398, %broadcast_in_dim3A_1419 : vector<16xi32>
        %broadcast_in_dim3A_1421 = arith.constant 2 : i32
        %broadcast_in_dim3A_1422 = vector.broadcast %broadcast_in_dim3A_1421 : i32 to vector<16xi32>
        %broadcast_in_dim3A_1423 = arith.constant 1 : i32
        %broadcast_in_dim3A_1424 = vector.broadcast %broadcast_in_dim3A_1423 : i32 to vector<16xi32>
        %select_n3A_1425 = arith.select %eq3A_1420, %broadcast_in_dim3A_1422, %broadcast_in_dim3A_1424 : vector<16xi1>, vector<16xi32>
        %mul3A_1426 = arith.muli %select_n3A_1425, %broadcast_in_dim3A_14 : vector<16xi32>
        %add3A_1427 = arith.addi %mul3A_1426, %add3A_1403 : vector<16xi32>
        %swap3A_1428 = arith.constant 176 : index
        %swap3A_1429 = tpu.vector_load %arg10[%swap3A_1428] {strides = array<i32>} : memref<400xi32, #tpu.memory_space<vmem>>, vector<16xi32>,
        %swap3A_1430 = vector.shape_cast %swap3A_1429 : vector<16xi32> to vector<16xi32>
        %swap3A_1431 = vector.shape_cast %add3A_1427 : vector<16xi32> to vector<16xi32>
        tpu.vector_store %arg10[%swap3A_1428], %swap3A_1431 {strides = array<i32>} : memref<400xi32, #tpu.memory_space<vmem>>, vector<16xi32>,
        %broadcast_in_dim3A_1432 = arith.constant 2 : i32
        %broadcast_in_dim3A_1433 = vector.broadcast %broadcast_in_dim3A_1432 : i32 to vector<16xi32>
        %eq3A_1434 = arith.cmpi eq, %get3A_1398, %broadcast_in_dim3A_1433 : vector<16xi32>
        %broadcast_in_dim3A_1435 = arith.constant 3 : i32
        %broadcast_in_dim3A_1436 = vector.broadcast %broadcast_in_dim3A_1435 : i32 to vector<16xi32>
        %broadcast_in_dim3A_1437 = arith.constant 2 : i32
        %broadcast_in_dim3A_1438 = vector.broadcast %broadcast_in_dim3A_1437 : i32 to vector<16xi32>
        %select_n3A_1439 = arith.select %eq3A_1434, %broadcast_in_dim3A_1436, %broadcast_in_dim3A_1438 : vector<16xi1>, vector<16xi32>
        %mul3A_1440 = arith.muli %select_n3A_1439, %broadcast_in_dim3A_14 : vector<16xi32>
        %add3A_1441 = arith.addi %mul3A_1440, %add3A_1403 : vector<16xi32>
        %swap3A_1442 = arith.constant 176 : index
        %swap3A_1443 = tpu.vector_load %arg11[%swap3A_1442] {strides = array<i32>} : memref<400xi32, #tpu.memory_space<vmem>>, vector<16xi32>,
        %swap3A_1444 = vector.shape_cast %swap3A_1443 : vector<16xi32> to vector<16xi32>
        %swap3A_1445 = vector.shape_cast %add3A_1441 : vector<16xi32> to vector<16xi32>
        tpu.vector_store %arg11[%swap3A_1442], %swap3A_1445 {strides = array<i32>} : memref<400xi32, #tpu.memory_space<vmem>>, vector<16xi32>,
        %broadcast_in_dim3A_1446 = arith.constant 3 : i32
        %broadcast_in_dim3A_1447 = vector.broadcast %broadcast_in_dim3A_1446 : i32 to vector<16xi32>
        %eq3A_1448 = arith.cmpi eq, %get3A_1398, %broadcast_in_dim3A_1447 : vector<16xi32>
        %broadcast_in_dim3A_1449 = arith.constant 4 : i32
        %broadcast_in_dim3A_1450 = vector.broadcast %broadcast_in_dim3A_1449 : i32 to vector<16xi32>
        %broadcast_in_dim3A_1451 = arith.constant 3 : i32
        %broadcast_in_dim3A_1452 = vector.broadcast %broadcast_in_dim3A_1451 : i32 to vector<16xi32>
        %select_n3A_1453 = arith.select %eq3A_1448, %broadcast_in_dim3A_1450, %broadcast_in_dim3A_1452 : vector<16xi1>, vector<16xi32>
        %mul3A_1454 = arith.muli %select_n3A_1453, %broadcast_in_dim3A_14 : vector<16xi32>
        %add3A_1455 = arith.addi %mul3A_1454, %add3A_1403 : vector<16xi32>
        %swap3A_1456 = arith.constant 176 : index
        %swap3A_1457 = tpu.vector_load %arg12[%swap3A_1456] {strides = array<i32>} : memref<400xi32, #tpu.memory_space<vmem>>, vector<16xi32>,
        %swap3A_1458 = vector.shape_cast %swap3A_1457 : vector<16xi32> to vector<16xi32>
        %swap3A_1459 = vector.shape_cast %add3A_1455 : vector<16xi32> to vector<16xi32>
        tpu.vector_store %arg12[%swap3A_1456], %swap3A_1459 {strides = array<i32>} : memref<400xi32, #tpu.memory_space<vmem>>, vector<16xi32>,
        %broadcast_in_dim3A_1460 = arith.constant 4 : i32
        %broadcast_in_dim3A_1461 = vector.broadcast %broadcast_in_dim3A_1460 : i32 to vector<16xi32>
        %eq3A_1462 = arith.cmpi eq, %get3A_1398, %broadcast_in_dim3A_1461 : vector<16xi32>
        %broadcast_in_dim3A_1463 = arith.constant 5 : i32
        %broadcast_in_dim3A_1464 = vector.broadcast %broadcast_in_dim3A_1463 : i32 to vector<16xi32>
        %broadcast_in_dim3A_1465 = arith.constant 4 : i32
        %broadcast_in_dim3A_1466 = vector.broadcast %broadcast_in_dim3A_1465 : i32 to vector<16xi32>
        %select_n3A_1467 = arith.select %eq3A_1462, %broadcast_in_dim3A_1464, %broadcast_in_dim3A_1466 : vector<16xi1>, vector<16xi32>
        %mul3A_1468 = arith.muli %select_n3A_1467, %broadcast_in_dim3A_14 : vector<16xi32>
        %add3A_1469 = arith.addi %mul3A_1468, %add3A_1403 : vector<16xi32>
        %swap3A_1470 = arith.constant 176 : index
        %swap3A_1471 = tpu.vector_load %arg13[%swap3A_1470] {strides = array<i32>} : memref<400xi32, #tpu.memory_space<vmem>>, vector<16xi32>,
        %swap3A_1472 = vector.shape_cast %swap3A_1471 : vector<16xi32> to vector<16xi32>
        %swap3A_1473 = vector.shape_cast %add3A_1469 : vector<16xi32> to vector<16xi32>
        tpu.vector_store %arg13[%swap3A_1470], %swap3A_1473 {strides = array<i32>} : memref<400xi32, #tpu.memory_space<vmem>>, vector<16xi32>,
        %broadcast_in_dim3A_1474 = arith.constant 5 : i32
        %broadcast_in_dim3A_1475 = vector.broadcast %broadcast_in_dim3A_1474 : i32 to vector<16xi32>
        %eq3A_1476 = arith.cmpi eq, %get3A_1398, %broadcast_in_dim3A_1475 : vector<16xi32>
        %broadcast_in_dim3A_1477 = arith.constant 6 : i32
        %broadcast_in_dim3A_1478 = vector.broadcast %broadcast_in_dim3A_1477 : i32 to vector<16xi32>
        %broadcast_in_dim3A_1479 = arith.constant 5 : i32
        %broadcast_in_dim3A_1480 = vector.broadcast %broadcast_in_dim3A_1479 : i32 to vector<16xi32>
        %select_n3A_1481 = arith.select %eq3A_1476, %broadcast_in_dim3A_1478, %broadcast_in_dim3A_1480 : vector<16xi1>, vector<16xi32>
        %mul3A_1482 = arith.muli %select_n3A_1481, %broadcast_in_dim3A_14 : vector<16xi32>
        %add3A_1483 = arith.addi %mul3A_1482, %add3A_1403 : vector<16xi32>
        %swap3A_1484 = arith.constant 176 : index
        %swap3A_1485 = tpu.vector_load %arg14[%swap3A_1484] {strides = array<i32>} : memref<400xi32, #tpu.memory_space<vmem>>, vector<16xi32>,
        %swap3A_1486 = vector.shape_cast %swap3A_1485 : vector<16xi32> to vector<16xi32>
        %swap3A_1487 = vector.shape_cast %add3A_1483 : vector<16xi32> to vector<16xi32>
        tpu.vector_store %arg14[%swap3A_1484], %swap3A_1487 {strides = array<i32>} : memref<400xi32, #tpu.memory_space<vmem>>, vector<16xi32>,
        %broadcast_in_dim3A_1488 = arith.constant 6 : i32
        %broadcast_in_dim3A_1489 = vector.broadcast %broadcast_in_dim3A_1488 : i32 to vector<16xi32>
        %eq3A_1490 = arith.cmpi eq, %get3A_1398, %broadcast_in_dim3A_1489 : vector<16xi32>
        %broadcast_in_dim3A_1491 = arith.constant 7 : i32
        %broadcast_in_dim3A_1492 = vector.broadcast %broadcast_in_dim3A_1491 : i32 to vector<16xi32>
        %broadcast_in_dim3A_1493 = arith.constant 6 : i32
        %broadcast_in_dim3A_1494 = vector.broadcast %broadcast_in_dim3A_1493 : i32 to vector<16xi32>
        %select_n3A_1495 = arith.select %eq3A_1490, %broadcast_in_dim3A_1492, %broadcast_in_dim3A_1494 : vector<16xi1>, vector<16xi32>
        %mul3A_1496 = arith.muli %select_n3A_1495, %broadcast_in_dim3A_14 : vector<16xi32>
        %add3A_1497 = arith.addi %mul3A_1496, %add3A_1403 : vector<16xi32>
        %swap3A_1498 = arith.constant 176 : index
        %swap3A_1499 = tpu.vector_load %arg15[%swap3A_1498] {strides = array<i32>} : memref<400xi32, #tpu.memory_space<vmem>>, vector<16xi32>,
        %swap3A_1500 = vector.shape_cast %swap3A_1499 : vector<16xi32> to vector<16xi32>
        %swap3A_1501 = vector.shape_cast %add3A_1497 : vector<16xi32> to vector<16xi32>
        tpu.vector_store %arg15[%swap3A_1498], %swap3A_1501 {strides = array<i32>} : memref<400xi32, #tpu.memory_space<vmem>>, vector<16xi32>,
        %broadcast_in_dim3A_1502 = arith.constant 7 : i32
        %broadcast_in_dim3A_1503 = vector.broadcast %broadcast_in_dim3A_1502 : i32 to vector<16xi32>
        %eq3A_1504 = arith.cmpi eq, %get3A_1398, %broadcast_in_dim3A_1503 : vector<16xi32>
        %broadcast_in_dim3A_1505 = arith.constant 0 : i32
        %broadcast_in_dim3A_1506 = vector.broadcast %broadcast_in_dim3A_1505 : i32 to vector<16xi32>
        %broadcast_in_dim3A_1507 = arith.constant 7 : i32
        %broadcast_in_dim3A_1508 = vector.broadcast %broadcast_in_dim3A_1507 : i32 to vector<16xi32>
        %select_n3A_1509 = arith.select %eq3A_1504, %broadcast_in_dim3A_1506, %broadcast_in_dim3A_1508 : vector<16xi1>, vector<16xi32>
        %mul3A_1510 = arith.muli %select_n3A_1509, %broadcast_in_dim3A_14 : vector<16xi32>
        %add3A_1511 = arith.addi %mul3A_1510, %add3A_1403 : vector<16xi32>
        %swap3A_1512 = arith.constant 176 : index
        %swap3A_1513 = tpu.vector_load %arg16[%swap3A_1512] {strides = array<i32>} : memref<400xi32, #tpu.memory_space<vmem>>, vector<16xi32>,
        %swap3A_1514 = vector.shape_cast %swap3A_1513 : vector<16xi32> to vector<16xi32>
        %swap3A_1515 = vector.shape_cast %add3A_1511 : vector<16xi32> to vector<16xi32>
        tpu.vector_store %arg16[%swap3A_1512], %swap3A_1515 {strides = array<i32>} : memref<400xi32, #tpu.memory_space<vmem>>, vector<16xi32>,
        %mul3A_1516 = arith.muli %get3A_1398, %broadcast_in_dim3A_14 : vector<16xi32>
        %add3A_1517 = arith.addi %mul3A_1516, %add3A_1403 : vector<16xi32>
        %swap3A_1518 = arith.constant 176 : index
        %swap3A_1519 = tpu.vector_load %arg17[%swap3A_1518] {strides = array<i32>} : memref<400xi32, #tpu.memory_space<vmem>>, vector<16xi32>,
        %swap3A_1520 = vector.shape_cast %swap3A_1519 : vector<16xi32> to vector<16xi32>
        %swap3A_1521 = vector.shape_cast %add3A_1517 : vector<16xi32> to vector<16xi32>
        tpu.vector_store %arg17[%swap3A_1518], %swap3A_1521 {strides = array<i32>} : memref<400xi32, #tpu.memory_space<vmem>>, vector<16xi32>,
        %get3A_1522 = arith.constant 192 : index
        %get3A_1523 = tpu.vector_load %arg6[%get3A_1522] {strides = array<i32>} : memref<400xi32, #tpu.memory_space<vmem>>, vector<16xi32>,
        %get3A_1524 = vector.shape_cast %get3A_1523 : vector<16xi32> to vector<16xi32>
        %add3A_1525 = arith.constant 192 : i32
        %add3A_1526 = arith.addi %mul3A_13, %add3A_1525 : i32
        %broadcast_in_dim3A_1527 = vector.broadcast %add3A_1526 : i32 to vector<16xi32>
        %iota3A_1528 = tpu.iota {dimensions = array<i32: 0>} : vector<16xi32>
        %add3A_1529 = arith.addi %broadcast_in_dim3A_1527, %iota3A_1528 : vector<16xi32>
        %broadcast_in_dim3A_1530 = arith.constant 0 : i32
        %broadcast_in_dim3A_1531 = vector.broadcast %broadcast_in_dim3A_1530 : i32 to vector<16xi32>
        %eq3A_1532 = arith.cmpi eq, %get3A_1524, %broadcast_in_dim3A_1531 : vector<16xi32>
        %broadcast_in_dim3A_1533 = arith.constant 1 : i32
        %broadcast_in_dim3A_1534 = vector.broadcast %broadcast_in_dim3A_1533 : i32 to vector<16xi32>
        %broadcast_in_dim3A_1535 = arith.constant 0 : i32
        %broadcast_in_dim3A_1536 = vector.broadcast %broadcast_in_dim3A_1535 : i32 to vector<16xi32>
        %select_n3A_1537 = arith.select %eq3A_1532, %broadcast_in_dim3A_1534, %broadcast_in_dim3A_1536 : vector<16xi1>, vector<16xi32>
        %mul3A_1538 = arith.muli %select_n3A_1537, %broadcast_in_dim3A_14 : vector<16xi32>
        %add3A_1539 = arith.addi %mul3A_1538, %add3A_1529 : vector<16xi32>
        %swap3A_1540 = arith.constant 192 : index
        %swap3A_1541 = tpu.vector_load %arg9[%swap3A_1540] {strides = array<i32>} : memref<400xi32, #tpu.memory_space<vmem>>, vector<16xi32>,
        %swap3A_1542 = vector.shape_cast %swap3A_1541 : vector<16xi32> to vector<16xi32>
        %swap3A_1543 = vector.shape_cast %add3A_1539 : vector<16xi32> to vector<16xi32>
        tpu.vector_store %arg9[%swap3A_1540], %swap3A_1543 {strides = array<i32>} : memref<400xi32, #tpu.memory_space<vmem>>, vector<16xi32>,
        %broadcast_in_dim3A_1544 = arith.constant 1 : i32
        %broadcast_in_dim3A_1545 = vector.broadcast %broadcast_in_dim3A_1544 : i32 to vector<16xi32>
        %eq3A_1546 = arith.cmpi eq, %get3A_1524, %broadcast_in_dim3A_1545 : vector<16xi32>
        %broadcast_in_dim3A_1547 = arith.constant 2 : i32
        %broadcast_in_dim3A_1548 = vector.broadcast %broadcast_in_dim3A_1547 : i32 to vector<16xi32>
        %broadcast_in_dim3A_1549 = arith.constant 1 : i32
        %broadcast_in_dim3A_1550 = vector.broadcast %broadcast_in_dim3A_1549 : i32 to vector<16xi32>
        %select_n3A_1551 = arith.select %eq3A_1546, %broadcast_in_dim3A_1548, %broadcast_in_dim3A_1550 : vector<16xi1>, vector<16xi32>
        %mul3A_1552 = arith.muli %select_n3A_1551, %broadcast_in_dim3A_14 : vector<16xi32>
        %add3A_1553 = arith.addi %mul3A_1552, %add3A_1529 : vector<16xi32>
        %swap3A_1554 = arith.constant 192 : index
        %swap3A_1555 = tpu.vector_load %arg10[%swap3A_1554] {strides = array<i32>} : memref<400xi32, #tpu.memory_space<vmem>>, vector<16xi32>,
        %swap3A_1556 = vector.shape_cast %swap3A_1555 : vector<16xi32> to vector<16xi32>
        %swap3A_1557 = vector.shape_cast %add3A_1553 : vector<16xi32> to vector<16xi32>
        tpu.vector_store %arg10[%swap3A_1554], %swap3A_1557 {strides = array<i32>} : memref<400xi32, #tpu.memory_space<vmem>>, vector<16xi32>,
        %broadcast_in_dim3A_1558 = arith.constant 2 : i32
        %broadcast_in_dim3A_1559 = vector.broadcast %broadcast_in_dim3A_1558 : i32 to vector<16xi32>
        %eq3A_1560 = arith.cmpi eq, %get3A_1524, %broadcast_in_dim3A_1559 : vector<16xi32>
        %broadcast_in_dim3A_1561 = arith.constant 3 : i32
        %broadcast_in_dim3A_1562 = vector.broadcast %broadcast_in_dim3A_1561 : i32 to vector<16xi32>
        %broadcast_in_dim3A_1563 = arith.constant 2 : i32
        %broadcast_in_dim3A_1564 = vector.broadcast %broadcast_in_dim3A_1563 : i32 to vector<16xi32>
        %select_n3A_1565 = arith.select %eq3A_1560, %broadcast_in_dim3A_1562, %broadcast_in_dim3A_1564 : vector<16xi1>, vector<16xi32>
        %mul3A_1566 = arith.muli %select_n3A_1565, %broadcast_in_dim3A_14 : vector<16xi32>
        %add3A_1567 = arith.addi %mul3A_1566, %add3A_1529 : vector<16xi32>
        %swap3A_1568 = arith.constant 192 : index
        %swap3A_1569 = tpu.vector_load %arg11[%swap3A_1568] {strides = array<i32>} : memref<400xi32, #tpu.memory_space<vmem>>, vector<16xi32>,
        %swap3A_1570 = vector.shape_cast %swap3A_1569 : vector<16xi32> to vector<16xi32>
        %swap3A_1571 = vector.shape_cast %add3A_1567 : vector<16xi32> to vector<16xi32>
        tpu.vector_store %arg11[%swap3A_1568], %swap3A_1571 {strides = array<i32>} : memref<400xi32, #tpu.memory_space<vmem>>, vector<16xi32>,
        %broadcast_in_dim3A_1572 = arith.constant 3 : i32
        %broadcast_in_dim3A_1573 = vector.broadcast %broadcast_in_dim3A_1572 : i32 to vector<16xi32>
        %eq3A_1574 = arith.cmpi eq, %get3A_1524, %broadcast_in_dim3A_1573 : vector<16xi32>
        %broadcast_in_dim3A_1575 = arith.constant 4 : i32
        %broadcast_in_dim3A_1576 = vector.broadcast %broadcast_in_dim3A_1575 : i32 to vector<16xi32>
        %broadcast_in_dim3A_1577 = arith.constant 3 : i32
        %broadcast_in_dim3A_1578 = vector.broadcast %broadcast_in_dim3A_1577 : i32 to vector<16xi32>
        %select_n3A_1579 = arith.select %eq3A_1574, %broadcast_in_dim3A_1576, %broadcast_in_dim3A_1578 : vector<16xi1>, vector<16xi32>
        %mul3A_1580 = arith.muli %select_n3A_1579, %broadcast_in_dim3A_14 : vector<16xi32>
        %add3A_1581 = arith.addi %mul3A_1580, %add3A_1529 : vector<16xi32>
        %swap3A_1582 = arith.constant 192 : index
        %swap3A_1583 = tpu.vector_load %arg12[%swap3A_1582] {strides = array<i32>} : memref<400xi32, #tpu.memory_space<vmem>>, vector<16xi32>,
        %swap3A_1584 = vector.shape_cast %swap3A_1583 : vector<16xi32> to vector<16xi32>
        %swap3A_1585 = vector.shape_cast %add3A_1581 : vector<16xi32> to vector<16xi32>
        tpu.vector_store %arg12[%swap3A_1582], %swap3A_1585 {strides = array<i32>} : memref<400xi32, #tpu.memory_space<vmem>>, vector<16xi32>,
        %broadcast_in_dim3A_1586 = arith.constant 4 : i32
        %broadcast_in_dim3A_1587 = vector.broadcast %broadcast_in_dim3A_1586 : i32 to vector<16xi32>
        %eq3A_1588 = arith.cmpi eq, %get3A_1524, %broadcast_in_dim3A_1587 : vector<16xi32>
        %broadcast_in_dim3A_1589 = arith.constant 5 : i32
        %broadcast_in_dim3A_1590 = vector.broadcast %broadcast_in_dim3A_1589 : i32 to vector<16xi32>
        %broadcast_in_dim3A_1591 = arith.constant 4 : i32
        %broadcast_in_dim3A_1592 = vector.broadcast %broadcast_in_dim3A_1591 : i32 to vector<16xi32>
        %select_n3A_1593 = arith.select %eq3A_1588, %broadcast_in_dim3A_1590, %broadcast_in_dim3A_1592 : vector<16xi1>, vector<16xi32>
        %mul3A_1594 = arith.muli %select_n3A_1593, %broadcast_in_dim3A_14 : vector<16xi32>
        %add3A_1595 = arith.addi %mul3A_1594, %add3A_1529 : vector<16xi32>
        %swap3A_1596 = arith.constant 192 : index
        %swap3A_1597 = tpu.vector_load %arg13[%swap3A_1596] {strides = array<i32>} : memref<400xi32, #tpu.memory_space<vmem>>, vector<16xi32>,
        %swap3A_1598 = vector.shape_cast %swap3A_1597 : vector<16xi32> to vector<16xi32>
        %swap3A_1599 = vector.shape_cast %add3A_1595 : vector<16xi32> to vector<16xi32>
        tpu.vector_store %arg13[%swap3A_1596], %swap3A_1599 {strides = array<i32>} : memref<400xi32, #tpu.memory_space<vmem>>, vector<16xi32>,
        %broadcast_in_dim3A_1600 = arith.constant 5 : i32
        %broadcast_in_dim3A_1601 = vector.broadcast %broadcast_in_dim3A_1600 : i32 to vector<16xi32>
        %eq3A_1602 = arith.cmpi eq, %get3A_1524, %broadcast_in_dim3A_1601 : vector<16xi32>
        %broadcast_in_dim3A_1603 = arith.constant 6 : i32
        %broadcast_in_dim3A_1604 = vector.broadcast %broadcast_in_dim3A_1603 : i32 to vector<16xi32>
        %broadcast_in_dim3A_1605 = arith.constant 5 : i32
        %broadcast_in_dim3A_1606 = vector.broadcast %broadcast_in_dim3A_1605 : i32 to vector<16xi32>
        %select_n3A_1607 = arith.select %eq3A_1602, %broadcast_in_dim3A_1604, %broadcast_in_dim3A_1606 : vector<16xi1>, vector<16xi32>
        %mul3A_1608 = arith.muli %select_n3A_1607, %broadcast_in_dim3A_14 : vector<16xi32>
        %add3A_1609 = arith.addi %mul3A_1608, %add3A_1529 : vector<16xi32>
        %swap3A_1610 = arith.constant 192 : index
        %swap3A_1611 = tpu.vector_load %arg14[%swap3A_1610] {strides = array<i32>} : memref<400xi32, #tpu.memory_space<vmem>>, vector<16xi32>,
        %swap3A_1612 = vector.shape_cast %swap3A_1611 : vector<16xi32> to vector<16xi32>
        %swap3A_1613 = vector.shape_cast %add3A_1609 : vector<16xi32> to vector<16xi32>
        tpu.vector_store %arg14[%swap3A_1610], %swap3A_1613 {strides = array<i32>} : memref<400xi32, #tpu.memory_space<vmem>>, vector<16xi32>,
        %broadcast_in_dim3A_1614 = arith.constant 6 : i32
        %broadcast_in_dim3A_1615 = vector.broadcast %broadcast_in_dim3A_1614 : i32 to vector<16xi32>
        %eq3A_1616 = arith.cmpi eq, %get3A_1524, %broadcast_in_dim3A_1615 : vector<16xi32>
        %broadcast_in_dim3A_1617 = arith.constant 7 : i32
        %broadcast_in_dim3A_1618 = vector.broadcast %broadcast_in_dim3A_1617 : i32 to vector<16xi32>
        %broadcast_in_dim3A_1619 = arith.constant 6 : i32
        %broadcast_in_dim3A_1620 = vector.broadcast %broadcast_in_dim3A_1619 : i32 to vector<16xi32>
        %select_n3A_1621 = arith.select %eq3A_1616, %broadcast_in_dim3A_1618, %broadcast_in_dim3A_1620 : vector<16xi1>, vector<16xi32>
        %mul3A_1622 = arith.muli %select_n3A_1621, %broadcast_in_dim3A_14 : vector<16xi32>
        %add3A_1623 = arith.addi %mul3A_1622, %add3A_1529 : vector<16xi32>
        %swap3A_1624 = arith.constant 192 : index
        %swap3A_1625 = tpu.vector_load %arg15[%swap3A_1624] {strides = array<i32>} : memref<400xi32, #tpu.memory_space<vmem>>, vector<16xi32>,
        %swap3A_1626 = vector.shape_cast %swap3A_1625 : vector<16xi32> to vector<16xi32>
        %swap3A_1627 = vector.shape_cast %add3A_1623 : vector<16xi32> to vector<16xi32>
        tpu.vector_store %arg15[%swap3A_1624], %swap3A_1627 {strides = array<i32>} : memref<400xi32, #tpu.memory_space<vmem>>, vector<16xi32>,
        %broadcast_in_dim3A_1628 = arith.constant 7 : i32
        %broadcast_in_dim3A_1629 = vector.broadcast %broadcast_in_dim3A_1628 : i32 to vector<16xi32>
        %eq3A_1630 = arith.cmpi eq, %get3A_1524, %broadcast_in_dim3A_1629 : vector<16xi32>
        %broadcast_in_dim3A_1631 = arith.constant 0 : i32
        %broadcast_in_dim3A_1632 = vector.broadcast %broadcast_in_dim3A_1631 : i32 to vector<16xi32>
        %broadcast_in_dim3A_1633 = arith.constant 7 : i32
        %broadcast_in_dim3A_1634 = vector.broadcast %broadcast_in_dim3A_1633 : i32 to vector<16xi32>
        %select_n3A_1635 = arith.select %eq3A_1630, %broadcast_in_dim3A_1632, %broadcast_in_dim3A_1634 : vector<16xi1>, vector<16xi32>
        %mul3A_1636 = arith.muli %select_n3A_1635, %broadcast_in_dim3A_14 : vector<16xi32>
        %add3A_1637 = arith.addi %mul3A_1636, %add3A_1529 : vector<16xi32>
        %swap3A_1638 = arith.constant 192 : index
        %swap3A_1639 = tpu.vector_load %arg16[%swap3A_1638] {strides = array<i32>} : memref<400xi32, #tpu.memory_space<vmem>>, vector<16xi32>,
        %swap3A_1640 = vector.shape_cast %swap3A_1639 : vector<16xi32> to vector<16xi32>
        %swap3A_1641 = vector.shape_cast %add3A_1637 : vector<16xi32> to vector<16xi32>
        tpu.vector_store %arg16[%swap3A_1638], %swap3A_1641 {strides = array<i32>} : memref<400xi32, #tpu.memory_space<vmem>>, vector<16xi32>,
        %mul3A_1642 = arith.muli %get3A_1524, %broadcast_in_dim3A_14 : vector<16xi32>
        %add3A_1643 = arith.addi %mul3A_1642, %add3A_1529 : vector<16xi32>
        %swap3A_1644 = arith.constant 192 : index
        %swap3A_1645 = tpu.vector_load %arg17[%swap3A_1644] {strides = array<i32>} : memref<400xi32, #tpu.memory_space<vmem>>, vector<16xi32>,
        %swap3A_1646 = vector.shape_cast %swap3A_1645 : vector<16xi32> to vector<16xi32>
        %swap3A_1647 = vector.shape_cast %add3A_1643 : vector<16xi32> to vector<16xi32>
        tpu.vector_store %arg17[%swap3A_1644], %swap3A_1647 {strides = array<i32>} : memref<400xi32, #tpu.memory_space<vmem>>, vector<16xi32>,
        %get3A_1648 = arith.constant 208 : index
        %get3A_1649 = tpu.vector_load %arg6[%get3A_1648] {strides = array<i32>} : memref<400xi32, #tpu.memory_space<vmem>>, vector<16xi32>,
        %get3A_1650 = vector.shape_cast %get3A_1649 : vector<16xi32> to vector<16xi32>
        %add3A_1651 = arith.constant 208 : i32
        %add3A_1652 = arith.addi %mul3A_13, %add3A_1651 : i32
        %broadcast_in_dim3A_1653 = vector.broadcast %add3A_1652 : i32 to vector<16xi32>
        %iota3A_1654 = tpu.iota {dimensions = array<i32: 0>} : vector<16xi32>
        %add3A_1655 = arith.addi %broadcast_in_dim3A_1653, %iota3A_1654 : vector<16xi32>
        %broadcast_in_dim3A_1656 = arith.constant 0 : i32
        %broadcast_in_dim3A_1657 = vector.broadcast %broadcast_in_dim3A_1656 : i32 to vector<16xi32>
        %eq3A_1658 = arith.cmpi eq, %get3A_1650, %broadcast_in_dim3A_1657 : vector<16xi32>
        %broadcast_in_dim3A_1659 = arith.constant 1 : i32
        %broadcast_in_dim3A_1660 = vector.broadcast %broadcast_in_dim3A_1659 : i32 to vector<16xi32>
        %broadcast_in_dim3A_1661 = arith.constant 0 : i32
        %broadcast_in_dim3A_1662 = vector.broadcast %broadcast_in_dim3A_1661 : i32 to vector<16xi32>
        %select_n3A_1663 = arith.select %eq3A_1658, %broadcast_in_dim3A_1660, %broadcast_in_dim3A_1662 : vector<16xi1>, vector<16xi32>
        %mul3A_1664 = arith.muli %select_n3A_1663, %broadcast_in_dim3A_14 : vector<16xi32>
        %add3A_1665 = arith.addi %mul3A_1664, %add3A_1655 : vector<16xi32>
        %swap3A_1666 = arith.constant 208 : index
        %swap3A_1667 = tpu.vector_load %arg9[%swap3A_1666] {strides = array<i32>} : memref<400xi32, #tpu.memory_space<vmem>>, vector<16xi32>,
        %swap3A_1668 = vector.shape_cast %swap3A_1667 : vector<16xi32> to vector<16xi32>
        %swap3A_1669 = vector.shape_cast %add3A_1665 : vector<16xi32> to vector<16xi32>
        tpu.vector_store %arg9[%swap3A_1666], %swap3A_1669 {strides = array<i32>} : memref<400xi32, #tpu.memory_space<vmem>>, vector<16xi32>,
        %broadcast_in_dim3A_1670 = arith.constant 1 : i32
        %broadcast_in_dim3A_1671 = vector.broadcast %broadcast_in_dim3A_1670 : i32 to vector<16xi32>
        %eq3A_1672 = arith.cmpi eq, %get3A_1650, %broadcast_in_dim3A_1671 : vector<16xi32>
        %broadcast_in_dim3A_1673 = arith.constant 2 : i32
        %broadcast_in_dim3A_1674 = vector.broadcast %broadcast_in_dim3A_1673 : i32 to vector<16xi32>
        %broadcast_in_dim3A_1675 = arith.constant 1 : i32
        %broadcast_in_dim3A_1676 = vector.broadcast %broadcast_in_dim3A_1675 : i32 to vector<16xi32>
        %select_n3A_1677 = arith.select %eq3A_1672, %broadcast_in_dim3A_1674, %broadcast_in_dim3A_1676 : vector<16xi1>, vector<16xi32>
        %mul3A_1678 = arith.muli %select_n3A_1677, %broadcast_in_dim3A_14 : vector<16xi32>
        %add3A_1679 = arith.addi %mul3A_1678, %add3A_1655 : vector<16xi32>
        %swap3A_1680 = arith.constant 208 : index
        %swap3A_1681 = tpu.vector_load %arg10[%swap3A_1680] {strides = array<i32>} : memref<400xi32, #tpu.memory_space<vmem>>, vector<16xi32>,
        %swap3A_1682 = vector.shape_cast %swap3A_1681 : vector<16xi32> to vector<16xi32>
        %swap3A_1683 = vector.shape_cast %add3A_1679 : vector<16xi32> to vector<16xi32>
        tpu.vector_store %arg10[%swap3A_1680], %swap3A_1683 {strides = array<i32>} : memref<400xi32, #tpu.memory_space<vmem>>, vector<16xi32>,
        %broadcast_in_dim3A_1684 = arith.constant 2 : i32
        %broadcast_in_dim3A_1685 = vector.broadcast %broadcast_in_dim3A_1684 : i32 to vector<16xi32>
        %eq3A_1686 = arith.cmpi eq, %get3A_1650, %broadcast_in_dim3A_1685 : vector<16xi32>
        %broadcast_in_dim3A_1687 = arith.constant 3 : i32
        %broadcast_in_dim3A_1688 = vector.broadcast %broadcast_in_dim3A_1687 : i32 to vector<16xi32>
        %broadcast_in_dim3A_1689 = arith.constant 2 : i32
        %broadcast_in_dim3A_1690 = vector.broadcast %broadcast_in_dim3A_1689 : i32 to vector<16xi32>
        %select_n3A_1691 = arith.select %eq3A_1686, %broadcast_in_dim3A_1688, %broadcast_in_dim3A_1690 : vector<16xi1>, vector<16xi32>
        %mul3A_1692 = arith.muli %select_n3A_1691, %broadcast_in_dim3A_14 : vector<16xi32>
        %add3A_1693 = arith.addi %mul3A_1692, %add3A_1655 : vector<16xi32>
        %swap3A_1694 = arith.constant 208 : index
        %swap3A_1695 = tpu.vector_load %arg11[%swap3A_1694] {strides = array<i32>} : memref<400xi32, #tpu.memory_space<vmem>>, vector<16xi32>,
        %swap3A_1696 = vector.shape_cast %swap3A_1695 : vector<16xi32> to vector<16xi32>
        %swap3A_1697 = vector.shape_cast %add3A_1693 : vector<16xi32> to vector<16xi32>
        tpu.vector_store %arg11[%swap3A_1694], %swap3A_1697 {strides = array<i32>} : memref<400xi32, #tpu.memory_space<vmem>>, vector<16xi32>,
        %broadcast_in_dim3A_1698 = arith.constant 3 : i32
        %broadcast_in_dim3A_1699 = vector.broadcast %broadcast_in_dim3A_1698 : i32 to vector<16xi32>
        %eq3A_1700 = arith.cmpi eq, %get3A_1650, %broadcast_in_dim3A_1699 : vector<16xi32>
        %broadcast_in_dim3A_1701 = arith.constant 4 : i32
        %broadcast_in_dim3A_1702 = vector.broadcast %broadcast_in_dim3A_1701 : i32 to vector<16xi32>
        %broadcast_in_dim3A_1703 = arith.constant 3 : i32
        %broadcast_in_dim3A_1704 = vector.broadcast %broadcast_in_dim3A_1703 : i32 to vector<16xi32>
        %select_n3A_1705 = arith.select %eq3A_1700, %broadcast_in_dim3A_1702, %broadcast_in_dim3A_1704 : vector<16xi1>, vector<16xi32>
        %mul3A_1706 = arith.muli %select_n3A_1705, %broadcast_in_dim3A_14 : vector<16xi32>
        %add3A_1707 = arith.addi %mul3A_1706, %add3A_1655 : vector<16xi32>
        %swap3A_1708 = arith.constant 208 : index
        %swap3A_1709 = tpu.vector_load %arg12[%swap3A_1708] {strides = array<i32>} : memref<400xi32, #tpu.memory_space<vmem>>, vector<16xi32>,
        %swap3A_1710 = vector.shape_cast %swap3A_1709 : vector<16xi32> to vector<16xi32>
        %swap3A_1711 = vector.shape_cast %add3A_1707 : vector<16xi32> to vector<16xi32>
        tpu.vector_store %arg12[%swap3A_1708], %swap3A_1711 {strides = array<i32>} : memref<400xi32, #tpu.memory_space<vmem>>, vector<16xi32>,
        %broadcast_in_dim3A_1712 = arith.constant 4 : i32
        %broadcast_in_dim3A_1713 = vector.broadcast %broadcast_in_dim3A_1712 : i32 to vector<16xi32>
        %eq3A_1714 = arith.cmpi eq, %get3A_1650, %broadcast_in_dim3A_1713 : vector<16xi32>
        %broadcast_in_dim3A_1715 = arith.constant 5 : i32
        %broadcast_in_dim3A_1716 = vector.broadcast %broadcast_in_dim3A_1715 : i32 to vector<16xi32>
        %broadcast_in_dim3A_1717 = arith.constant 4 : i32
        %broadcast_in_dim3A_1718 = vector.broadcast %broadcast_in_dim3A_1717 : i32 to vector<16xi32>
        %select_n3A_1719 = arith.select %eq3A_1714, %broadcast_in_dim3A_1716, %broadcast_in_dim3A_1718 : vector<16xi1>, vector<16xi32>
        %mul3A_1720 = arith.muli %select_n3A_1719, %broadcast_in_dim3A_14 : vector<16xi32>
        %add3A_1721 = arith.addi %mul3A_1720, %add3A_1655 : vector<16xi32>
        %swap3A_1722 = arith.constant 208 : index
        %swap3A_1723 = tpu.vector_load %arg13[%swap3A_1722] {strides = array<i32>} : memref<400xi32, #tpu.memory_space<vmem>>, vector<16xi32>,
        %swap3A_1724 = vector.shape_cast %swap3A_1723 : vector<16xi32> to vector<16xi32>
        %swap3A_1725 = vector.shape_cast %add3A_1721 : vector<16xi32> to vector<16xi32>
        tpu.vector_store %arg13[%swap3A_1722], %swap3A_1725 {strides = array<i32>} : memref<400xi32, #tpu.memory_space<vmem>>, vector<16xi32>,
        %broadcast_in_dim3A_1726 = arith.constant 5 : i32
        %broadcast_in_dim3A_1727 = vector.broadcast %broadcast_in_dim3A_1726 : i32 to vector<16xi32>
        %eq3A_1728 = arith.cmpi eq, %get3A_1650, %broadcast_in_dim3A_1727 : vector<16xi32>
        %broadcast_in_dim3A_1729 = arith.constant 6 : i32
        %broadcast_in_dim3A_1730 = vector.broadcast %broadcast_in_dim3A_1729 : i32 to vector<16xi32>
        %broadcast_in_dim3A_1731 = arith.constant 5 : i32
        %broadcast_in_dim3A_1732 = vector.broadcast %broadcast_in_dim3A_1731 : i32 to vector<16xi32>
        %select_n3A_1733 = arith.select %eq3A_1728, %broadcast_in_dim3A_1730, %broadcast_in_dim3A_1732 : vector<16xi1>, vector<16xi32>
        %mul3A_1734 = arith.muli %select_n3A_1733, %broadcast_in_dim3A_14 : vector<16xi32>
        %add3A_1735 = arith.addi %mul3A_1734, %add3A_1655 : vector<16xi32>
        %swap3A_1736 = arith.constant 208 : index
        %swap3A_1737 = tpu.vector_load %arg14[%swap3A_1736] {strides = array<i32>} : memref<400xi32, #tpu.memory_space<vmem>>, vector<16xi32>,
        %swap3A_1738 = vector.shape_cast %swap3A_1737 : vector<16xi32> to vector<16xi32>
        %swap3A_1739 = vector.shape_cast %add3A_1735 : vector<16xi32> to vector<16xi32>
        tpu.vector_store %arg14[%swap3A_1736], %swap3A_1739 {strides = array<i32>} : memref<400xi32, #tpu.memory_space<vmem>>, vector<16xi32>,
        %broadcast_in_dim3A_1740 = arith.constant 6 : i32
        %broadcast_in_dim3A_1741 = vector.broadcast %broadcast_in_dim3A_1740 : i32 to vector<16xi32>
        %eq3A_1742 = arith.cmpi eq, %get3A_1650, %broadcast_in_dim3A_1741 : vector<16xi32>
        %broadcast_in_dim3A_1743 = arith.constant 7 : i32
        %broadcast_in_dim3A_1744 = vector.broadcast %broadcast_in_dim3A_1743 : i32 to vector<16xi32>
        %broadcast_in_dim3A_1745 = arith.constant 6 : i32
        %broadcast_in_dim3A_1746 = vector.broadcast %broadcast_in_dim3A_1745 : i32 to vector<16xi32>
        %select_n3A_1747 = arith.select %eq3A_1742, %broadcast_in_dim3A_1744, %broadcast_in_dim3A_1746 : vector<16xi1>, vector<16xi32>
        %mul3A_1748 = arith.muli %select_n3A_1747, %broadcast_in_dim3A_14 : vector<16xi32>
        %add3A_1749 = arith.addi %mul3A_1748, %add3A_1655 : vector<16xi32>
        %swap3A_1750 = arith.constant 208 : index
        %swap3A_1751 = tpu.vector_load %arg15[%swap3A_1750] {strides = array<i32>} : memref<400xi32, #tpu.memory_space<vmem>>, vector<16xi32>,
        %swap3A_1752 = vector.shape_cast %swap3A_1751 : vector<16xi32> to vector<16xi32>
        %swap3A_1753 = vector.shape_cast %add3A_1749 : vector<16xi32> to vector<16xi32>
        tpu.vector_store %arg15[%swap3A_1750], %swap3A_1753 {strides = array<i32>} : memref<400xi32, #tpu.memory_space<vmem>>, vector<16xi32>,
        %broadcast_in_dim3A_1754 = arith.constant 7 : i32
        %broadcast_in_dim3A_1755 = vector.broadcast %broadcast_in_dim3A_1754 : i32 to vector<16xi32>
        %eq3A_1756 = arith.cmpi eq, %get3A_1650, %broadcast_in_dim3A_1755 : vector<16xi32>
        %broadcast_in_dim3A_1757 = arith.constant 0 : i32
        %broadcast_in_dim3A_1758 = vector.broadcast %broadcast_in_dim3A_1757 : i32 to vector<16xi32>
        %broadcast_in_dim3A_1759 = arith.constant 7 : i32
        %broadcast_in_dim3A_1760 = vector.broadcast %broadcast_in_dim3A_1759 : i32 to vector<16xi32>
        %select_n3A_1761 = arith.select %eq3A_1756, %broadcast_in_dim3A_1758, %broadcast_in_dim3A_1760 : vector<16xi1>, vector<16xi32>
        %mul3A_1762 = arith.muli %select_n3A_1761, %broadcast_in_dim3A_14 : vector<16xi32>
        %add3A_1763 = arith.addi %mul3A_1762, %add3A_1655 : vector<16xi32>
        %swap3A_1764 = arith.constant 208 : index
        %swap3A_1765 = tpu.vector_load %arg16[%swap3A_1764] {strides = array<i32>} : memref<400xi32, #tpu.memory_space<vmem>>, vector<16xi32>,
        %swap3A_1766 = vector.shape_cast %swap3A_1765 : vector<16xi32> to vector<16xi32>
        %swap3A_1767 = vector.shape_cast %add3A_1763 : vector<16xi32> to vector<16xi32>
        tpu.vector_store %arg16[%swap3A_1764], %swap3A_1767 {strides = array<i32>} : memref<400xi32, #tpu.memory_space<vmem>>, vector<16xi32>,
        %mul3A_1768 = arith.muli %get3A_1650, %broadcast_in_dim3A_14 : vector<16xi32>
        %add3A_1769 = arith.addi %mul3A_1768, %add3A_1655 : vector<16xi32>
        %swap3A_1770 = arith.constant 208 : index
        %swap3A_1771 = tpu.vector_load %arg17[%swap3A_1770] {strides = array<i32>} : memref<400xi32, #tpu.memory_space<vmem>>, vector<16xi32>,
        %swap3A_1772 = vector.shape_cast %swap3A_1771 : vector<16xi32> to vector<16xi32>
        %swap3A_1773 = vector.shape_cast %add3A_1769 : vector<16xi32> to vector<16xi32>
        tpu.vector_store %arg17[%swap3A_1770], %swap3A_1773 {strides = array<i32>} : memref<400xi32, #tpu.memory_space<vmem>>, vector<16xi32>,
        %get3A_1774 = arith.constant 224 : index
        %get3A_1775 = tpu.vector_load %arg6[%get3A_1774] {strides = array<i32>} : memref<400xi32, #tpu.memory_space<vmem>>, vector<16xi32>,
        %get3A_1776 = vector.shape_cast %get3A_1775 : vector<16xi32> to vector<16xi32>
        %add3A_1777 = arith.constant 224 : i32
        %add3A_1778 = arith.addi %mul3A_13, %add3A_1777 : i32
        %broadcast_in_dim3A_1779 = vector.broadcast %add3A_1778 : i32 to vector<16xi32>
        %iota3A_1780 = tpu.iota {dimensions = array<i32: 0>} : vector<16xi32>
        %add3A_1781 = arith.addi %broadcast_in_dim3A_1779, %iota3A_1780 : vector<16xi32>
        %broadcast_in_dim3A_1782 = arith.constant 0 : i32
        %broadcast_in_dim3A_1783 = vector.broadcast %broadcast_in_dim3A_1782 : i32 to vector<16xi32>
        %eq3A_1784 = arith.cmpi eq, %get3A_1776, %broadcast_in_dim3A_1783 : vector<16xi32>
        %broadcast_in_dim3A_1785 = arith.constant 1 : i32
        %broadcast_in_dim3A_1786 = vector.broadcast %broadcast_in_dim3A_1785 : i32 to vector<16xi32>
        %broadcast_in_dim3A_1787 = arith.constant 0 : i32
        %broadcast_in_dim3A_1788 = vector.broadcast %broadcast_in_dim3A_1787 : i32 to vector<16xi32>
        %select_n3A_1789 = arith.select %eq3A_1784, %broadcast_in_dim3A_1786, %broadcast_in_dim3A_1788 : vector<16xi1>, vector<16xi32>
        %mul3A_1790 = arith.muli %select_n3A_1789, %broadcast_in_dim3A_14 : vector<16xi32>
        %add3A_1791 = arith.addi %mul3A_1790, %add3A_1781 : vector<16xi32>
        %swap3A_1792 = arith.constant 224 : index
        %swap3A_1793 = tpu.vector_load %arg9[%swap3A_1792] {strides = array<i32>} : memref<400xi32, #tpu.memory_space<vmem>>, vector<16xi32>,
        %swap3A_1794 = vector.shape_cast %swap3A_1793 : vector<16xi32> to vector<16xi32>
        %swap3A_1795 = vector.shape_cast %add3A_1791 : vector<16xi32> to vector<16xi32>
        tpu.vector_store %arg9[%swap3A_1792], %swap3A_1795 {strides = array<i32>} : memref<400xi32, #tpu.memory_space<vmem>>, vector<16xi32>,
        %broadcast_in_dim3A_1796 = arith.constant 1 : i32
        %broadcast_in_dim3A_1797 = vector.broadcast %broadcast_in_dim3A_1796 : i32 to vector<16xi32>
        %eq3A_1798 = arith.cmpi eq, %get3A_1776, %broadcast_in_dim3A_1797 : vector<16xi32>
        %broadcast_in_dim3A_1799 = arith.constant 2 : i32
        %broadcast_in_dim3A_1800 = vector.broadcast %broadcast_in_dim3A_1799 : i32 to vector<16xi32>
        %broadcast_in_dim3A_1801 = arith.constant 1 : i32
        %broadcast_in_dim3A_1802 = vector.broadcast %broadcast_in_dim3A_1801 : i32 to vector<16xi32>
        %select_n3A_1803 = arith.select %eq3A_1798, %broadcast_in_dim3A_1800, %broadcast_in_dim3A_1802 : vector<16xi1>, vector<16xi32>
        %mul3A_1804 = arith.muli %select_n3A_1803, %broadcast_in_dim3A_14 : vector<16xi32>
        %add3A_1805 = arith.addi %mul3A_1804, %add3A_1781 : vector<16xi32>
        %swap3A_1806 = arith.constant 224 : index
        %swap3A_1807 = tpu.vector_load %arg10[%swap3A_1806] {strides = array<i32>} : memref<400xi32, #tpu.memory_space<vmem>>, vector<16xi32>,
        %swap3A_1808 = vector.shape_cast %swap3A_1807 : vector<16xi32> to vector<16xi32>
        %swap3A_1809 = vector.shape_cast %add3A_1805 : vector<16xi32> to vector<16xi32>
        tpu.vector_store %arg10[%swap3A_1806], %swap3A_1809 {strides = array<i32>} : memref<400xi32, #tpu.memory_space<vmem>>, vector<16xi32>,
        %broadcast_in_dim3A_1810 = arith.constant 2 : i32
        %broadcast_in_dim3A_1811 = vector.broadcast %broadcast_in_dim3A_1810 : i32 to vector<16xi32>
        %eq3A_1812 = arith.cmpi eq, %get3A_1776, %broadcast_in_dim3A_1811 : vector<16xi32>
        %broadcast_in_dim3A_1813 = arith.constant 3 : i32
        %broadcast_in_dim3A_1814 = vector.broadcast %broadcast_in_dim3A_1813 : i32 to vector<16xi32>
        %broadcast_in_dim3A_1815 = arith.constant 2 : i32
        %broadcast_in_dim3A_1816 = vector.broadcast %broadcast_in_dim3A_1815 : i32 to vector<16xi32>
        %select_n3A_1817 = arith.select %eq3A_1812, %broadcast_in_dim3A_1814, %broadcast_in_dim3A_1816 : vector<16xi1>, vector<16xi32>
        %mul3A_1818 = arith.muli %select_n3A_1817, %broadcast_in_dim3A_14 : vector<16xi32>
        %add3A_1819 = arith.addi %mul3A_1818, %add3A_1781 : vector<16xi32>
        %swap3A_1820 = arith.constant 224 : index
        %swap3A_1821 = tpu.vector_load %arg11[%swap3A_1820] {strides = array<i32>} : memref<400xi32, #tpu.memory_space<vmem>>, vector<16xi32>,
        %swap3A_1822 = vector.shape_cast %swap3A_1821 : vector<16xi32> to vector<16xi32>
        %swap3A_1823 = vector.shape_cast %add3A_1819 : vector<16xi32> to vector<16xi32>
        tpu.vector_store %arg11[%swap3A_1820], %swap3A_1823 {strides = array<i32>} : memref<400xi32, #tpu.memory_space<vmem>>, vector<16xi32>,
        %broadcast_in_dim3A_1824 = arith.constant 3 : i32
        %broadcast_in_dim3A_1825 = vector.broadcast %broadcast_in_dim3A_1824 : i32 to vector<16xi32>
        %eq3A_1826 = arith.cmpi eq, %get3A_1776, %broadcast_in_dim3A_1825 : vector<16xi32>
        %broadcast_in_dim3A_1827 = arith.constant 4 : i32
        %broadcast_in_dim3A_1828 = vector.broadcast %broadcast_in_dim3A_1827 : i32 to vector<16xi32>
        %broadcast_in_dim3A_1829 = arith.constant 3 : i32
        %broadcast_in_dim3A_1830 = vector.broadcast %broadcast_in_dim3A_1829 : i32 to vector<16xi32>
        %select_n3A_1831 = arith.select %eq3A_1826, %broadcast_in_dim3A_1828, %broadcast_in_dim3A_1830 : vector<16xi1>, vector<16xi32>
        %mul3A_1832 = arith.muli %select_n3A_1831, %broadcast_in_dim3A_14 : vector<16xi32>
        %add3A_1833 = arith.addi %mul3A_1832, %add3A_1781 : vector<16xi32>
        %swap3A_1834 = arith.constant 224 : index
        %swap3A_1835 = tpu.vector_load %arg12[%swap3A_1834] {strides = array<i32>} : memref<400xi32, #tpu.memory_space<vmem>>, vector<16xi32>,
        %swap3A_1836 = vector.shape_cast %swap3A_1835 : vector<16xi32> to vector<16xi32>
        %swap3A_1837 = vector.shape_cast %add3A_1833 : vector<16xi32> to vector<16xi32>
        tpu.vector_store %arg12[%swap3A_1834], %swap3A_1837 {strides = array<i32>} : memref<400xi32, #tpu.memory_space<vmem>>, vector<16xi32>,
        %broadcast_in_dim3A_1838 = arith.constant 4 : i32
        %broadcast_in_dim3A_1839 = vector.broadcast %broadcast_in_dim3A_1838 : i32 to vector<16xi32>
        %eq3A_1840 = arith.cmpi eq, %get3A_1776, %broadcast_in_dim3A_1839 : vector<16xi32>
        %broadcast_in_dim3A_1841 = arith.constant 5 : i32
        %broadcast_in_dim3A_1842 = vector.broadcast %broadcast_in_dim3A_1841 : i32 to vector<16xi32>
        %broadcast_in_dim3A_1843 = arith.constant 4 : i32
        %broadcast_in_dim3A_1844 = vector.broadcast %broadcast_in_dim3A_1843 : i32 to vector<16xi32>
        %select_n3A_1845 = arith.select %eq3A_1840, %broadcast_in_dim3A_1842, %broadcast_in_dim3A_1844 : vector<16xi1>, vector<16xi32>
        %mul3A_1846 = arith.muli %select_n3A_1845, %broadcast_in_dim3A_14 : vector<16xi32>
        %add3A_1847 = arith.addi %mul3A_1846, %add3A_1781 : vector<16xi32>
        %swap3A_1848 = arith.constant 224 : index
        %swap3A_1849 = tpu.vector_load %arg13[%swap3A_1848] {strides = array<i32>} : memref<400xi32, #tpu.memory_space<vmem>>, vector<16xi32>,
        %swap3A_1850 = vector.shape_cast %swap3A_1849 : vector<16xi32> to vector<16xi32>
        %swap3A_1851 = vector.shape_cast %add3A_1847 : vector<16xi32> to vector<16xi32>
        tpu.vector_store %arg13[%swap3A_1848], %swap3A_1851 {strides = array<i32>} : memref<400xi32, #tpu.memory_space<vmem>>, vector<16xi32>,
        %broadcast_in_dim3A_1852 = arith.constant 5 : i32
        %broadcast_in_dim3A_1853 = vector.broadcast %broadcast_in_dim3A_1852 : i32 to vector<16xi32>
        %eq3A_1854 = arith.cmpi eq, %get3A_1776, %broadcast_in_dim3A_1853 : vector<16xi32>
        %broadcast_in_dim3A_1855 = arith.constant 6 : i32
        %broadcast_in_dim3A_1856 = vector.broadcast %broadcast_in_dim3A_1855 : i32 to vector<16xi32>
        %broadcast_in_dim3A_1857 = arith.constant 5 : i32
        %broadcast_in_dim3A_1858 = vector.broadcast %broadcast_in_dim3A_1857 : i32 to vector<16xi32>
        %select_n3A_1859 = arith.select %eq3A_1854, %broadcast_in_dim3A_1856, %broadcast_in_dim3A_1858 : vector<16xi1>, vector<16xi32>
        %mul3A_1860 = arith.muli %select_n3A_1859, %broadcast_in_dim3A_14 : vector<16xi32>
        %add3A_1861 = arith.addi %mul3A_1860, %add3A_1781 : vector<16xi32>
        %swap3A_1862 = arith.constant 224 : index
        %swap3A_1863 = tpu.vector_load %arg14[%swap3A_1862] {strides = array<i32>} : memref<400xi32, #tpu.memory_space<vmem>>, vector<16xi32>,
        %swap3A_1864 = vector.shape_cast %swap3A_1863 : vector<16xi32> to vector<16xi32>
        %swap3A_1865 = vector.shape_cast %add3A_1861 : vector<16xi32> to vector<16xi32>
        tpu.vector_store %arg14[%swap3A_1862], %swap3A_1865 {strides = array<i32>} : memref<400xi32, #tpu.memory_space<vmem>>, vector<16xi32>,
        %broadcast_in_dim3A_1866 = arith.constant 6 : i32
        %broadcast_in_dim3A_1867 = vector.broadcast %broadcast_in_dim3A_1866 : i32 to vector<16xi32>
        %eq3A_1868 = arith.cmpi eq, %get3A_1776, %broadcast_in_dim3A_1867 : vector<16xi32>
        %broadcast_in_dim3A_1869 = arith.constant 7 : i32
        %broadcast_in_dim3A_1870 = vector.broadcast %broadcast_in_dim3A_1869 : i32 to vector<16xi32>
        %broadcast_in_dim3A_1871 = arith.constant 6 : i32
        %broadcast_in_dim3A_1872 = vector.broadcast %broadcast_in_dim3A_1871 : i32 to vector<16xi32>
        %select_n3A_1873 = arith.select %eq3A_1868, %broadcast_in_dim3A_1870, %broadcast_in_dim3A_1872 : vector<16xi1>, vector<16xi32>
        %mul3A_1874 = arith.muli %select_n3A_1873, %broadcast_in_dim3A_14 : vector<16xi32>
        %add3A_1875 = arith.addi %mul3A_1874, %add3A_1781 : vector<16xi32>
        %swap3A_1876 = arith.constant 224 : index
        %swap3A_1877 = tpu.vector_load %arg15[%swap3A_1876] {strides = array<i32>} : memref<400xi32, #tpu.memory_space<vmem>>, vector<16xi32>,
        %swap3A_1878 = vector.shape_cast %swap3A_1877 : vector<16xi32> to vector<16xi32>
        %swap3A_1879 = vector.shape_cast %add3A_1875 : vector<16xi32> to vector<16xi32>
        tpu.vector_store %arg15[%swap3A_1876], %swap3A_1879 {strides = array<i32>} : memref<400xi32, #tpu.memory_space<vmem>>, vector<16xi32>,
        %broadcast_in_dim3A_1880 = arith.constant 7 : i32
        %broadcast_in_dim3A_1881 = vector.broadcast %broadcast_in_dim3A_1880 : i32 to vector<16xi32>
        %eq3A_1882 = arith.cmpi eq, %get3A_1776, %broadcast_in_dim3A_1881 : vector<16xi32>
        %broadcast_in_dim3A_1883 = arith.constant 0 : i32
        %broadcast_in_dim3A_1884 = vector.broadcast %broadcast_in_dim3A_1883 : i32 to vector<16xi32>
        %broadcast_in_dim3A_1885 = arith.constant 7 : i32
        %broadcast_in_dim3A_1886 = vector.broadcast %broadcast_in_dim3A_1885 : i32 to vector<16xi32>
        %select_n3A_1887 = arith.select %eq3A_1882, %broadcast_in_dim3A_1884, %broadcast_in_dim3A_1886 : vector<16xi1>, vector<16xi32>
        %mul3A_1888 = arith.muli %select_n3A_1887, %broadcast_in_dim3A_14 : vector<16xi32>
        %add3A_1889 = arith.addi %mul3A_1888, %add3A_1781 : vector<16xi32>
        %swap3A_1890 = arith.constant 224 : index
        %swap3A_1891 = tpu.vector_load %arg16[%swap3A_1890] {strides = array<i32>} : memref<400xi32, #tpu.memory_space<vmem>>, vector<16xi32>,
        %swap3A_1892 = vector.shape_cast %swap3A_1891 : vector<16xi32> to vector<16xi32>
        %swap3A_1893 = vector.shape_cast %add3A_1889 : vector<16xi32> to vector<16xi32>
        tpu.vector_store %arg16[%swap3A_1890], %swap3A_1893 {strides = array<i32>} : memref<400xi32, #tpu.memory_space<vmem>>, vector<16xi32>,
        %mul3A_1894 = arith.muli %get3A_1776, %broadcast_in_dim3A_14 : vector<16xi32>
        %add3A_1895 = arith.addi %mul3A_1894, %add3A_1781 : vector<16xi32>
        %swap3A_1896 = arith.constant 224 : index
        %swap3A_1897 = tpu.vector_load %arg17[%swap3A_1896] {strides = array<i32>} : memref<400xi32, #tpu.memory_space<vmem>>, vector<16xi32>,
        %swap3A_1898 = vector.shape_cast %swap3A_1897 : vector<16xi32> to vector<16xi32>
        %swap3A_1899 = vector.shape_cast %add3A_1895 : vector<16xi32> to vector<16xi32>
        tpu.vector_store %arg17[%swap3A_1896], %swap3A_1899 {strides = array<i32>} : memref<400xi32, #tpu.memory_space<vmem>>, vector<16xi32>,
        %get3A_1900 = arith.constant 240 : index
        %get3A_1901 = tpu.vector_load %arg6[%get3A_1900] {strides = array<i32>} : memref<400xi32, #tpu.memory_space<vmem>>, vector<16xi32>,
        %get3A_1902 = vector.shape_cast %get3A_1901 : vector<16xi32> to vector<16xi32>
        %add3A_1903 = arith.constant 240 : i32
        %add3A_1904 = arith.addi %mul3A_13, %add3A_1903 : i32
        %broadcast_in_dim3A_1905 = vector.broadcast %add3A_1904 : i32 to vector<16xi32>
        %iota3A_1906 = tpu.iota {dimensions = array<i32: 0>} : vector<16xi32>
        %add3A_1907 = arith.addi %broadcast_in_dim3A_1905, %iota3A_1906 : vector<16xi32>
        %broadcast_in_dim3A_1908 = arith.constant 0 : i32
        %broadcast_in_dim3A_1909 = vector.broadcast %broadcast_in_dim3A_1908 : i32 to vector<16xi32>
        %eq3A_1910 = arith.cmpi eq, %get3A_1902, %broadcast_in_dim3A_1909 : vector<16xi32>
        %broadcast_in_dim3A_1911 = arith.constant 1 : i32
        %broadcast_in_dim3A_1912 = vector.broadcast %broadcast_in_dim3A_1911 : i32 to vector<16xi32>
        %broadcast_in_dim3A_1913 = arith.constant 0 : i32
        %broadcast_in_dim3A_1914 = vector.broadcast %broadcast_in_dim3A_1913 : i32 to vector<16xi32>
        %select_n3A_1915 = arith.select %eq3A_1910, %broadcast_in_dim3A_1912, %broadcast_in_dim3A_1914 : vector<16xi1>, vector<16xi32>
        %mul3A_1916 = arith.muli %select_n3A_1915, %broadcast_in_dim3A_14 : vector<16xi32>
        %add3A_1917 = arith.addi %mul3A_1916, %add3A_1907 : vector<16xi32>
        %swap3A_1918 = arith.constant 240 : index
        %swap3A_1919 = tpu.vector_load %arg9[%swap3A_1918] {strides = array<i32>} : memref<400xi32, #tpu.memory_space<vmem>>, vector<16xi32>,
        %swap3A_1920 = vector.shape_cast %swap3A_1919 : vector<16xi32> to vector<16xi32>
        %swap3A_1921 = vector.shape_cast %add3A_1917 : vector<16xi32> to vector<16xi32>
        tpu.vector_store %arg9[%swap3A_1918], %swap3A_1921 {strides = array<i32>} : memref<400xi32, #tpu.memory_space<vmem>>, vector<16xi32>,
        %broadcast_in_dim3A_1922 = arith.constant 1 : i32
        %broadcast_in_dim3A_1923 = vector.broadcast %broadcast_in_dim3A_1922 : i32 to vector<16xi32>
        %eq3A_1924 = arith.cmpi eq, %get3A_1902, %broadcast_in_dim3A_1923 : vector<16xi32>
        %broadcast_in_dim3A_1925 = arith.constant 2 : i32
        %broadcast_in_dim3A_1926 = vector.broadcast %broadcast_in_dim3A_1925 : i32 to vector<16xi32>
        %broadcast_in_dim3A_1927 = arith.constant 1 : i32
        %broadcast_in_dim3A_1928 = vector.broadcast %broadcast_in_dim3A_1927 : i32 to vector<16xi32>
        %select_n3A_1929 = arith.select %eq3A_1924, %broadcast_in_dim3A_1926, %broadcast_in_dim3A_1928 : vector<16xi1>, vector<16xi32>
        %mul3A_1930 = arith.muli %select_n3A_1929, %broadcast_in_dim3A_14 : vector<16xi32>
        %add3A_1931 = arith.addi %mul3A_1930, %add3A_1907 : vector<16xi32>
        %swap3A_1932 = arith.constant 240 : index
        %swap3A_1933 = tpu.vector_load %arg10[%swap3A_1932] {strides = array<i32>} : memref<400xi32, #tpu.memory_space<vmem>>, vector<16xi32>,
        %swap3A_1934 = vector.shape_cast %swap3A_1933 : vector<16xi32> to vector<16xi32>
        %swap3A_1935 = vector.shape_cast %add3A_1931 : vector<16xi32> to vector<16xi32>
        tpu.vector_store %arg10[%swap3A_1932], %swap3A_1935 {strides = array<i32>} : memref<400xi32, #tpu.memory_space<vmem>>, vector<16xi32>,
        %broadcast_in_dim3A_1936 = arith.constant 2 : i32
        %broadcast_in_dim3A_1937 = vector.broadcast %broadcast_in_dim3A_1936 : i32 to vector<16xi32>
        %eq3A_1938 = arith.cmpi eq, %get3A_1902, %broadcast_in_dim3A_1937 : vector<16xi32>
        %broadcast_in_dim3A_1939 = arith.constant 3 : i32
        %broadcast_in_dim3A_1940 = vector.broadcast %broadcast_in_dim3A_1939 : i32 to vector<16xi32>
        %broadcast_in_dim3A_1941 = arith.constant 2 : i32
        %broadcast_in_dim3A_1942 = vector.broadcast %broadcast_in_dim3A_1941 : i32 to vector<16xi32>
        %select_n3A_1943 = arith.select %eq3A_1938, %broadcast_in_dim3A_1940, %broadcast_in_dim3A_1942 : vector<16xi1>, vector<16xi32>
        %mul3A_1944 = arith.muli %select_n3A_1943, %broadcast_in_dim3A_14 : vector<16xi32>
        %add3A_1945 = arith.addi %mul3A_1944, %add3A_1907 : vector<16xi32>
        %swap3A_1946 = arith.constant 240 : index
        %swap3A_1947 = tpu.vector_load %arg11[%swap3A_1946] {strides = array<i32>} : memref<400xi32, #tpu.memory_space<vmem>>, vector<16xi32>,
        %swap3A_1948 = vector.shape_cast %swap3A_1947 : vector<16xi32> to vector<16xi32>
        %swap3A_1949 = vector.shape_cast %add3A_1945 : vector<16xi32> to vector<16xi32>
        tpu.vector_store %arg11[%swap3A_1946], %swap3A_1949 {strides = array<i32>} : memref<400xi32, #tpu.memory_space<vmem>>, vector<16xi32>,
        %broadcast_in_dim3A_1950 = arith.constant 3 : i32
        %broadcast_in_dim3A_1951 = vector.broadcast %broadcast_in_dim3A_1950 : i32 to vector<16xi32>
        %eq3A_1952 = arith.cmpi eq, %get3A_1902, %broadcast_in_dim3A_1951 : vector<16xi32>
        %broadcast_in_dim3A_1953 = arith.constant 4 : i32
        %broadcast_in_dim3A_1954 = vector.broadcast %broadcast_in_dim3A_1953 : i32 to vector<16xi32>
        %broadcast_in_dim3A_1955 = arith.constant 3 : i32
        %broadcast_in_dim3A_1956 = vector.broadcast %broadcast_in_dim3A_1955 : i32 to vector<16xi32>
        %select_n3A_1957 = arith.select %eq3A_1952, %broadcast_in_dim3A_1954, %broadcast_in_dim3A_1956 : vector<16xi1>, vector<16xi32>
        %mul3A_1958 = arith.muli %select_n3A_1957, %broadcast_in_dim3A_14 : vector<16xi32>
        %add3A_1959 = arith.addi %mul3A_1958, %add3A_1907 : vector<16xi32>
        %swap3A_1960 = arith.constant 240 : index
        %swap3A_1961 = tpu.vector_load %arg12[%swap3A_1960] {strides = array<i32>} : memref<400xi32, #tpu.memory_space<vmem>>, vector<16xi32>,
        %swap3A_1962 = vector.shape_cast %swap3A_1961 : vector<16xi32> to vector<16xi32>
        %swap3A_1963 = vector.shape_cast %add3A_1959 : vector<16xi32> to vector<16xi32>
        tpu.vector_store %arg12[%swap3A_1960], %swap3A_1963 {strides = array<i32>} : memref<400xi32, #tpu.memory_space<vmem>>, vector<16xi32>,
        %broadcast_in_dim3A_1964 = arith.constant 4 : i32
        %broadcast_in_dim3A_1965 = vector.broadcast %broadcast_in_dim3A_1964 : i32 to vector<16xi32>
        %eq3A_1966 = arith.cmpi eq, %get3A_1902, %broadcast_in_dim3A_1965 : vector<16xi32>
        %broadcast_in_dim3A_1967 = arith.constant 5 : i32
        %broadcast_in_dim3A_1968 = vector.broadcast %broadcast_in_dim3A_1967 : i32 to vector<16xi32>
        %broadcast_in_dim3A_1969 = arith.constant 4 : i32
        %broadcast_in_dim3A_1970 = vector.broadcast %broadcast_in_dim3A_1969 : i32 to vector<16xi32>
        %select_n3A_1971 = arith.select %eq3A_1966, %broadcast_in_dim3A_1968, %broadcast_in_dim3A_1970 : vector<16xi1>, vector<16xi32>
        %mul3A_1972 = arith.muli %select_n3A_1971, %broadcast_in_dim3A_14 : vector<16xi32>
        %add3A_1973 = arith.addi %mul3A_1972, %add3A_1907 : vector<16xi32>
        %swap3A_1974 = arith.constant 240 : index
        %swap3A_1975 = tpu.vector_load %arg13[%swap3A_1974] {strides = array<i32>} : memref<400xi32, #tpu.memory_space<vmem>>, vector<16xi32>,
        %swap3A_1976 = vector.shape_cast %swap3A_1975 : vector<16xi32> to vector<16xi32>
        %swap3A_1977 = vector.shape_cast %add3A_1973 : vector<16xi32> to vector<16xi32>
        tpu.vector_store %arg13[%swap3A_1974], %swap3A_1977 {strides = array<i32>} : memref<400xi32, #tpu.memory_space<vmem>>, vector<16xi32>,
        %broadcast_in_dim3A_1978 = arith.constant 5 : i32
        %broadcast_in_dim3A_1979 = vector.broadcast %broadcast_in_dim3A_1978 : i32 to vector<16xi32>
        %eq3A_1980 = arith.cmpi eq, %get3A_1902, %broadcast_in_dim3A_1979 : vector<16xi32>
        %broadcast_in_dim3A_1981 = arith.constant 6 : i32
        %broadcast_in_dim3A_1982 = vector.broadcast %broadcast_in_dim3A_1981 : i32 to vector<16xi32>
        %broadcast_in_dim3A_1983 = arith.constant 5 : i32
        %broadcast_in_dim3A_1984 = vector.broadcast %broadcast_in_dim3A_1983 : i32 to vector<16xi32>
        %select_n3A_1985 = arith.select %eq3A_1980, %broadcast_in_dim3A_1982, %broadcast_in_dim3A_1984 : vector<16xi1>, vector<16xi32>
        %mul3A_1986 = arith.muli %select_n3A_1985, %broadcast_in_dim3A_14 : vector<16xi32>
        %add3A_1987 = arith.addi %mul3A_1986, %add3A_1907 : vector<16xi32>
        %swap3A_1988 = arith.constant 240 : index
        %swap3A_1989 = tpu.vector_load %arg14[%swap3A_1988] {strides = array<i32>} : memref<400xi32, #tpu.memory_space<vmem>>, vector<16xi32>,
        %swap3A_1990 = vector.shape_cast %swap3A_1989 : vector<16xi32> to vector<16xi32>
        %swap3A_1991 = vector.shape_cast %add3A_1987 : vector<16xi32> to vector<16xi32>
        tpu.vector_store %arg14[%swap3A_1988], %swap3A_1991 {strides = array<i32>} : memref<400xi32, #tpu.memory_space<vmem>>, vector<16xi32>,
        %broadcast_in_dim3A_1992 = arith.constant 6 : i32
        %broadcast_in_dim3A_1993 = vector.broadcast %broadcast_in_dim3A_1992 : i32 to vector<16xi32>
        %eq3A_1994 = arith.cmpi eq, %get3A_1902, %broadcast_in_dim3A_1993 : vector<16xi32>
        %broadcast_in_dim3A_1995 = arith.constant 7 : i32
        %broadcast_in_dim3A_1996 = vector.broadcast %broadcast_in_dim3A_1995 : i32 to vector<16xi32>
        %broadcast_in_dim3A_1997 = arith.constant 6 : i32
        %broadcast_in_dim3A_1998 = vector.broadcast %broadcast_in_dim3A_1997 : i32 to vector<16xi32>
        %select_n3A_1999 = arith.select %eq3A_1994, %broadcast_in_dim3A_1996, %broadcast_in_dim3A_1998 : vector<16xi1>, vector<16xi32>
        %mul3A_2000 = arith.muli %select_n3A_1999, %broadcast_in_dim3A_14 : vector<16xi32>
        %add3A_2001 = arith.addi %mul3A_2000, %add3A_1907 : vector<16xi32>
        %swap3A_2002 = arith.constant 240 : index
        %swap3A_2003 = tpu.vector_load %arg15[%swap3A_2002] {strides = array<i32>} : memref<400xi32, #tpu.memory_space<vmem>>, vector<16xi32>,
        %swap3A_2004 = vector.shape_cast %swap3A_2003 : vector<16xi32> to vector<16xi32>
        %swap3A_2005 = vector.shape_cast %add3A_2001 : vector<16xi32> to vector<16xi32>
        tpu.vector_store %arg15[%swap3A_2002], %swap3A_2005 {strides = array<i32>} : memref<400xi32, #tpu.memory_space<vmem>>, vector<16xi32>,
        %broadcast_in_dim3A_2006 = arith.constant 7 : i32
        %broadcast_in_dim3A_2007 = vector.broadcast %broadcast_in_dim3A_2006 : i32 to vector<16xi32>
        %eq3A_2008 = arith.cmpi eq, %get3A_1902, %broadcast_in_dim3A_2007 : vector<16xi32>
        %broadcast_in_dim3A_2009 = arith.constant 0 : i32
        %broadcast_in_dim3A_2010 = vector.broadcast %broadcast_in_dim3A_2009 : i32 to vector<16xi32>
        %broadcast_in_dim3A_2011 = arith.constant 7 : i32
        %broadcast_in_dim3A_2012 = vector.broadcast %broadcast_in_dim3A_2011 : i32 to vector<16xi32>
        %select_n3A_2013 = arith.select %eq3A_2008, %broadcast_in_dim3A_2010, %broadcast_in_dim3A_2012 : vector<16xi1>, vector<16xi32>
        %mul3A_2014 = arith.muli %select_n3A_2013, %broadcast_in_dim3A_14 : vector<16xi32>
        %add3A_2015 = arith.addi %mul3A_2014, %add3A_1907 : vector<16xi32>
        %swap3A_2016 = arith.constant 240 : index
        %swap3A_2017 = tpu.vector_load %arg16[%swap3A_2016] {strides = array<i32>} : memref<400xi32, #tpu.memory_space<vmem>>, vector<16xi32>,
        %swap3A_2018 = vector.shape_cast %swap3A_2017 : vector<16xi32> to vector<16xi32>
        %swap3A_2019 = vector.shape_cast %add3A_2015 : vector<16xi32> to vector<16xi32>
        tpu.vector_store %arg16[%swap3A_2016], %swap3A_2019 {strides = array<i32>} : memref<400xi32, #tpu.memory_space<vmem>>, vector<16xi32>,
        %mul3A_2020 = arith.muli %get3A_1902, %broadcast_in_dim3A_14 : vector<16xi32>
        %add3A_2021 = arith.addi %mul3A_2020, %add3A_1907 : vector<16xi32>
        %swap3A_2022 = arith.constant 240 : index
        %swap3A_2023 = tpu.vector_load %arg17[%swap3A_2022] {strides = array<i32>} : memref<400xi32, #tpu.memory_space<vmem>>, vector<16xi32>,
        %swap3A_2024 = vector.shape_cast %swap3A_2023 : vector<16xi32> to vector<16xi32>
        %swap3A_2025 = vector.shape_cast %add3A_2021 : vector<16xi32> to vector<16xi32>
        tpu.vector_store %arg17[%swap3A_2022], %swap3A_2025 {strides = array<i32>} : memref<400xi32, #tpu.memory_space<vmem>>, vector<16xi32>,
        %get3A_2026 = arith.constant 256 : index
        %get3A_2027 = tpu.vector_load %arg6[%get3A_2026] {strides = array<i32>} : memref<400xi32, #tpu.memory_space<vmem>>, vector<16xi32>,
        %get3A_2028 = vector.shape_cast %get3A_2027 : vector<16xi32> to vector<16xi32>
        %add3A_2029 = arith.constant 256 : i32
        %add3A_2030 = arith.addi %mul3A_13, %add3A_2029 : i32
        %broadcast_in_dim3A_2031 = vector.broadcast %add3A_2030 : i32 to vector<16xi32>
        %iota3A_2032 = tpu.iota {dimensions = array<i32: 0>} : vector<16xi32>
        %add3A_2033 = arith.addi %broadcast_in_dim3A_2031, %iota3A_2032 : vector<16xi32>
        %broadcast_in_dim3A_2034 = arith.constant 0 : i32
        %broadcast_in_dim3A_2035 = vector.broadcast %broadcast_in_dim3A_2034 : i32 to vector<16xi32>
        %eq3A_2036 = arith.cmpi eq, %get3A_2028, %broadcast_in_dim3A_2035 : vector<16xi32>
        %broadcast_in_dim3A_2037 = arith.constant 1 : i32
        %broadcast_in_dim3A_2038 = vector.broadcast %broadcast_in_dim3A_2037 : i32 to vector<16xi32>
        %broadcast_in_dim3A_2039 = arith.constant 0 : i32
        %broadcast_in_dim3A_2040 = vector.broadcast %broadcast_in_dim3A_2039 : i32 to vector<16xi32>
        %select_n3A_2041 = arith.select %eq3A_2036, %broadcast_in_dim3A_2038, %broadcast_in_dim3A_2040 : vector<16xi1>, vector<16xi32>
        %mul3A_2042 = arith.muli %select_n3A_2041, %broadcast_in_dim3A_14 : vector<16xi32>
        %add3A_2043 = arith.addi %mul3A_2042, %add3A_2033 : vector<16xi32>
        %swap3A_2044 = arith.constant 256 : index
        %swap3A_2045 = tpu.vector_load %arg9[%swap3A_2044] {strides = array<i32>} : memref<400xi32, #tpu.memory_space<vmem>>, vector<16xi32>,
        %swap3A_2046 = vector.shape_cast %swap3A_2045 : vector<16xi32> to vector<16xi32>
        %swap3A_2047 = vector.shape_cast %add3A_2043 : vector<16xi32> to vector<16xi32>
        tpu.vector_store %arg9[%swap3A_2044], %swap3A_2047 {strides = array<i32>} : memref<400xi32, #tpu.memory_space<vmem>>, vector<16xi32>,
        %broadcast_in_dim3A_2048 = arith.constant 1 : i32
        %broadcast_in_dim3A_2049 = vector.broadcast %broadcast_in_dim3A_2048 : i32 to vector<16xi32>
        %eq3A_2050 = arith.cmpi eq, %get3A_2028, %broadcast_in_dim3A_2049 : vector<16xi32>
        %broadcast_in_dim3A_2051 = arith.constant 2 : i32
        %broadcast_in_dim3A_2052 = vector.broadcast %broadcast_in_dim3A_2051 : i32 to vector<16xi32>
        %broadcast_in_dim3A_2053 = arith.constant 1 : i32
        %broadcast_in_dim3A_2054 = vector.broadcast %broadcast_in_dim3A_2053 : i32 to vector<16xi32>
        %select_n3A_2055 = arith.select %eq3A_2050, %broadcast_in_dim3A_2052, %broadcast_in_dim3A_2054 : vector<16xi1>, vector<16xi32>
        %mul3A_2056 = arith.muli %select_n3A_2055, %broadcast_in_dim3A_14 : vector<16xi32>
        %add3A_2057 = arith.addi %mul3A_2056, %add3A_2033 : vector<16xi32>
        %swap3A_2058 = arith.constant 256 : index
        %swap3A_2059 = tpu.vector_load %arg10[%swap3A_2058] {strides = array<i32>} : memref<400xi32, #tpu.memory_space<vmem>>, vector<16xi32>,
        %swap3A_2060 = vector.shape_cast %swap3A_2059 : vector<16xi32> to vector<16xi32>
        %swap3A_2061 = vector.shape_cast %add3A_2057 : vector<16xi32> to vector<16xi32>
        tpu.vector_store %arg10[%swap3A_2058], %swap3A_2061 {strides = array<i32>} : memref<400xi32, #tpu.memory_space<vmem>>, vector<16xi32>,
        %broadcast_in_dim3A_2062 = arith.constant 2 : i32
        %broadcast_in_dim3A_2063 = vector.broadcast %broadcast_in_dim3A_2062 : i32 to vector<16xi32>
        %eq3A_2064 = arith.cmpi eq, %get3A_2028, %broadcast_in_dim3A_2063 : vector<16xi32>
        %broadcast_in_dim3A_2065 = arith.constant 3 : i32
        %broadcast_in_dim3A_2066 = vector.broadcast %broadcast_in_dim3A_2065 : i32 to vector<16xi32>
        %broadcast_in_dim3A_2067 = arith.constant 2 : i32
        %broadcast_in_dim3A_2068 = vector.broadcast %broadcast_in_dim3A_2067 : i32 to vector<16xi32>
        %select_n3A_2069 = arith.select %eq3A_2064, %broadcast_in_dim3A_2066, %broadcast_in_dim3A_2068 : vector<16xi1>, vector<16xi32>
        %mul3A_2070 = arith.muli %select_n3A_2069, %broadcast_in_dim3A_14 : vector<16xi32>
        %add3A_2071 = arith.addi %mul3A_2070, %add3A_2033 : vector<16xi32>
        %swap3A_2072 = arith.constant 256 : index
        %swap3A_2073 = tpu.vector_load %arg11[%swap3A_2072] {strides = array<i32>} : memref<400xi32, #tpu.memory_space<vmem>>, vector<16xi32>,
        %swap3A_2074 = vector.shape_cast %swap3A_2073 : vector<16xi32> to vector<16xi32>
        %swap3A_2075 = vector.shape_cast %add3A_2071 : vector<16xi32> to vector<16xi32>
        tpu.vector_store %arg11[%swap3A_2072], %swap3A_2075 {strides = array<i32>} : memref<400xi32, #tpu.memory_space<vmem>>, vector<16xi32>,
        %broadcast_in_dim3A_2076 = arith.constant 3 : i32
        %broadcast_in_dim3A_2077 = vector.broadcast %broadcast_in_dim3A_2076 : i32 to vector<16xi32>
        %eq3A_2078 = arith.cmpi eq, %get3A_2028, %broadcast_in_dim3A_2077 : vector<16xi32>
        %broadcast_in_dim3A_2079 = arith.constant 4 : i32
        %broadcast_in_dim3A_2080 = vector.broadcast %broadcast_in_dim3A_2079 : i32 to vector<16xi32>
        %broadcast_in_dim3A_2081 = arith.constant 3 : i32
        %broadcast_in_dim3A_2082 = vector.broadcast %broadcast_in_dim3A_2081 : i32 to vector<16xi32>
        %select_n3A_2083 = arith.select %eq3A_2078, %broadcast_in_dim3A_2080, %broadcast_in_dim3A_2082 : vector<16xi1>, vector<16xi32>
        %mul3A_2084 = arith.muli %select_n3A_2083, %broadcast_in_dim3A_14 : vector<16xi32>
        %add3A_2085 = arith.addi %mul3A_2084, %add3A_2033 : vector<16xi32>
        %swap3A_2086 = arith.constant 256 : index
        %swap3A_2087 = tpu.vector_load %arg12[%swap3A_2086] {strides = array<i32>} : memref<400xi32, #tpu.memory_space<vmem>>, vector<16xi32>,
        %swap3A_2088 = vector.shape_cast %swap3A_2087 : vector<16xi32> to vector<16xi32>
        %swap3A_2089 = vector.shape_cast %add3A_2085 : vector<16xi32> to vector<16xi32>
        tpu.vector_store %arg12[%swap3A_2086], %swap3A_2089 {strides = array<i32>} : memref<400xi32, #tpu.memory_space<vmem>>, vector<16xi32>,
        %broadcast_in_dim3A_2090 = arith.constant 4 : i32
        %broadcast_in_dim3A_2091 = vector.broadcast %broadcast_in_dim3A_2090 : i32 to vector<16xi32>
        %eq3A_2092 = arith.cmpi eq, %get3A_2028, %broadcast_in_dim3A_2091 : vector<16xi32>
        %broadcast_in_dim3A_2093 = arith.constant 5 : i32
        %broadcast_in_dim3A_2094 = vector.broadcast %broadcast_in_dim3A_2093 : i32 to vector<16xi32>
        %broadcast_in_dim3A_2095 = arith.constant 4 : i32
        %broadcast_in_dim3A_2096 = vector.broadcast %broadcast_in_dim3A_2095 : i32 to vector<16xi32>
        %select_n3A_2097 = arith.select %eq3A_2092, %broadcast_in_dim3A_2094, %broadcast_in_dim3A_2096 : vector<16xi1>, vector<16xi32>
        %mul3A_2098 = arith.muli %select_n3A_2097, %broadcast_in_dim3A_14 : vector<16xi32>
        %add3A_2099 = arith.addi %mul3A_2098, %add3A_2033 : vector<16xi32>
        %swap3A_2100 = arith.constant 256 : index
        %swap3A_2101 = tpu.vector_load %arg13[%swap3A_2100] {strides = array<i32>} : memref<400xi32, #tpu.memory_space<vmem>>, vector<16xi32>,
        %swap3A_2102 = vector.shape_cast %swap3A_2101 : vector<16xi32> to vector<16xi32>
        %swap3A_2103 = vector.shape_cast %add3A_2099 : vector<16xi32> to vector<16xi32>
        tpu.vector_store %arg13[%swap3A_2100], %swap3A_2103 {strides = array<i32>} : memref<400xi32, #tpu.memory_space<vmem>>, vector<16xi32>,
        %broadcast_in_dim3A_2104 = arith.constant 5 : i32
        %broadcast_in_dim3A_2105 = vector.broadcast %broadcast_in_dim3A_2104 : i32 to vector<16xi32>
        %eq3A_2106 = arith.cmpi eq, %get3A_2028, %broadcast_in_dim3A_2105 : vector<16xi32>
        %broadcast_in_dim3A_2107 = arith.constant 6 : i32
        %broadcast_in_dim3A_2108 = vector.broadcast %broadcast_in_dim3A_2107 : i32 to vector<16xi32>
        %broadcast_in_dim3A_2109 = arith.constant 5 : i32
        %broadcast_in_dim3A_2110 = vector.broadcast %broadcast_in_dim3A_2109 : i32 to vector<16xi32>
        %select_n3A_2111 = arith.select %eq3A_2106, %broadcast_in_dim3A_2108, %broadcast_in_dim3A_2110 : vector<16xi1>, vector<16xi32>
        %mul3A_2112 = arith.muli %select_n3A_2111, %broadcast_in_dim3A_14 : vector<16xi32>
        %add3A_2113 = arith.addi %mul3A_2112, %add3A_2033 : vector<16xi32>
        %swap3A_2114 = arith.constant 256 : index
        %swap3A_2115 = tpu.vector_load %arg14[%swap3A_2114] {strides = array<i32>} : memref<400xi32, #tpu.memory_space<vmem>>, vector<16xi32>,
        %swap3A_2116 = vector.shape_cast %swap3A_2115 : vector<16xi32> to vector<16xi32>
        %swap3A_2117 = vector.shape_cast %add3A_2113 : vector<16xi32> to vector<16xi32>
        tpu.vector_store %arg14[%swap3A_2114], %swap3A_2117 {strides = array<i32>} : memref<400xi32, #tpu.memory_space<vmem>>, vector<16xi32>,
        %broadcast_in_dim3A_2118 = arith.constant 6 : i32
        %broadcast_in_dim3A_2119 = vector.broadcast %broadcast_in_dim3A_2118 : i32 to vector<16xi32>
        %eq3A_2120 = arith.cmpi eq, %get3A_2028, %broadcast_in_dim3A_2119 : vector<16xi32>
        %broadcast_in_dim3A_2121 = arith.constant 7 : i32
        %broadcast_in_dim3A_2122 = vector.broadcast %broadcast_in_dim3A_2121 : i32 to vector<16xi32>
        %broadcast_in_dim3A_2123 = arith.constant 6 : i32
        %broadcast_in_dim3A_2124 = vector.broadcast %broadcast_in_dim3A_2123 : i32 to vector<16xi32>
        %select_n3A_2125 = arith.select %eq3A_2120, %broadcast_in_dim3A_2122, %broadcast_in_dim3A_2124 : vector<16xi1>, vector<16xi32>
        %mul3A_2126 = arith.muli %select_n3A_2125, %broadcast_in_dim3A_14 : vector<16xi32>
        %add3A_2127 = arith.addi %mul3A_2126, %add3A_2033 : vector<16xi32>
        %swap3A_2128 = arith.constant 256 : index
        %swap3A_2129 = tpu.vector_load %arg15[%swap3A_2128] {strides = array<i32>} : memref<400xi32, #tpu.memory_space<vmem>>, vector<16xi32>,
        %swap3A_2130 = vector.shape_cast %swap3A_2129 : vector<16xi32> to vector<16xi32>
        %swap3A_2131 = vector.shape_cast %add3A_2127 : vector<16xi32> to vector<16xi32>
        tpu.vector_store %arg15[%swap3A_2128], %swap3A_2131 {strides = array<i32>} : memref<400xi32, #tpu.memory_space<vmem>>, vector<16xi32>,
        %broadcast_in_dim3A_2132 = arith.constant 7 : i32
        %broadcast_in_dim3A_2133 = vector.broadcast %broadcast_in_dim3A_2132 : i32 to vector<16xi32>
        %eq3A_2134 = arith.cmpi eq, %get3A_2028, %broadcast_in_dim3A_2133 : vector<16xi32>
        %broadcast_in_dim3A_2135 = arith.constant 0 : i32
        %broadcast_in_dim3A_2136 = vector.broadcast %broadcast_in_dim3A_2135 : i32 to vector<16xi32>
        %broadcast_in_dim3A_2137 = arith.constant 7 : i32
        %broadcast_in_dim3A_2138 = vector.broadcast %broadcast_in_dim3A_2137 : i32 to vector<16xi32>
        %select_n3A_2139 = arith.select %eq3A_2134, %broadcast_in_dim3A_2136, %broadcast_in_dim3A_2138 : vector<16xi1>, vector<16xi32>
        %mul3A_2140 = arith.muli %select_n3A_2139, %broadcast_in_dim3A_14 : vector<16xi32>
        %add3A_2141 = arith.addi %mul3A_2140, %add3A_2033 : vector<16xi32>
        %swap3A_2142 = arith.constant 256 : index
        %swap3A_2143 = tpu.vector_load %arg16[%swap3A_2142] {strides = array<i32>} : memref<400xi32, #tpu.memory_space<vmem>>, vector<16xi32>,
        %swap3A_2144 = vector.shape_cast %swap3A_2143 : vector<16xi32> to vector<16xi32>
        %swap3A_2145 = vector.shape_cast %add3A_2141 : vector<16xi32> to vector<16xi32>
        tpu.vector_store %arg16[%swap3A_2142], %swap3A_2145 {strides = array<i32>} : memref<400xi32, #tpu.memory_space<vmem>>, vector<16xi32>,
        %mul3A_2146 = arith.muli %get3A_2028, %broadcast_in_dim3A_14 : vector<16xi32>
        %add3A_2147 = arith.addi %mul3A_2146, %add3A_2033 : vector<16xi32>
        %swap3A_2148 = arith.constant 256 : index
        %swap3A_2149 = tpu.vector_load %arg17[%swap3A_2148] {strides = array<i32>} : memref<400xi32, #tpu.memory_space<vmem>>, vector<16xi32>,
        %swap3A_2150 = vector.shape_cast %swap3A_2149 : vector<16xi32> to vector<16xi32>
        %swap3A_2151 = vector.shape_cast %add3A_2147 : vector<16xi32> to vector<16xi32>
        tpu.vector_store %arg17[%swap3A_2148], %swap3A_2151 {strides = array<i32>} : memref<400xi32, #tpu.memory_space<vmem>>, vector<16xi32>,
        %get3A_2152 = arith.constant 272 : index
        %get3A_2153 = tpu.vector_load %arg6[%get3A_2152] {strides = array<i32>} : memref<400xi32, #tpu.memory_space<vmem>>, vector<16xi32>,
        %get3A_2154 = vector.shape_cast %get3A_2153 : vector<16xi32> to vector<16xi32>
        %add3A_2155 = arith.constant 272 : i32
        %add3A_2156 = arith.addi %mul3A_13, %add3A_2155 : i32
        %broadcast_in_dim3A_2157 = vector.broadcast %add3A_2156 : i32 to vector<16xi32>
        %iota3A_2158 = tpu.iota {dimensions = array<i32: 0>} : vector<16xi32>
        %add3A_2159 = arith.addi %broadcast_in_dim3A_2157, %iota3A_2158 : vector<16xi32>
        %broadcast_in_dim3A_2160 = arith.constant 0 : i32
        %broadcast_in_dim3A_2161 = vector.broadcast %broadcast_in_dim3A_2160 : i32 to vector<16xi32>
        %eq3A_2162 = arith.cmpi eq, %get3A_2154, %broadcast_in_dim3A_2161 : vector<16xi32>
        %broadcast_in_dim3A_2163 = arith.constant 1 : i32
        %broadcast_in_dim3A_2164 = vector.broadcast %broadcast_in_dim3A_2163 : i32 to vector<16xi32>
        %broadcast_in_dim3A_2165 = arith.constant 0 : i32
        %broadcast_in_dim3A_2166 = vector.broadcast %broadcast_in_dim3A_2165 : i32 to vector<16xi32>
        %select_n3A_2167 = arith.select %eq3A_2162, %broadcast_in_dim3A_2164, %broadcast_in_dim3A_2166 : vector<16xi1>, vector<16xi32>
        %mul3A_2168 = arith.muli %select_n3A_2167, %broadcast_in_dim3A_14 : vector<16xi32>
        %add3A_2169 = arith.addi %mul3A_2168, %add3A_2159 : vector<16xi32>
        %swap3A_2170 = arith.constant 272 : index
        %swap3A_2171 = tpu.vector_load %arg9[%swap3A_2170] {strides = array<i32>} : memref<400xi32, #tpu.memory_space<vmem>>, vector<16xi32>,
        %swap3A_2172 = vector.shape_cast %swap3A_2171 : vector<16xi32> to vector<16xi32>
        %swap3A_2173 = vector.shape_cast %add3A_2169 : vector<16xi32> to vector<16xi32>
        tpu.vector_store %arg9[%swap3A_2170], %swap3A_2173 {strides = array<i32>} : memref<400xi32, #tpu.memory_space<vmem>>, vector<16xi32>,
        %broadcast_in_dim3A_2174 = arith.constant 1 : i32
        %broadcast_in_dim3A_2175 = vector.broadcast %broadcast_in_dim3A_2174 : i32 to vector<16xi32>
        %eq3A_2176 = arith.cmpi eq, %get3A_2154, %broadcast_in_dim3A_2175 : vector<16xi32>
        %broadcast_in_dim3A_2177 = arith.constant 2 : i32
        %broadcast_in_dim3A_2178 = vector.broadcast %broadcast_in_dim3A_2177 : i32 to vector<16xi32>
        %broadcast_in_dim3A_2179 = arith.constant 1 : i32
        %broadcast_in_dim3A_2180 = vector.broadcast %broadcast_in_dim3A_2179 : i32 to vector<16xi32>
        %select_n3A_2181 = arith.select %eq3A_2176, %broadcast_in_dim3A_2178, %broadcast_in_dim3A_2180 : vector<16xi1>, vector<16xi32>
        %mul3A_2182 = arith.muli %select_n3A_2181, %broadcast_in_dim3A_14 : vector<16xi32>
        %add3A_2183 = arith.addi %mul3A_2182, %add3A_2159 : vector<16xi32>
        %swap3A_2184 = arith.constant 272 : index
        %swap3A_2185 = tpu.vector_load %arg10[%swap3A_2184] {strides = array<i32>} : memref<400xi32, #tpu.memory_space<vmem>>, vector<16xi32>,
        %swap3A_2186 = vector.shape_cast %swap3A_2185 : vector<16xi32> to vector<16xi32>
        %swap3A_2187 = vector.shape_cast %add3A_2183 : vector<16xi32> to vector<16xi32>
        tpu.vector_store %arg10[%swap3A_2184], %swap3A_2187 {strides = array<i32>} : memref<400xi32, #tpu.memory_space<vmem>>, vector<16xi32>,
        %broadcast_in_dim3A_2188 = arith.constant 2 : i32
        %broadcast_in_dim3A_2189 = vector.broadcast %broadcast_in_dim3A_2188 : i32 to vector<16xi32>
        %eq3A_2190 = arith.cmpi eq, %get3A_2154, %broadcast_in_dim3A_2189 : vector<16xi32>
        %broadcast_in_dim3A_2191 = arith.constant 3 : i32
        %broadcast_in_dim3A_2192 = vector.broadcast %broadcast_in_dim3A_2191 : i32 to vector<16xi32>
        %broadcast_in_dim3A_2193 = arith.constant 2 : i32
        %broadcast_in_dim3A_2194 = vector.broadcast %broadcast_in_dim3A_2193 : i32 to vector<16xi32>
        %select_n3A_2195 = arith.select %eq3A_2190, %broadcast_in_dim3A_2192, %broadcast_in_dim3A_2194 : vector<16xi1>, vector<16xi32>
        %mul3A_2196 = arith.muli %select_n3A_2195, %broadcast_in_dim3A_14 : vector<16xi32>
        %add3A_2197 = arith.addi %mul3A_2196, %add3A_2159 : vector<16xi32>
        %swap3A_2198 = arith.constant 272 : index
        %swap3A_2199 = tpu.vector_load %arg11[%swap3A_2198] {strides = array<i32>} : memref<400xi32, #tpu.memory_space<vmem>>, vector<16xi32>,
        %swap3A_2200 = vector.shape_cast %swap3A_2199 : vector<16xi32> to vector<16xi32>
        %swap3A_2201 = vector.shape_cast %add3A_2197 : vector<16xi32> to vector<16xi32>
        tpu.vector_store %arg11[%swap3A_2198], %swap3A_2201 {strides = array<i32>} : memref<400xi32, #tpu.memory_space<vmem>>, vector<16xi32>,
        %broadcast_in_dim3A_2202 = arith.constant 3 : i32
        %broadcast_in_dim3A_2203 = vector.broadcast %broadcast_in_dim3A_2202 : i32 to vector<16xi32>
        %eq3A_2204 = arith.cmpi eq, %get3A_2154, %broadcast_in_dim3A_2203 : vector<16xi32>
        %broadcast_in_dim3A_2205 = arith.constant 4 : i32
        %broadcast_in_dim3A_2206 = vector.broadcast %broadcast_in_dim3A_2205 : i32 to vector<16xi32>
        %broadcast_in_dim3A_2207 = arith.constant 3 : i32
        %broadcast_in_dim3A_2208 = vector.broadcast %broadcast_in_dim3A_2207 : i32 to vector<16xi32>
        %select_n3A_2209 = arith.select %eq3A_2204, %broadcast_in_dim3A_2206, %broadcast_in_dim3A_2208 : vector<16xi1>, vector<16xi32>
        %mul3A_2210 = arith.muli %select_n3A_2209, %broadcast_in_dim3A_14 : vector<16xi32>
        %add3A_2211 = arith.addi %mul3A_2210, %add3A_2159 : vector<16xi32>
        %swap3A_2212 = arith.constant 272 : index
        %swap3A_2213 = tpu.vector_load %arg12[%swap3A_2212] {strides = array<i32>} : memref<400xi32, #tpu.memory_space<vmem>>, vector<16xi32>,
        %swap3A_2214 = vector.shape_cast %swap3A_2213 : vector<16xi32> to vector<16xi32>
        %swap3A_2215 = vector.shape_cast %add3A_2211 : vector<16xi32> to vector<16xi32>
        tpu.vector_store %arg12[%swap3A_2212], %swap3A_2215 {strides = array<i32>} : memref<400xi32, #tpu.memory_space<vmem>>, vector<16xi32>,
        %broadcast_in_dim3A_2216 = arith.constant 4 : i32
        %broadcast_in_dim3A_2217 = vector.broadcast %broadcast_in_dim3A_2216 : i32 to vector<16xi32>
        %eq3A_2218 = arith.cmpi eq, %get3A_2154, %broadcast_in_dim3A_2217 : vector<16xi32>
        %broadcast_in_dim3A_2219 = arith.constant 5 : i32
        %broadcast_in_dim3A_2220 = vector.broadcast %broadcast_in_dim3A_2219 : i32 to vector<16xi32>
        %broadcast_in_dim3A_2221 = arith.constant 4 : i32
        %broadcast_in_dim3A_2222 = vector.broadcast %broadcast_in_dim3A_2221 : i32 to vector<16xi32>
        %select_n3A_2223 = arith.select %eq3A_2218, %broadcast_in_dim3A_2220, %broadcast_in_dim3A_2222 : vector<16xi1>, vector<16xi32>
        %mul3A_2224 = arith.muli %select_n3A_2223, %broadcast_in_dim3A_14 : vector<16xi32>
        %add3A_2225 = arith.addi %mul3A_2224, %add3A_2159 : vector<16xi32>
        %swap3A_2226 = arith.constant 272 : index
        %swap3A_2227 = tpu.vector_load %arg13[%swap3A_2226] {strides = array<i32>} : memref<400xi32, #tpu.memory_space<vmem>>, vector<16xi32>,
        %swap3A_2228 = vector.shape_cast %swap3A_2227 : vector<16xi32> to vector<16xi32>
        %swap3A_2229 = vector.shape_cast %add3A_2225 : vector<16xi32> to vector<16xi32>
        tpu.vector_store %arg13[%swap3A_2226], %swap3A_2229 {strides = array<i32>} : memref<400xi32, #tpu.memory_space<vmem>>, vector<16xi32>,
        %broadcast_in_dim3A_2230 = arith.constant 5 : i32
        %broadcast_in_dim3A_2231 = vector.broadcast %broadcast_in_dim3A_2230 : i32 to vector<16xi32>
        %eq3A_2232 = arith.cmpi eq, %get3A_2154, %broadcast_in_dim3A_2231 : vector<16xi32>
        %broadcast_in_dim3A_2233 = arith.constant 6 : i32
        %broadcast_in_dim3A_2234 = vector.broadcast %broadcast_in_dim3A_2233 : i32 to vector<16xi32>
        %broadcast_in_dim3A_2235 = arith.constant 5 : i32
        %broadcast_in_dim3A_2236 = vector.broadcast %broadcast_in_dim3A_2235 : i32 to vector<16xi32>
        %select_n3A_2237 = arith.select %eq3A_2232, %broadcast_in_dim3A_2234, %broadcast_in_dim3A_2236 : vector<16xi1>, vector<16xi32>
        %mul3A_2238 = arith.muli %select_n3A_2237, %broadcast_in_dim3A_14 : vector<16xi32>
        %add3A_2239 = arith.addi %mul3A_2238, %add3A_2159 : vector<16xi32>
        %swap3A_2240 = arith.constant 272 : index
        %swap3A_2241 = tpu.vector_load %arg14[%swap3A_2240] {strides = array<i32>} : memref<400xi32, #tpu.memory_space<vmem>>, vector<16xi32>,
        %swap3A_2242 = vector.shape_cast %swap3A_2241 : vector<16xi32> to vector<16xi32>
        %swap3A_2243 = vector.shape_cast %add3A_2239 : vector<16xi32> to vector<16xi32>
        tpu.vector_store %arg14[%swap3A_2240], %swap3A_2243 {strides = array<i32>} : memref<400xi32, #tpu.memory_space<vmem>>, vector<16xi32>,
        %broadcast_in_dim3A_2244 = arith.constant 6 : i32
        %broadcast_in_dim3A_2245 = vector.broadcast %broadcast_in_dim3A_2244 : i32 to vector<16xi32>
        %eq3A_2246 = arith.cmpi eq, %get3A_2154, %broadcast_in_dim3A_2245 : vector<16xi32>
        %broadcast_in_dim3A_2247 = arith.constant 7 : i32
        %broadcast_in_dim3A_2248 = vector.broadcast %broadcast_in_dim3A_2247 : i32 to vector<16xi32>
        %broadcast_in_dim3A_2249 = arith.constant 6 : i32
        %broadcast_in_dim3A_2250 = vector.broadcast %broadcast_in_dim3A_2249 : i32 to vector<16xi32>
        %select_n3A_2251 = arith.select %eq3A_2246, %broadcast_in_dim3A_2248, %broadcast_in_dim3A_2250 : vector<16xi1>, vector<16xi32>
        %mul3A_2252 = arith.muli %select_n3A_2251, %broadcast_in_dim3A_14 : vector<16xi32>
        %add3A_2253 = arith.addi %mul3A_2252, %add3A_2159 : vector<16xi32>
        %swap3A_2254 = arith.constant 272 : index
        %swap3A_2255 = tpu.vector_load %arg15[%swap3A_2254] {strides = array<i32>} : memref<400xi32, #tpu.memory_space<vmem>>, vector<16xi32>,
        %swap3A_2256 = vector.shape_cast %swap3A_2255 : vector<16xi32> to vector<16xi32>
        %swap3A_2257 = vector.shape_cast %add3A_2253 : vector<16xi32> to vector<16xi32>
        tpu.vector_store %arg15[%swap3A_2254], %swap3A_2257 {strides = array<i32>} : memref<400xi32, #tpu.memory_space<vmem>>, vector<16xi32>,
        %broadcast_in_dim3A_2258 = arith.constant 7 : i32
        %broadcast_in_dim3A_2259 = vector.broadcast %broadcast_in_dim3A_2258 : i32 to vector<16xi32>
        %eq3A_2260 = arith.cmpi eq, %get3A_2154, %broadcast_in_dim3A_2259 : vector<16xi32>
        %broadcast_in_dim3A_2261 = arith.constant 0 : i32
        %broadcast_in_dim3A_2262 = vector.broadcast %broadcast_in_dim3A_2261 : i32 to vector<16xi32>
        %broadcast_in_dim3A_2263 = arith.constant 7 : i32
        %broadcast_in_dim3A_2264 = vector.broadcast %broadcast_in_dim3A_2263 : i32 to vector<16xi32>
        %select_n3A_2265 = arith.select %eq3A_2260, %broadcast_in_dim3A_2262, %broadcast_in_dim3A_2264 : vector<16xi1>, vector<16xi32>
        %mul3A_2266 = arith.muli %select_n3A_2265, %broadcast_in_dim3A_14 : vector<16xi32>
        %add3A_2267 = arith.addi %mul3A_2266, %add3A_2159 : vector<16xi32>
        %swap3A_2268 = arith.constant 272 : index
        %swap3A_2269 = tpu.vector_load %arg16[%swap3A_2268] {strides = array<i32>} : memref<400xi32, #tpu.memory_space<vmem>>, vector<16xi32>,
        %swap3A_2270 = vector.shape_cast %swap3A_2269 : vector<16xi32> to vector<16xi32>
        %swap3A_2271 = vector.shape_cast %add3A_2267 : vector<16xi32> to vector<16xi32>
        tpu.vector_store %arg16[%swap3A_2268], %swap3A_2271 {strides = array<i32>} : memref<400xi32, #tpu.memory_space<vmem>>, vector<16xi32>,
        %mul3A_2272 = arith.muli %get3A_2154, %broadcast_in_dim3A_14 : vector<16xi32>
        %add3A_2273 = arith.addi %mul3A_2272, %add3A_2159 : vector<16xi32>
        %swap3A_2274 = arith.constant 272 : index
        %swap3A_2275 = tpu.vector_load %arg17[%swap3A_2274] {strides = array<i32>} : memref<400xi32, #tpu.memory_space<vmem>>, vector<16xi32>,
        %swap3A_2276 = vector.shape_cast %swap3A_2275 : vector<16xi32> to vector<16xi32>
        %swap3A_2277 = vector.shape_cast %add3A_2273 : vector<16xi32> to vector<16xi32>
        tpu.vector_store %arg17[%swap3A_2274], %swap3A_2277 {strides = array<i32>} : memref<400xi32, #tpu.memory_space<vmem>>, vector<16xi32>,
        %get3A_2278 = arith.constant 288 : index
        %get3A_2279 = tpu.vector_load %arg6[%get3A_2278] {strides = array<i32>} : memref<400xi32, #tpu.memory_space<vmem>>, vector<16xi32>,
        %get3A_2280 = vector.shape_cast %get3A_2279 : vector<16xi32> to vector<16xi32>
        %add3A_2281 = arith.constant 288 : i32
        %add3A_2282 = arith.addi %mul3A_13, %add3A_2281 : i32
        %broadcast_in_dim3A_2283 = vector.broadcast %add3A_2282 : i32 to vector<16xi32>
        %iota3A_2284 = tpu.iota {dimensions = array<i32: 0>} : vector<16xi32>
        %add3A_2285 = arith.addi %broadcast_in_dim3A_2283, %iota3A_2284 : vector<16xi32>
        %broadcast_in_dim3A_2286 = arith.constant 0 : i32
        %broadcast_in_dim3A_2287 = vector.broadcast %broadcast_in_dim3A_2286 : i32 to vector<16xi32>
        %eq3A_2288 = arith.cmpi eq, %get3A_2280, %broadcast_in_dim3A_2287 : vector<16xi32>
        %broadcast_in_dim3A_2289 = arith.constant 1 : i32
        %broadcast_in_dim3A_2290 = vector.broadcast %broadcast_in_dim3A_2289 : i32 to vector<16xi32>
        %broadcast_in_dim3A_2291 = arith.constant 0 : i32
        %broadcast_in_dim3A_2292 = vector.broadcast %broadcast_in_dim3A_2291 : i32 to vector<16xi32>
        %select_n3A_2293 = arith.select %eq3A_2288, %broadcast_in_dim3A_2290, %broadcast_in_dim3A_2292 : vector<16xi1>, vector<16xi32>
        %mul3A_2294 = arith.muli %select_n3A_2293, %broadcast_in_dim3A_14 : vector<16xi32>
        %add3A_2295 = arith.addi %mul3A_2294, %add3A_2285 : vector<16xi32>
        %swap3A_2296 = arith.constant 288 : index
        %swap3A_2297 = tpu.vector_load %arg9[%swap3A_2296] {strides = array<i32>} : memref<400xi32, #tpu.memory_space<vmem>>, vector<16xi32>,
        %swap3A_2298 = vector.shape_cast %swap3A_2297 : vector<16xi32> to vector<16xi32>
        %swap3A_2299 = vector.shape_cast %add3A_2295 : vector<16xi32> to vector<16xi32>
        tpu.vector_store %arg9[%swap3A_2296], %swap3A_2299 {strides = array<i32>} : memref<400xi32, #tpu.memory_space<vmem>>, vector<16xi32>,
        %broadcast_in_dim3A_2300 = arith.constant 1 : i32
        %broadcast_in_dim3A_2301 = vector.broadcast %broadcast_in_dim3A_2300 : i32 to vector<16xi32>
        %eq3A_2302 = arith.cmpi eq, %get3A_2280, %broadcast_in_dim3A_2301 : vector<16xi32>
        %broadcast_in_dim3A_2303 = arith.constant 2 : i32
        %broadcast_in_dim3A_2304 = vector.broadcast %broadcast_in_dim3A_2303 : i32 to vector<16xi32>
        %broadcast_in_dim3A_2305 = arith.constant 1 : i32
        %broadcast_in_dim3A_2306 = vector.broadcast %broadcast_in_dim3A_2305 : i32 to vector<16xi32>
        %select_n3A_2307 = arith.select %eq3A_2302, %broadcast_in_dim3A_2304, %broadcast_in_dim3A_2306 : vector<16xi1>, vector<16xi32>
        %mul3A_2308 = arith.muli %select_n3A_2307, %broadcast_in_dim3A_14 : vector<16xi32>
        %add3A_2309 = arith.addi %mul3A_2308, %add3A_2285 : vector<16xi32>
        %swap3A_2310 = arith.constant 288 : index
        %swap3A_2311 = tpu.vector_load %arg10[%swap3A_2310] {strides = array<i32>} : memref<400xi32, #tpu.memory_space<vmem>>, vector<16xi32>,
        %swap3A_2312 = vector.shape_cast %swap3A_2311 : vector<16xi32> to vector<16xi32>
        %swap3A_2313 = vector.shape_cast %add3A_2309 : vector<16xi32> to vector<16xi32>
        tpu.vector_store %arg10[%swap3A_2310], %swap3A_2313 {strides = array<i32>} : memref<400xi32, #tpu.memory_space<vmem>>, vector<16xi32>,
        %broadcast_in_dim3A_2314 = arith.constant 2 : i32
        %broadcast_in_dim3A_2315 = vector.broadcast %broadcast_in_dim3A_2314 : i32 to vector<16xi32>
        %eq3A_2316 = arith.cmpi eq, %get3A_2280, %broadcast_in_dim3A_2315 : vector<16xi32>
        %broadcast_in_dim3A_2317 = arith.constant 3 : i32
        %broadcast_in_dim3A_2318 = vector.broadcast %broadcast_in_dim3A_2317 : i32 to vector<16xi32>
        %broadcast_in_dim3A_2319 = arith.constant 2 : i32
        %broadcast_in_dim3A_2320 = vector.broadcast %broadcast_in_dim3A_2319 : i32 to vector<16xi32>
        %select_n3A_2321 = arith.select %eq3A_2316, %broadcast_in_dim3A_2318, %broadcast_in_dim3A_2320 : vector<16xi1>, vector<16xi32>
        %mul3A_2322 = arith.muli %select_n3A_2321, %broadcast_in_dim3A_14 : vector<16xi32>
        %add3A_2323 = arith.addi %mul3A_2322, %add3A_2285 : vector<16xi32>
        %swap3A_2324 = arith.constant 288 : index
        %swap3A_2325 = tpu.vector_load %arg11[%swap3A_2324] {strides = array<i32>} : memref<400xi32, #tpu.memory_space<vmem>>, vector<16xi32>,
        %swap3A_2326 = vector.shape_cast %swap3A_2325 : vector<16xi32> to vector<16xi32>
        %swap3A_2327 = vector.shape_cast %add3A_2323 : vector<16xi32> to vector<16xi32>
        tpu.vector_store %arg11[%swap3A_2324], %swap3A_2327 {strides = array<i32>} : memref<400xi32, #tpu.memory_space<vmem>>, vector<16xi32>,
        %broadcast_in_dim3A_2328 = arith.constant 3 : i32
        %broadcast_in_dim3A_2329 = vector.broadcast %broadcast_in_dim3A_2328 : i32 to vector<16xi32>
        %eq3A_2330 = arith.cmpi eq, %get3A_2280, %broadcast_in_dim3A_2329 : vector<16xi32>
        %broadcast_in_dim3A_2331 = arith.constant 4 : i32
        %broadcast_in_dim3A_2332 = vector.broadcast %broadcast_in_dim3A_2331 : i32 to vector<16xi32>
        %broadcast_in_dim3A_2333 = arith.constant 3 : i32
        %broadcast_in_dim3A_2334 = vector.broadcast %broadcast_in_dim3A_2333 : i32 to vector<16xi32>
        %select_n3A_2335 = arith.select %eq3A_2330, %broadcast_in_dim3A_2332, %broadcast_in_dim3A_2334 : vector<16xi1>, vector<16xi32>
        %mul3A_2336 = arith.muli %select_n3A_2335, %broadcast_in_dim3A_14 : vector<16xi32>
        %add3A_2337 = arith.addi %mul3A_2336, %add3A_2285 : vector<16xi32>
        %swap3A_2338 = arith.constant 288 : index
        %swap3A_2339 = tpu.vector_load %arg12[%swap3A_2338] {strides = array<i32>} : memref<400xi32, #tpu.memory_space<vmem>>, vector<16xi32>,
        %swap3A_2340 = vector.shape_cast %swap3A_2339 : vector<16xi32> to vector<16xi32>
        %swap3A_2341 = vector.shape_cast %add3A_2337 : vector<16xi32> to vector<16xi32>
        tpu.vector_store %arg12[%swap3A_2338], %swap3A_2341 {strides = array<i32>} : memref<400xi32, #tpu.memory_space<vmem>>, vector<16xi32>,
        %broadcast_in_dim3A_2342 = arith.constant 4 : i32
        %broadcast_in_dim3A_2343 = vector.broadcast %broadcast_in_dim3A_2342 : i32 to vector<16xi32>
        %eq3A_2344 = arith.cmpi eq, %get3A_2280, %broadcast_in_dim3A_2343 : vector<16xi32>
        %broadcast_in_dim3A_2345 = arith.constant 5 : i32
        %broadcast_in_dim3A_2346 = vector.broadcast %broadcast_in_dim3A_2345 : i32 to vector<16xi32>
        %broadcast_in_dim3A_2347 = arith.constant 4 : i32
        %broadcast_in_dim3A_2348 = vector.broadcast %broadcast_in_dim3A_2347 : i32 to vector<16xi32>
        %select_n3A_2349 = arith.select %eq3A_2344, %broadcast_in_dim3A_2346, %broadcast_in_dim3A_2348 : vector<16xi1>, vector<16xi32>
        %mul3A_2350 = arith.muli %select_n3A_2349, %broadcast_in_dim3A_14 : vector<16xi32>
        %add3A_2351 = arith.addi %mul3A_2350, %add3A_2285 : vector<16xi32>
        %swap3A_2352 = arith.constant 288 : index
        %swap3A_2353 = tpu.vector_load %arg13[%swap3A_2352] {strides = array<i32>} : memref<400xi32, #tpu.memory_space<vmem>>, vector<16xi32>,
        %swap3A_2354 = vector.shape_cast %swap3A_2353 : vector<16xi32> to vector<16xi32>
        %swap3A_2355 = vector.shape_cast %add3A_2351 : vector<16xi32> to vector<16xi32>
        tpu.vector_store %arg13[%swap3A_2352], %swap3A_2355 {strides = array<i32>} : memref<400xi32, #tpu.memory_space<vmem>>, vector<16xi32>,
        %broadcast_in_dim3A_2356 = arith.constant 5 : i32
        %broadcast_in_dim3A_2357 = vector.broadcast %broadcast_in_dim3A_2356 : i32 to vector<16xi32>
        %eq3A_2358 = arith.cmpi eq, %get3A_2280, %broadcast_in_dim3A_2357 : vector<16xi32>
        %broadcast_in_dim3A_2359 = arith.constant 6 : i32
        %broadcast_in_dim3A_2360 = vector.broadcast %broadcast_in_dim3A_2359 : i32 to vector<16xi32>
        %broadcast_in_dim3A_2361 = arith.constant 5 : i32
        %broadcast_in_dim3A_2362 = vector.broadcast %broadcast_in_dim3A_2361 : i32 to vector<16xi32>
        %select_n3A_2363 = arith.select %eq3A_2358, %broadcast_in_dim3A_2360, %broadcast_in_dim3A_2362 : vector<16xi1>, vector<16xi32>
        %mul3A_2364 = arith.muli %select_n3A_2363, %broadcast_in_dim3A_14 : vector<16xi32>
        %add3A_2365 = arith.addi %mul3A_2364, %add3A_2285 : vector<16xi32>
        %swap3A_2366 = arith.constant 288 : index
        %swap3A_2367 = tpu.vector_load %arg14[%swap3A_2366] {strides = array<i32>} : memref<400xi32, #tpu.memory_space<vmem>>, vector<16xi32>,
        %swap3A_2368 = vector.shape_cast %swap3A_2367 : vector<16xi32> to vector<16xi32>
        %swap3A_2369 = vector.shape_cast %add3A_2365 : vector<16xi32> to vector<16xi32>
        tpu.vector_store %arg14[%swap3A_2366], %swap3A_2369 {strides = array<i32>} : memref<400xi32, #tpu.memory_space<vmem>>, vector<16xi32>,
        %broadcast_in_dim3A_2370 = arith.constant 6 : i32
        %broadcast_in_dim3A_2371 = vector.broadcast %broadcast_in_dim3A_2370 : i32 to vector<16xi32>
        %eq3A_2372 = arith.cmpi eq, %get3A_2280, %broadcast_in_dim3A_2371 : vector<16xi32>
        %broadcast_in_dim3A_2373 = arith.constant 7 : i32
        %broadcast_in_dim3A_2374 = vector.broadcast %broadcast_in_dim3A_2373 : i32 to vector<16xi32>
        %broadcast_in_dim3A_2375 = arith.constant 6 : i32
        %broadcast_in_dim3A_2376 = vector.broadcast %broadcast_in_dim3A_2375 : i32 to vector<16xi32>
        %select_n3A_2377 = arith.select %eq3A_2372, %broadcast_in_dim3A_2374, %broadcast_in_dim3A_2376 : vector<16xi1>, vector<16xi32>
        %mul3A_2378 = arith.muli %select_n3A_2377, %broadcast_in_dim3A_14 : vector<16xi32>
        %add3A_2379 = arith.addi %mul3A_2378, %add3A_2285 : vector<16xi32>
        %swap3A_2380 = arith.constant 288 : index
        %swap3A_2381 = tpu.vector_load %arg15[%swap3A_2380] {strides = array<i32>} : memref<400xi32, #tpu.memory_space<vmem>>, vector<16xi32>,
        %swap3A_2382 = vector.shape_cast %swap3A_2381 : vector<16xi32> to vector<16xi32>
        %swap3A_2383 = vector.shape_cast %add3A_2379 : vector<16xi32> to vector<16xi32>
        tpu.vector_store %arg15[%swap3A_2380], %swap3A_2383 {strides = array<i32>} : memref<400xi32, #tpu.memory_space<vmem>>, vector<16xi32>,
        %broadcast_in_dim3A_2384 = arith.constant 7 : i32
        %broadcast_in_dim3A_2385 = vector.broadcast %broadcast_in_dim3A_2384 : i32 to vector<16xi32>
        %eq3A_2386 = arith.cmpi eq, %get3A_2280, %broadcast_in_dim3A_2385 : vector<16xi32>
        %broadcast_in_dim3A_2387 = arith.constant 0 : i32
        %broadcast_in_dim3A_2388 = vector.broadcast %broadcast_in_dim3A_2387 : i32 to vector<16xi32>
        %broadcast_in_dim3A_2389 = arith.constant 7 : i32
        %broadcast_in_dim3A_2390 = vector.broadcast %broadcast_in_dim3A_2389 : i32 to vector<16xi32>
        %select_n3A_2391 = arith.select %eq3A_2386, %broadcast_in_dim3A_2388, %broadcast_in_dim3A_2390 : vector<16xi1>, vector<16xi32>
        %mul3A_2392 = arith.muli %select_n3A_2391, %broadcast_in_dim3A_14 : vector<16xi32>
        %add3A_2393 = arith.addi %mul3A_2392, %add3A_2285 : vector<16xi32>
        %swap3A_2394 = arith.constant 288 : index
        %swap3A_2395 = tpu.vector_load %arg16[%swap3A_2394] {strides = array<i32>} : memref<400xi32, #tpu.memory_space<vmem>>, vector<16xi32>,
        %swap3A_2396 = vector.shape_cast %swap3A_2395 : vector<16xi32> to vector<16xi32>
        %swap3A_2397 = vector.shape_cast %add3A_2393 : vector<16xi32> to vector<16xi32>
        tpu.vector_store %arg16[%swap3A_2394], %swap3A_2397 {strides = array<i32>} : memref<400xi32, #tpu.memory_space<vmem>>, vector<16xi32>,
        %mul3A_2398 = arith.muli %get3A_2280, %broadcast_in_dim3A_14 : vector<16xi32>
        %add3A_2399 = arith.addi %mul3A_2398, %add3A_2285 : vector<16xi32>
        %swap3A_2400 = arith.constant 288 : index
        %swap3A_2401 = tpu.vector_load %arg17[%swap3A_2400] {strides = array<i32>} : memref<400xi32, #tpu.memory_space<vmem>>, vector<16xi32>,
        %swap3A_2402 = vector.shape_cast %swap3A_2401 : vector<16xi32> to vector<16xi32>
        %swap3A_2403 = vector.shape_cast %add3A_2399 : vector<16xi32> to vector<16xi32>
        tpu.vector_store %arg17[%swap3A_2400], %swap3A_2403 {strides = array<i32>} : memref<400xi32, #tpu.memory_space<vmem>>, vector<16xi32>,
        %get3A_2404 = arith.constant 304 : index
        %get3A_2405 = tpu.vector_load %arg6[%get3A_2404] {strides = array<i32>} : memref<400xi32, #tpu.memory_space<vmem>>, vector<16xi32>,
        %get3A_2406 = vector.shape_cast %get3A_2405 : vector<16xi32> to vector<16xi32>
        %add3A_2407 = arith.constant 304 : i32
        %add3A_2408 = arith.addi %mul3A_13, %add3A_2407 : i32
        %broadcast_in_dim3A_2409 = vector.broadcast %add3A_2408 : i32 to vector<16xi32>
        %iota3A_2410 = tpu.iota {dimensions = array<i32: 0>} : vector<16xi32>
        %add3A_2411 = arith.addi %broadcast_in_dim3A_2409, %iota3A_2410 : vector<16xi32>
        %broadcast_in_dim3A_2412 = arith.constant 0 : i32
        %broadcast_in_dim3A_2413 = vector.broadcast %broadcast_in_dim3A_2412 : i32 to vector<16xi32>
        %eq3A_2414 = arith.cmpi eq, %get3A_2406, %broadcast_in_dim3A_2413 : vector<16xi32>
        %broadcast_in_dim3A_2415 = arith.constant 1 : i32
        %broadcast_in_dim3A_2416 = vector.broadcast %broadcast_in_dim3A_2415 : i32 to vector<16xi32>
        %broadcast_in_dim3A_2417 = arith.constant 0 : i32
        %broadcast_in_dim3A_2418 = vector.broadcast %broadcast_in_dim3A_2417 : i32 to vector<16xi32>
        %select_n3A_2419 = arith.select %eq3A_2414, %broadcast_in_dim3A_2416, %broadcast_in_dim3A_2418 : vector<16xi1>, vector<16xi32>
        %mul3A_2420 = arith.muli %select_n3A_2419, %broadcast_in_dim3A_14 : vector<16xi32>
        %add3A_2421 = arith.addi %mul3A_2420, %add3A_2411 : vector<16xi32>
        %swap3A_2422 = arith.constant 304 : index
        %swap3A_2423 = tpu.vector_load %arg9[%swap3A_2422] {strides = array<i32>} : memref<400xi32, #tpu.memory_space<vmem>>, vector<16xi32>,
        %swap3A_2424 = vector.shape_cast %swap3A_2423 : vector<16xi32> to vector<16xi32>
        %swap3A_2425 = vector.shape_cast %add3A_2421 : vector<16xi32> to vector<16xi32>
        tpu.vector_store %arg9[%swap3A_2422], %swap3A_2425 {strides = array<i32>} : memref<400xi32, #tpu.memory_space<vmem>>, vector<16xi32>,
        %broadcast_in_dim3A_2426 = arith.constant 1 : i32
        %broadcast_in_dim3A_2427 = vector.broadcast %broadcast_in_dim3A_2426 : i32 to vector<16xi32>
        %eq3A_2428 = arith.cmpi eq, %get3A_2406, %broadcast_in_dim3A_2427 : vector<16xi32>
        %broadcast_in_dim3A_2429 = arith.constant 2 : i32
        %broadcast_in_dim3A_2430 = vector.broadcast %broadcast_in_dim3A_2429 : i32 to vector<16xi32>
        %broadcast_in_dim3A_2431 = arith.constant 1 : i32
        %broadcast_in_dim3A_2432 = vector.broadcast %broadcast_in_dim3A_2431 : i32 to vector<16xi32>
        %select_n3A_2433 = arith.select %eq3A_2428, %broadcast_in_dim3A_2430, %broadcast_in_dim3A_2432 : vector<16xi1>, vector<16xi32>
        %mul3A_2434 = arith.muli %select_n3A_2433, %broadcast_in_dim3A_14 : vector<16xi32>
        %add3A_2435 = arith.addi %mul3A_2434, %add3A_2411 : vector<16xi32>
        %swap3A_2436 = arith.constant 304 : index
        %swap3A_2437 = tpu.vector_load %arg10[%swap3A_2436] {strides = array<i32>} : memref<400xi32, #tpu.memory_space<vmem>>, vector<16xi32>,
        %swap3A_2438 = vector.shape_cast %swap3A_2437 : vector<16xi32> to vector<16xi32>
        %swap3A_2439 = vector.shape_cast %add3A_2435 : vector<16xi32> to vector<16xi32>
        tpu.vector_store %arg10[%swap3A_2436], %swap3A_2439 {strides = array<i32>} : memref<400xi32, #tpu.memory_space<vmem>>, vector<16xi32>,
        %broadcast_in_dim3A_2440 = arith.constant 2 : i32
        %broadcast_in_dim3A_2441 = vector.broadcast %broadcast_in_dim3A_2440 : i32 to vector<16xi32>
        %eq3A_2442 = arith.cmpi eq, %get3A_2406, %broadcast_in_dim3A_2441 : vector<16xi32>
        %broadcast_in_dim3A_2443 = arith.constant 3 : i32
        %broadcast_in_dim3A_2444 = vector.broadcast %broadcast_in_dim3A_2443 : i32 to vector<16xi32>
        %broadcast_in_dim3A_2445 = arith.constant 2 : i32
        %broadcast_in_dim3A_2446 = vector.broadcast %broadcast_in_dim3A_2445 : i32 to vector<16xi32>
        %select_n3A_2447 = arith.select %eq3A_2442, %broadcast_in_dim3A_2444, %broadcast_in_dim3A_2446 : vector<16xi1>, vector<16xi32>
        %mul3A_2448 = arith.muli %select_n3A_2447, %broadcast_in_dim3A_14 : vector<16xi32>
        %add3A_2449 = arith.addi %mul3A_2448, %add3A_2411 : vector<16xi32>
        %swap3A_2450 = arith.constant 304 : index
        %swap3A_2451 = tpu.vector_load %arg11[%swap3A_2450] {strides = array<i32>} : memref<400xi32, #tpu.memory_space<vmem>>, vector<16xi32>,
        %swap3A_2452 = vector.shape_cast %swap3A_2451 : vector<16xi32> to vector<16xi32>
        %swap3A_2453 = vector.shape_cast %add3A_2449 : vector<16xi32> to vector<16xi32>
        tpu.vector_store %arg11[%swap3A_2450], %swap3A_2453 {strides = array<i32>} : memref<400xi32, #tpu.memory_space<vmem>>, vector<16xi32>,
        %broadcast_in_dim3A_2454 = arith.constant 3 : i32
        %broadcast_in_dim3A_2455 = vector.broadcast %broadcast_in_dim3A_2454 : i32 to vector<16xi32>
        %eq3A_2456 = arith.cmpi eq, %get3A_2406, %broadcast_in_dim3A_2455 : vector<16xi32>
        %broadcast_in_dim3A_2457 = arith.constant 4 : i32
        %broadcast_in_dim3A_2458 = vector.broadcast %broadcast_in_dim3A_2457 : i32 to vector<16xi32>
        %broadcast_in_dim3A_2459 = arith.constant 3 : i32
        %broadcast_in_dim3A_2460 = vector.broadcast %broadcast_in_dim3A_2459 : i32 to vector<16xi32>
        %select_n3A_2461 = arith.select %eq3A_2456, %broadcast_in_dim3A_2458, %broadcast_in_dim3A_2460 : vector<16xi1>, vector<16xi32>
        %mul3A_2462 = arith.muli %select_n3A_2461, %broadcast_in_dim3A_14 : vector<16xi32>
        %add3A_2463 = arith.addi %mul3A_2462, %add3A_2411 : vector<16xi32>
        %swap3A_2464 = arith.constant 304 : index
        %swap3A_2465 = tpu.vector_load %arg12[%swap3A_2464] {strides = array<i32>} : memref<400xi32, #tpu.memory_space<vmem>>, vector<16xi32>,
        %swap3A_2466 = vector.shape_cast %swap3A_2465 : vector<16xi32> to vector<16xi32>
        %swap3A_2467 = vector.shape_cast %add3A_2463 : vector<16xi32> to vector<16xi32>
        tpu.vector_store %arg12[%swap3A_2464], %swap3A_2467 {strides = array<i32>} : memref<400xi32, #tpu.memory_space<vmem>>, vector<16xi32>,
        %broadcast_in_dim3A_2468 = arith.constant 4 : i32
        %broadcast_in_dim3A_2469 = vector.broadcast %broadcast_in_dim3A_2468 : i32 to vector<16xi32>
        %eq3A_2470 = arith.cmpi eq, %get3A_2406, %broadcast_in_dim3A_2469 : vector<16xi32>
        %broadcast_in_dim3A_2471 = arith.constant 5 : i32
        %broadcast_in_dim3A_2472 = vector.broadcast %broadcast_in_dim3A_2471 : i32 to vector<16xi32>
        %broadcast_in_dim3A_2473 = arith.constant 4 : i32
        %broadcast_in_dim3A_2474 = vector.broadcast %broadcast_in_dim3A_2473 : i32 to vector<16xi32>
        %select_n3A_2475 = arith.select %eq3A_2470, %broadcast_in_dim3A_2472, %broadcast_in_dim3A_2474 : vector<16xi1>, vector<16xi32>
        %mul3A_2476 = arith.muli %select_n3A_2475, %broadcast_in_dim3A_14 : vector<16xi32>
        %add3A_2477 = arith.addi %mul3A_2476, %add3A_2411 : vector<16xi32>
        %swap3A_2478 = arith.constant 304 : index
        %swap3A_2479 = tpu.vector_load %arg13[%swap3A_2478] {strides = array<i32>} : memref<400xi32, #tpu.memory_space<vmem>>, vector<16xi32>,
        %swap3A_2480 = vector.shape_cast %swap3A_2479 : vector<16xi32> to vector<16xi32>
        %swap3A_2481 = vector.shape_cast %add3A_2477 : vector<16xi32> to vector<16xi32>
        tpu.vector_store %arg13[%swap3A_2478], %swap3A_2481 {strides = array<i32>} : memref<400xi32, #tpu.memory_space<vmem>>, vector<16xi32>,
        %broadcast_in_dim3A_2482 = arith.constant 5 : i32
        %broadcast_in_dim3A_2483 = vector.broadcast %broadcast_in_dim3A_2482 : i32 to vector<16xi32>
        %eq3A_2484 = arith.cmpi eq, %get3A_2406, %broadcast_in_dim3A_2483 : vector<16xi32>
        %broadcast_in_dim3A_2485 = arith.constant 6 : i32
        %broadcast_in_dim3A_2486 = vector.broadcast %broadcast_in_dim3A_2485 : i32 to vector<16xi32>
        %broadcast_in_dim3A_2487 = arith.constant 5 : i32
        %broadcast_in_dim3A_2488 = vector.broadcast %broadcast_in_dim3A_2487 : i32 to vector<16xi32>
        %select_n3A_2489 = arith.select %eq3A_2484, %broadcast_in_dim3A_2486, %broadcast_in_dim3A_2488 : vector<16xi1>, vector<16xi32>
        %mul3A_2490 = arith.muli %select_n3A_2489, %broadcast_in_dim3A_14 : vector<16xi32>
        %add3A_2491 = arith.addi %mul3A_2490, %add3A_2411 : vector<16xi32>
        %swap3A_2492 = arith.constant 304 : index
        %swap3A_2493 = tpu.vector_load %arg14[%swap3A_2492] {strides = array<i32>} : memref<400xi32, #tpu.memory_space<vmem>>, vector<16xi32>,
        %swap3A_2494 = vector.shape_cast %swap3A_2493 : vector<16xi32> to vector<16xi32>
        %swap3A_2495 = vector.shape_cast %add3A_2491 : vector<16xi32> to vector<16xi32>
        tpu.vector_store %arg14[%swap3A_2492], %swap3A_2495 {strides = array<i32>} : memref<400xi32, #tpu.memory_space<vmem>>, vector<16xi32>,
        %broadcast_in_dim3A_2496 = arith.constant 6 : i32
        %broadcast_in_dim3A_2497 = vector.broadcast %broadcast_in_dim3A_2496 : i32 to vector<16xi32>
        %eq3A_2498 = arith.cmpi eq, %get3A_2406, %broadcast_in_dim3A_2497 : vector<16xi32>
        %broadcast_in_dim3A_2499 = arith.constant 7 : i32
        %broadcast_in_dim3A_2500 = vector.broadcast %broadcast_in_dim3A_2499 : i32 to vector<16xi32>
        %broadcast_in_dim3A_2501 = arith.constant 6 : i32
        %broadcast_in_dim3A_2502 = vector.broadcast %broadcast_in_dim3A_2501 : i32 to vector<16xi32>
        %select_n3A_2503 = arith.select %eq3A_2498, %broadcast_in_dim3A_2500, %broadcast_in_dim3A_2502 : vector<16xi1>, vector<16xi32>
        %mul3A_2504 = arith.muli %select_n3A_2503, %broadcast_in_dim3A_14 : vector<16xi32>
        %add3A_2505 = arith.addi %mul3A_2504, %add3A_2411 : vector<16xi32>
        %swap3A_2506 = arith.constant 304 : index
        %swap3A_2507 = tpu.vector_load %arg15[%swap3A_2506] {strides = array<i32>} : memref<400xi32, #tpu.memory_space<vmem>>, vector<16xi32>,
        %swap3A_2508 = vector.shape_cast %swap3A_2507 : vector<16xi32> to vector<16xi32>
        %swap3A_2509 = vector.shape_cast %add3A_2505 : vector<16xi32> to vector<16xi32>
        tpu.vector_store %arg15[%swap3A_2506], %swap3A_2509 {strides = array<i32>} : memref<400xi32, #tpu.memory_space<vmem>>, vector<16xi32>,
        %broadcast_in_dim3A_2510 = arith.constant 7 : i32
        %broadcast_in_dim3A_2511 = vector.broadcast %broadcast_in_dim3A_2510 : i32 to vector<16xi32>
        %eq3A_2512 = arith.cmpi eq, %get3A_2406, %broadcast_in_dim3A_2511 : vector<16xi32>
        %broadcast_in_dim3A_2513 = arith.constant 0 : i32
        %broadcast_in_dim3A_2514 = vector.broadcast %broadcast_in_dim3A_2513 : i32 to vector<16xi32>
        %broadcast_in_dim3A_2515 = arith.constant 7 : i32
        %broadcast_in_dim3A_2516 = vector.broadcast %broadcast_in_dim3A_2515 : i32 to vector<16xi32>
        %select_n3A_2517 = arith.select %eq3A_2512, %broadcast_in_dim3A_2514, %broadcast_in_dim3A_2516 : vector<16xi1>, vector<16xi32>
        %mul3A_2518 = arith.muli %select_n3A_2517, %broadcast_in_dim3A_14 : vector<16xi32>
        %add3A_2519 = arith.addi %mul3A_2518, %add3A_2411 : vector<16xi32>
        %swap3A_2520 = arith.constant 304 : index
        %swap3A_2521 = tpu.vector_load %arg16[%swap3A_2520] {strides = array<i32>} : memref<400xi32, #tpu.memory_space<vmem>>, vector<16xi32>,
        %swap3A_2522 = vector.shape_cast %swap3A_2521 : vector<16xi32> to vector<16xi32>
        %swap3A_2523 = vector.shape_cast %add3A_2519 : vector<16xi32> to vector<16xi32>
        tpu.vector_store %arg16[%swap3A_2520], %swap3A_2523 {strides = array<i32>} : memref<400xi32, #tpu.memory_space<vmem>>, vector<16xi32>,
        %mul3A_2524 = arith.muli %get3A_2406, %broadcast_in_dim3A_14 : vector<16xi32>
        %add3A_2525 = arith.addi %mul3A_2524, %add3A_2411 : vector<16xi32>
        %swap3A_2526 = arith.constant 304 : index
        %swap3A_2527 = tpu.vector_load %arg17[%swap3A_2526] {strides = array<i32>} : memref<400xi32, #tpu.memory_space<vmem>>, vector<16xi32>,
        %swap3A_2528 = vector.shape_cast %swap3A_2527 : vector<16xi32> to vector<16xi32>
        %swap3A_2529 = vector.shape_cast %add3A_2525 : vector<16xi32> to vector<16xi32>
        tpu.vector_store %arg17[%swap3A_2526], %swap3A_2529 {strides = array<i32>} : memref<400xi32, #tpu.memory_space<vmem>>, vector<16xi32>,
        %get3A_2530 = arith.constant 320 : index
        %get3A_2531 = tpu.vector_load %arg6[%get3A_2530] {strides = array<i32>} : memref<400xi32, #tpu.memory_space<vmem>>, vector<16xi32>,
        %get3A_2532 = vector.shape_cast %get3A_2531 : vector<16xi32> to vector<16xi32>
        %add3A_2533 = arith.constant 320 : i32
        %add3A_2534 = arith.addi %mul3A_13, %add3A_2533 : i32
        %broadcast_in_dim3A_2535 = vector.broadcast %add3A_2534 : i32 to vector<16xi32>
        %iota3A_2536 = tpu.iota {dimensions = array<i32: 0>} : vector<16xi32>
        %add3A_2537 = arith.addi %broadcast_in_dim3A_2535, %iota3A_2536 : vector<16xi32>
        %broadcast_in_dim3A_2538 = arith.constant 0 : i32
        %broadcast_in_dim3A_2539 = vector.broadcast %broadcast_in_dim3A_2538 : i32 to vector<16xi32>
        %eq3A_2540 = arith.cmpi eq, %get3A_2532, %broadcast_in_dim3A_2539 : vector<16xi32>
        %broadcast_in_dim3A_2541 = arith.constant 1 : i32
        %broadcast_in_dim3A_2542 = vector.broadcast %broadcast_in_dim3A_2541 : i32 to vector<16xi32>
        %broadcast_in_dim3A_2543 = arith.constant 0 : i32
        %broadcast_in_dim3A_2544 = vector.broadcast %broadcast_in_dim3A_2543 : i32 to vector<16xi32>
        %select_n3A_2545 = arith.select %eq3A_2540, %broadcast_in_dim3A_2542, %broadcast_in_dim3A_2544 : vector<16xi1>, vector<16xi32>
        %mul3A_2546 = arith.muli %select_n3A_2545, %broadcast_in_dim3A_14 : vector<16xi32>
        %add3A_2547 = arith.addi %mul3A_2546, %add3A_2537 : vector<16xi32>
        %swap3A_2548 = arith.constant 320 : index
        %swap3A_2549 = tpu.vector_load %arg9[%swap3A_2548] {strides = array<i32>} : memref<400xi32, #tpu.memory_space<vmem>>, vector<16xi32>,
        %swap3A_2550 = vector.shape_cast %swap3A_2549 : vector<16xi32> to vector<16xi32>
        %swap3A_2551 = vector.shape_cast %add3A_2547 : vector<16xi32> to vector<16xi32>
        tpu.vector_store %arg9[%swap3A_2548], %swap3A_2551 {strides = array<i32>} : memref<400xi32, #tpu.memory_space<vmem>>, vector<16xi32>,
        %broadcast_in_dim3A_2552 = arith.constant 1 : i32
        %broadcast_in_dim3A_2553 = vector.broadcast %broadcast_in_dim3A_2552 : i32 to vector<16xi32>
        %eq3A_2554 = arith.cmpi eq, %get3A_2532, %broadcast_in_dim3A_2553 : vector<16xi32>
        %broadcast_in_dim3A_2555 = arith.constant 2 : i32
        %broadcast_in_dim3A_2556 = vector.broadcast %broadcast_in_dim3A_2555 : i32 to vector<16xi32>
        %broadcast_in_dim3A_2557 = arith.constant 1 : i32
        %broadcast_in_dim3A_2558 = vector.broadcast %broadcast_in_dim3A_2557 : i32 to vector<16xi32>
        %select_n3A_2559 = arith.select %eq3A_2554, %broadcast_in_dim3A_2556, %broadcast_in_dim3A_2558 : vector<16xi1>, vector<16xi32>
        %mul3A_2560 = arith.muli %select_n3A_2559, %broadcast_in_dim3A_14 : vector<16xi32>
        %add3A_2561 = arith.addi %mul3A_2560, %add3A_2537 : vector<16xi32>
        %swap3A_2562 = arith.constant 320 : index
        %swap3A_2563 = tpu.vector_load %arg10[%swap3A_2562] {strides = array<i32>} : memref<400xi32, #tpu.memory_space<vmem>>, vector<16xi32>,
        %swap3A_2564 = vector.shape_cast %swap3A_2563 : vector<16xi32> to vector<16xi32>
        %swap3A_2565 = vector.shape_cast %add3A_2561 : vector<16xi32> to vector<16xi32>
        tpu.vector_store %arg10[%swap3A_2562], %swap3A_2565 {strides = array<i32>} : memref<400xi32, #tpu.memory_space<vmem>>, vector<16xi32>,
        %broadcast_in_dim3A_2566 = arith.constant 2 : i32
        %broadcast_in_dim3A_2567 = vector.broadcast %broadcast_in_dim3A_2566 : i32 to vector<16xi32>
        %eq3A_2568 = arith.cmpi eq, %get3A_2532, %broadcast_in_dim3A_2567 : vector<16xi32>
        %broadcast_in_dim3A_2569 = arith.constant 3 : i32
        %broadcast_in_dim3A_2570 = vector.broadcast %broadcast_in_dim3A_2569 : i32 to vector<16xi32>
        %broadcast_in_dim3A_2571 = arith.constant 2 : i32
        %broadcast_in_dim3A_2572 = vector.broadcast %broadcast_in_dim3A_2571 : i32 to vector<16xi32>
        %select_n3A_2573 = arith.select %eq3A_2568, %broadcast_in_dim3A_2570, %broadcast_in_dim3A_2572 : vector<16xi1>, vector<16xi32>
        %mul3A_2574 = arith.muli %select_n3A_2573, %broadcast_in_dim3A_14 : vector<16xi32>
        %add3A_2575 = arith.addi %mul3A_2574, %add3A_2537 : vector<16xi32>
        %swap3A_2576 = arith.constant 320 : index
        %swap3A_2577 = tpu.vector_load %arg11[%swap3A_2576] {strides = array<i32>} : memref<400xi32, #tpu.memory_space<vmem>>, vector<16xi32>,
        %swap3A_2578 = vector.shape_cast %swap3A_2577 : vector<16xi32> to vector<16xi32>
        %swap3A_2579 = vector.shape_cast %add3A_2575 : vector<16xi32> to vector<16xi32>
        tpu.vector_store %arg11[%swap3A_2576], %swap3A_2579 {strides = array<i32>} : memref<400xi32, #tpu.memory_space<vmem>>, vector<16xi32>,
        %broadcast_in_dim3A_2580 = arith.constant 3 : i32
        %broadcast_in_dim3A_2581 = vector.broadcast %broadcast_in_dim3A_2580 : i32 to vector<16xi32>
        %eq3A_2582 = arith.cmpi eq, %get3A_2532, %broadcast_in_dim3A_2581 : vector<16xi32>
        %broadcast_in_dim3A_2583 = arith.constant 4 : i32
        %broadcast_in_dim3A_2584 = vector.broadcast %broadcast_in_dim3A_2583 : i32 to vector<16xi32>
        %broadcast_in_dim3A_2585 = arith.constant 3 : i32
        %broadcast_in_dim3A_2586 = vector.broadcast %broadcast_in_dim3A_2585 : i32 to vector<16xi32>
        %select_n3A_2587 = arith.select %eq3A_2582, %broadcast_in_dim3A_2584, %broadcast_in_dim3A_2586 : vector<16xi1>, vector<16xi32>
        %mul3A_2588 = arith.muli %select_n3A_2587, %broadcast_in_dim3A_14 : vector<16xi32>
        %add3A_2589 = arith.addi %mul3A_2588, %add3A_2537 : vector<16xi32>
        %swap3A_2590 = arith.constant 320 : index
        %swap3A_2591 = tpu.vector_load %arg12[%swap3A_2590] {strides = array<i32>} : memref<400xi32, #tpu.memory_space<vmem>>, vector<16xi32>,
        %swap3A_2592 = vector.shape_cast %swap3A_2591 : vector<16xi32> to vector<16xi32>
        %swap3A_2593 = vector.shape_cast %add3A_2589 : vector<16xi32> to vector<16xi32>
        tpu.vector_store %arg12[%swap3A_2590], %swap3A_2593 {strides = array<i32>} : memref<400xi32, #tpu.memory_space<vmem>>, vector<16xi32>,
        %broadcast_in_dim3A_2594 = arith.constant 4 : i32
        %broadcast_in_dim3A_2595 = vector.broadcast %broadcast_in_dim3A_2594 : i32 to vector<16xi32>
        %eq3A_2596 = arith.cmpi eq, %get3A_2532, %broadcast_in_dim3A_2595 : vector<16xi32>
        %broadcast_in_dim3A_2597 = arith.constant 5 : i32
        %broadcast_in_dim3A_2598 = vector.broadcast %broadcast_in_dim3A_2597 : i32 to vector<16xi32>
        %broadcast_in_dim3A_2599 = arith.constant 4 : i32
        %broadcast_in_dim3A_2600 = vector.broadcast %broadcast_in_dim3A_2599 : i32 to vector<16xi32>
        %select_n3A_2601 = arith.select %eq3A_2596, %broadcast_in_dim3A_2598, %broadcast_in_dim3A_2600 : vector<16xi1>, vector<16xi32>
        %mul3A_2602 = arith.muli %select_n3A_2601, %broadcast_in_dim3A_14 : vector<16xi32>
        %add3A_2603 = arith.addi %mul3A_2602, %add3A_2537 : vector<16xi32>
        %swap3A_2604 = arith.constant 320 : index
        %swap3A_2605 = tpu.vector_load %arg13[%swap3A_2604] {strides = array<i32>} : memref<400xi32, #tpu.memory_space<vmem>>, vector<16xi32>,
        %swap3A_2606 = vector.shape_cast %swap3A_2605 : vector<16xi32> to vector<16xi32>
        %swap3A_2607 = vector.shape_cast %add3A_2603 : vector<16xi32> to vector<16xi32>
        tpu.vector_store %arg13[%swap3A_2604], %swap3A_2607 {strides = array<i32>} : memref<400xi32, #tpu.memory_space<vmem>>, vector<16xi32>,
        %broadcast_in_dim3A_2608 = arith.constant 5 : i32
        %broadcast_in_dim3A_2609 = vector.broadcast %broadcast_in_dim3A_2608 : i32 to vector<16xi32>
        %eq3A_2610 = arith.cmpi eq, %get3A_2532, %broadcast_in_dim3A_2609 : vector<16xi32>
        %broadcast_in_dim3A_2611 = arith.constant 6 : i32
        %broadcast_in_dim3A_2612 = vector.broadcast %broadcast_in_dim3A_2611 : i32 to vector<16xi32>
        %broadcast_in_dim3A_2613 = arith.constant 5 : i32
        %broadcast_in_dim3A_2614 = vector.broadcast %broadcast_in_dim3A_2613 : i32 to vector<16xi32>
        %select_n3A_2615 = arith.select %eq3A_2610, %broadcast_in_dim3A_2612, %broadcast_in_dim3A_2614 : vector<16xi1>, vector<16xi32>
        %mul3A_2616 = arith.muli %select_n3A_2615, %broadcast_in_dim3A_14 : vector<16xi32>
        %add3A_2617 = arith.addi %mul3A_2616, %add3A_2537 : vector<16xi32>
        %swap3A_2618 = arith.constant 320 : index
        %swap3A_2619 = tpu.vector_load %arg14[%swap3A_2618] {strides = array<i32>} : memref<400xi32, #tpu.memory_space<vmem>>, vector<16xi32>,
        %swap3A_2620 = vector.shape_cast %swap3A_2619 : vector<16xi32> to vector<16xi32>
        %swap3A_2621 = vector.shape_cast %add3A_2617 : vector<16xi32> to vector<16xi32>
        tpu.vector_store %arg14[%swap3A_2618], %swap3A_2621 {strides = array<i32>} : memref<400xi32, #tpu.memory_space<vmem>>, vector<16xi32>,
        %broadcast_in_dim3A_2622 = arith.constant 6 : i32
        %broadcast_in_dim3A_2623 = vector.broadcast %broadcast_in_dim3A_2622 : i32 to vector<16xi32>
        %eq3A_2624 = arith.cmpi eq, %get3A_2532, %broadcast_in_dim3A_2623 : vector<16xi32>
        %broadcast_in_dim3A_2625 = arith.constant 7 : i32
        %broadcast_in_dim3A_2626 = vector.broadcast %broadcast_in_dim3A_2625 : i32 to vector<16xi32>
        %broadcast_in_dim3A_2627 = arith.constant 6 : i32
        %broadcast_in_dim3A_2628 = vector.broadcast %broadcast_in_dim3A_2627 : i32 to vector<16xi32>
        %select_n3A_2629 = arith.select %eq3A_2624, %broadcast_in_dim3A_2626, %broadcast_in_dim3A_2628 : vector<16xi1>, vector<16xi32>
        %mul3A_2630 = arith.muli %select_n3A_2629, %broadcast_in_dim3A_14 : vector<16xi32>
        %add3A_2631 = arith.addi %mul3A_2630, %add3A_2537 : vector<16xi32>
        %swap3A_2632 = arith.constant 320 : index
        %swap3A_2633 = tpu.vector_load %arg15[%swap3A_2632] {strides = array<i32>} : memref<400xi32, #tpu.memory_space<vmem>>, vector<16xi32>,
        %swap3A_2634 = vector.shape_cast %swap3A_2633 : vector<16xi32> to vector<16xi32>
        %swap3A_2635 = vector.shape_cast %add3A_2631 : vector<16xi32> to vector<16xi32>
        tpu.vector_store %arg15[%swap3A_2632], %swap3A_2635 {strides = array<i32>} : memref<400xi32, #tpu.memory_space<vmem>>, vector<16xi32>,
        %broadcast_in_dim3A_2636 = arith.constant 7 : i32
        %broadcast_in_dim3A_2637 = vector.broadcast %broadcast_in_dim3A_2636 : i32 to vector<16xi32>
        %eq3A_2638 = arith.cmpi eq, %get3A_2532, %broadcast_in_dim3A_2637 : vector<16xi32>
        %broadcast_in_dim3A_2639 = arith.constant 0 : i32
        %broadcast_in_dim3A_2640 = vector.broadcast %broadcast_in_dim3A_2639 : i32 to vector<16xi32>
        %broadcast_in_dim3A_2641 = arith.constant 7 : i32
        %broadcast_in_dim3A_2642 = vector.broadcast %broadcast_in_dim3A_2641 : i32 to vector<16xi32>
        %select_n3A_2643 = arith.select %eq3A_2638, %broadcast_in_dim3A_2640, %broadcast_in_dim3A_2642 : vector<16xi1>, vector<16xi32>
        %mul3A_2644 = arith.muli %select_n3A_2643, %broadcast_in_dim3A_14 : vector<16xi32>
        %add3A_2645 = arith.addi %mul3A_2644, %add3A_2537 : vector<16xi32>
        %swap3A_2646 = arith.constant 320 : index
        %swap3A_2647 = tpu.vector_load %arg16[%swap3A_2646] {strides = array<i32>} : memref<400xi32, #tpu.memory_space<vmem>>, vector<16xi32>,
        %swap3A_2648 = vector.shape_cast %swap3A_2647 : vector<16xi32> to vector<16xi32>
        %swap3A_2649 = vector.shape_cast %add3A_2645 : vector<16xi32> to vector<16xi32>
        tpu.vector_store %arg16[%swap3A_2646], %swap3A_2649 {strides = array<i32>} : memref<400xi32, #tpu.memory_space<vmem>>, vector<16xi32>,
        %mul3A_2650 = arith.muli %get3A_2532, %broadcast_in_dim3A_14 : vector<16xi32>
        %add3A_2651 = arith.addi %mul3A_2650, %add3A_2537 : vector<16xi32>
        %swap3A_2652 = arith.constant 320 : index
        %swap3A_2653 = tpu.vector_load %arg17[%swap3A_2652] {strides = array<i32>} : memref<400xi32, #tpu.memory_space<vmem>>, vector<16xi32>,
        %swap3A_2654 = vector.shape_cast %swap3A_2653 : vector<16xi32> to vector<16xi32>
        %swap3A_2655 = vector.shape_cast %add3A_2651 : vector<16xi32> to vector<16xi32>
        tpu.vector_store %arg17[%swap3A_2652], %swap3A_2655 {strides = array<i32>} : memref<400xi32, #tpu.memory_space<vmem>>, vector<16xi32>,
        %get3A_2656 = arith.constant 336 : index
        %get3A_2657 = tpu.vector_load %arg6[%get3A_2656] {strides = array<i32>} : memref<400xi32, #tpu.memory_space<vmem>>, vector<16xi32>,
        %get3A_2658 = vector.shape_cast %get3A_2657 : vector<16xi32> to vector<16xi32>
        %add3A_2659 = arith.constant 336 : i32
        %add3A_2660 = arith.addi %mul3A_13, %add3A_2659 : i32
        %broadcast_in_dim3A_2661 = vector.broadcast %add3A_2660 : i32 to vector<16xi32>
        %iota3A_2662 = tpu.iota {dimensions = array<i32: 0>} : vector<16xi32>
        %add3A_2663 = arith.addi %broadcast_in_dim3A_2661, %iota3A_2662 : vector<16xi32>
        %broadcast_in_dim3A_2664 = arith.constant 0 : i32
        %broadcast_in_dim3A_2665 = vector.broadcast %broadcast_in_dim3A_2664 : i32 to vector<16xi32>
        %eq3A_2666 = arith.cmpi eq, %get3A_2658, %broadcast_in_dim3A_2665 : vector<16xi32>
        %broadcast_in_dim3A_2667 = arith.constant 1 : i32
        %broadcast_in_dim3A_2668 = vector.broadcast %broadcast_in_dim3A_2667 : i32 to vector<16xi32>
        %broadcast_in_dim3A_2669 = arith.constant 0 : i32
        %broadcast_in_dim3A_2670 = vector.broadcast %broadcast_in_dim3A_2669 : i32 to vector<16xi32>
        %select_n3A_2671 = arith.select %eq3A_2666, %broadcast_in_dim3A_2668, %broadcast_in_dim3A_2670 : vector<16xi1>, vector<16xi32>
        %mul3A_2672 = arith.muli %select_n3A_2671, %broadcast_in_dim3A_14 : vector<16xi32>
        %add3A_2673 = arith.addi %mul3A_2672, %add3A_2663 : vector<16xi32>
        %swap3A_2674 = arith.constant 336 : index
        %swap3A_2675 = tpu.vector_load %arg9[%swap3A_2674] {strides = array<i32>} : memref<400xi32, #tpu.memory_space<vmem>>, vector<16xi32>,
        %swap3A_2676 = vector.shape_cast %swap3A_2675 : vector<16xi32> to vector<16xi32>
        %swap3A_2677 = vector.shape_cast %add3A_2673 : vector<16xi32> to vector<16xi32>
        tpu.vector_store %arg9[%swap3A_2674], %swap3A_2677 {strides = array<i32>} : memref<400xi32, #tpu.memory_space<vmem>>, vector<16xi32>,
        %broadcast_in_dim3A_2678 = arith.constant 1 : i32
        %broadcast_in_dim3A_2679 = vector.broadcast %broadcast_in_dim3A_2678 : i32 to vector<16xi32>
        %eq3A_2680 = arith.cmpi eq, %get3A_2658, %broadcast_in_dim3A_2679 : vector<16xi32>
        %broadcast_in_dim3A_2681 = arith.constant 2 : i32
        %broadcast_in_dim3A_2682 = vector.broadcast %broadcast_in_dim3A_2681 : i32 to vector<16xi32>
        %broadcast_in_dim3A_2683 = arith.constant 1 : i32
        %broadcast_in_dim3A_2684 = vector.broadcast %broadcast_in_dim3A_2683 : i32 to vector<16xi32>
        %select_n3A_2685 = arith.select %eq3A_2680, %broadcast_in_dim3A_2682, %broadcast_in_dim3A_2684 : vector<16xi1>, vector<16xi32>
        %mul3A_2686 = arith.muli %select_n3A_2685, %broadcast_in_dim3A_14 : vector<16xi32>
        %add3A_2687 = arith.addi %mul3A_2686, %add3A_2663 : vector<16xi32>
        %swap3A_2688 = arith.constant 336 : index
        %swap3A_2689 = tpu.vector_load %arg10[%swap3A_2688] {strides = array<i32>} : memref<400xi32, #tpu.memory_space<vmem>>, vector<16xi32>,
        %swap3A_2690 = vector.shape_cast %swap3A_2689 : vector<16xi32> to vector<16xi32>
        %swap3A_2691 = vector.shape_cast %add3A_2687 : vector<16xi32> to vector<16xi32>
        tpu.vector_store %arg10[%swap3A_2688], %swap3A_2691 {strides = array<i32>} : memref<400xi32, #tpu.memory_space<vmem>>, vector<16xi32>,
        %broadcast_in_dim3A_2692 = arith.constant 2 : i32
        %broadcast_in_dim3A_2693 = vector.broadcast %broadcast_in_dim3A_2692 : i32 to vector<16xi32>
        %eq3A_2694 = arith.cmpi eq, %get3A_2658, %broadcast_in_dim3A_2693 : vector<16xi32>
        %broadcast_in_dim3A_2695 = arith.constant 3 : i32
        %broadcast_in_dim3A_2696 = vector.broadcast %broadcast_in_dim3A_2695 : i32 to vector<16xi32>
        %broadcast_in_dim3A_2697 = arith.constant 2 : i32
        %broadcast_in_dim3A_2698 = vector.broadcast %broadcast_in_dim3A_2697 : i32 to vector<16xi32>
        %select_n3A_2699 = arith.select %eq3A_2694, %broadcast_in_dim3A_2696, %broadcast_in_dim3A_2698 : vector<16xi1>, vector<16xi32>
        %mul3A_2700 = arith.muli %select_n3A_2699, %broadcast_in_dim3A_14 : vector<16xi32>
        %add3A_2701 = arith.addi %mul3A_2700, %add3A_2663 : vector<16xi32>
        %swap3A_2702 = arith.constant 336 : index
        %swap3A_2703 = tpu.vector_load %arg11[%swap3A_2702] {strides = array<i32>} : memref<400xi32, #tpu.memory_space<vmem>>, vector<16xi32>,
        %swap3A_2704 = vector.shape_cast %swap3A_2703 : vector<16xi32> to vector<16xi32>
        %swap3A_2705 = vector.shape_cast %add3A_2701 : vector<16xi32> to vector<16xi32>
        tpu.vector_store %arg11[%swap3A_2702], %swap3A_2705 {strides = array<i32>} : memref<400xi32, #tpu.memory_space<vmem>>, vector<16xi32>,
        %broadcast_in_dim3A_2706 = arith.constant 3 : i32
        %broadcast_in_dim3A_2707 = vector.broadcast %broadcast_in_dim3A_2706 : i32 to vector<16xi32>
        %eq3A_2708 = arith.cmpi eq, %get3A_2658, %broadcast_in_dim3A_2707 : vector<16xi32>
        %broadcast_in_dim3A_2709 = arith.constant 4 : i32
        %broadcast_in_dim3A_2710 = vector.broadcast %broadcast_in_dim3A_2709 : i32 to vector<16xi32>
        %broadcast_in_dim3A_2711 = arith.constant 3 : i32
        %broadcast_in_dim3A_2712 = vector.broadcast %broadcast_in_dim3A_2711 : i32 to vector<16xi32>
        %select_n3A_2713 = arith.select %eq3A_2708, %broadcast_in_dim3A_2710, %broadcast_in_dim3A_2712 : vector<16xi1>, vector<16xi32>
        %mul3A_2714 = arith.muli %select_n3A_2713, %broadcast_in_dim3A_14 : vector<16xi32>
        %add3A_2715 = arith.addi %mul3A_2714, %add3A_2663 : vector<16xi32>
        %swap3A_2716 = arith.constant 336 : index
        %swap3A_2717 = tpu.vector_load %arg12[%swap3A_2716] {strides = array<i32>} : memref<400xi32, #tpu.memory_space<vmem>>, vector<16xi32>,
        %swap3A_2718 = vector.shape_cast %swap3A_2717 : vector<16xi32> to vector<16xi32>
        %swap3A_2719 = vector.shape_cast %add3A_2715 : vector<16xi32> to vector<16xi32>
        tpu.vector_store %arg12[%swap3A_2716], %swap3A_2719 {strides = array<i32>} : memref<400xi32, #tpu.memory_space<vmem>>, vector<16xi32>,
        %broadcast_in_dim3A_2720 = arith.constant 4 : i32
        %broadcast_in_dim3A_2721 = vector.broadcast %broadcast_in_dim3A_2720 : i32 to vector<16xi32>
        %eq3A_2722 = arith.cmpi eq, %get3A_2658, %broadcast_in_dim3A_2721 : vector<16xi32>
        %broadcast_in_dim3A_2723 = arith.constant 5 : i32
        %broadcast_in_dim3A_2724 = vector.broadcast %broadcast_in_dim3A_2723 : i32 to vector<16xi32>
        %broadcast_in_dim3A_2725 = arith.constant 4 : i32
        %broadcast_in_dim3A_2726 = vector.broadcast %broadcast_in_dim3A_2725 : i32 to vector<16xi32>
        %select_n3A_2727 = arith.select %eq3A_2722, %broadcast_in_dim3A_2724, %broadcast_in_dim3A_2726 : vector<16xi1>, vector<16xi32>
        %mul3A_2728 = arith.muli %select_n3A_2727, %broadcast_in_dim3A_14 : vector<16xi32>
        %add3A_2729 = arith.addi %mul3A_2728, %add3A_2663 : vector<16xi32>
        %swap3A_2730 = arith.constant 336 : index
        %swap3A_2731 = tpu.vector_load %arg13[%swap3A_2730] {strides = array<i32>} : memref<400xi32, #tpu.memory_space<vmem>>, vector<16xi32>,
        %swap3A_2732 = vector.shape_cast %swap3A_2731 : vector<16xi32> to vector<16xi32>
        %swap3A_2733 = vector.shape_cast %add3A_2729 : vector<16xi32> to vector<16xi32>
        tpu.vector_store %arg13[%swap3A_2730], %swap3A_2733 {strides = array<i32>} : memref<400xi32, #tpu.memory_space<vmem>>, vector<16xi32>,
        %broadcast_in_dim3A_2734 = arith.constant 5 : i32
        %broadcast_in_dim3A_2735 = vector.broadcast %broadcast_in_dim3A_2734 : i32 to vector<16xi32>
        %eq3A_2736 = arith.cmpi eq, %get3A_2658, %broadcast_in_dim3A_2735 : vector<16xi32>
        %broadcast_in_dim3A_2737 = arith.constant 6 : i32
        %broadcast_in_dim3A_2738 = vector.broadcast %broadcast_in_dim3A_2737 : i32 to vector<16xi32>
        %broadcast_in_dim3A_2739 = arith.constant 5 : i32
        %broadcast_in_dim3A_2740 = vector.broadcast %broadcast_in_dim3A_2739 : i32 to vector<16xi32>
        %select_n3A_2741 = arith.select %eq3A_2736, %broadcast_in_dim3A_2738, %broadcast_in_dim3A_2740 : vector<16xi1>, vector<16xi32>
        %mul3A_2742 = arith.muli %select_n3A_2741, %broadcast_in_dim3A_14 : vector<16xi32>
        %add3A_2743 = arith.addi %mul3A_2742, %add3A_2663 : vector<16xi32>
        %swap3A_2744 = arith.constant 336 : index
        %swap3A_2745 = tpu.vector_load %arg14[%swap3A_2744] {strides = array<i32>} : memref<400xi32, #tpu.memory_space<vmem>>, vector<16xi32>,
        %swap3A_2746 = vector.shape_cast %swap3A_2745 : vector<16xi32> to vector<16xi32>
        %swap3A_2747 = vector.shape_cast %add3A_2743 : vector<16xi32> to vector<16xi32>
        tpu.vector_store %arg14[%swap3A_2744], %swap3A_2747 {strides = array<i32>} : memref<400xi32, #tpu.memory_space<vmem>>, vector<16xi32>,
        %broadcast_in_dim3A_2748 = arith.constant 6 : i32
        %broadcast_in_dim3A_2749 = vector.broadcast %broadcast_in_dim3A_2748 : i32 to vector<16xi32>
        %eq3A_2750 = arith.cmpi eq, %get3A_2658, %broadcast_in_dim3A_2749 : vector<16xi32>
        %broadcast_in_dim3A_2751 = arith.constant 7 : i32
        %broadcast_in_dim3A_2752 = vector.broadcast %broadcast_in_dim3A_2751 : i32 to vector<16xi32>
        %broadcast_in_dim3A_2753 = arith.constant 6 : i32
        %broadcast_in_dim3A_2754 = vector.broadcast %broadcast_in_dim3A_2753 : i32 to vector<16xi32>
        %select_n3A_2755 = arith.select %eq3A_2750, %broadcast_in_dim3A_2752, %broadcast_in_dim3A_2754 : vector<16xi1>, vector<16xi32>
        %mul3A_2756 = arith.muli %select_n3A_2755, %broadcast_in_dim3A_14 : vector<16xi32>
        %add3A_2757 = arith.addi %mul3A_2756, %add3A_2663 : vector<16xi32>
        %swap3A_2758 = arith.constant 336 : index
        %swap3A_2759 = tpu.vector_load %arg15[%swap3A_2758] {strides = array<i32>} : memref<400xi32, #tpu.memory_space<vmem>>, vector<16xi32>,
        %swap3A_2760 = vector.shape_cast %swap3A_2759 : vector<16xi32> to vector<16xi32>
        %swap3A_2761 = vector.shape_cast %add3A_2757 : vector<16xi32> to vector<16xi32>
        tpu.vector_store %arg15[%swap3A_2758], %swap3A_2761 {strides = array<i32>} : memref<400xi32, #tpu.memory_space<vmem>>, vector<16xi32>,
        %broadcast_in_dim3A_2762 = arith.constant 7 : i32
        %broadcast_in_dim3A_2763 = vector.broadcast %broadcast_in_dim3A_2762 : i32 to vector<16xi32>
        %eq3A_2764 = arith.cmpi eq, %get3A_2658, %broadcast_in_dim3A_2763 : vector<16xi32>
        %broadcast_in_dim3A_2765 = arith.constant 0 : i32
        %broadcast_in_dim3A_2766 = vector.broadcast %broadcast_in_dim3A_2765 : i32 to vector<16xi32>
        %broadcast_in_dim3A_2767 = arith.constant 7 : i32
        %broadcast_in_dim3A_2768 = vector.broadcast %broadcast_in_dim3A_2767 : i32 to vector<16xi32>
        %select_n3A_2769 = arith.select %eq3A_2764, %broadcast_in_dim3A_2766, %broadcast_in_dim3A_2768 : vector<16xi1>, vector<16xi32>
        %mul3A_2770 = arith.muli %select_n3A_2769, %broadcast_in_dim3A_14 : vector<16xi32>
        %add3A_2771 = arith.addi %mul3A_2770, %add3A_2663 : vector<16xi32>
        %swap3A_2772 = arith.constant 336 : index
        %swap3A_2773 = tpu.vector_load %arg16[%swap3A_2772] {strides = array<i32>} : memref<400xi32, #tpu.memory_space<vmem>>, vector<16xi32>,
        %swap3A_2774 = vector.shape_cast %swap3A_2773 : vector<16xi32> to vector<16xi32>
        %swap3A_2775 = vector.shape_cast %add3A_2771 : vector<16xi32> to vector<16xi32>
        tpu.vector_store %arg16[%swap3A_2772], %swap3A_2775 {strides = array<i32>} : memref<400xi32, #tpu.memory_space<vmem>>, vector<16xi32>,
        %mul3A_2776 = arith.muli %get3A_2658, %broadcast_in_dim3A_14 : vector<16xi32>
        %add3A_2777 = arith.addi %mul3A_2776, %add3A_2663 : vector<16xi32>
        %swap3A_2778 = arith.constant 336 : index
        %swap3A_2779 = tpu.vector_load %arg17[%swap3A_2778] {strides = array<i32>} : memref<400xi32, #tpu.memory_space<vmem>>, vector<16xi32>,
        %swap3A_2780 = vector.shape_cast %swap3A_2779 : vector<16xi32> to vector<16xi32>
        %swap3A_2781 = vector.shape_cast %add3A_2777 : vector<16xi32> to vector<16xi32>
        tpu.vector_store %arg17[%swap3A_2778], %swap3A_2781 {strides = array<i32>} : memref<400xi32, #tpu.memory_space<vmem>>, vector<16xi32>,
        %get3A_2782 = arith.constant 352 : index
        %get3A_2783 = tpu.vector_load %arg6[%get3A_2782] {strides = array<i32>} : memref<400xi32, #tpu.memory_space<vmem>>, vector<16xi32>,
        %get3A_2784 = vector.shape_cast %get3A_2783 : vector<16xi32> to vector<16xi32>
        %add3A_2785 = arith.constant 352 : i32
        %add3A_2786 = arith.addi %mul3A_13, %add3A_2785 : i32
        %broadcast_in_dim3A_2787 = vector.broadcast %add3A_2786 : i32 to vector<16xi32>
        %iota3A_2788 = tpu.iota {dimensions = array<i32: 0>} : vector<16xi32>
        %add3A_2789 = arith.addi %broadcast_in_dim3A_2787, %iota3A_2788 : vector<16xi32>
        %broadcast_in_dim3A_2790 = arith.constant 0 : i32
        %broadcast_in_dim3A_2791 = vector.broadcast %broadcast_in_dim3A_2790 : i32 to vector<16xi32>
        %eq3A_2792 = arith.cmpi eq, %get3A_2784, %broadcast_in_dim3A_2791 : vector<16xi32>
        %broadcast_in_dim3A_2793 = arith.constant 1 : i32
        %broadcast_in_dim3A_2794 = vector.broadcast %broadcast_in_dim3A_2793 : i32 to vector<16xi32>
        %broadcast_in_dim3A_2795 = arith.constant 0 : i32
        %broadcast_in_dim3A_2796 = vector.broadcast %broadcast_in_dim3A_2795 : i32 to vector<16xi32>
        %select_n3A_2797 = arith.select %eq3A_2792, %broadcast_in_dim3A_2794, %broadcast_in_dim3A_2796 : vector<16xi1>, vector<16xi32>
        %mul3A_2798 = arith.muli %select_n3A_2797, %broadcast_in_dim3A_14 : vector<16xi32>
        %add3A_2799 = arith.addi %mul3A_2798, %add3A_2789 : vector<16xi32>
        %swap3A_2800 = arith.constant 352 : index
        %swap3A_2801 = tpu.vector_load %arg9[%swap3A_2800] {strides = array<i32>} : memref<400xi32, #tpu.memory_space<vmem>>, vector<16xi32>,
        %swap3A_2802 = vector.shape_cast %swap3A_2801 : vector<16xi32> to vector<16xi32>
        %swap3A_2803 = vector.shape_cast %add3A_2799 : vector<16xi32> to vector<16xi32>
        tpu.vector_store %arg9[%swap3A_2800], %swap3A_2803 {strides = array<i32>} : memref<400xi32, #tpu.memory_space<vmem>>, vector<16xi32>,
        %broadcast_in_dim3A_2804 = arith.constant 1 : i32
        %broadcast_in_dim3A_2805 = vector.broadcast %broadcast_in_dim3A_2804 : i32 to vector<16xi32>
        %eq3A_2806 = arith.cmpi eq, %get3A_2784, %broadcast_in_dim3A_2805 : vector<16xi32>
        %broadcast_in_dim3A_2807 = arith.constant 2 : i32
        %broadcast_in_dim3A_2808 = vector.broadcast %broadcast_in_dim3A_2807 : i32 to vector<16xi32>
        %broadcast_in_dim3A_2809 = arith.constant 1 : i32
        %broadcast_in_dim3A_2810 = vector.broadcast %broadcast_in_dim3A_2809 : i32 to vector<16xi32>
        %select_n3A_2811 = arith.select %eq3A_2806, %broadcast_in_dim3A_2808, %broadcast_in_dim3A_2810 : vector<16xi1>, vector<16xi32>
        %mul3A_2812 = arith.muli %select_n3A_2811, %broadcast_in_dim3A_14 : vector<16xi32>
        %add3A_2813 = arith.addi %mul3A_2812, %add3A_2789 : vector<16xi32>
        %swap3A_2814 = arith.constant 352 : index
        %swap3A_2815 = tpu.vector_load %arg10[%swap3A_2814] {strides = array<i32>} : memref<400xi32, #tpu.memory_space<vmem>>, vector<16xi32>,
        %swap3A_2816 = vector.shape_cast %swap3A_2815 : vector<16xi32> to vector<16xi32>
        %swap3A_2817 = vector.shape_cast %add3A_2813 : vector<16xi32> to vector<16xi32>
        tpu.vector_store %arg10[%swap3A_2814], %swap3A_2817 {strides = array<i32>} : memref<400xi32, #tpu.memory_space<vmem>>, vector<16xi32>,
        %broadcast_in_dim3A_2818 = arith.constant 2 : i32
        %broadcast_in_dim3A_2819 = vector.broadcast %broadcast_in_dim3A_2818 : i32 to vector<16xi32>
        %eq3A_2820 = arith.cmpi eq, %get3A_2784, %broadcast_in_dim3A_2819 : vector<16xi32>
        %broadcast_in_dim3A_2821 = arith.constant 3 : i32
        %broadcast_in_dim3A_2822 = vector.broadcast %broadcast_in_dim3A_2821 : i32 to vector<16xi32>
        %broadcast_in_dim3A_2823 = arith.constant 2 : i32
        %broadcast_in_dim3A_2824 = vector.broadcast %broadcast_in_dim3A_2823 : i32 to vector<16xi32>
        %select_n3A_2825 = arith.select %eq3A_2820, %broadcast_in_dim3A_2822, %broadcast_in_dim3A_2824 : vector<16xi1>, vector<16xi32>
        %mul3A_2826 = arith.muli %select_n3A_2825, %broadcast_in_dim3A_14 : vector<16xi32>
        %add3A_2827 = arith.addi %mul3A_2826, %add3A_2789 : vector<16xi32>
        %swap3A_2828 = arith.constant 352 : index
        %swap3A_2829 = tpu.vector_load %arg11[%swap3A_2828] {strides = array<i32>} : memref<400xi32, #tpu.memory_space<vmem>>, vector<16xi32>,
        %swap3A_2830 = vector.shape_cast %swap3A_2829 : vector<16xi32> to vector<16xi32>
        %swap3A_2831 = vector.shape_cast %add3A_2827 : vector<16xi32> to vector<16xi32>
        tpu.vector_store %arg11[%swap3A_2828], %swap3A_2831 {strides = array<i32>} : memref<400xi32, #tpu.memory_space<vmem>>, vector<16xi32>,
        %broadcast_in_dim3A_2832 = arith.constant 3 : i32
        %broadcast_in_dim3A_2833 = vector.broadcast %broadcast_in_dim3A_2832 : i32 to vector<16xi32>
        %eq3A_2834 = arith.cmpi eq, %get3A_2784, %broadcast_in_dim3A_2833 : vector<16xi32>
        %broadcast_in_dim3A_2835 = arith.constant 4 : i32
        %broadcast_in_dim3A_2836 = vector.broadcast %broadcast_in_dim3A_2835 : i32 to vector<16xi32>
        %broadcast_in_dim3A_2837 = arith.constant 3 : i32
        %broadcast_in_dim3A_2838 = vector.broadcast %broadcast_in_dim3A_2837 : i32 to vector<16xi32>
        %select_n3A_2839 = arith.select %eq3A_2834, %broadcast_in_dim3A_2836, %broadcast_in_dim3A_2838 : vector<16xi1>, vector<16xi32>
        %mul3A_2840 = arith.muli %select_n3A_2839, %broadcast_in_dim3A_14 : vector<16xi32>
        %add3A_2841 = arith.addi %mul3A_2840, %add3A_2789 : vector<16xi32>
        %swap3A_2842 = arith.constant 352 : index
        %swap3A_2843 = tpu.vector_load %arg12[%swap3A_2842] {strides = array<i32>} : memref<400xi32, #tpu.memory_space<vmem>>, vector<16xi32>,
        %swap3A_2844 = vector.shape_cast %swap3A_2843 : vector<16xi32> to vector<16xi32>
        %swap3A_2845 = vector.shape_cast %add3A_2841 : vector<16xi32> to vector<16xi32>
        tpu.vector_store %arg12[%swap3A_2842], %swap3A_2845 {strides = array<i32>} : memref<400xi32, #tpu.memory_space<vmem>>, vector<16xi32>,
        %broadcast_in_dim3A_2846 = arith.constant 4 : i32
        %broadcast_in_dim3A_2847 = vector.broadcast %broadcast_in_dim3A_2846 : i32 to vector<16xi32>
        %eq3A_2848 = arith.cmpi eq, %get3A_2784, %broadcast_in_dim3A_2847 : vector<16xi32>
        %broadcast_in_dim3A_2849 = arith.constant 5 : i32
        %broadcast_in_dim3A_2850 = vector.broadcast %broadcast_in_dim3A_2849 : i32 to vector<16xi32>
        %broadcast_in_dim3A_2851 = arith.constant 4 : i32
        %broadcast_in_dim3A_2852 = vector.broadcast %broadcast_in_dim3A_2851 : i32 to vector<16xi32>
        %select_n3A_2853 = arith.select %eq3A_2848, %broadcast_in_dim3A_2850, %broadcast_in_dim3A_2852 : vector<16xi1>, vector<16xi32>
        %mul3A_2854 = arith.muli %select_n3A_2853, %broadcast_in_dim3A_14 : vector<16xi32>
        %add3A_2855 = arith.addi %mul3A_2854, %add3A_2789 : vector<16xi32>
        %swap3A_2856 = arith.constant 352 : index
        %swap3A_2857 = tpu.vector_load %arg13[%swap3A_2856] {strides = array<i32>} : memref<400xi32, #tpu.memory_space<vmem>>, vector<16xi32>,
        %swap3A_2858 = vector.shape_cast %swap3A_2857 : vector<16xi32> to vector<16xi32>
        %swap3A_2859 = vector.shape_cast %add3A_2855 : vector<16xi32> to vector<16xi32>
        tpu.vector_store %arg13[%swap3A_2856], %swap3A_2859 {strides = array<i32>} : memref<400xi32, #tpu.memory_space<vmem>>, vector<16xi32>,
        %broadcast_in_dim3A_2860 = arith.constant 5 : i32
        %broadcast_in_dim3A_2861 = vector.broadcast %broadcast_in_dim3A_2860 : i32 to vector<16xi32>
        %eq3A_2862 = arith.cmpi eq, %get3A_2784, %broadcast_in_dim3A_2861 : vector<16xi32>
        %broadcast_in_dim3A_2863 = arith.constant 6 : i32
        %broadcast_in_dim3A_2864 = vector.broadcast %broadcast_in_dim3A_2863 : i32 to vector<16xi32>
        %broadcast_in_dim3A_2865 = arith.constant 5 : i32
        %broadcast_in_dim3A_2866 = vector.broadcast %broadcast_in_dim3A_2865 : i32 to vector<16xi32>
        %select_n3A_2867 = arith.select %eq3A_2862, %broadcast_in_dim3A_2864, %broadcast_in_dim3A_2866 : vector<16xi1>, vector<16xi32>
        %mul3A_2868 = arith.muli %select_n3A_2867, %broadcast_in_dim3A_14 : vector<16xi32>
        %add3A_2869 = arith.addi %mul3A_2868, %add3A_2789 : vector<16xi32>
        %swap3A_2870 = arith.constant 352 : index
        %swap3A_2871 = tpu.vector_load %arg14[%swap3A_2870] {strides = array<i32>} : memref<400xi32, #tpu.memory_space<vmem>>, vector<16xi32>,
        %swap3A_2872 = vector.shape_cast %swap3A_2871 : vector<16xi32> to vector<16xi32>
        %swap3A_2873 = vector.shape_cast %add3A_2869 : vector<16xi32> to vector<16xi32>
        tpu.vector_store %arg14[%swap3A_2870], %swap3A_2873 {strides = array<i32>} : memref<400xi32, #tpu.memory_space<vmem>>, vector<16xi32>,
        %broadcast_in_dim3A_2874 = arith.constant 6 : i32
        %broadcast_in_dim3A_2875 = vector.broadcast %broadcast_in_dim3A_2874 : i32 to vector<16xi32>
        %eq3A_2876 = arith.cmpi eq, %get3A_2784, %broadcast_in_dim3A_2875 : vector<16xi32>
        %broadcast_in_dim3A_2877 = arith.constant 7 : i32
        %broadcast_in_dim3A_2878 = vector.broadcast %broadcast_in_dim3A_2877 : i32 to vector<16xi32>
        %broadcast_in_dim3A_2879 = arith.constant 6 : i32
        %broadcast_in_dim3A_2880 = vector.broadcast %broadcast_in_dim3A_2879 : i32 to vector<16xi32>
        %select_n3A_2881 = arith.select %eq3A_2876, %broadcast_in_dim3A_2878, %broadcast_in_dim3A_2880 : vector<16xi1>, vector<16xi32>
        %mul3A_2882 = arith.muli %select_n3A_2881, %broadcast_in_dim3A_14 : vector<16xi32>
        %add3A_2883 = arith.addi %mul3A_2882, %add3A_2789 : vector<16xi32>
        %swap3A_2884 = arith.constant 352 : index
        %swap3A_2885 = tpu.vector_load %arg15[%swap3A_2884] {strides = array<i32>} : memref<400xi32, #tpu.memory_space<vmem>>, vector<16xi32>,
        %swap3A_2886 = vector.shape_cast %swap3A_2885 : vector<16xi32> to vector<16xi32>
        %swap3A_2887 = vector.shape_cast %add3A_2883 : vector<16xi32> to vector<16xi32>
        tpu.vector_store %arg15[%swap3A_2884], %swap3A_2887 {strides = array<i32>} : memref<400xi32, #tpu.memory_space<vmem>>, vector<16xi32>,
        %broadcast_in_dim3A_2888 = arith.constant 7 : i32
        %broadcast_in_dim3A_2889 = vector.broadcast %broadcast_in_dim3A_2888 : i32 to vector<16xi32>
        %eq3A_2890 = arith.cmpi eq, %get3A_2784, %broadcast_in_dim3A_2889 : vector<16xi32>
        %broadcast_in_dim3A_2891 = arith.constant 0 : i32
        %broadcast_in_dim3A_2892 = vector.broadcast %broadcast_in_dim3A_2891 : i32 to vector<16xi32>
        %broadcast_in_dim3A_2893 = arith.constant 7 : i32
        %broadcast_in_dim3A_2894 = vector.broadcast %broadcast_in_dim3A_2893 : i32 to vector<16xi32>
        %select_n3A_2895 = arith.select %eq3A_2890, %broadcast_in_dim3A_2892, %broadcast_in_dim3A_2894 : vector<16xi1>, vector<16xi32>
        %mul3A_2896 = arith.muli %select_n3A_2895, %broadcast_in_dim3A_14 : vector<16xi32>
        %add3A_2897 = arith.addi %mul3A_2896, %add3A_2789 : vector<16xi32>
        %swap3A_2898 = arith.constant 352 : index
        %swap3A_2899 = tpu.vector_load %arg16[%swap3A_2898] {strides = array<i32>} : memref<400xi32, #tpu.memory_space<vmem>>, vector<16xi32>,
        %swap3A_2900 = vector.shape_cast %swap3A_2899 : vector<16xi32> to vector<16xi32>
        %swap3A_2901 = vector.shape_cast %add3A_2897 : vector<16xi32> to vector<16xi32>
        tpu.vector_store %arg16[%swap3A_2898], %swap3A_2901 {strides = array<i32>} : memref<400xi32, #tpu.memory_space<vmem>>, vector<16xi32>,
        %mul3A_2902 = arith.muli %get3A_2784, %broadcast_in_dim3A_14 : vector<16xi32>
        %add3A_2903 = arith.addi %mul3A_2902, %add3A_2789 : vector<16xi32>
        %swap3A_2904 = arith.constant 352 : index
        %swap3A_2905 = tpu.vector_load %arg17[%swap3A_2904] {strides = array<i32>} : memref<400xi32, #tpu.memory_space<vmem>>, vector<16xi32>,
        %swap3A_2906 = vector.shape_cast %swap3A_2905 : vector<16xi32> to vector<16xi32>
        %swap3A_2907 = vector.shape_cast %add3A_2903 : vector<16xi32> to vector<16xi32>
        tpu.vector_store %arg17[%swap3A_2904], %swap3A_2907 {strides = array<i32>} : memref<400xi32, #tpu.memory_space<vmem>>, vector<16xi32>,
        %get3A_2908 = arith.constant 368 : index
        %get3A_2909 = tpu.vector_load %arg6[%get3A_2908] {strides = array<i32>} : memref<400xi32, #tpu.memory_space<vmem>>, vector<16xi32>,
        %get3A_2910 = vector.shape_cast %get3A_2909 : vector<16xi32> to vector<16xi32>
        %add3A_2911 = arith.constant 368 : i32
        %add3A_2912 = arith.addi %mul3A_13, %add3A_2911 : i32
        %broadcast_in_dim3A_2913 = vector.broadcast %add3A_2912 : i32 to vector<16xi32>
        %iota3A_2914 = tpu.iota {dimensions = array<i32: 0>} : vector<16xi32>
        %add3A_2915 = arith.addi %broadcast_in_dim3A_2913, %iota3A_2914 : vector<16xi32>
        %broadcast_in_dim3A_2916 = arith.constant 0 : i32
        %broadcast_in_dim3A_2917 = vector.broadcast %broadcast_in_dim3A_2916 : i32 to vector<16xi32>
        %eq3A_2918 = arith.cmpi eq, %get3A_2910, %broadcast_in_dim3A_2917 : vector<16xi32>
        %broadcast_in_dim3A_2919 = arith.constant 1 : i32
        %broadcast_in_dim3A_2920 = vector.broadcast %broadcast_in_dim3A_2919 : i32 to vector<16xi32>
        %broadcast_in_dim3A_2921 = arith.constant 0 : i32
        %broadcast_in_dim3A_2922 = vector.broadcast %broadcast_in_dim3A_2921 : i32 to vector<16xi32>
        %select_n3A_2923 = arith.select %eq3A_2918, %broadcast_in_dim3A_2920, %broadcast_in_dim3A_2922 : vector<16xi1>, vector<16xi32>
        %mul3A_2924 = arith.muli %select_n3A_2923, %broadcast_in_dim3A_14 : vector<16xi32>
        %add3A_2925 = arith.addi %mul3A_2924, %add3A_2915 : vector<16xi32>
        %swap3A_2926 = arith.constant 368 : index
        %swap3A_2927 = tpu.vector_load %arg9[%swap3A_2926] {strides = array<i32>} : memref<400xi32, #tpu.memory_space<vmem>>, vector<16xi32>,
        %swap3A_2928 = vector.shape_cast %swap3A_2927 : vector<16xi32> to vector<16xi32>
        %swap3A_2929 = vector.shape_cast %add3A_2925 : vector<16xi32> to vector<16xi32>
        tpu.vector_store %arg9[%swap3A_2926], %swap3A_2929 {strides = array<i32>} : memref<400xi32, #tpu.memory_space<vmem>>, vector<16xi32>,
        %broadcast_in_dim3A_2930 = arith.constant 1 : i32
        %broadcast_in_dim3A_2931 = vector.broadcast %broadcast_in_dim3A_2930 : i32 to vector<16xi32>
        %eq3A_2932 = arith.cmpi eq, %get3A_2910, %broadcast_in_dim3A_2931 : vector<16xi32>
        %broadcast_in_dim3A_2933 = arith.constant 2 : i32
        %broadcast_in_dim3A_2934 = vector.broadcast %broadcast_in_dim3A_2933 : i32 to vector<16xi32>
        %broadcast_in_dim3A_2935 = arith.constant 1 : i32
        %broadcast_in_dim3A_2936 = vector.broadcast %broadcast_in_dim3A_2935 : i32 to vector<16xi32>
        %select_n3A_2937 = arith.select %eq3A_2932, %broadcast_in_dim3A_2934, %broadcast_in_dim3A_2936 : vector<16xi1>, vector<16xi32>
        %mul3A_2938 = arith.muli %select_n3A_2937, %broadcast_in_dim3A_14 : vector<16xi32>
        %add3A_2939 = arith.addi %mul3A_2938, %add3A_2915 : vector<16xi32>
        %swap3A_2940 = arith.constant 368 : index
        %swap3A_2941 = tpu.vector_load %arg10[%swap3A_2940] {strides = array<i32>} : memref<400xi32, #tpu.memory_space<vmem>>, vector<16xi32>,
        %swap3A_2942 = vector.shape_cast %swap3A_2941 : vector<16xi32> to vector<16xi32>
        %swap3A_2943 = vector.shape_cast %add3A_2939 : vector<16xi32> to vector<16xi32>
        tpu.vector_store %arg10[%swap3A_2940], %swap3A_2943 {strides = array<i32>} : memref<400xi32, #tpu.memory_space<vmem>>, vector<16xi32>,
        %broadcast_in_dim3A_2944 = arith.constant 2 : i32
        %broadcast_in_dim3A_2945 = vector.broadcast %broadcast_in_dim3A_2944 : i32 to vector<16xi32>
        %eq3A_2946 = arith.cmpi eq, %get3A_2910, %broadcast_in_dim3A_2945 : vector<16xi32>
        %broadcast_in_dim3A_2947 = arith.constant 3 : i32
        %broadcast_in_dim3A_2948 = vector.broadcast %broadcast_in_dim3A_2947 : i32 to vector<16xi32>
        %broadcast_in_dim3A_2949 = arith.constant 2 : i32
        %broadcast_in_dim3A_2950 = vector.broadcast %broadcast_in_dim3A_2949 : i32 to vector<16xi32>
        %select_n3A_2951 = arith.select %eq3A_2946, %broadcast_in_dim3A_2948, %broadcast_in_dim3A_2950 : vector<16xi1>, vector<16xi32>
        %mul3A_2952 = arith.muli %select_n3A_2951, %broadcast_in_dim3A_14 : vector<16xi32>
        %add3A_2953 = arith.addi %mul3A_2952, %add3A_2915 : vector<16xi32>
        %swap3A_2954 = arith.constant 368 : index
        %swap3A_2955 = tpu.vector_load %arg11[%swap3A_2954] {strides = array<i32>} : memref<400xi32, #tpu.memory_space<vmem>>, vector<16xi32>,
        %swap3A_2956 = vector.shape_cast %swap3A_2955 : vector<16xi32> to vector<16xi32>
        %swap3A_2957 = vector.shape_cast %add3A_2953 : vector<16xi32> to vector<16xi32>
        tpu.vector_store %arg11[%swap3A_2954], %swap3A_2957 {strides = array<i32>} : memref<400xi32, #tpu.memory_space<vmem>>, vector<16xi32>,
        %broadcast_in_dim3A_2958 = arith.constant 3 : i32
        %broadcast_in_dim3A_2959 = vector.broadcast %broadcast_in_dim3A_2958 : i32 to vector<16xi32>
        %eq3A_2960 = arith.cmpi eq, %get3A_2910, %broadcast_in_dim3A_2959 : vector<16xi32>
        %broadcast_in_dim3A_2961 = arith.constant 4 : i32
        %broadcast_in_dim3A_2962 = vector.broadcast %broadcast_in_dim3A_2961 : i32 to vector<16xi32>
        %broadcast_in_dim3A_2963 = arith.constant 3 : i32
        %broadcast_in_dim3A_2964 = vector.broadcast %broadcast_in_dim3A_2963 : i32 to vector<16xi32>
        %select_n3A_2965 = arith.select %eq3A_2960, %broadcast_in_dim3A_2962, %broadcast_in_dim3A_2964 : vector<16xi1>, vector<16xi32>
        %mul3A_2966 = arith.muli %select_n3A_2965, %broadcast_in_dim3A_14 : vector<16xi32>
        %add3A_2967 = arith.addi %mul3A_2966, %add3A_2915 : vector<16xi32>
        %swap3A_2968 = arith.constant 368 : index
        %swap3A_2969 = tpu.vector_load %arg12[%swap3A_2968] {strides = array<i32>} : memref<400xi32, #tpu.memory_space<vmem>>, vector<16xi32>,
        %swap3A_2970 = vector.shape_cast %swap3A_2969 : vector<16xi32> to vector<16xi32>
        %swap3A_2971 = vector.shape_cast %add3A_2967 : vector<16xi32> to vector<16xi32>
        tpu.vector_store %arg12[%swap3A_2968], %swap3A_2971 {strides = array<i32>} : memref<400xi32, #tpu.memory_space<vmem>>, vector<16xi32>,
        %broadcast_in_dim3A_2972 = arith.constant 4 : i32
        %broadcast_in_dim3A_2973 = vector.broadcast %broadcast_in_dim3A_2972 : i32 to vector<16xi32>
        %eq3A_2974 = arith.cmpi eq, %get3A_2910, %broadcast_in_dim3A_2973 : vector<16xi32>
        %broadcast_in_dim3A_2975 = arith.constant 5 : i32
        %broadcast_in_dim3A_2976 = vector.broadcast %broadcast_in_dim3A_2975 : i32 to vector<16xi32>
        %broadcast_in_dim3A_2977 = arith.constant 4 : i32
        %broadcast_in_dim3A_2978 = vector.broadcast %broadcast_in_dim3A_2977 : i32 to vector<16xi32>
        %select_n3A_2979 = arith.select %eq3A_2974, %broadcast_in_dim3A_2976, %broadcast_in_dim3A_2978 : vector<16xi1>, vector<16xi32>
        %mul3A_2980 = arith.muli %select_n3A_2979, %broadcast_in_dim3A_14 : vector<16xi32>
        %add3A_2981 = arith.addi %mul3A_2980, %add3A_2915 : vector<16xi32>
        %swap3A_2982 = arith.constant 368 : index
        %swap3A_2983 = tpu.vector_load %arg13[%swap3A_2982] {strides = array<i32>} : memref<400xi32, #tpu.memory_space<vmem>>, vector<16xi32>,
        %swap3A_2984 = vector.shape_cast %swap3A_2983 : vector<16xi32> to vector<16xi32>
        %swap3A_2985 = vector.shape_cast %add3A_2981 : vector<16xi32> to vector<16xi32>
        tpu.vector_store %arg13[%swap3A_2982], %swap3A_2985 {strides = array<i32>} : memref<400xi32, #tpu.memory_space<vmem>>, vector<16xi32>,
        %broadcast_in_dim3A_2986 = arith.constant 5 : i32
        %broadcast_in_dim3A_2987 = vector.broadcast %broadcast_in_dim3A_2986 : i32 to vector<16xi32>
        %eq3A_2988 = arith.cmpi eq, %get3A_2910, %broadcast_in_dim3A_2987 : vector<16xi32>
        %broadcast_in_dim3A_2989 = arith.constant 6 : i32
        %broadcast_in_dim3A_2990 = vector.broadcast %broadcast_in_dim3A_2989 : i32 to vector<16xi32>
        %broadcast_in_dim3A_2991 = arith.constant 5 : i32
        %broadcast_in_dim3A_2992 = vector.broadcast %broadcast_in_dim3A_2991 : i32 to vector<16xi32>
        %select_n3A_2993 = arith.select %eq3A_2988, %broadcast_in_dim3A_2990, %broadcast_in_dim3A_2992 : vector<16xi1>, vector<16xi32>
        %mul3A_2994 = arith.muli %select_n3A_2993, %broadcast_in_dim3A_14 : vector<16xi32>
        %add3A_2995 = arith.addi %mul3A_2994, %add3A_2915 : vector<16xi32>
        %swap3A_2996 = arith.constant 368 : index
        %swap3A_2997 = tpu.vector_load %arg14[%swap3A_2996] {strides = array<i32>} : memref<400xi32, #tpu.memory_space<vmem>>, vector<16xi32>,
        %swap3A_2998 = vector.shape_cast %swap3A_2997 : vector<16xi32> to vector<16xi32>
        %swap3A_2999 = vector.shape_cast %add3A_2995 : vector<16xi32> to vector<16xi32>
        tpu.vector_store %arg14[%swap3A_2996], %swap3A_2999 {strides = array<i32>} : memref<400xi32, #tpu.memory_space<vmem>>, vector<16xi32>,
        %broadcast_in_dim3A_3000 = arith.constant 6 : i32
        %broadcast_in_dim3A_3001 = vector.broadcast %broadcast_in_dim3A_3000 : i32 to vector<16xi32>
        %eq3A_3002 = arith.cmpi eq, %get3A_2910, %broadcast_in_dim3A_3001 : vector<16xi32>
        %broadcast_in_dim3A_3003 = arith.constant 7 : i32
        %broadcast_in_dim3A_3004 = vector.broadcast %broadcast_in_dim3A_3003 : i32 to vector<16xi32>
        %broadcast_in_dim3A_3005 = arith.constant 6 : i32
        %broadcast_in_dim3A_3006 = vector.broadcast %broadcast_in_dim3A_3005 : i32 to vector<16xi32>
        %select_n3A_3007 = arith.select %eq3A_3002, %broadcast_in_dim3A_3004, %broadcast_in_dim3A_3006 : vector<16xi1>, vector<16xi32>
        %mul3A_3008 = arith.muli %select_n3A_3007, %broadcast_in_dim3A_14 : vector<16xi32>
        %add3A_3009 = arith.addi %mul3A_3008, %add3A_2915 : vector<16xi32>
        %swap3A_3010 = arith.constant 368 : index
        %swap3A_3011 = tpu.vector_load %arg15[%swap3A_3010] {strides = array<i32>} : memref<400xi32, #tpu.memory_space<vmem>>, vector<16xi32>,
        %swap3A_3012 = vector.shape_cast %swap3A_3011 : vector<16xi32> to vector<16xi32>
        %swap3A_3013 = vector.shape_cast %add3A_3009 : vector<16xi32> to vector<16xi32>
        tpu.vector_store %arg15[%swap3A_3010], %swap3A_3013 {strides = array<i32>} : memref<400xi32, #tpu.memory_space<vmem>>, vector<16xi32>,
        %broadcast_in_dim3A_3014 = arith.constant 7 : i32
        %broadcast_in_dim3A_3015 = vector.broadcast %broadcast_in_dim3A_3014 : i32 to vector<16xi32>
        %eq3A_3016 = arith.cmpi eq, %get3A_2910, %broadcast_in_dim3A_3015 : vector<16xi32>
        %broadcast_in_dim3A_3017 = arith.constant 0 : i32
        %broadcast_in_dim3A_3018 = vector.broadcast %broadcast_in_dim3A_3017 : i32 to vector<16xi32>
        %broadcast_in_dim3A_3019 = arith.constant 7 : i32
        %broadcast_in_dim3A_3020 = vector.broadcast %broadcast_in_dim3A_3019 : i32 to vector<16xi32>
        %select_n3A_3021 = arith.select %eq3A_3016, %broadcast_in_dim3A_3018, %broadcast_in_dim3A_3020 : vector<16xi1>, vector<16xi32>
        %mul3A_3022 = arith.muli %select_n3A_3021, %broadcast_in_dim3A_14 : vector<16xi32>
        %add3A_3023 = arith.addi %mul3A_3022, %add3A_2915 : vector<16xi32>
        %swap3A_3024 = arith.constant 368 : index
        %swap3A_3025 = tpu.vector_load %arg16[%swap3A_3024] {strides = array<i32>} : memref<400xi32, #tpu.memory_space<vmem>>, vector<16xi32>,
        %swap3A_3026 = vector.shape_cast %swap3A_3025 : vector<16xi32> to vector<16xi32>
        %swap3A_3027 = vector.shape_cast %add3A_3023 : vector<16xi32> to vector<16xi32>
        tpu.vector_store %arg16[%swap3A_3024], %swap3A_3027 {strides = array<i32>} : memref<400xi32, #tpu.memory_space<vmem>>, vector<16xi32>,
        %mul3A_3028 = arith.muli %get3A_2910, %broadcast_in_dim3A_14 : vector<16xi32>
        %add3A_3029 = arith.addi %mul3A_3028, %add3A_2915 : vector<16xi32>
        %swap3A_3030 = arith.constant 368 : index
        %swap3A_3031 = tpu.vector_load %arg17[%swap3A_3030] {strides = array<i32>} : memref<400xi32, #tpu.memory_space<vmem>>, vector<16xi32>,
        %swap3A_3032 = vector.shape_cast %swap3A_3031 : vector<16xi32> to vector<16xi32>
        %swap3A_3033 = vector.shape_cast %add3A_3029 : vector<16xi32> to vector<16xi32>
        tpu.vector_store %arg17[%swap3A_3030], %swap3A_3033 {strides = array<i32>} : memref<400xi32, #tpu.memory_space<vmem>>, vector<16xi32>,
        %get3A_3034 = arith.constant 384 : index
        %get3A_3035 = tpu.vector_load %arg6[%get3A_3034] {strides = array<i32>} : memref<400xi32, #tpu.memory_space<vmem>>, vector<16xi32>,
        %get3A_3036 = vector.shape_cast %get3A_3035 : vector<16xi32> to vector<16xi32>
        %add3A_3037 = arith.constant 384 : i32
        %add3A_3038 = arith.addi %mul3A_13, %add3A_3037 : i32
        %broadcast_in_dim3A_3039 = vector.broadcast %add3A_3038 : i32 to vector<16xi32>
        %iota3A_3040 = tpu.iota {dimensions = array<i32: 0>} : vector<16xi32>
        %add3A_3041 = arith.addi %broadcast_in_dim3A_3039, %iota3A_3040 : vector<16xi32>
        %broadcast_in_dim3A_3042 = arith.constant 0 : i32
        %broadcast_in_dim3A_3043 = vector.broadcast %broadcast_in_dim3A_3042 : i32 to vector<16xi32>
        %eq3A_3044 = arith.cmpi eq, %get3A_3036, %broadcast_in_dim3A_3043 : vector<16xi32>
        %broadcast_in_dim3A_3045 = arith.constant 1 : i32
        %broadcast_in_dim3A_3046 = vector.broadcast %broadcast_in_dim3A_3045 : i32 to vector<16xi32>
        %broadcast_in_dim3A_3047 = arith.constant 0 : i32
        %broadcast_in_dim3A_3048 = vector.broadcast %broadcast_in_dim3A_3047 : i32 to vector<16xi32>
        %select_n3A_3049 = arith.select %eq3A_3044, %broadcast_in_dim3A_3046, %broadcast_in_dim3A_3048 : vector<16xi1>, vector<16xi32>
        %mul3A_3050 = arith.muli %select_n3A_3049, %broadcast_in_dim3A_14 : vector<16xi32>
        %add3A_3051 = arith.addi %mul3A_3050, %add3A_3041 : vector<16xi32>
        %swap3A_3052 = arith.constant 384 : index
        %swap3A_3053 = tpu.vector_load %arg9[%swap3A_3052] {strides = array<i32>} : memref<400xi32, #tpu.memory_space<vmem>>, vector<16xi32>,
        %swap3A_3054 = vector.shape_cast %swap3A_3053 : vector<16xi32> to vector<16xi32>
        %swap3A_3055 = vector.shape_cast %add3A_3051 : vector<16xi32> to vector<16xi32>
        tpu.vector_store %arg9[%swap3A_3052], %swap3A_3055 {strides = array<i32>} : memref<400xi32, #tpu.memory_space<vmem>>, vector<16xi32>,
        %broadcast_in_dim3A_3056 = arith.constant 1 : i32
        %broadcast_in_dim3A_3057 = vector.broadcast %broadcast_in_dim3A_3056 : i32 to vector<16xi32>
        %eq3A_3058 = arith.cmpi eq, %get3A_3036, %broadcast_in_dim3A_3057 : vector<16xi32>
        %broadcast_in_dim3A_3059 = arith.constant 2 : i32
        %broadcast_in_dim3A_3060 = vector.broadcast %broadcast_in_dim3A_3059 : i32 to vector<16xi32>
        %broadcast_in_dim3A_3061 = arith.constant 1 : i32
        %broadcast_in_dim3A_3062 = vector.broadcast %broadcast_in_dim3A_3061 : i32 to vector<16xi32>
        %select_n3A_3063 = arith.select %eq3A_3058, %broadcast_in_dim3A_3060, %broadcast_in_dim3A_3062 : vector<16xi1>, vector<16xi32>
        %mul3A_3064 = arith.muli %select_n3A_3063, %broadcast_in_dim3A_14 : vector<16xi32>
        %add3A_3065 = arith.addi %mul3A_3064, %add3A_3041 : vector<16xi32>
        %swap3A_3066 = arith.constant 384 : index
        %swap3A_3067 = tpu.vector_load %arg10[%swap3A_3066] {strides = array<i32>} : memref<400xi32, #tpu.memory_space<vmem>>, vector<16xi32>,
        %swap3A_3068 = vector.shape_cast %swap3A_3067 : vector<16xi32> to vector<16xi32>
        %swap3A_3069 = vector.shape_cast %add3A_3065 : vector<16xi32> to vector<16xi32>
        tpu.vector_store %arg10[%swap3A_3066], %swap3A_3069 {strides = array<i32>} : memref<400xi32, #tpu.memory_space<vmem>>, vector<16xi32>,
        %broadcast_in_dim3A_3070 = arith.constant 2 : i32
        %broadcast_in_dim3A_3071 = vector.broadcast %broadcast_in_dim3A_3070 : i32 to vector<16xi32>
        %eq3A_3072 = arith.cmpi eq, %get3A_3036, %broadcast_in_dim3A_3071 : vector<16xi32>
        %broadcast_in_dim3A_3073 = arith.constant 3 : i32
        %broadcast_in_dim3A_3074 = vector.broadcast %broadcast_in_dim3A_3073 : i32 to vector<16xi32>
        %broadcast_in_dim3A_3075 = arith.constant 2 : i32
        %broadcast_in_dim3A_3076 = vector.broadcast %broadcast_in_dim3A_3075 : i32 to vector<16xi32>
        %select_n3A_3077 = arith.select %eq3A_3072, %broadcast_in_dim3A_3074, %broadcast_in_dim3A_3076 : vector<16xi1>, vector<16xi32>
        %mul3A_3078 = arith.muli %select_n3A_3077, %broadcast_in_dim3A_14 : vector<16xi32>
        %add3A_3079 = arith.addi %mul3A_3078, %add3A_3041 : vector<16xi32>
        %swap3A_3080 = arith.constant 384 : index
        %swap3A_3081 = tpu.vector_load %arg11[%swap3A_3080] {strides = array<i32>} : memref<400xi32, #tpu.memory_space<vmem>>, vector<16xi32>,
        %swap3A_3082 = vector.shape_cast %swap3A_3081 : vector<16xi32> to vector<16xi32>
        %swap3A_3083 = vector.shape_cast %add3A_3079 : vector<16xi32> to vector<16xi32>
        tpu.vector_store %arg11[%swap3A_3080], %swap3A_3083 {strides = array<i32>} : memref<400xi32, #tpu.memory_space<vmem>>, vector<16xi32>,
        %broadcast_in_dim3A_3084 = arith.constant 3 : i32
        %broadcast_in_dim3A_3085 = vector.broadcast %broadcast_in_dim3A_3084 : i32 to vector<16xi32>
        %eq3A_3086 = arith.cmpi eq, %get3A_3036, %broadcast_in_dim3A_3085 : vector<16xi32>
        %broadcast_in_dim3A_3087 = arith.constant 4 : i32
        %broadcast_in_dim3A_3088 = vector.broadcast %broadcast_in_dim3A_3087 : i32 to vector<16xi32>
        %broadcast_in_dim3A_3089 = arith.constant 3 : i32
        %broadcast_in_dim3A_3090 = vector.broadcast %broadcast_in_dim3A_3089 : i32 to vector<16xi32>
        %select_n3A_3091 = arith.select %eq3A_3086, %broadcast_in_dim3A_3088, %broadcast_in_dim3A_3090 : vector<16xi1>, vector<16xi32>
        %mul3A_3092 = arith.muli %select_n3A_3091, %broadcast_in_dim3A_14 : vector<16xi32>
        %add3A_3093 = arith.addi %mul3A_3092, %add3A_3041 : vector<16xi32>
        %swap3A_3094 = arith.constant 384 : index
        %swap3A_3095 = tpu.vector_load %arg12[%swap3A_3094] {strides = array<i32>} : memref<400xi32, #tpu.memory_space<vmem>>, vector<16xi32>,
        %swap3A_3096 = vector.shape_cast %swap3A_3095 : vector<16xi32> to vector<16xi32>
        %swap3A_3097 = vector.shape_cast %add3A_3093 : vector<16xi32> to vector<16xi32>
        tpu.vector_store %arg12[%swap3A_3094], %swap3A_3097 {strides = array<i32>} : memref<400xi32, #tpu.memory_space<vmem>>, vector<16xi32>,
        %broadcast_in_dim3A_3098 = arith.constant 4 : i32
        %broadcast_in_dim3A_3099 = vector.broadcast %broadcast_in_dim3A_3098 : i32 to vector<16xi32>
        %eq3A_3100 = arith.cmpi eq, %get3A_3036, %broadcast_in_dim3A_3099 : vector<16xi32>
        %broadcast_in_dim3A_3101 = arith.constant 5 : i32
        %broadcast_in_dim3A_3102 = vector.broadcast %broadcast_in_dim3A_3101 : i32 to vector<16xi32>
        %broadcast_in_dim3A_3103 = arith.constant 4 : i32
        %broadcast_in_dim3A_3104 = vector.broadcast %broadcast_in_dim3A_3103 : i32 to vector<16xi32>
        %select_n3A_3105 = arith.select %eq3A_3100, %broadcast_in_dim3A_3102, %broadcast_in_dim3A_3104 : vector<16xi1>, vector<16xi32>
        %mul3A_3106 = arith.muli %select_n3A_3105, %broadcast_in_dim3A_14 : vector<16xi32>
        %add3A_3107 = arith.addi %mul3A_3106, %add3A_3041 : vector<16xi32>
        %swap3A_3108 = arith.constant 384 : index
        %swap3A_3109 = tpu.vector_load %arg13[%swap3A_3108] {strides = array<i32>} : memref<400xi32, #tpu.memory_space<vmem>>, vector<16xi32>,
        %swap3A_3110 = vector.shape_cast %swap3A_3109 : vector<16xi32> to vector<16xi32>
        %swap3A_3111 = vector.shape_cast %add3A_3107 : vector<16xi32> to vector<16xi32>
        tpu.vector_store %arg13[%swap3A_3108], %swap3A_3111 {strides = array<i32>} : memref<400xi32, #tpu.memory_space<vmem>>, vector<16xi32>,
        %broadcast_in_dim3A_3112 = arith.constant 5 : i32
        %broadcast_in_dim3A_3113 = vector.broadcast %broadcast_in_dim3A_3112 : i32 to vector<16xi32>
        %eq3A_3114 = arith.cmpi eq, %get3A_3036, %broadcast_in_dim3A_3113 : vector<16xi32>
        %broadcast_in_dim3A_3115 = arith.constant 6 : i32
        %broadcast_in_dim3A_3116 = vector.broadcast %broadcast_in_dim3A_3115 : i32 to vector<16xi32>
        %broadcast_in_dim3A_3117 = arith.constant 5 : i32
        %broadcast_in_dim3A_3118 = vector.broadcast %broadcast_in_dim3A_3117 : i32 to vector<16xi32>
        %select_n3A_3119 = arith.select %eq3A_3114, %broadcast_in_dim3A_3116, %broadcast_in_dim3A_3118 : vector<16xi1>, vector<16xi32>
        %mul3A_3120 = arith.muli %select_n3A_3119, %broadcast_in_dim3A_14 : vector<16xi32>
        %add3A_3121 = arith.addi %mul3A_3120, %add3A_3041 : vector<16xi32>
        %swap3A_3122 = arith.constant 384 : index
        %swap3A_3123 = tpu.vector_load %arg14[%swap3A_3122] {strides = array<i32>} : memref<400xi32, #tpu.memory_space<vmem>>, vector<16xi32>,
        %swap3A_3124 = vector.shape_cast %swap3A_3123 : vector<16xi32> to vector<16xi32>
        %swap3A_3125 = vector.shape_cast %add3A_3121 : vector<16xi32> to vector<16xi32>
        tpu.vector_store %arg14[%swap3A_3122], %swap3A_3125 {strides = array<i32>} : memref<400xi32, #tpu.memory_space<vmem>>, vector<16xi32>,
        %broadcast_in_dim3A_3126 = arith.constant 6 : i32
        %broadcast_in_dim3A_3127 = vector.broadcast %broadcast_in_dim3A_3126 : i32 to vector<16xi32>
        %eq3A_3128 = arith.cmpi eq, %get3A_3036, %broadcast_in_dim3A_3127 : vector<16xi32>
        %broadcast_in_dim3A_3129 = arith.constant 7 : i32
        %broadcast_in_dim3A_3130 = vector.broadcast %broadcast_in_dim3A_3129 : i32 to vector<16xi32>
        %broadcast_in_dim3A_3131 = arith.constant 6 : i32
        %broadcast_in_dim3A_3132 = vector.broadcast %broadcast_in_dim3A_3131 : i32 to vector<16xi32>
        %select_n3A_3133 = arith.select %eq3A_3128, %broadcast_in_dim3A_3130, %broadcast_in_dim3A_3132 : vector<16xi1>, vector<16xi32>
        %mul3A_3134 = arith.muli %select_n3A_3133, %broadcast_in_dim3A_14 : vector<16xi32>
        %add3A_3135 = arith.addi %mul3A_3134, %add3A_3041 : vector<16xi32>
        %swap3A_3136 = arith.constant 384 : index
        %swap3A_3137 = tpu.vector_load %arg15[%swap3A_3136] {strides = array<i32>} : memref<400xi32, #tpu.memory_space<vmem>>, vector<16xi32>,
        %swap3A_3138 = vector.shape_cast %swap3A_3137 : vector<16xi32> to vector<16xi32>
        %swap3A_3139 = vector.shape_cast %add3A_3135 : vector<16xi32> to vector<16xi32>
        tpu.vector_store %arg15[%swap3A_3136], %swap3A_3139 {strides = array<i32>} : memref<400xi32, #tpu.memory_space<vmem>>, vector<16xi32>,
        %broadcast_in_dim3A_3140 = arith.constant 7 : i32
        %broadcast_in_dim3A_3141 = vector.broadcast %broadcast_in_dim3A_3140 : i32 to vector<16xi32>
        %eq3A_3142 = arith.cmpi eq, %get3A_3036, %broadcast_in_dim3A_3141 : vector<16xi32>
        %broadcast_in_dim3A_3143 = arith.constant 0 : i32
        %broadcast_in_dim3A_3144 = vector.broadcast %broadcast_in_dim3A_3143 : i32 to vector<16xi32>
        %broadcast_in_dim3A_3145 = arith.constant 7 : i32
        %broadcast_in_dim3A_3146 = vector.broadcast %broadcast_in_dim3A_3145 : i32 to vector<16xi32>
        %select_n3A_3147 = arith.select %eq3A_3142, %broadcast_in_dim3A_3144, %broadcast_in_dim3A_3146 : vector<16xi1>, vector<16xi32>
        %mul3A_3148 = arith.muli %select_n3A_3147, %broadcast_in_dim3A_14 : vector<16xi32>
        %add3A_3149 = arith.addi %mul3A_3148, %add3A_3041 : vector<16xi32>
        %swap3A_3150 = arith.constant 384 : index
        %swap3A_3151 = tpu.vector_load %arg16[%swap3A_3150] {strides = array<i32>} : memref<400xi32, #tpu.memory_space<vmem>>, vector<16xi32>,
        %swap3A_3152 = vector.shape_cast %swap3A_3151 : vector<16xi32> to vector<16xi32>
        %swap3A_3153 = vector.shape_cast %add3A_3149 : vector<16xi32> to vector<16xi32>
        tpu.vector_store %arg16[%swap3A_3150], %swap3A_3153 {strides = array<i32>} : memref<400xi32, #tpu.memory_space<vmem>>, vector<16xi32>,
        %mul3A_3154 = arith.muli %get3A_3036, %broadcast_in_dim3A_14 : vector<16xi32>
        %add3A_3155 = arith.addi %mul3A_3154, %add3A_3041 : vector<16xi32>
        %swap3A_3156 = arith.constant 384 : index
        %swap3A_3157 = tpu.vector_load %arg17[%swap3A_3156] {strides = array<i32>} : memref<400xi32, #tpu.memory_space<vmem>>, vector<16xi32>,
        %swap3A_3158 = vector.shape_cast %swap3A_3157 : vector<16xi32> to vector<16xi32>
        %swap3A_3159 = vector.shape_cast %add3A_3155 : vector<16xi32> to vector<16xi32>
        tpu.vector_store %arg17[%swap3A_3156], %swap3A_3159 {strides = array<i32>} : memref<400xi32, #tpu.memory_space<vmem>>, vector<16xi32>,
        %dma_start3A = arith.constant 0 : i32
        %dma_start3A_3160 = arith.constant 0 : i32
        %dma_start3A_3161 = tpu.memref_slice %arg5[%dma_start3A, %dma_start3A_3160] : memref<400000x128xf32, #tpu.memory_space<hbm>> -> memref<400000x128xf32, #tpu.memory_space<hbm>>
        tpu.enqueue_indirect_dma source(%arg8 : memref<400x128xf32, #tpu.memory_space<vmem>>) target(%dma_start3A_3161 : memref<400000x128xf32, #tpu.memory_space<hbm>>) offsets(%arg9 : memref<400xi32, #tpu.memory_space<vmem>>) semaphore(%arg18 : memref<!tpu.dma_semaphore, #tpu.memory_space<semaphore_mem>>)
        %dma_start3A_3162 = arith.constant 0 : i32
        %dma_start3A_3163 = arith.constant 0 : i32
        %dma_start3A_3164 = tpu.memref_slice %arg5[%dma_start3A_3162, %dma_start3A_3163] : memref<400000x128xf32, #tpu.memory_space<hbm>> -> memref<400000x128xf32, #tpu.memory_space<hbm>>
        tpu.enqueue_indirect_dma source(%arg8 : memref<400x128xf32, #tpu.memory_space<vmem>>) target(%dma_start3A_3164 : memref<400000x128xf32, #tpu.memory_space<hbm>>) offsets(%arg10 : memref<400xi32, #tpu.memory_space<vmem>>) semaphore(%arg18 : memref<!tpu.dma_semaphore, #tpu.memory_space<semaphore_mem>>)
        %dma_start3A_3165 = arith.constant 0 : i32
        %dma_start3A_3166 = arith.constant 0 : i32
        %dma_start3A_3167 = tpu.memref_slice %arg5[%dma_start3A_3165, %dma_start3A_3166] : memref<400000x128xf32, #tpu.memory_space<hbm>> -> memref<400000x128xf32, #tpu.memory_space<hbm>>
        tpu.enqueue_indirect_dma source(%arg8 : memref<400x128xf32, #tpu.memory_space<vmem>>) target(%dma_start3A_3167 : memref<400000x128xf32, #tpu.memory_space<hbm>>) offsets(%arg11 : memref<400xi32, #tpu.memory_space<vmem>>) semaphore(%arg18 : memref<!tpu.dma_semaphore, #tpu.memory_space<semaphore_mem>>)
        %dma_start3A_3168 = arith.constant 0 : i32
        %dma_start3A_3169 = arith.constant 0 : i32
        %dma_start3A_3170 = tpu.memref_slice %arg5[%dma_start3A_3168, %dma_start3A_3169] : memref<400000x128xf32, #tpu.memory_space<hbm>> -> memref<400000x128xf32, #tpu.memory_space<hbm>>
        tpu.enqueue_indirect_dma source(%arg8 : memref<400x128xf32, #tpu.memory_space<vmem>>) target(%dma_start3A_3170 : memref<400000x128xf32, #tpu.memory_space<hbm>>) offsets(%arg12 : memref<400xi32, #tpu.memory_space<vmem>>) semaphore(%arg18 : memref<!tpu.dma_semaphore, #tpu.memory_space<semaphore_mem>>)
        %dma_start3A_3171 = arith.constant 0 : i32
        %dma_start3A_3172 = arith.constant 0 : i32
        %dma_start3A_3173 = tpu.memref_slice %arg5[%dma_start3A_3171, %dma_start3A_3172] : memref<400000x128xf32, #tpu.memory_space<hbm>> -> memref<400000x128xf32, #tpu.memory_space<hbm>>
        tpu.enqueue_indirect_dma source(%arg8 : memref<400x128xf32, #tpu.memory_space<vmem>>) target(%dma_start3A_3173 : memref<400000x128xf32, #tpu.memory_space<hbm>>) offsets(%arg13 : memref<400xi32, #tpu.memory_space<vmem>>) semaphore(%arg18 : memref<!tpu.dma_semaphore, #tpu.memory_space<semaphore_mem>>)
        %dma_start3A_3174 = arith.constant 0 : i32
        %dma_start3A_3175 = arith.constant 0 : i32
        %dma_start3A_3176 = tpu.memref_slice %arg5[%dma_start3A_3174, %dma_start3A_3175] : memref<400000x128xf32, #tpu.memory_space<hbm>> -> memref<400000x128xf32, #tpu.memory_space<hbm>>
        tpu.enqueue_indirect_dma source(%arg8 : memref<400x128xf32, #tpu.memory_space<vmem>>) target(%dma_start3A_3176 : memref<400000x128xf32, #tpu.memory_space<hbm>>) offsets(%arg14 : memref<400xi32, #tpu.memory_space<vmem>>) semaphore(%arg18 : memref<!tpu.dma_semaphore, #tpu.memory_space<semaphore_mem>>)
        %dma_start3A_3177 = arith.constant 0 : i32
        %dma_start3A_3178 = arith.constant 0 : i32
        %dma_start3A_3179 = tpu.memref_slice %arg5[%dma_start3A_3177, %dma_start3A_3178] : memref<400000x128xf32, #tpu.memory_space<hbm>> -> memref<400000x128xf32, #tpu.memory_space<hbm>>
        tpu.enqueue_indirect_dma source(%arg8 : memref<400x128xf32, #tpu.memory_space<vmem>>) target(%dma_start3A_3179 : memref<400000x128xf32, #tpu.memory_space<hbm>>) offsets(%arg15 : memref<400xi32, #tpu.memory_space<vmem>>) semaphore(%arg18 : memref<!tpu.dma_semaphore, #tpu.memory_space<semaphore_mem>>)
        %dma_start3A_3180 = arith.constant 0 : i32
        %dma_start3A_3181 = arith.constant 0 : i32
        %dma_start3A_3182 = tpu.memref_slice %arg5[%dma_start3A_3180, %dma_start3A_3181] : memref<400000x128xf32, #tpu.memory_space<hbm>> -> memref<400000x128xf32, #tpu.memory_space<hbm>>
        tpu.enqueue_indirect_dma source(%arg8 : memref<400x128xf32, #tpu.memory_space<vmem>>) target(%dma_start3A_3182 : memref<400000x128xf32, #tpu.memory_space<hbm>>) offsets(%arg16 : memref<400xi32, #tpu.memory_space<vmem>>) semaphore(%arg18 : memref<!tpu.dma_semaphore, #tpu.memory_space<semaphore_mem>>)
        %dma_start3A_3183 = arith.constant 0 : i32
        %dma_start3A_3184 = arith.constant 0 : i32
        %dma_start3A_3185 = tpu.memref_slice %arg5[%dma_start3A_3183, %dma_start3A_3184] : memref<400000x128xf32, #tpu.memory_space<hbm>> -> memref<400000x128xf32, #tpu.memory_space<hbm>>
        tpu.enqueue_indirect_dma source(%arg7 : memref<400x128xf32, #tpu.memory_space<vmem>>) target(%dma_start3A_3185 : memref<400000x128xf32, #tpu.memory_space<hbm>>) offsets(%arg17 : memref<400xi32, #tpu.memory_space<vmem>>) semaphore(%arg18 : memref<!tpu.dma_semaphore, #tpu.memory_space<semaphore_mem>>)
        %dma_wait3A = arith.constant 0 : i32
        %dma_wait3A_3186 = arith.constant 0 : i32
        %dma_wait3A_3187 = tpu.memref_slice %arg5[%dma_wait3A, %dma_wait3A_3186] : memref<400000x128xf32, #tpu.memory_space<hbm>> -> memref<400000x128xf32, #tpu.memory_space<hbm>>
        tpu.wait_indirect_dma semaphore(%arg18 : memref<!tpu.dma_semaphore, #tpu.memory_space<semaphore_mem>>) src(%arg8 : memref<400x128xf32, #tpu.memory_space<vmem>>) dst(%dma_wait3A_3187 : memref<400000x128xf32, #tpu.memory_space<hbm>>)
        %dma_wait3A_3188 = arith.constant 0 : i32
        %dma_wait3A_3189 = arith.constant 0 : i32
        %dma_wait3A_3190 = tpu.memref_slice %arg5[%dma_wait3A_3188, %dma_wait3A_3189] : memref<400000x128xf32, #tpu.memory_space<hbm>> -> memref<400000x128xf32, #tpu.memory_space<hbm>>
        tpu.wait_indirect_dma semaphore(%arg18 : memref<!tpu.dma_semaphore, #tpu.memory_space<semaphore_mem>>) src(%arg8 : memref<400x128xf32, #tpu.memory_space<vmem>>) dst(%dma_wait3A_3190 : memref<400000x128xf32, #tpu.memory_space<hbm>>)
        %dma_wait3A_3191 = arith.constant 0 : i32
        %dma_wait3A_3192 = arith.constant 0 : i32
        %dma_wait3A_3193 = tpu.memref_slice %arg5[%dma_wait3A_3191, %dma_wait3A_3192] : memref<400000x128xf32, #tpu.memory_space<hbm>> -> memref<400000x128xf32, #tpu.memory_space<hbm>>
        tpu.wait_indirect_dma semaphore(%arg18 : memref<!tpu.dma_semaphore, #tpu.memory_space<semaphore_mem>>) src(%arg8 : memref<400x128xf32, #tpu.memory_space<vmem>>) dst(%dma_wait3A_3193 : memref<400000x128xf32, #tpu.memory_space<hbm>>)
        %dma_wait3A_3194 = arith.constant 0 : i32
        %dma_wait3A_3195 = arith.constant 0 : i32
        %dma_wait3A_3196 = tpu.memref_slice %arg5[%dma_wait3A_3194, %dma_wait3A_3195] : memref<400000x128xf32, #tpu.memory_space<hbm>> -> memref<400000x128xf32, #tpu.memory_space<hbm>>
        tpu.wait_indirect_dma semaphore(%arg18 : memref<!tpu.dma_semaphore, #tpu.memory_space<semaphore_mem>>) src(%arg8 : memref<400x128xf32, #tpu.memory_space<vmem>>) dst(%dma_wait3A_3196 : memref<400000x128xf32, #tpu.memory_space<hbm>>)
        %dma_wait3A_3197 = arith.constant 0 : i32
        %dma_wait3A_3198 = arith.constant 0 : i32
        %dma_wait3A_3199 = tpu.memref_slice %arg5[%dma_wait3A_3197, %dma_wait3A_3198] : memref<400000x128xf32, #tpu.memory_space<hbm>> -> memref<400000x128xf32, #tpu.memory_space<hbm>>
        tpu.wait_indirect_dma semaphore(%arg18 : memref<!tpu.dma_semaphore, #tpu.memory_space<semaphore_mem>>) src(%arg8 : memref<400x128xf32, #tpu.memory_space<vmem>>) dst(%dma_wait3A_3199 : memref<400000x128xf32, #tpu.memory_space<hbm>>)
        %dma_wait3A_3200 = arith.constant 0 : i32
        %dma_wait3A_3201 = arith.constant 0 : i32
        %dma_wait3A_3202 = tpu.memref_slice %arg5[%dma_wait3A_3200, %dma_wait3A_3201] : memref<400000x128xf32, #tpu.memory_space<hbm>> -> memref<400000x128xf32, #tpu.memory_space<hbm>>
        tpu.wait_indirect_dma semaphore(%arg18 : memref<!tpu.dma_semaphore, #tpu.memory_space<semaphore_mem>>) src(%arg8 : memref<400x128xf32, #tpu.memory_space<vmem>>) dst(%dma_wait3A_3202 : memref<400000x128xf32, #tpu.memory_space<hbm>>)
        %dma_wait3A_3203 = arith.constant 0 : i32
        %dma_wait3A_3204 = arith.constant 0 : i32
        %dma_wait3A_3205 = tpu.memref_slice %arg5[%dma_wait3A_3203, %dma_wait3A_3204] : memref<400000x128xf32, #tpu.memory_space<hbm>> -> memref<400000x128xf32, #tpu.memory_space<hbm>>
        tpu.wait_indirect_dma semaphore(%arg18 : memref<!tpu.dma_semaphore, #tpu.memory_space<semaphore_mem>>) src(%arg8 : memref<400x128xf32, #tpu.memory_space<vmem>>) dst(%dma_wait3A_3205 : memref<400000x128xf32, #tpu.memory_space<hbm>>)
        %dma_wait3A_3206 = arith.constant 0 : i32
        %dma_wait3A_3207 = arith.constant 0 : i32
        %dma_wait3A_3208 = tpu.memref_slice %arg5[%dma_wait3A_3206, %dma_wait3A_3207] : memref<400000x128xf32, #tpu.memory_space<hbm>> -> memref<400000x128xf32, #tpu.memory_space<hbm>>
        tpu.wait_indirect_dma semaphore(%arg18 : memref<!tpu.dma_semaphore, #tpu.memory_space<semaphore_mem>>) src(%arg8 : memref<400x128xf32, #tpu.memory_space<vmem>>) dst(%dma_wait3A_3208 : memref<400000x128xf32, #tpu.memory_space<hbm>>)
        %dma_wait3A_3209 = arith.constant 0 : i32
        %dma_wait3A_3210 = arith.constant 0 : i32
        %dma_wait3A_3211 = tpu.memref_slice %arg5[%dma_wait3A_3209, %dma_wait3A_3210] : memref<400000x128xf32, #tpu.memory_space<hbm>> -> memref<400000x128xf32, #tpu.memory_space<hbm>>
        tpu.wait_indirect_dma semaphore(%arg18 : memref<!tpu.dma_semaphore, #tpu.memory_space<semaphore_mem>>) src(%arg7 : memref<400x128xf32, #tpu.memory_space<vmem>>) dst(%dma_wait3A_3211 : memref<400000x128xf32, #tpu.memory_space<hbm>>)
      } else {
      }
    }
    %scan3A_5 = arith.constant 4 : i32
    return
  }
}

module attributes {stable_mosaic.version = 14 : i64} {
  func.func @_idx_kernel(%arg0: i32, %arg1: memref<5000x128xf32, #tpu.memory_space<vmem>>, %arg2: memref<128x8xf32, #tpu.memory_space<vmem>>, %arg3: memref<8xf32, #tpu.memory_space<vmem>>, %arg4: memref<5000x1xi32, #tpu.memory_space<vmem>>) attributes {dimension_semantics = [#tpu.dimension_semantics<arbitrary>], iteration_bounds = array<i64: 10>, scalar_prefetch = 0 : i64, scratch_operands = 0 : i64, tpu.core_type = #tpu.core_type<tc>, window_params = [{transform_indices = @transform_0, window_bounds = array<i64: 5000, 128>}, {pipeline_mode = #tpu.pipeline_mode<synchronous>, transform_indices = @transform_1, window_bounds = array<i64: 128, 8>}, {pipeline_mode = #tpu.pipeline_mode<synchronous>, transform_indices = @transform_2, window_bounds = array<i64: 8>}, {transform_indices = @transform_3, window_bounds = array<i64: 5000, 1>}]} {
    %get3A = arith.constant 0 : index
    %get3A_0 = arith.constant 0 : index
    %get3A_1 = vector.load %arg1[%get3A, %get3A_0] : memref<5000x128xf32, #tpu.memory_space<vmem>>, vector<5000x128xf32>
    %get3A_2 = arith.constant 0 : index
    %get3A_3 = arith.constant 0 : index
    %get3A_4 = vector.load %arg2[%get3A_2, %get3A_3] : memref<128x8xf32, #tpu.memory_space<vmem>>, vector<128x8xf32>
    %dot_general3A = arith.constant dense<0.000000e+00> : vector<5000x8xf32>
    %dot_general3A_5 = tpu.matmul %get3A_1, %get3A_4, %dot_general3A {dimension_numbers = #tpu.dot_dimension_numbers<[1], [0], [0], [1], [0, 0, 1, 1], [], []>, transpose_lhs_hint = false} : vector<5000x128xf32>, vector<128x8xf32>, vector<5000x8xf32> -> vector<5000x8xf32>
    %get3A_6 = arith.constant 0 : index
    %get3A_7 = vector.load %arg3[%get3A_6] : memref<8xf32, #tpu.memory_space<vmem>>, vector<8xf32>
    %broadcast_in_dim3A = vector.shape_cast %get3A_7 : vector<8xf32> to vector<1x8xf32>
    %add3A = vector.broadcast %broadcast_in_dim3A : vector<1x8xf32> to vector<5000x8xf32>
    %add3A_8 = arith.addf %dot_general3A_5, %add3A : vector<5000x8xf32>
    %argmax3A = tpu.reduce_index %add3A_8 {axis = 1 : i32, kind = #tpu.reduction_kind<arg_max>} : vector<5000x8xf32> -> vector<5000xi32>
    %broadcast_in_dim3A_9 = vector.shape_cast %argmax3A : vector<5000xi32> to vector<5000x1xi32>
    %swap3A = arith.constant 0 : index
    %swap3A_10 = arith.constant 0 : index
    %swap3A_11 = vector.load %arg4[%swap3A, %swap3A_10] : memref<5000x1xi32, #tpu.memory_space<vmem>>, vector<5000x1xi32>
    tpu.vector_store %arg4[%swap3A, %swap3A_10], %broadcast_in_dim3A_9 {strides = array<i32>} : memref<5000x1xi32, #tpu.memory_space<vmem>>, vector<5000x1xi32>,
    return
  }
  func.func @transform_0(%arg0: i32) -> (i32, i32) {
    %c0_i32 = arith.constant 0 : i32
    %c0_i32_0 = arith.constant 0 : i32
    return %arg0, %c0_i32 : i32, i32
  }
  func.func @transform_1(%arg0: i32) -> (i32, i32) {
    %c0_i32 = arith.constant 0 : i32
    %c0_i32_0 = arith.constant 0 : i32
    %c0_i32_1 = arith.constant 0 : i32
    return %c0_i32, %c0_i32_0 : i32, i32
  }
  func.func @transform_2(%arg0: i32) -> i32 {
    %c0_i32 = arith.constant 0 : i32
    %c0_i32_0 = arith.constant 0 : i32
    return %c0_i32 : i32
  }
  func.func @transform_3(%arg0: i32) -> (i32, i32) {
    %c0_i32 = arith.constant 0 : i32
    %c0_i32_0 = arith.constant 0 : i32
    return %arg0, %c0_i32 : i32, i32
  }
}

</mosaic_0001>

<sc_bundles>
// kernel: kernel.4.cloned.1.call-start
scs
__scs_entry_jumppad:
0x0: {  	(pc) =	sbr.rel $0x88, $3  }
0x1: {  	(tag) =	ssettag $0x0;
	lr =	simm.s32 $0x1  }
0x2: {  	[smem:$0x3F9E] =	sst lr;
	_ =	strace $0xD0000000  }
0x3: {  	_ = 	snop  }
0x4: {  	_ = 	snop  }
0x5: {  	_ = 	snop  }
0x6: {  	_ = 	snop  }
0x7: {  	_ = 	snop  }
__scs_overlays_trampoline_lowered:
0x8: {  	[smem:$0x3FAD] =	sst s0  }
0x9: {  	[smem:$0x3FAE] =	sst s1  }
0xa: {  	[smem:$0x3FAF] =	sst s2  }
0xb: {  	[smem:$0x3FB0] =	sst s3  }
0xc: {  	[smem:$0x3FB1] =	sst s4  }
0xd: {  	[smem:$0x3FB2] =	sst s5  }
0xe: {  	[smem:$0x3FB3] =	sst s6  }
0xf: {  	[smem:$0x3FB4] =	sst s7  }
0x10: {  	[smem:$0x3FB5] =	sst s8  }
0x11: {  	[smem:$0x3FB6] =	sst s9;
	s0 =	simm.s32 @!p0 $0x0  }
0x12: {  	s1 =	sld [smem:$0x3F9C];
	s0 =	simm.s32 @p0 $0x1  }
0x13: {  	[smem:$0x3FB7] =	sst s0;
	s0 =	simm.s32 @!p1 $0x0  }
0x14: {  	s2 =	sld [smem:$0x3F9B];
	s0 =	simm.s32 @p1 $0x1  }
0x15: {  	[smem:$0x3FB8] =	sst s0;
	s0 =	simm.s32 @!p2 $0x0  }
0x16: {  	s3 =	sld [smem:$0x3FDB];
	s0 =	simm.s32 @p2 $0x1  }
0x17: {  	s4 =	simm.s32 $0x1BF5;
	[smem:$0x3FBA] =	sst s0  }
0x18: {  	s0 =	sld [smem:$0x3F9D];
	_ =	swait.ge [sflag:s4], $0x0  }
0x19: {  	s7 =	sld [smem:$0x3F9E]  }
0x1a: {  	s8 =	sadd.s32 $0xFFFFE003, lr  }
0x1b: {  	s9 =	sadd.s32 $0xFFFFFEF7, lr;
	s5 =	simm.s32 $0xFFFFFFFF;
	p2 =	slt.u32 s8, $0xFFFFF086  }
0x1c: {  	p1 =	slt.u32 s9, $0xF7A;
	s5 =	simm.s32 @!p2 $0x0  }
0x1d: {  	s5 =	simm.s32 @p1 $0x1;
	p0 =	seq.s32 s7, s2  }
0x1e: {  	s7 =	smul.u32 @!p0 $0xF7A, s2;
	p2 =	seq.s32 @!p0 s5, $0x0  }
0x1f: {  	s9 =	smul.u32 $0xF7A, s1;
	s8 =	simm.s32 @!p0 $0x1BF5;
	p2 =	por !p2, p0  }
0x20: {  	[sflag:s8] =	ssyncset.s32 @!p0 $0xFFFFF086;
	s6 =	sadd.s32 @!p0 s3, s7;
	s7 =	simm.s32 @!p0 $0x108  }
0x21: {  	s3 =	sadd.s32 s3, s9;
	s6 =	sadd.s32 @!p0 $0x88, s6;
	s7 =	simm.s32 @p2 $0x1082  }
0x22: {  	[simem:s7], [sflag:s8] =	dma.local @!p0 [hbm:s6], $0xF7A  }
0x23: {  	s9 =	sor.u32 $0xD0000000, s2;
	s6 =	simm.s32 $0x108;
	_ =	swait.ge @!p0 [sflag:s8], $0x0  }
0x24: {  	s3 =	sadd.s32 $0x88, s3;
	s6 =	simm.s32 @!p1 $0x1082;
	[sflag:s4] =	ssyncset.s32 $0xFFFFF086  }
0x25: {  	[simem:s6], [sflag:s4] =	dma.local [hbm:s3], $0xF7A  }
0x26: {  	[smem:$0x3F9E] =	sst s1;
	(tag) =	ssettag s2;
	_ =	strace s9  }
0x27: {  	s1 =	sld [smem:$0x3FAE]  }
0x28: {  	s2 =	sld [smem:$0x3FAF]  }
0x29: {  	s4 =	sld [smem:$0x3FB1]  }
0x2a: {  	p0 =	seq.s32 s5, $0x0;
	s5 =	sld [smem:$0x3FB2]  }
0x2b: {  	s6 =	sld [smem:$0x3FB3]  }
0x2c: {  	s7 =	sld [smem:$0x3FB4]  }
0x2d: {  	s3 =	simm.s32 $0x108;
	s8 =	sld [smem:$0x3FB5]  }
0x2e: {  	s3 =	simm.s32 @!p0 $0x1082;
	s9 =	sld [smem:$0x3FB6]  }
0x2f: {  	lr =	sadd.s32 s0, s3;
	s0 =	sld [smem:$0x3FAD]  }
0x30: {  	s3 =	sld [smem:$0x3FB0]  }
0x31: {  	[smem:$0x3FB9] =	sst s10  }
0x32: {  	s10 =	sld [smem:$0x3FB7];
	_ =	sdelay $0x3  }
0x33: {  	p0 =	seq.s32 s10, $0x1;
	s10 =	sld [smem:$0x3FB9];
	_ =	sdelay $0x3  }
0x34: {  	[smem:$0x3FB9] =	sst s10  }
0x35: {  	s10 =	sld [smem:$0x3FB8];
	_ =	sdelay $0x3  }
0x36: {  	p1 =	seq.s32 s10, $0x1;
	s10 =	sld [smem:$0x3FB9];
	_ =	sdelay $0x3  }
0x37: {  	[smem:$0x3FB9] =	sst s10  }
0x38: {  	s10 =	sld [smem:$0x3FBA]  }
0x39: {  	_ = 	snop;
	(pc) =	sbr.ind lr, $3  }
0x3a: {  	_ = 	snop  }
0x3b: {  	_ = 	snop  }
0x3c: {  	p2 =	seq.s32 s10, $0x1;
	s10 =	sld [smem:$0x3FB9]  }
0x3d: {  	_ =	shalt  }
0x3e: {  	_ =	shalt  }
0x3f: {  	_ =	shalt  }
0x40: {  	_ =	shalt  }
0x41: {  	_ =	shalt  }
0x42: {  	_ =	shalt  }
0x43: {  	_ =	shalt  }
0x44: {  	_ =	shalt  }
0x45: {  	_ =	shalt  }
0x46: {  	_ =	shalt  }
0x47: {  	_ =	shalt  }
0x48: {  	_ =	shalt  }
0x49: {  	_ =	shalt  }
0x4a: {  	_ =	shalt  }
0x4b: {  	_ =	shalt  }
0x4c: {  	_ =	shalt  }
0x4d: {  	_ =	shalt  }
0x4e: {  	_ =	shalt  }
0x4f: {  	_ =	shalt  }
0x50: {  	_ =	shalt  }
0x51: {  	_ =	shalt  }
0x52: {  	_ =	shalt  }
0x53: {  	_ =	shalt  }
0x54: {  	_ =	shalt  }
0x55: {  	_ =	shalt  }
0x56: {  	_ =	shalt  }
0x57: {  	_ =	shalt  }
0x58: {  	_ =	shalt  }
0x59: {  	_ =	shalt  }
0x5a: {  	_ =	shalt  }
0x5b: {  	_ =	shalt  }
0x5c: {  	_ =	shalt  }
0x5d: {  	_ =	shalt  }
0x5e: {  	_ =	shalt  }
0x5f: {  	_ =	shalt  }
0x60: {  	_ =	shalt  }
0x61: {  	_ =	shalt  }
0x62: {  	_ =	shalt  }
0x63: {  	_ =	shalt  }
0x64: {  	_ =	shalt  }
0x65: {  	_ =	shalt  }
0x66: {  	_ =	shalt  }
0x67: {  	_ =	shalt  }
0x68: {  	_ =	shalt  }
0x69: {  	_ =	shalt  }
0x6a: {  	_ =	shalt  }
0x6b: {  	_ =	shalt  }
0x6c: {  	_ =	shalt  }
0x6d: {  	_ =	shalt  }
0x6e: {  	_ =	shalt  }
0x6f: {  	_ =	shalt  }
0x70: {  	_ =	shalt  }
0x71: {  	_ =	shalt  }
0x72: {  	_ =	shalt  }
0x73: {  	_ =	shalt  }
0x74: {  	_ =	shalt  }
0x75: {  	_ =	shalt  }
0x76: {  	_ =	shalt  }
0x77: {  	_ =	shalt  }
0x78: {  	_ =	shalt  }
0x79: {  	_ =	shalt  }
0x7a: {  	_ =	shalt  }
0x7b: {  	_ =	shalt  }
0x7c: {  	_ =	shalt  }
0x7d: {  	_ =	shalt  }
0x7e: {  	_ =	shalt  }
0x7f: {  	_ =	shalt  }
0x80: {  	_ =	shalt  }
0x81: {  	_ =	shalt  }
0x82: {  	_ =	shalt  }
0x83: {  	_ =	shalt  }
0x84: {  	_ =	shalt  }
0x85: {  	_ =	shalt  }
0x86: {  	_ =	shalt  }
0x87: {  	_ =	shalt  }
.Lfunc_end0:
.L_simem_size_0:
called_computation_lowered:
.L_overlay_start_0:
0x88: {  	s2 =	sld [smem:$0x3FD9]  }
0x89: {  	s3 =	sld [smem:$0x3FFE];
	_ =	sdelay $0x1  }
0x8a: {  	s1 =	srdreg.scid  }
0x8b: {  	s0 =	sand.u32 $0x1, s1  }
0x8c: {  	s17 =	sshll.u32 s0, $0xA;
	s2 =	sadd.s32 s3, s2  }
0x8d: {  	s2 =	sadd.s32 s2, s17  }
0x8e: {  	[smem:$0x3FC5] =	sst s2  }
0x8f: {  	_ = 	snop  }
0x90: {  	s2 =	sld [smem:$0x3FC9]  }
0x91: {  	s18 =	sld [smem:$0x3FD0];
	(tm) =	ssettm $0x1  }
0x92: {  	s4 =	sld [smem:$0x3FFB];
	_ =	sdelay $0x3  }
0x93: {  	_ =	strace s4  }
0x94: {  	s4 =	sld [smem:$0x3FFC];
	_ =	sdelay $0x3  }
0x95: {  	_ =	strace s4  }
0x96: {  	s4 =	sld [smem:$0x3FFD];
	_ =	sdelay $0x3  }
0x97: {  	_ =	strace s4  }
0x98: {  	_ =	strace $0x8FFFFFFF  }
0x99: {  	s19 =	sld [smem:$0x3FDB];
	_ =	sdelay $0x1  }
0x9a: {  	s5 =	simm.s32 $_scs_section_size  }
0x9b: {  	s6 =	simm.s32 $_size__tile_overlayer_lowered;
	s7 =	simm.s32 $_tile_overlayer_lowered  }
0x9c: {  	s22 =	simm.s32 $0x1BFF;
	s21 =	sshll.u32 s7, $0x1;
	s4 =	sadd.s32 s5, s19  }
0x9d: {  	s8 =	simm.s32 $0x0;
	s20 =	sshll.u32 s6, $0x1;
	s6 =	sadd.s32 s21, s4  }
0x9e: {  	[timem:s8], [sflag:s22] =	dma.local [hbm:s6], s20  }
0x9f: {  	_ =	swait.ge [sflag:s22], s20  }
0xa0: {  	s5 =	ssub.s32 $0x0, s20;
	[sflag:s22] =	ssyncset.done $0x0  }
0xa1: {  	[sflag:s22] =	ssyncadd.s32 s5;
	_ =	sdelay $0x1  }
0xa2: {  	s23 =	simm.s32 $0x1B8B  }
0xa3: {  	_ =	swait.ge [sflag:s23], $0x1  }
0xa4: {  	[sflag:s23] =	ssyncset.done $0x0  }
0xa5: {  	s25 =	simm.s32 $0x1B8E;
	s24 =	sld [smem:$0x3FFE];
	[sflag:s23] =	ssyncadd.s32 $0xFFFFFFFF  }
0xa6: {  	s26 =	simm.s32 $execute0_lowered;
	[smem:$0x3FD2] =	sst s25  }
0xa7: {  	s6 =	sshll.u32 s26, $0x1;
	_ =	strace $0x80000046;
	[dreg:$0x1] =	wrdreg $0xFFFFFFFF  }
0xa8: {  	s28 =	simm.s32 $_size_execute0_lowered;
	s4 =	sadd.s32 s4, s6;
	[dreg:$0x0] =	wrdreg $0x0  }
0xa9: {  	s6 =	sshll.u32 s28, $0x1;
	[dreg:$0x2] =	wrdreg s4  }
0xaa: {  	[dreg:$0x3] =	wrdreg s6  }
0xab: {  	[dreg:$0x4] =	wrdreg $0xC0  }
0xac: {  	_ =	task [dreg:s8], $0x5FFFF  }
0xad: {  	[dreg:$0x1] =	wrdreg $0xFFFFFFFF  }
0xae: {  	[dreg:$0x0] =	wrdreg $0x60  }
0xaf: {  	[dreg:$0x2] =	wrdreg s2  }
0xb0: {  	[dreg:$0x3] =	wrdreg s24  }
0xb1: {  	[dreg:$0x4] =	wrdreg s18  }
0xb2: {  	[dreg:$0x5] =	wrdreg $0x9  }
0xb3: {  	_ =	task.clear_ibuf [dreg:s8], $0x6FFFF;
	_ =	strace $0x90000046  }
0xb4: {  	s29 =	simm.s32 $0x9;
	_ =	strace $0x80000048  }
0xb5: {  	_ =	swait.ge [sflag:s29], $0x1  }
0xb6: {  	[sflag:s29] =	ssyncadd.s32 $0xFFFFFFFF  }
0xb7: {  	_ =	strace $0x90000048  }
0xb8: {  	_ =	sfence  }
0xb9: {  	s30 =	sld [smem:$0x0];
	_ =	sdelay $0x2  }
0xba: {  	s31 =	sshll.u32 s1, $0xD;
	s1 =	sshrl.u32 s1, $0x2  }
0xbb: {  	s3 =	sand.u32 $0x4000, s31;
	s1 =	sadd.s32 s1, s30  }
0xbc: {  	s0 =	sor.u32 s3, s0;
	s1 =	sshll.u32 s1, $0x11  }
0xbd: {  	s0 =	sor.u32 s1, s0  }
0xbe: {  	s0 =	sadd.s32 $0x8F2B, s0  }
0xbf: {  	[sflag:s0] =	ssyncadd.remote.s32 $0x1  }
0xc0: {  	_ =	sfence.sel $0xFFFF  }
0xc1: {  	[dreg:$0x0] =	wrdreg $0xFFFFFFFF;
	(pc) =	sbr.abs _section_cstart, $3  }
0xc2: {  	[dreg:$0x1] =	wrdreg $0xFFFFFFFF  }
0xc3: {  	_ =	task.clear_ibuf [dreg:s8], $0x2FFFF;
	_ =	strace $0x9FFFFFFF  }
0xc4: {  	(tm) =	ssettm $0x7FFFFFFF  }
0xc5: {  	_ =	shalt  }
tec
execute0_lowered:
.L_overlay_start_1:
0x0: {  	(tag) =	ssettag $0x1  }
0x1: {  	s7 =	rddreg [dreg:$0x0];
	s1 =	srdreg.scid  }
0x2: {  	s0 =	stileid.u32;
	s5 =	rddreg [dreg:$0x1]  }
0x3: {  	s2 =	rddreg [dreg:$0x2];
	s3 =	simm.s32 $0x0;
	s13 =	simm.s32 $0x190  }
0x4: {  	s14 =	simm.s32 $0x19200;
	s15 =	simm.s32 $0x19400;
	s16 =	simm.s32 $0x19600  }
0x5: {  	s17 =	simm.s32 $0x19800;
	s18 =	simm.s32 $0x19A00;
	s19 =	simm.s32 $0x19C00  }
0x6: {  	s20 =	simm.s32 $0x19E00;
	s21 =	simm.s32 $0x1A000;
	s22 =	simm.s32 $0x1A200  }
0x7: {  	s23 =	simm.s32 $0x1;
	s24 =	simm.s32 $0x0;
	s4 =	smul.u32 $0x320, s0  }
0x8: {  	s9 =	sand.u32 $0x1, s1;
	s1 =	rddreg [dreg:$0x3];
	s11 =	smul.u32 $0x3200, s0  }
0x9: {  	[smem:$0x7FF] =	sst s3;
	s12 =	sshll.u32 s0, $0x1;
	s6 =	smul.u32 $0x190, s9  }
0xa: {  	_ =	strace $0x80000047;
	s8 =	ssub.s32 $0x2, s9;
	s31 =	smul.u32 $0x1900, s9  }
.Ltmp0:
0xb: {  	s9 =	sor.u32 s9, s12;
	s4 =	sadd.s32 s6, s4;
	(pc) =	sbr.rel .LBB2_1-.Ltmp0, $4  }
0xc: {  	s12 =	simm.s32 $0x200;
	s30 =	sshrl.u32 s8, $0x1;
	s6 =	sshrl.u32 s4, $0x3  }
0xd: {  	v0 =	vlaneseq.u32;
	v1 =	vimm.s32 $0x0;
	v2 =	vimm.s32 $0xC350;
	s11 =	sadd.s32 s11, s7;
	s10 =	sadd.s32 s6, s5;
	s5 =	sadd.s32 $0x1C00, s5  }
0xe: {  	v3 =	vimm.s32 $0x186A0;
	v4 =	vimm.s32 $0x249F0;
	v5 =	vimm.s32 $0x30D40;
	s6 =	ssub.s32 s8, s30;
	s8 =	sadd.s32 s31, s11;
	s11 =	simm.s32 $0x2  }
0xf: {  	v6 =	vimm.s32 $0x3D090;
	v7 =	vimm.s32 $0x493E0;
	v8 =	vimm.s32 $0x55730;
	s6 =	smax.u32 s6, $0x1;
	s7 =	sadd.s32 $0x200, s10;
	s10 =	simm.s32 $0xCA00  }
.LBB2_5:
0x10: {  	s24 =	sadd.s32 $0x1, s24  }
0x11: {  	p0 =	sne.s32 s24, s6  }
.Ltmp1:
0x12: {  	_ = 	snop;
	(pc) =	sbr.rel @!p0 .LBB2_6-.Ltmp1, $1  }
0x13: {  	_ =	sdelay $0x3  }
.LBB2_1:
.Ltmp2:
0x14: {  	(pc) =	sbr.rel .LBB2_2-.Ltmp2, $4  }
0x15: {  	[tilespmem:s10], [sflag:$0x2] =	stream.linear.gather [hbm4b:s5+s3], $0xC800, $0x38;
	[tilespmem:$0x1A400] =	vst v63  }
0x16: {  	_ =	swait.ge [sflag:s11], $0xC800  }
0x17: {  	s25 =	smov.u32 s9;
	s26 =	smov.u32 s8;
	[sflag:s11] =	ssyncset.done $0x0  }
0x18: {  	s28 =	smov.u32 s7;
	s29 =	simm.s32 $0x0;
	[sflag:s11] =	ssyncadd.s32 $0xFFFF3800  }
.LBB2_4:
0x19: {  	s29 =	sadd.s32 $0x3200, s29  }
0x1a: {  	p0 =	sne.s32 s29, $0xC800  }
.Ltmp3:
0x1b: {  	_ = 	snop;
	(pc) =	sbr.rel @!p0 .LBB2_5-.Ltmp3, $2  }
0x1c: {  	_ =	sdelay $0x2  }
0x1d: {  	s28 =	sadd.s32 $0x640, s28;
	s26 =	sadd.s32 $0x32000, s26;
	s25 =	sadd.s32 $0x20, s25  }
.LBB2_2:
0x1e: {  	p0 =	sgt.u32 s25, $0x7C  }
.Ltmp4:
0x1f: {  	_ = 	snop;
	(pc) =	sbr.rel @p0 .LBB2_4-.Ltmp4, $1  }
0x20: {  	_ =	sdelay $0x3  }
0x21: {  	[tilespmem:s12], [sflag:$0x2] =	stream.linear.gather [hbm4b:s26+s3], $0xC800, $0x38;
	[tilespmem:$0x1A400] =	vst v63  }
0x22: {  	_ =	swait.ge [sflag:s11], $0xC800  }
0x23: {  	[sflag:s11] =	ssyncset.done $0x0  }
0x24: {  	[sflag:s11] =	ssyncadd.s32 $0xFFFF3800  }
0x25: {  	[tilespmem:s3], [sflag:$0x2] =	stream.linear.gather [hbm4b:s28+s3], $0x190, $0x38;
	[tilespmem:$0x1A400] =	vst v63  }
0x26: {  	_ =	swait.ge [sflag:s11], $0x190  }
0x27: {  	[sflag:s11] =	ssyncset.done $0x0  }
0x28: {  	[sflag:s11] =	ssyncadd.s32 $0xFFFFFE70  }
0x29: {  	v9 =	vld [tilespmem:$0x0];
	_ =	sdelay $0x3  }
0x2a: {  	s30 =	sadd.s32 s29, s4  }
0x2b: {  	v10 =	vor.u32 s30, v0;
	vm0 =	veq.s32 v9, $0x0  }
0x2c: {  	vm1 =	veq.s32 v9, $0x1;
	vm10 =	veq.s32 v9, $0x2;
	vm11 =	veq.s32 v9, $0x3  }
0x2d: {  	vm12 =	veq.s32 v9, $0x4;
	vm13 =	veq.s32 v9, $0x5;
	v11 =	vsel vm0, $0xC350, v1  }
0x2e: {  	vm14 =	veq.s32 v9, $0x6;
	v12 =	vsel vm1, $0x186A0, v2;
	v11 =	vadd.s32 v10, v11  }
0x2f: {  	v14 =	vld [tilespmem:$0x10];
	vm15 =	veq.s32 v9, $0x7;
	v24 =	vsel vm12, $0x3D090, v5;
	v12 =	vadd.s32 v10, v12;
	[tilespmem:$0x19200] =	vst v11  }
0x30: {  	v9 =	vmul.u32 $0xC350, v9;
	v28 =	vsel vm15, $0x0, v8;
	v25 =	vadd.s32 v10, v24;
	[tilespmem:$0x19400] =	vst v12  }
0x31: {  	v29 =	vadd.s32 v10, v28;
	[tilespmem:$0x19A00] =	vst v25  }
0x32: {  	v13 =	vsel vm10, $0x249F0, v3;
	v9 =	vadd.s32 v10, v9;
	[tilespmem:$0x1A000] =	vst v29  }
0x33: {  	v23 =	vsel vm11, $0x30D40, v4;
	v11 =	vadd.s32 v10, v13;
	[tilespmem:$0x1A200] =	vst v9  }
0x34: {  	vm4 =	veq.s32 v14, $0x0;
	v26 =	vsel vm13, $0x493E0, v6;
	[tilespmem:$0x19600] =	vst v11;
	v11 =	vadd.s32 v10, v23  }
0x35: {  	s31 =	sadd.s32 $0x10, s30;
	v27 =	vsel vm14, $0x55730, v7;
	vm11 =	veq.s32 v14, $0x7;
	[tilespmem:$0x19800] =	vst v11;
	v11 =	vadd.s32 v10, v26  }
0x36: {  	v36 =	vsel vm11, $0x0, v8;
	[tilespmem:$0x19C00] =	vst v11;
	v11 =	vadd.s32 v10, v27;
	v10 =	vor.u32 s31, v0  }
0x37: {  	vm5 =	veq.s32 v14, $0x1;
	[tilespmem:$0x19E00] =	vst v11;
	v11 =	vsel vm4, $0xC350, v1;
	v37 =	vadd.s32 v10, v36  }
0x38: {  	vm6 =	veq.s32 v14, $0x2;
	v30 =	vsel vm5, $0x186A0, v2;
	v9 =	vadd.s32 v10, v11;
	[tilespmem:$0x1A010] =	vst v37  }
0x39: {  	v33 =	vld [tilespmem:$0x20];
	vm7 =	veq.s32 v14, $0x3;
	v31 =	vsel vm6, $0x249F0, v3;
	v11 =	vadd.s32 v10, v30;
	[tilespmem:$0x19210] =	vst v9  }
0x3a: {  	vm8 =	veq.s32 v14, $0x4;
	v9 =	vadd.s32 v10, v31;
	[tilespmem:$0x19410] =	vst v11;
	v11 =	vsel vm7, $0x30D40, v4  }
0x3b: {  	vm9 =	veq.s32 v14, $0x5;
	v32 =	vsel vm8, $0x3D090, v5;
	[tilespmem:$0x19610] =	vst v9;
	v9 =	vadd.s32 v10, v11  }
0x3c: {  	v34 =	vsel vm9, $0x493E0, v6;
	vm10 =	veq.s32 v14, $0x6;
	v11 =	vadd.s32 v10, v32;
	[tilespmem:$0x19810] =	vst v9  }
0x3d: {  	v35 =	vsel vm10, $0x55730, v7;
	v9 =	vmul.u32 $0xC350, v14;
	[tilespmem:$0x19A10] =	vst v11;
	v11 =	vadd.s32 v10, v34  }
0x3e: {  	vm12 =	veq.s32 v33, $0x0;
	vm13 =	veq.s32 v33, $0x1;
	s31 =	sadd.s32 $0x20, s30;
	[tilespmem:$0x19C10] =	vst v11;
	v11 =	vadd.s32 v10, v35  }
0x3f: {  	v9 =	vadd.s32 v10, v9;
	[tilespmem:$0x19E10] =	vst v11;
	v10 =	vor.u32 s31, v0;
	v11 =	vsel vm12, $0xC350, v1  }
0x40: {  	v38 =	vsel vm13, $0x186A0, v2;
	vm7 =	veq.s32 v33, $0x7;
	[tilespmem:$0x1A210] =	vst v9;
	v9 =	vadd.s32 v10, v11  }
0x41: {  	vm14 =	veq.s32 v33, $0x2;
	v44 =	vsel vm7, $0x0, v8;
	v11 =	vadd.s32 v10, v38;
	[tilespmem:$0x19220] =	vst v9  }
0x42: {  	v41 =	vld [tilespmem:$0x30];
	vm15 =	veq.s32 v33, $0x3;
	v39 =	vsel vm14, $0x249F0, v3;
	v45 =	vadd.s32 v10, v44;
	[tilespmem:$0x19420] =	vst v11  }
0x43: {  	vm4 =	veq.s32 v33, $0x4;
	v9 =	vadd.s32 v10, v39;
	v11 =	vsel vm15, $0x30D40, v4;
	[tilespmem:$0x1A020] =	vst v45  }
0x44: {  	vm5 =	veq.s32 v33, $0x5;
	v40 =	vsel vm4, $0x3D090, v5;
	[tilespmem:$0x19620] =	vst v9;
	v9 =	vadd.s32 v10, v11  }
0x45: {  	vm6 =	veq.s32 v33, $0x6;
	v42 =	vsel vm5, $0x493E0, v6;
	v11 =	vadd.s32 v10, v40;
	[tilespmem:$0x19820] =	vst v9  }
0x46: {  	v43 =	vsel vm6, $0x55730, v7;
	v9 =	vmul.u32 $0xC350, v33;
	[tilespmem:$0x19A20] =	vst v11;
	v11 =	vadd.s32 v10, v42  }
0x47: {  	vm8 =	veq.s32 v41, $0x0;
	vm9 =	veq.s32 v41, $0x1;
	s31 =	sadd.s32 $0x30, s30;
	[tilespmem:$0x19C20] =	vst v11;
	v11 =	vadd.s32 v10, v43  }
0x48: {  	v9 =	vadd.s32 v10, v9;
	[tilespmem:$0x19E20] =	vst v11;
	v10 =	vor.u32 s31, v0;
	v11 =	vsel vm8, $0xC350, v1  }
0x49: {  	v46 =	vsel vm9, $0x186A0, v2;
	vm15 =	veq.s32 v41, $0x7;
	[tilespmem:$0x1A220] =	vst v9;
	v9 =	vadd.s32 v10, v11  }
0x4a: {  	vm10 =	veq.s32 v41, $0x2;
	v52 =	vsel vm15, $0x0, v8;
	v11 =	vadd.s32 v10, v46;
	[tilespmem:$0x19230] =	vst v9  }
0x4b: {  	v49 =	vld [tilespmem:$0x40];
	vm11 =	veq.s32 v41, $0x3;
	v47 =	vsel vm10, $0x249F0, v3;
	v53 =	vadd.s32 v10, v52;
	[tilespmem:$0x19430] =	vst v11  }
0x4c: {  	vm12 =	veq.s32 v41, $0x4;
	v9 =	vadd.s32 v10, v47;
	v11 =	vsel vm11, $0x30D40, v4;
	[tilespmem:$0x1A030] =	vst v53  }
0x4d: {  	vm13 =	veq.s32 v41, $0x5;
	v48 =	vsel vm12, $0x3D090, v5;
	[tilespmem:$0x19630] =	vst v9;
	v9 =	vadd.s32 v10, v11  }
0x4e: {  	vm14 =	veq.s32 v41, $0x6;
	v50 =	vsel vm13, $0x493E0, v6;
	v11 =	vadd.s32 v10, v48;
	[tilespmem:$0x19830] =	vst v9  }
0x4f: {  	v51 =	vsel vm14, $0x55730, v7;
	v9 =	vmul.u32 $0xC350, v41;
	[tilespmem:$0x19A30] =	vst v11;
	v11 =	vadd.s32 v10, v50  }
0x50: {  	vm5 =	veq.s32 v49, $0x1;
	vm4 =	veq.s32 v49, $0x0;
	s31 =	sadd.s32 $0x40, s30;
	[tilespmem:$0x19C30] =	vst v11;
	v11 =	vadd.s32 v10, v51  }
0x51: {  	v9 =	vadd.s32 v10, v9;
	[tilespmem:$0x19E30] =	vst v11;
	v10 =	vor.u32 s31, v0;
	v11 =	vsel vm4, $0xC350, v1  }
0x52: {  	v54 =	vsel vm5, $0x186A0, v2;
	vm11 =	veq.s32 v49, $0x7;
	[tilespmem:$0x1A230] =	vst v9;
	v9 =	vadd.s32 v10, v11  }
0x53: {  	vm6 =	veq.s32 v49, $0x2;
	v60 =	vsel vm11, $0x0, v8;
	v11 =	vadd.s32 v10, v54;
	[tilespmem:$0x19240] =	vst v9  }
0x54: {  	v57 =	vld [tilespmem:$0x50];
	v55 =	vsel vm6, $0x249F0, v3;
	vm7 =	veq.s32 v49, $0x3;
	v61 =	vadd.s32 v10, v60;
	[tilespmem:$0x19440] =	vst v11  }
0x55: {  	vm8 =	veq.s32 v49, $0x4;
	v9 =	vadd.s32 v10, v55;
	v11 =	vsel vm7, $0x30D40, v4;
	[tilespmem:$0x1A040] =	vst v61  }
0x56: {  	vm9 =	veq.s32 v49, $0x5;
	v56 =	vsel vm8, $0x3D090, v5;
	[tilespmem:$0x19640] =	vst v9;
	v9 =	vadd.s32 v10, v11  }
0x57: {  	v58 =	vsel vm9, $0x493E0, v6;
	vm10 =	veq.s32 v49, $0x6;
	v11 =	vadd.s32 v10, v56;
	[tilespmem:$0x19840] =	vst v9  }
0x58: {  	v59 =	vsel vm10, $0x55730, v7;
	v9 =	vmul.u32 $0xC350, v49;
	[tilespmem:$0x19A40] =	vst v11;
	v11 =	vadd.s32 v10, v58  }
0x59: {  	vm13 =	veq.s32 v57, $0x1;
	vm12 =	veq.s32 v57, $0x0;
	s31 =	sadd.s32 $0x50, s30;
	[tilespmem:$0x19C40] =	vst v11;
	v11 =	vadd.s32 v10, v59  }
0x5a: {  	v9 =	vadd.s32 v10, v9;
	[tilespmem:$0x19E40] =	vst v11;
	v10 =	vor.u32 s31, v0;
	v11 =	vsel vm12, $0xC350, v1  }
0x5b: {  	v62 =	vsel vm13, $0x186A0, v2;
	vm7 =	veq.s32 v57, $0x7;
	[tilespmem:$0x1A240] =	vst v9;
	v9 =	vadd.s32 v10, v11  }
0x5c: {  	vm14 =	veq.s32 v57, $0x2;
	v20 =	vsel vm7, $0x0, v8;
	v11 =	vadd.s32 v10, v62;
	[tilespmem:$0x19250] =	vst v9  }
0x5d: {  	v17 =	vld [tilespmem:$0x60];
	v63 =	vsel vm14, $0x249F0, v3;
	vm15 =	veq.s32 v57, $0x3;
	v21 =	vadd.s32 v10, v20;
	[tilespmem:$0x19450] =	vst v11  }
0x5e: {  	vm4 =	veq.s32 v57, $0x4;
	v9 =	vadd.s32 v10, v63;
	v11 =	vsel vm15, $0x30D40, v4;
	[tilespmem:$0x1A050] =	vst v21  }
0x5f: {  	vm5 =	veq.s32 v57, $0x5;
	v16 =	vsel vm4, $0x3D090, v5;
	[tilespmem:$0x19650] =	vst v9;
	v9 =	vadd.s32 v10, v11  }
0x60: {  	vm6 =	veq.s32 v57, $0x6;
	v18 =	vsel vm5, $0x493E0, v6;
	v11 =	vadd.s32 v10, v16;
	[tilespmem:$0x19850] =	vst v9  }
0x61: {  	v19 =	vsel vm6, $0x55730, v7;
	v9 =	vmul.u32 $0xC350, v57;
	[tilespmem:$0x19A50] =	vst v11;
	v11 =	vadd.s32 v10, v18  }
0x62: {  	vm9 =	veq.s32 v17, $0x1;
	vm8 =	veq.s32 v17, $0x0;
	s31 =	sadd.s32 $0x60, s30;
	[tilespmem:$0x19C50] =	vst v11;
	v11 =	vadd.s32 v10, v19  }
0x63: {  	v9 =	vadd.s32 v10, v9;
	[tilespmem:$0x19E50] =	vst v11;
	v10 =	vor.u32 s31, v0;
	v11 =	vsel vm8, $0xC350, v1  }
0x64: {  	v22 =	vsel vm9, $0x186A0, v2;
	vm15 =	veq.s32 v17, $0x7;
	[tilespmem:$0x1A250] =	vst v9;
	v9 =	vadd.s32 v10, v11  }
0x65: {  	vm10 =	veq.s32 v17, $0x2;
	v28 =	vsel vm15, $0x0, v8;
	v11 =	vadd.s32 v10, v22;
	[tilespmem:$0x19260] =	vst v9  }
0x66: {  	v25 =	vld [tilespmem:$0x70];
	v23 =	vsel vm10, $0x249F0, v3;
	vm11 =	veq.s32 v17, $0x3;
	v29 =	vadd.s32 v10, v28;
	[tilespmem:$0x19460] =	vst v11  }
0x67: {  	vm12 =	veq.s32 v17, $0x4;
	v9 =	vadd.s32 v10, v23;
	v11 =	vsel vm11, $0x30D40, v4;
	[tilespmem:$0x1A060] =	vst v29  }
0x68: {  	vm13 =	veq.s32 v17, $0x5;
	v24 =	vsel vm12, $0x3D090, v5;
	[tilespmem:$0x19660] =	vst v9;
	v9 =	vadd.s32 v10, v11  }
0x69: {  	vm14 =	veq.s32 v17, $0x6;
	v26 =	vsel vm13, $0x493E0, v6;
	v11 =	vadd.s32 v10, v24;
	[tilespmem:$0x19860] =	vst v9  }
0x6a: {  	v27 =	vsel vm14, $0x55730, v7;
	v9 =	vmul.u32 $0xC350, v17;
	[tilespmem:$0x19A60] =	vst v11;
	v11 =	vadd.s32 v10, v26  }
0x6b: {  	vm5 =	veq.s32 v25, $0x1;
	vm4 =	veq.s32 v25, $0x0;
	s31 =	sadd.s32 $0x70, s30;
	[tilespmem:$0x19C60] =	vst v11;
	v11 =	vadd.s32 v10, v27  }
0x6c: {  	v9 =	vadd.s32 v10, v9;
	[tilespmem:$0x19E60] =	vst v11;
	v10 =	vor.u32 s31, v0;
	v11 =	vsel vm4, $0xC350, v1  }
0x6d: {  	v30 =	vsel vm5, $0x186A0, v2;
	vm11 =	veq.s32 v25, $0x7;
	[tilespmem:$0x1A260] =	vst v9;
	v9 =	vadd.s32 v10, v11  }
0x6e: {  	vm6 =	veq.s32 v25, $0x2;
	v36 =	vsel vm11, $0x0, v8;
	v11 =	vadd.s32 v10, v30;
	[tilespmem:$0x19270] =	vst v9  }
0x6f: {  	v31 =	vsel vm6, $0x249F0, v3;
	v33 =	vld [tilespmem:$0x80];
	vm7 =	veq.s32 v25, $0x3;
	v37 =	vadd.s32 v10, v36;
	[tilespmem:$0x19470] =	vst v11  }
0x70: {  	vm8 =	veq.s32 v25, $0x4;
	v9 =	vadd.s32 v10, v31;
	v11 =	vsel vm7, $0x30D40, v4;
	[tilespmem:$0x1A070] =	vst v37  }
0x71: {  	vm9 =	veq.s32 v25, $0x5;
	v32 =	vsel vm8, $0x3D090, v5;
	[tilespmem:$0x19670] =	vst v9;
	v9 =	vadd.s32 v10, v11  }
0x72: {  	vm10 =	veq.s32 v25, $0x6;
	v34 =	vsel vm9, $0x493E0, v6;
	v11 =	vadd.s32 v10, v32;
	[tilespmem:$0x19870] =	vst v9  }
0x73: {  	v35 =	vsel vm10, $0x55730, v7;
	v9 =	vmul.u32 $0xC350, v25;
	[tilespmem:$0x19A70] =	vst v11;
	v11 =	vadd.s32 v10, v34  }
0x74: {  	vm13 =	veq.s32 v33, $0x1;
	vm12 =	veq.s32 v33, $0x0;
	s31 =	sadd.s32 $0x80, s30;
	[tilespmem:$0x19C70] =	vst v11;
	v11 =	vadd.s32 v10, v35  }
0x75: {  	v9 =	vadd.s32 v10, v9;
	[tilespmem:$0x19E70] =	vst v11;
	v10 =	vor.u32 s31, v0;
	v11 =	vsel vm12, $0xC350, v1  }
0x76: {  	v38 =	vsel vm13, $0x186A0, v2;
	vm7 =	veq.s32 v33, $0x7;
	[tilespmem:$0x1A270] =	vst v9;
	v9 =	vadd.s32 v10, v11  }
0x77: {  	vm14 =	veq.s32 v33, $0x2;
	v44 =	vsel vm7, $0x0, v8;
	v11 =	vadd.s32 v10, v38;
	[tilespmem:$0x19280] =	vst v9  }
0x78: {  	v39 =	vsel vm14, $0x249F0, v3;
	v41 =	vld [tilespmem:$0x90];
	vm15 =	veq.s32 v33, $0x3;
	v45 =	vadd.s32 v10, v44;
	[tilespmem:$0x19480] =	vst v11  }
0x79: {  	vm4 =	veq.s32 v33, $0x4;
	v9 =	vadd.s32 v10, v39;
	v11 =	vsel vm15, $0x30D40, v4;
	[tilespmem:$0x1A080] =	vst v45  }
0x7a: {  	vm5 =	veq.s32 v33, $0x5;
	v40 =	vsel vm4, $0x3D090, v5;
	[tilespmem:$0x19680] =	vst v9;
	v9 =	vadd.s32 v10, v11  }
0x7b: {  	vm6 =	veq.s32 v33, $0x6;
	v42 =	vsel vm5, $0x493E0, v6;
	v11 =	vadd.s32 v10, v40;
	[tilespmem:$0x19880] =	vst v9  }
0x7c: {  	v43 =	vsel vm6, $0x55730, v7;
	v9 =	vmul.u32 $0xC350, v33;
	[tilespmem:$0x19A80] =	vst v11;
	v11 =	vadd.s32 v10, v42  }
0x7d: {  	vm9 =	veq.s32 v41, $0x1;
	vm8 =	veq.s32 v41, $0x0;
	s31 =	sadd.s32 $0x90, s30;
	[tilespmem:$0x19C80] =	vst v11;
	v11 =	vadd.s32 v10, v43  }
0x7e: {  	v9 =	vadd.s32 v10, v9;
	[tilespmem:$0x19E80] =	vst v11;
	v10 =	vor.u32 s31, v0;
	v11 =	vsel vm8, $0xC350, v1  }
0x7f: {  	v46 =	vsel vm9, $0x186A0, v2;
	vm15 =	veq.s32 v41, $0x7;
	[tilespmem:$0x1A280] =	vst v9;
	v9 =	vadd.s32 v10, v11  }
0x80: {  	vm10 =	veq.s32 v41, $0x2;
	v52 =	vsel vm15, $0x0, v8;
	v11 =	vadd.s32 v10, v46;
	[tilespmem:$0x19290] =	vst v9  }
0x81: {  	v47 =	vsel vm10, $0x249F0, v3;
	v49 =	vld [tilespmem:$0xA0];
	vm11 =	veq.s32 v41, $0x3;
	v53 =	vadd.s32 v10, v52;
	[tilespmem:$0x19490] =	vst v11  }
0x82: {  	vm12 =	veq.s32 v41, $0x4;
	v9 =	vadd.s32 v10, v47;
	v11 =	vsel vm11, $0x30D40, v4;
	[tilespmem:$0x1A090] =	vst v53  }
0x83: {  	vm13 =	veq.s32 v41, $0x5;
	v48 =	vsel vm12, $0x3D090, v5;
	[tilespmem:$0x19690] =	vst v9;
	v9 =	vadd.s32 v10, v11  }
0x84: {  	vm14 =	veq.s32 v41, $0x6;
	v50 =	vsel vm13, $0x493E0, v6;
	v11 =	vadd.s32 v10, v48;
	[tilespmem:$0x19890] =	vst v9  }
0x85: {  	v51 =	vsel vm14, $0x55730, v7;
	v9 =	vmul.u32 $0xC350, v41;
	[tilespmem:$0x19A90] =	vst v11;
	v11 =	vadd.s32 v10, v50  }
0x86: {  	vm5 =	veq.s32 v49, $0x1;
	vm4 =	veq.s32 v49, $0x0;
	s31 =	sadd.s32 $0xA0, s30;
	[tilespmem:$0x19C90] =	vst v11;
	v11 =	vadd.s32 v10, v51  }
0x87: {  	v9 =	vadd.s32 v10, v9;
	[tilespmem:$0x19E90] =	vst v11;
	v10 =	vor.u32 s31, v0;
	v11 =	vsel vm4, $0xC350, v1  }
0x88: {  	v54 =	vsel vm5, $0x186A0, v2;
	vm11 =	veq.s32 v49, $0x7;
	[tilespmem:$0x1A290] =	vst v9;
	v9 =	vadd.s32 v10, v11  }
0x89: {  	vm6 =	veq.s32 v49, $0x2;
	v60 =	vsel vm11, $0x0, v8;
	v11 =	vadd.s32 v10, v54;
	[tilespmem:$0x192A0] =	vst v9  }
0x8a: {  	v55 =	vsel vm6, $0x249F0, v3;
	v57 =	vld [tilespmem:$0xB0];
	vm7 =	veq.s32 v49, $0x3;
	v61 =	vadd.s32 v10, v60;
	[tilespmem:$0x194A0] =	vst v11  }
0x8b: {  	vm8 =	veq.s32 v49, $0x4;
	v9 =	vadd.s32 v10, v55;
	v11 =	vsel vm7, $0x30D40, v4;
	[tilespmem:$0x1A0A0] =	vst v61  }
0x8c: {  	vm9 =	veq.s32 v49, $0x5;
	v56 =	vsel vm8, $0x3D090, v5;
	[tilespmem:$0x196A0] =	vst v9;
	v9 =	vadd.s32 v10, v11  }
0x8d: {  	vm10 =	veq.s32 v49, $0x6;
	v58 =	vsel vm9, $0x493E0, v6;
	v11 =	vadd.s32 v10, v56;
	[tilespmem:$0x198A0] =	vst v9  }
0x8e: {  	v59 =	vsel vm10, $0x55730, v7;
	v9 =	vmul.u32 $0xC350, v49;
	[tilespmem:$0x19AA0] =	vst v11;
	v11 =	vadd.s32 v10, v58  }
0x8f: {  	vm13 =	veq.s32 v57, $0x1;
	vm12 =	veq.s32 v57, $0x0;
	s31 =	sadd.s32 $0xB0, s30;
	[tilespmem:$0x19CA0] =	vst v11;
	v11 =	vadd.s32 v10, v59  }
0x90: {  	v9 =	vadd.s32 v10, v9;
	[tilespmem:$0x19EA0] =	vst v11;
	v10 =	vor.u32 s31, v0;
	v11 =	vsel vm12, $0xC350, v1  }
0x91: {  	v62 =	vsel vm13, $0x186A0, v2;
	vm7 =	veq.s32 v57, $0x7;
	[tilespmem:$0x1A2A0] =	vst v9;
	v9 =	vadd.s32 v10, v11  }
0x92: {  	vm14 =	veq.s32 v57, $0x2;
	v20 =	vsel vm7, $0x0, v8;
	v11 =	vadd.s32 v10, v62;
	[tilespmem:$0x192B0] =	vst v9  }
0x93: {  	v63 =	vsel vm14, $0x249F0, v3;
	v17 =	vld [tilespmem:$0xC0];
	vm15 =	veq.s32 v57, $0x3;
	v21 =	vadd.s32 v10, v20;
	[tilespmem:$0x194B0] =	vst v11  }
0x94: {  	vm4 =	veq.s32 v57, $0x4;
	v9 =	vadd.s32 v10, v63;
	v11 =	vsel vm15, $0x30D40, v4;
	[tilespmem:$0x1A0B0] =	vst v21  }
0x95: {  	vm5 =	veq.s32 v57, $0x5;
	v16 =	vsel vm4, $0x3D090, v5;
	[tilespmem:$0x196B0] =	vst v9;
	v9 =	vadd.s32 v10, v11  }
0x96: {  	vm6 =	veq.s32 v57, $0x6;
	v18 =	vsel vm5, $0x493E0, v6;
	v11 =	vadd.s32 v10, v16;
	[tilespmem:$0x198B0] =	vst v9  }
0x97: {  	v19 =	vsel vm6, $0x55730, v7;
	v9 =	vmul.u32 $0xC350, v57;
	[tilespmem:$0x19AB0] =	vst v11;
	v11 =	vadd.s32 v10, v18  }
0x98: {  	vm9 =	veq.s32 v17, $0x1;
	vm8 =	veq.s32 v17, $0x0;
	s31 =	sadd.s32 $0xC0, s30;
	[tilespmem:$0x19CB0] =	vst v11;
	v11 =	vadd.s32 v10, v19  }
0x99: {  	v9 =	vadd.s32 v10, v9;
	[tilespmem:$0x19EB0] =	vst v11;
	v10 =	vor.u32 s31, v0;
	v11 =	vsel vm8, $0xC350, v1  }
0x9a: {  	v22 =	vsel vm9, $0x186A0, v2;
	vm15 =	veq.s32 v17, $0x7;
	[tilespmem:$0x1A2B0] =	vst v9;
	v9 =	vadd.s32 v10, v11  }
0x9b: {  	vm10 =	veq.s32 v17, $0x2;
	v28 =	vsel vm15, $0x0, v8;
	v11 =	vadd.s32 v10, v22;
	[tilespmem:$0x192C0] =	vst v9  }
0x9c: {  	v23 =	vsel vm10, $0x249F0, v3;
	v25 =	vld [tilespmem:$0xD0];
	vm11 =	veq.s32 v17, $0x3;
	v29 =	vadd.s32 v10, v28;
	[tilespmem:$0x194C0] =	vst v11  }
0x9d: {  	vm12 =	veq.s32 v17, $0x4;
	v9 =	vadd.s32 v10, v23;
	v11 =	vsel vm11, $0x30D40, v4;
	[tilespmem:$0x1A0C0] =	vst v29  }
0x9e: {  	vm13 =	veq.s32 v17, $0x5;
	v24 =	vsel vm12, $0x3D090, v5;
	[tilespmem:$0x196C0] =	vst v9;
	v9 =	vadd.s32 v10, v11  }
0x9f: {  	vm14 =	veq.s32 v17, $0x6;
	v26 =	vsel vm13, $0x493E0, v6;
	v11 =	vadd.s32 v10, v24;
	[tilespmem:$0x198C0] =	vst v9  }
0xa0: {  	v27 =	vsel vm14, $0x55730, v7;
	v9 =	vmul.u32 $0xC350, v17;
	[tilespmem:$0x19AC0] =	vst v11;
	v11 =	vadd.s32 v10, v26  }
0xa1: {  	vm5 =	veq.s32 v25, $0x1;
	vm4 =	veq.s32 v25, $0x0;
	s31 =	sadd.s32 $0xD0, s30;
	[tilespmem:$0x19CC0] =	vst v11;
	v11 =	vadd.s32 v10, v27  }
0xa2: {  	v9 =	vadd.s32 v10, v9;
	[tilespmem:$0x19EC0] =	vst v11;
	v10 =	vor.u32 s31, v0;
	v11 =	vsel vm4, $0xC350, v1  }
0xa3: {  	v30 =	vsel vm5, $0x186A0, v2;
	vm11 =	veq.s32 v25, $0x7;
	[tilespmem:$0x1A2C0] =	vst v9;
	v9 =	vadd.s32 v10, v11  }
0xa4: {  	vm6 =	veq.s32 v25, $0x2;
	v36 =	vsel vm11, $0x0, v8;
	v11 =	vadd.s32 v10, v30;
	[tilespmem:$0x192D0] =	vst v9  }
0xa5: {  	v31 =	vsel vm6, $0x249F0, v3;
	v33 =	vld [tilespmem:$0xE0];
	vm7 =	veq.s32 v25, $0x3;
	v37 =	vadd.s32 v10, v36;
	[tilespmem:$0x194D0] =	vst v11  }
0xa6: {  	vm8 =	veq.s32 v25, $0x4;
	v9 =	vadd.s32 v10, v31;
	v11 =	vsel vm7, $0x30D40, v4;
	[tilespmem:$0x1A0D0] =	vst v37  }
0xa7: {  	vm9 =	veq.s32 v25, $0x5;
	v32 =	vsel vm8, $0x3D090, v5;
	[tilespmem:$0x196D0] =	vst v9;
	v9 =	vadd.s32 v10, v11  }
0xa8: {  	vm10 =	veq.s32 v25, $0x6;
	v34 =	vsel vm9, $0x493E0, v6;
	v11 =	vadd.s32 v10, v32;
	[tilespmem:$0x198D0] =	vst v9  }
0xa9: {  	v35 =	vsel vm10, $0x55730, v7;
	v9 =	vmul.u32 $0xC350, v25;
	[tilespmem:$0x19AD0] =	vst v11;
	v11 =	vadd.s32 v10, v34  }
0xaa: {  	vm13 =	veq.s32 v33, $0x1;
	vm12 =	veq.s32 v33, $0x0;
	s31 =	sadd.s32 $0xE0, s30;
	[tilespmem:$0x19CD0] =	vst v11;
	v11 =	vadd.s32 v10, v35  }
0xab: {  	v9 =	vadd.s32 v10, v9;
	[tilespmem:$0x19ED0] =	vst v11;
	v10 =	vor.u32 s31, v0;
	v11 =	vsel vm12, $0xC350, v1  }
0xac: {  	v38 =	vsel vm13, $0x186A0, v2;
	vm7 =	veq.s32 v33, $0x7;
	[tilespmem:$0x1A2D0] =	vst v9;
	v9 =	vadd.s32 v10, v11  }
0xad: {  	vm14 =	veq.s32 v33, $0x2;
	v44 =	vsel vm7, $0x0, v8;
	v11 =	vadd.s32 v10, v38;
	[tilespmem:$0x192E0] =	vst v9  }
0xae: {  	v39 =	vsel vm14, $0x249F0, v3;
	v41 =	vld [tilespmem:$0xF0];
	vm15 =	veq.s32 v33, $0x3;
	v45 =	vadd.s32 v10, v44;
	[tilespmem:$0x194E0] =	vst v11  }
0xaf: {  	vm4 =	veq.s32 v33, $0x4;
	v9 =	vadd.s32 v10, v39;
	v11 =	vsel vm15, $0x30D40, v4;
	[tilespmem:$0x1A0E0] =	vst v45  }
0xb0: {  	vm5 =	veq.s32 v33, $0x5;
	v40 =	vsel vm4, $0x3D090, v5;
	[tilespmem:$0x196E0] =	vst v9;
	v9 =	vadd.s32 v10, v11  }
0xb1: {  	vm6 =	veq.s32 v33, $0x6;
	v42 =	vsel vm5, $0x493E0, v6;
	v11 =	vadd.s32 v10, v40;
	[tilespmem:$0x198E0] =	vst v9  }
0xb2: {  	v43 =	vsel vm6, $0x55730, v7;
	v9 =	vmul.u32 $0xC350, v33;
	[tilespmem:$0x19AE0] =	vst v11;
	v11 =	vadd.s32 v10, v42  }
0xb3: {  	vm9 =	veq.s32 v41, $0x1;
	vm8 =	veq.s32 v41, $0x0;
	s31 =	sadd.s32 $0xF0, s30;
	[tilespmem:$0x19CE0] =	vst v11;
	v11 =	vadd.s32 v10, v43  }
0xb4: {  	v9 =	vadd.s32 v10, v9;
	[tilespmem:$0x19EE0] =	vst v11;
	v10 =	vor.u32 s31, v0;
	v11 =	vsel vm8, $0xC350, v1  }
0xb5: {  	v46 =	vsel vm9, $0x186A0, v2;
	vm15 =	veq.s32 v41, $0x7;
	[tilespmem:$0x1A2E0] =	vst v9;
	v9 =	vadd.s32 v10, v11  }
0xb6: {  	vm10 =	veq.s32 v41, $0x2;
	v52 =	vsel vm15, $0x0, v8;
	v11 =	vadd.s32 v10, v46;
	[tilespmem:$0x192F0] =	vst v9  }
0xb7: {  	v47 =	vsel vm10, $0x249F0, v3;
	v49 =	vld [tilespmem:$0x100];
	vm11 =	veq.s32 v41, $0x3;
	v53 =	vadd.s32 v10, v52;
	[tilespmem:$0x194F0] =	vst v11  }
0xb8: {  	vm12 =	veq.s32 v41, $0x4;
	v9 =	vadd.s32 v10, v47;
	v11 =	vsel vm11, $0x30D40, v4;
	[tilespmem:$0x1A0F0] =	vst v53  }
0xb9: {  	vm13 =	veq.s32 v41, $0x5;
	v48 =	vsel vm12, $0x3D090, v5;
	[tilespmem:$0x196F0] =	vst v9;
	v9 =	vadd.s32 v10, v11  }
0xba: {  	vm14 =	veq.s32 v41, $0x6;
	v50 =	vsel vm13, $0x493E0, v6;
	v11 =	vadd.s32 v10, v48;
	[tilespmem:$0x198F0] =	vst v9  }
0xbb: {  	v51 =	vsel vm14, $0x55730, v7;
	v9 =	vmul.u32 $0xC350, v41;
	[tilespmem:$0x19AF0] =	vst v11;
	v11 =	vadd.s32 v10, v50  }
0xbc: {  	vm5 =	veq.s32 v49, $0x1;
	vm4 =	veq.s32 v49, $0x0;
	s31 =	sadd.s32 $0x100, s30;
	[tilespmem:$0x19CF0] =	vst v11;
	v11 =	vadd.s32 v10, v51  }
0xbd: {  	v9 =	vadd.s32 v10, v9;
	[tilespmem:$0x19EF0] =	vst v11;
	v10 =	vor.u32 s31, v0;
	v11 =	vsel vm4, $0xC350, v1  }
0xbe: {  	v54 =	vsel vm5, $0x186A0, v2;
	vm11 =	veq.s32 v49, $0x7;
	[tilespmem:$0x1A2F0] =	vst v9;
	v9 =	vadd.s32 v10, v11  }
0xbf: {  	vm6 =	veq.s32 v49, $0x2;
	v60 =	vsel vm11, $0x0, v8;
	v11 =	vadd.s32 v10, v54;
	[tilespmem:$0x19300] =	vst v9  }
0xc0: {  	v55 =	vsel vm6, $0x249F0, v3;
	v57 =	vld [tilespmem:$0x110];
	vm7 =	veq.s32 v49, $0x3;
	v61 =	vadd.s32 v10, v60;
	[tilespmem:$0x19500] =	vst v11  }
0xc1: {  	vm8 =	veq.s32 v49, $0x4;
	v9 =	vadd.s32 v10, v55;
	v11 =	vsel vm7, $0x30D40, v4;
	[tilespmem:$0x1A100] =	vst v61  }
0xc2: {  	vm9 =	veq.s32 v49, $0x5;
	v56 =	vsel vm8, $0x3D090, v5;
	[tilespmem:$0x19700] =	vst v9;
	v9 =	vadd.s32 v10, v11  }
0xc3: {  	vm10 =	veq.s32 v49, $0x6;
	v58 =	vsel vm9, $0x493E0, v6;
	v11 =	vadd.s32 v10, v56;
	[tilespmem:$0x19900] =	vst v9  }
0xc4: {  	v59 =	vsel vm10, $0x55730, v7;
	v9 =	vmul.u32 $0xC350, v49;
	[tilespmem:$0x19B00] =	vst v11;
	v11 =	vadd.s32 v10, v58  }
0xc5: {  	vm13 =	veq.s32 v57, $0x1;
	vm12 =	veq.s32 v57, $0x0;
	s31 =	sadd.s32 $0x110, s30;
	[tilespmem:$0x19D00] =	vst v11;
	v11 =	vadd.s32 v10, v59  }
0xc6: {  	v9 =	vadd.s32 v10, v9;
	[tilespmem:$0x19F00] =	vst v11;
	v10 =	vor.u32 s31, v0;
	v11 =	vsel vm12, $0xC350, v1  }
0xc7: {  	v62 =	vsel vm13, $0x186A0, v2;
	vm7 =	veq.s32 v57, $0x7;
	[tilespmem:$0x1A300] =	vst v9;
	v9 =	vadd.s32 v10, v11  }
0xc8: {  	vm14 =	veq.s32 v57, $0x2;
	v20 =	vsel vm7, $0x0, v8;
	v11 =	vadd.s32 v10, v62;
	[tilespmem:$0x19310] =	vst v9  }
0xc9: {  	v63 =	vsel vm14, $0x249F0, v3;
	v17 =	vld [tilespmem:$0x120];
	vm15 =	veq.s32 v57, $0x3;
	v21 =	vadd.s32 v10, v20;
	[tilespmem:$0x19510] =	vst v11  }
0xca: {  	vm4 =	veq.s32 v57, $0x4;
	v9 =	vadd.s32 v10, v63;
	v11 =	vsel vm15, $0x30D40, v4;
	[tilespmem:$0x1A110] =	vst v21  }
0xcb: {  	vm5 =	veq.s32 v57, $0x5;
	v16 =	vsel vm4, $0x3D090, v5;
	[tilespmem:$0x19710] =	vst v9;
	v9 =	vadd.s32 v10, v11  }
0xcc: {  	vm6 =	veq.s32 v57, $0x6;
	v18 =	vsel vm5, $0x493E0, v6;
	v11 =	vadd.s32 v10, v16;
	[tilespmem:$0x19910] =	vst v9  }
0xcd: {  	v19 =	vsel vm6, $0x55730, v7;
	v9 =	vmul.u32 $0xC350, v57;
	[tilespmem:$0x19B10] =	vst v11;
	v11 =	vadd.s32 v10, v18  }
0xce: {  	vm9 =	veq.s32 v17, $0x1;
	vm8 =	veq.s32 v17, $0x0;
	s31 =	sadd.s32 $0x120, s30;
	[tilespmem:$0x19D10] =	vst v11;
	v11 =	vadd.s32 v10, v19  }
0xcf: {  	v9 =	vadd.s32 v10, v9;
	[tilespmem:$0x19F10] =	vst v11;
	v10 =	vor.u32 s31, v0;
	v11 =	vsel vm8, $0xC350, v1  }
0xd0: {  	v22 =	vsel vm9, $0x186A0, v2;
	vm15 =	veq.s32 v17, $0x7;
	[tilespmem:$0x1A310] =	vst v9;
	v9 =	vadd.s32 v10, v11  }
0xd1: {  	vm10 =	veq.s32 v17, $0x2;
	v28 =	vsel vm15, $0x0, v8;
	v11 =	vadd.s32 v10, v22;
	[tilespmem:$0x19320] =	vst v9  }
0xd2: {  	v23 =	vsel vm10, $0x249F0, v3;
	v25 =	vld [tilespmem:$0x130];
	vm11 =	veq.s32 v17, $0x3;
	v29 =	vadd.s32 v10, v28;
	[tilespmem:$0x19520] =	vst v11  }
0xd3: {  	vm12 =	veq.s32 v17, $0x4;
	v9 =	vadd.s32 v10, v23;
	v11 =	vsel vm11, $0x30D40, v4;
	[tilespmem:$0x1A120] =	vst v29  }
0xd4: {  	vm13 =	veq.s32 v17, $0x5;
	v24 =	vsel vm12, $0x3D090, v5;
	[tilespmem:$0x19720] =	vst v9;
	v9 =	vadd.s32 v10, v11  }
0xd5: {  	vm14 =	veq.s32 v17, $0x6;
	v26 =	vsel vm13, $0x493E0, v6;
	v11 =	vadd.s32 v10, v24;
	[tilespmem:$0x19920] =	vst v9  }
0xd6: {  	v27 =	vsel vm14, $0x55730, v7;
	v9 =	vmul.u32 $0xC350, v17;
	[tilespmem:$0x19B20] =	vst v11;
	v11 =	vadd.s32 v10, v26  }
0xd7: {  	vm5 =	veq.s32 v25, $0x1;
	vm4 =	veq.s32 v25, $0x0;
	s31 =	sadd.s32 $0x130, s30;
	[tilespmem:$0x19D20] =	vst v11;
	v11 =	vadd.s32 v10, v27  }
0xd8: {  	v9 =	vadd.s32 v10, v9;
	[tilespmem:$0x19F20] =	vst v11;
	v10 =	vor.u32 s31, v0;
	v11 =	vsel vm4, $0xC350, v1  }
0xd9: {  	v30 =	vsel vm5, $0x186A0, v2;
	vm11 =	veq.s32 v25, $0x7;
	[tilespmem:$0x1A320] =	vst v9;
	v9 =	vadd.s32 v10, v11  }
0xda: {  	vm6 =	veq.s32 v25, $0x2;
	v36 =	vsel vm11, $0x0, v8;
	v11 =	vadd.s32 v10, v30;
	[tilespmem:$0x19330] =	vst v9  }
0xdb: {  	v31 =	vsel vm6, $0x249F0, v3;
	v33 =	vld [tilespmem:$0x140];
	vm7 =	veq.s32 v25, $0x3;
	v37 =	vadd.s32 v10, v36;
	[tilespmem:$0x19530] =	vst v11  }
0xdc: {  	vm8 =	veq.s32 v25, $0x4;
	v9 =	vadd.s32 v10, v31;
	v11 =	vsel vm7, $0x30D40, v4;
	[tilespmem:$0x1A130] =	vst v37  }
0xdd: {  	vm9 =	veq.s32 v25, $0x5;
	v32 =	vsel vm8, $0x3D090, v5;
	[tilespmem:$0x19730] =	vst v9;
	v9 =	vadd.s32 v10, v11  }
0xde: {  	vm10 =	veq.s32 v25, $0x6;
	v34 =	vsel vm9, $0x493E0, v6;
	v11 =	vadd.s32 v10, v32;
	[tilespmem:$0x19930] =	vst v9  }
0xdf: {  	v35 =	vsel vm10, $0x55730, v7;
	v9 =	vmul.u32 $0xC350, v25;
	[tilespmem:$0x19B30] =	vst v11;
	v11 =	vadd.s32 v10, v34  }
0xe0: {  	vm13 =	veq.s32 v33, $0x1;
	vm12 =	veq.s32 v33, $0x0;
	s31 =	sadd.s32 $0x140, s30;
	[tilespmem:$0x19D30] =	vst v11;
	v11 =	vadd.s32 v10, v35  }
0xe1: {  	v9 =	vadd.s32 v10, v9;
	[tilespmem:$0x19F30] =	vst v11;
	v10 =	vor.u32 s31, v0;
	v11 =	vsel vm12, $0xC350, v1  }
0xe2: {  	v38 =	vsel vm13, $0x186A0, v2;
	vm7 =	veq.s32 v33, $0x7;
	[tilespmem:$0x1A330] =	vst v9;
	v9 =	vadd.s32 v10, v11  }
0xe3: {  	vm14 =	veq.s32 v33, $0x2;
	v44 =	vsel vm7, $0x0, v8;
	v11 =	vadd.s32 v10, v38;
	[tilespmem:$0x19340] =	vst v9  }
0xe4: {  	v39 =	vsel vm14, $0x249F0, v3;
	v41 =	vld [tilespmem:$0x150];
	vm15 =	veq.s32 v33, $0x3;
	v45 =	vadd.s32 v10, v44;
	[tilespmem:$0x19540] =	vst v11  }
0xe5: {  	vm4 =	veq.s32 v33, $0x4;
	v9 =	vadd.s32 v10, v39;
	v11 =	vsel vm15, $0x30D40, v4;
	[tilespmem:$0x1A140] =	vst v45  }
0xe6: {  	vm5 =	veq.s32 v33, $0x5;
	v40 =	vsel vm4, $0x3D090, v5;
	[tilespmem:$0x19740] =	vst v9;
	v9 =	vadd.s32 v10, v11  }
0xe7: {  	vm6 =	veq.s32 v33, $0x6;
	v42 =	vsel vm5, $0x493E0, v6;
	v11 =	vadd.s32 v10, v40;
	[tilespmem:$0x19940] =	vst v9  }
0xe8: {  	v43 =	vsel vm6, $0x55730, v7;
	v9 =	vmul.u32 $0xC350, v33;
	[tilespmem:$0x19B40] =	vst v11;
	v11 =	vadd.s32 v10, v42  }
0xe9: {  	vm9 =	veq.s32 v41, $0x1;
	vm8 =	veq.s32 v41, $0x0;
	s31 =	sadd.s32 $0x150, s30;
	[tilespmem:$0x19D40] =	vst v11;
	v11 =	vadd.s32 v10, v43  }
0xea: {  	v9 =	vadd.s32 v10, v9;
	[tilespmem:$0x19F40] =	vst v11;
	v10 =	vor.u32 s31, v0;
	v11 =	vsel vm8, $0xC350, v1  }
0xeb: {  	v46 =	vsel vm9, $0x186A0, v2;
	vm15 =	veq.s32 v41, $0x7;
	[tilespmem:$0x1A340] =	vst v9;
	v9 =	vadd.s32 v10, v11  }
0xec: {  	vm10 =	veq.s32 v41, $0x2;
	v52 =	vsel vm15, $0x0, v8;
	v11 =	vadd.s32 v10, v46;
	[tilespmem:$0x19350] =	vst v9  }
0xed: {  	v47 =	vsel vm10, $0x249F0, v3;
	v49 =	vld [tilespmem:$0x160];
	vm11 =	veq.s32 v41, $0x3;
	v53 =	vadd.s32 v10, v52;
	[tilespmem:$0x19550] =	vst v11  }
0xee: {  	vm12 =	veq.s32 v41, $0x4;
	v9 =	vadd.s32 v10, v47;
	v11 =	vsel vm11, $0x30D40, v4;
	[tilespmem:$0x1A150] =	vst v53  }
0xef: {  	vm13 =	veq.s32 v41, $0x5;
	v48 =	vsel vm12, $0x3D090, v5;
	[tilespmem:$0x19750] =	vst v9;
	v9 =	vadd.s32 v10, v11  }
0xf0: {  	vm14 =	veq.s32 v41, $0x6;
	v50 =	vsel vm13, $0x493E0, v6;
	v11 =	vadd.s32 v10, v48;
	[tilespmem:$0x19950] =	vst v9  }
0xf1: {  	v51 =	vsel vm14, $0x55730, v7;
	v9 =	vmul.u32 $0xC350, v41;
	[tilespmem:$0x19B50] =	vst v11;
	v11 =	vadd.s32 v10, v50  }
0xf2: {  	vm5 =	veq.s32 v49, $0x1;
	vm4 =	veq.s32 v49, $0x0;
	s31 =	sadd.s32 $0x160, s30;
	[tilespmem:$0x19D50] =	vst v11;
	v11 =	vadd.s32 v10, v51  }
0xf3: {  	v9 =	vadd.s32 v10, v9;
	[tilespmem:$0x19F50] =	vst v11;
	v10 =	vor.u32 s31, v0;
	v11 =	vsel vm4, $0xC350, v1  }
0xf4: {  	vm6 =	veq.s32 v49, $0x2;
	v54 =	vsel vm5, $0x186A0, v2;
	[tilespmem:$0x1A350] =	vst v9;
	v9 =	vadd.s32 v10, v11  }
0xf5: {  	v55 =	vsel vm6, $0x249F0, v3;
	vm7 =	veq.s32 v49, $0x3;
	v11 =	vadd.s32 v10, v54;
	[tilespmem:$0x19360] =	vst v9  }
0xf6: {  	v57 =	vld [tilespmem:$0x170];
	vm8 =	veq.s32 v49, $0x4;
	v9 =	vadd.s32 v10, v55;
	[tilespmem:$0x19560] =	vst v11;
	v11 =	vsel vm7, $0x30D40, v4  }
0xf7: {  	vm9 =	veq.s32 v49, $0x5;
	v56 =	vsel vm8, $0x3D090, v5;
	[tilespmem:$0x19760] =	vst v9;
	v9 =	vadd.s32 v10, v11  }
0xf8: {  	vm10 =	veq.s32 v49, $0x6;
	v58 =	vsel vm9, $0x493E0, v6;
	v11 =	vadd.s32 v10, v56;
	[tilespmem:$0x19960] =	vst v9  }
0xf9: {  	vm11 =	veq.s32 v49, $0x7;
	v9 =	vadd.s32 v10, v58;
	[tilespmem:$0x19B60] =	vst v11;
	v11 =	vsel vm10, $0x55730, v7  }
0xfa: {  	v13 =	vmul.u32 $0xC350, v49;
	v59 =	vsel vm11, $0x0, v8;
	[tilespmem:$0x19D60] =	vst v9;
	v9 =	vadd.s32 v10, v11  }
0xfb: {  	vm13 =	veq.s32 v57, $0x1;
	vm12 =	veq.s32 v57, $0x0;
	s31 =	sadd.s32 $0x170, s30;
	v11 =	vadd.s32 v10, v59;
	[tilespmem:$0x19F60] =	vst v9  }
0xfc: {  	v9 =	vadd.s32 v10, v13;
	v10 =	vor.u32 s31, v0;
	[tilespmem:$0x1A160] =	vst v11;
	v11 =	vsel vm12, $0xC350, v1  }
0xfd: {  	vm14 =	veq.s32 v57, $0x2;
	[tilespmem:$0x1A360] =	vst v9;
	v9 =	vadd.s32 v10, v11;
	v11 =	vsel vm13, $0x186A0, v2  }
0xfe: {  	v60 =	vsel vm14, $0x249F0, v3;
	vm15 =	veq.s32 v57, $0x3;
	[tilespmem:$0x19370] =	vst v9;
	v9 =	vadd.s32 v10, v11  }
0xff: {  	v61 =	vld [tilespmem:$0x180];
	vm4 =	veq.s32 v57, $0x4;
	v11 =	vadd.s32 v10, v60;
	[tilespmem:$0x19570] =	vst v9;
	v9 =	vsel vm15, $0x30D40, v4  }
0x100: {  	vm5 =	veq.s32 v57, $0x5;
	v62 =	vsel vm4, $0x3D090, v5;
	[tilespmem:$0x19770] =	vst v11;
	v9 =	vadd.s32 v10, v9  }
0x101: {  	vm6 =	veq.s32 v57, $0x6;
	v11 =	vsel vm5, $0x493E0, v6;
	[tilespmem:$0x19970] =	vst v9;
	v9 =	vadd.s32 v10, v62  }
0x102: {  	vm7 =	veq.s32 v57, $0x7;
	v11 =	vadd.s32 v10, v11;
	[tilespmem:$0x19B70] =	vst v9;
	v9 =	vsel vm6, $0x55730, v7  }
0x103: {  	v63 =	vmul.u32 $0xC350, v57;
	[tilespmem:$0x19D70] =	vst v11;
	v11 =	vsel vm7, $0x0, v8;
	v9 =	vadd.s32 v10, v9  }
0x104: {  	vm9 =	veq.s32 v61, $0x1;
	vm8 =	veq.s32 v61, $0x0;
	s30 =	sadd.s32 $0x180, s30;
	[tilespmem:$0x19F70] =	vst v9;
	v9 =	vadd.s32 v10, v11  }
0x105: {  	v10 =	vadd.s32 v10, v63;
	v11 =	vsel vm8, $0xC350, v1;
	[tilespmem:$0x1A170] =	vst v9;
	v9 =	vor.u32 s30, v0  }
0x106: {  	vm10 =	veq.s32 v61, $0x2;
	[tilespmem:$0x1A370] =	vst v10;
	v10 =	vadd.s32 v9, v11;
	v11 =	vsel vm9, $0x186A0, v2  }
0x107: {  	vm11 =	veq.s32 v61, $0x3;
	[tilespmem:$0x19380] =	vst v10;
	v10 =	vadd.s32 v9, v11;
	v11 =	vsel vm10, $0x249F0, v3  }
0x108: {  	vm12 =	veq.s32 v61, $0x4;
	[tilespmem:$0x19580] =	vst v10;
	v10 =	vadd.s32 v9, v11;
	v11 =	vsel vm11, $0x30D40, v4  }
0x109: {  	vm13 =	veq.s32 v61, $0x5;
	[tilespmem:$0x19780] =	vst v10;
	v10 =	vadd.s32 v9, v11;
	v11 =	vsel vm12, $0x3D090, v5  }
0x10a: {  	vm14 =	veq.s32 v61, $0x6;
	[tilespmem:$0x19980] =	vst v10;
	v10 =	vadd.s32 v9, v11;
	v11 =	vsel vm13, $0x493E0, v6  }
0x10b: {  	vm15 =	veq.s32 v61, $0x7;
	[tilespmem:$0x19B80] =	vst v10;
	v10 =	vadd.s32 v9, v11;
	v11 =	vsel vm14, $0x55730, v7  }
0x10c: {  	v12 =	vmul.u32 $0xC350, v61;
	[tilespmem:$0x19D80] =	vst v10;
	v10 =	vadd.s32 v9, v11;
	v11 =	vsel vm15, $0x0, v8  }
0x10d: {  	[tilespmem:$0x19F80] =	vst v10;
	v10 =	vadd.s32 v9, v11  }
0x10e: {  	v9 =	vadd.s32 v9, v12;
	[tilespmem:$0x1A180] =	vst v10  }
0x10f: {  	[tilespmem:$0x1A380] =	vst v9  }
0x110: {  	[hbm4b:s2+s13] =	stream.indirect.scatter [tilespmem:s10], [sflag:$0x1], $0x80, s14, s13, $0xb8;
	[tilespmem:$0x1A400] =	vst v63  }
0x111: {  	_ = 	snop  }
0x112: {  	[hbm4b:s2+s13] =	stream.indirect.scatter [tilespmem:s10], [sflag:$0x1], $0x80, s15, s13, $0xb8;
	[tilespmem:$0x1A400] =	vst v63  }
0x113: {  	_ = 	snop  }
0x114: {  	[hbm4b:s2+s13] =	stream.indirect.scatter [tilespmem:s10], [sflag:$0x1], $0x80, s16, s13, $0xb8;
	[tilespmem:$0x1A400] =	vst v63  }
0x115: {  	_ = 	snop  }
0x116: {  	[hbm4b:s2+s13] =	stream.indirect.scatter [tilespmem:s10], [sflag:$0x1], $0x80, s17, s13, $0xb8;
	[tilespmem:$0x1A400] =	vst v63  }
0x117: {  	_ = 	snop  }
0x118: {  	[hbm4b:s2+s13] =	stream.indirect.scatter [tilespmem:s10], [sflag:$0x1], $0x80, s18, s13, $0xb8;
	[tilespmem:$0x1A400] =	vst v63  }
0x119: {  	_ = 	snop  }
0x11a: {  	[hbm4b:s2+s13] =	stream.indirect.scatter [tilespmem:s10], [sflag:$0x1], $0x80, s19, s13, $0xb8;
	[tilespmem:$0x1A400] =	vst v63  }
0x11b: {  	_ = 	snop  }
0x11c: {  	[hbm4b:s2+s13] =	stream.indirect.scatter [tilespmem:s10], [sflag:$0x1], $0x80, s20, s13, $0xb8;
	[tilespmem:$0x1A400] =	vst v63  }
0x11d: {  	_ = 	snop  }
0x11e: {  	[hbm4b:s2+s13] =	stream.indirect.scatter [tilespmem:s10], [sflag:$0x1], $0x80, s21, s13, $0xb8;
	[tilespmem:$0x1A400] =	vst v63  }
0x11f: {  	_ = 	snop  }
0x120: {  	[hbm4b:s2+s13] =	stream.indirect.scatter [tilespmem:s12], [sflag:$0x1], $0x80, s22, s13, $0xb8;
	[tilespmem:$0x1A400] =	vst v63  }
0x121: {  	_ =	swait.ge [sflag:s23], $0xC800  }
0x122: {  	[sflag:s23] =	ssyncset.done $0x0  }
0x123: {  	[sflag:s23] =	ssyncadd.s32 $0xFFFF3800  }
0x124: {  	_ =	swait.ge [sflag:s23], $0xC800  }
0x125: {  	[sflag:s23] =	ssyncset.done $0x0  }
0x126: {  	[sflag:s23] =	ssyncadd.s32 $0xFFFF3800  }
0x127: {  	_ =	swait.ge [sflag:s23], $0xC800  }
0x128: {  	[sflag:s23] =	ssyncset.done $0x0  }
0x129: {  	[sflag:s23] =	ssyncadd.s32 $0xFFFF3800  }
0x12a: {  	_ =	swait.ge [sflag:s23], $0xC800  }
0x12b: {  	[sflag:s23] =	ssyncset.done $0x0  }
0x12c: {  	[sflag:s23] =	ssyncadd.s32 $0xFFFF3800  }
0x12d: {  	_ =	swait.ge [sflag:s23], $0xC800  }
0x12e: {  	[sflag:s23] =	ssyncset.done $0x0  }
0x12f: {  	[sflag:s23] =	ssyncadd.s32 $0xFFFF3800  }
0x130: {  	_ =	swait.ge [sflag:s23], $0xC800  }
0x131: {  	[sflag:s23] =	ssyncset.done $0x0  }
0x132: {  	[sflag:s23] =	ssyncadd.s32 $0xFFFF3800  }
0x133: {  	_ =	swait.ge [sflag:s23], $0xC800  }
0x134: {  	[sflag:s23] =	ssyncset.done $0x0  }
0x135: {  	[sflag:s23] =	ssyncadd.s32 $0xFFFF3800  }
0x136: {  	_ =	swait.ge [sflag:s23], $0xC800  }
.Ltmp5:
0x137: {  	[sflag:s23] =	ssyncset.done $0x0;
	(pc) =	sbr.rel .LBB2_4-.Ltmp5, $4  }
0x138: {  	[sflag:s23] =	ssyncadd.s32 $0xFFFF3800  }
0x139: {  	_ =	swait.ge [sflag:s23], $0xC800  }
0x13a: {  	[sflag:s23] =	ssyncset.done $0x0  }
0x13b: {  	[sflag:s23] =	ssyncadd.s32 $0xFFFF3800  }
.LBB2_6:
0x13c: {  	_ =	sfence.sel $0x180000  }
0x13d: {  	[bflag:$0x0] =	sbarrier.arrive $0xFFFF  }
0x13e: {  	p0 =	sne.s32 s0, $0x0;
	_ =	strace $0x90000047  }
0x13f: {  	s0 =	sadd.s32 @!p0 $0x100000, s1;
	[bflag:$0x2] =	sbarrier.arrive $0xFFFF  }
0x140: {  	[sflag:s0] =	ssyncadd.tile.s32 @!p0 $0x1;
	_ =	shalt  }
.Lfunc_end2:
_tile_overlayer_lowered:
.L_overlay_start_2:
0x141: {  	(tag) =	ssettag $0x2  }
0x142: {  	s0 =	rddreg [dreg:$0x0];
	s2 =	stileid.u32  }
0x143: {  	s1 =	rddreg [dreg:$0x1];
	p0 =	sne.s32 s2, $0x0  }
0x144: {  	s3 =	rddreg [dreg:$0x2];
	[bflag:$0x3] =	sbarrier.arrive $0xFFFF;
	s2 =	simm.s32 @!p0 $0x1C02  }
0x145: {  	[timem:s3], [sflag:s2] =	dma.local @!p0 [hbm:s0], s1  }
0x146: {  	s0 =	simm.s32 @!p0 $0x2  }
0x147: {  	_ =	swait.ge @!p0 [sflag:s0], s1  }
0x148: {  	s1 =	ssub.s32 @!p0 $0x0, s1;
	[sflag:s0] =	ssyncset.done @!p0 $0x0  }
0x149: {  	[sflag:s0] =	ssyncadd.s32 @!p0 s1  }
0x14a: {  	[bflag:$0x3] =	sbarrier.arrive $0xFFFF  }
0x14b: {  	_ =	shalt  }

</sc_bundles>
